<compile_context>
chip_gen: v7x
topology: tpu7x:2x2x1
jax: 0.10.2.dev20260603
libtpu: 0.0.44.dev20260713+nightly
codegen_flags: <defaults>
</compile_context>

<pallas_src>
import functools

import jax
import jax.numpy as jnp
from jax import lax
from jax.experimental import pallas as pl
from jax.experimental.pallas import tpu as pltpu
from jax.experimental.pallas import tpu_sc as plsc

_NC = 2
_NS = 16
_NW = _NC * _NS
_L = 16

_CHUNK = 128

_MASK_HI = -65536


def _pack_body(x_ref, wa_ref, wb_ref, x8_ref, wcde_ref, b1a_ref,
               t1_ref, t2_ref):
    h = wa_ref.shape[1]
    qe = jnp.dot(x8_ref[...], wcde_ref[...],
                 preferred_element_type=jnp.float32)
    ca = qe[0:1, :h] + qe[1:2, h:] + b1a_ref[0:1, :]
    x = x_ref[...]
    y1 = jnp.dot(x, wa_ref[...], preferred_element_type=jnp.float32)
    y1 = y1 + ca
    y2 = jnp.dot(x, wb_ref[...], preferred_element_type=jnp.float32)

    def pack(y):
        h = y.shape[1] // 2
        hi = lax.bitcast_convert_type(y[:, :h], jnp.int32)
        lo = lax.bitcast_convert_type(y[:, h:], jnp.int32)
        hi = jnp.bitwise_and(hi + 0x8000, _MASK_HI)
        lo = lax.shift_right_logical(lo + 0x8000, 16)
        return jnp.bitwise_or(hi, lo)

    t1_ref[...] = pack(y1)
    t2_ref[...] = pack(y2)


def _tc_pack_tables(node_emb, w1a_eff, w1b_eff, x8, wcde, b1a8):
    n, d = node_emb.shape
    h = w1a_eff.shape[1]
    blk = 1000
    grid = n // blk
    return pl.pallas_call(
        _pack_body,
        grid=(grid,),
        in_specs=[
            pl.BlockSpec((blk, d), lambda i: (i, 0)),
            pl.BlockSpec((d, h), lambda i: (0, 0)),
            pl.BlockSpec((d, h), lambda i: (0, 0)),
            pl.BlockSpec((8, d), lambda i: (0, 0)),
            pl.BlockSpec((d, 2 * h), lambda i: (0, 0)),
            pl.BlockSpec((8, h), lambda i: (0, 0)),
        ],
        out_specs=[
            pl.BlockSpec((blk, h // 2), lambda i: (i, 0)),
            pl.BlockSpec((blk, h // 2), lambda i: (i, 0)),
        ],
        out_shape=[
            jax.ShapeDtypeStruct((n, h // 2), jnp.int32),
            jax.ShapeDtypeStruct((n, h // 2), jnp.int32),
        ],
    )(node_emb, w1a_eff, w1b_eff, x8, wcde, b1a8)


def _make_sc_stage(n_edges_pad, n_edges, hidden):
    per_w = n_edges_pad // _NW
    tail = n_edges - (_NW - 1) * per_w
    n_chunks = per_w // _CHUNK
    groups = _CHUNK // _L
    hw = hidden // 2

    mesh = plsc.VectorSubcoreMesh(
        core_axis_name="c", subcore_axis_name="s",
        num_cores=_NC, num_subcores=_NS,
    )

    @functools.partial(
        pl.kernel,
        out_type=jax.ShapeDtypeStruct((n_edges,), jnp.float32),
        mesh=mesh,
        compiler_params=pltpu.CompilerParams(
            needs_layout_passes=False, use_tc_tiling_on_sc=False),
        scratch_types=[
            pltpu.VMEM((per_w,), jnp.int32),
            pltpu.VMEM((per_w,), jnp.int32),
            pltpu.VMEM((per_w,), jnp.float32),
            pltpu.VMEM((per_w,), jnp.float32),
            pltpu.VMEM((_CHUNK, 32), jnp.int32),
            pltpu.VMEM((_CHUNK, 32), jnp.int32),
            pltpu.VMEM((_CHUNK, 32), jnp.int32),
            pltpu.VMEM((_CHUNK, 32), jnp.int32),
            pltpu.VMEM((_CHUNK, 32), jnp.int32),
            pltpu.VMEM((_CHUNK, 32), jnp.int32),
            pltpu.VMEM((_CHUNK, 32), jnp.int32),
            pltpu.VMEM((_CHUNK, 32), jnp.int32),
            pltpu.VMEM((hidden // 2, 2 * _L), jnp.bfloat16),
            pltpu.VMEM((_L,), jnp.float32),
            pltpu.SemaphoreType.DMA,
            pltpu.SemaphoreType.DMA,
            pltpu.SemaphoreType.DMA,
            pltpu.SemaphoreType.DMA,
            pltpu.SemaphoreType.DMA,
        ],
    )
    def sc_stage(t1_hbm, t2_hbm, col_hbm, row_hbm, noise_hbm, sgn_hbm,
                 b2_hbm, out_hbm, colv, rowv, noisev, outv,
                 g1a, g2a, g1b, g2b, g1c, g2c, g1d, g2d, sgnv, b2v,
                 sin, sg0, sg1, sg2, sg3):
        wid = lax.axis_index("s") * _NC + lax.axis_index("c")
        base = wid * per_w

        cpc = pltpu.async_copy(col_hbm.at[pl.ds(base, per_w)], colv, sin)
        cpr = pltpu.async_copy(row_hbm.at[pl.ds(base, per_w)], rowv, sin)
        cpn = pltpu.async_copy(noise_hbm.at[pl.ds(base, per_w)], noisev, sin)
        pltpu.sync_copy(sgn_hbm, sgnv)
        pltpu.sync_copy(b2_hbm, b2v)
        cpc.wait()
        cpr.wait()
        cpn.wait()

        def issue_gather(i, g1, g2, sem):
            off = i * _CHUNK
            pltpu.async_copy(t1_hbm.at[colv.at[pl.ds(off, _CHUNK)]], g1, sem)
            pltpu.async_copy(t2_hbm.at[rowv.at[pl.ds(off, _CHUNK)]], g2, sem)

        def wait_gather(g1, g2, sem):
            pltpu.make_async_copy(t1_hbm.at[pl.ds(0, _CHUNK)], g1, sem).wait()
            pltpu.make_async_copy(t2_hbm.at[pl.ds(0, _CHUNK)], g2, sem).wait()

        def compute(i, g1, g2):
            b2vec = b2v[...]
            for half in range(_CHUNK // 128):
                obase = i * _CHUNK + half * 128
                rbase = half * 128
                accs0 = tuple(
                    jnp.zeros((_L,), jnp.float32) for _ in range(8))

                @plsc.parallel_loop(0, hw, step=1, unroll=16, carry=accs0)
                def accs(j, acc_in, rbase=rbase):
                    sv = sgnv[j]
                    jidx = jnp.full((_L,), j, dtype=jnp.int32)
                    out = []
                    for g in range(8):
                        rows = lax.iota(jnp.int32, _L) + (rbase + g * _L)
                        w1 = plsc.load_gather(g1, [rows, jidx])
                        w2 = plsc.load_gather(g2, [rows, jidx])
                        v1 = plsc.bitcast(w1, jnp.bfloat16)
                        v2 = plsc.bitcast(w2, jnp.bfloat16)
                        t = jnp.maximum(v1 + v2, 0) * sv
                        ti = plsc.bitcast(t, jnp.int32)
                        f_lo = plsc.bitcast(
                            lax.shift_left(ti, 16), jnp.float32)
                        f_hi = plsc.bitcast(jnp.bitwise_and(ti, _MASK_HI),
                                            jnp.float32)
                        out.append(acc_in[g] + f_lo + f_hi)
                    return tuple(out)

                for g in range(8):
                    nz = noisev[pl.ds(obase + g * _L, _L)]
                    q = (1.0 - nz) / nz
                    w = accs[g] + b2vec
                    outv[pl.ds(obase + g * _L, _L)] = (
                        1.0 / (1.0 + q * jnp.exp(-w)))

        slots = ((g1a, g2a, sg0), (g1b, g2b, sg1),
                 (g1c, g2c, sg2), (g1d, g2d, sg3))
        issue_gather(0, *slots[0])
        issue_gather(1, *slots[1])
        issue_gather(2, *slots[2])

        def quad_body(jj, carry):
            i0 = 4 * jj
            for b in range(4):
                i = i0 + b

                @pl.when(i + 3 < n_chunks)
                def _(i=i, b=b):
                    issue_gather(i + 3, *slots[(b + 3) % 4])

                wait_gather(*slots[b])
                compute(i, slots[b][0], slots[b][1])
            return carry

        lax.fori_loop(0, n_chunks // 4, quad_body, 0)

        @pl.when(wid < _NW - 1)
        def _():
            pltpu.sync_copy(outv, out_hbm.at[pl.ds(base, per_w)])

        @pl.when(wid == _NW - 1)
        def _():
            pltpu.sync_copy(outv.at[pl.ds(0, tail)],
                            out_hbm.at[pl.ds(base, tail)])

    return sc_stage


def kernel(node_emb, edge_index, noise, W1, b1, W2, b2, src_idx, dst_idx):
    d = node_emb.shape[1]
    hidden = W2.shape[0]
    n_edges = noise.shape[0]

    w2 = W2[:, 0]
    aw = jnp.abs(w2)
    sg = jnp.where(w2 < 0, -1.0, 1.0).astype(jnp.float32)
    w1a_eff = W1[0:d] * aw
    w1b_eff = W1[d:2 * d] * aw
    awcat = jnp.concatenate([aw, aw])
    wcde = jnp.concatenate(
        [W1[2 * d:3 * d], W1[3 * d:4 * d]], axis=1) * awcat
    x2 = jnp.stack([node_emb[src_idx], node_emb[dst_idx]])
    x8 = jnp.pad(x2, ((0, 6), (0, 0)))
    b1a8 = jnp.broadcast_to((b1 * aw)[None, :], (8, hidden))

    t1, t2 = _tc_pack_tables(node_emb, w1a_eff, w1b_eff, x8, wcde, b1a8)

    block = _NW * _CHUNK * 4
    n_pad = -(-n_edges // block) * block
    pad = n_pad - n_edges
    edge_p = jnp.pad(edge_index, ((0, 0), (0, pad)))
    col = edge_p[0]
    row = edge_p[1]
    noise_p = jnp.pad(noise, (0, pad), constant_values=0.5)

    hw = hidden // 2
    sp = jnp.stack([sg[hw:], sg[:hw]], axis=-1)
    sgn_tab = jnp.broadcast_to(sp[:, None, :], (hw, _L, 2)).reshape(
        hw, 2 * _L).astype(jnp.bfloat16)
    b2v = jnp.broadcast_to(b2, (_L,)).astype(jnp.float32)

    sc_stage = _make_sc_stage(n_pad, n_edges, hidden)
    return sc_stage(t1, t2, col, row, noise_p, sgn_tab, b2v)

# --- scband reference (transcript-rebuilt; emitter-appended) ---
"""Pipeline reference for scband-pinsage-pgexp-5050881540695 (READ-ONLY COPY).

The authoritative reference and input builder live on the scoring server;
editing this copy changes nothing except your own understanding.
"""

import jax, jax.numpy as jnp
import numpy as np

N_NODES = 10000
N_EDGES = 160000
D_FEAT = 128
HIDDEN = 64


def setup_inputs(seed: int = 0) -> dict:
    key = jax.random.key(seed)
    k1, k2, k3, k4, k5 = jax.random.split(key, 5)
    node_emb = jax.random.normal(k1, (N_NODES, D_FEAT), dtype=jnp.float32)
    edge_index = jax.random.randint(k2, (2, N_EDGES), 0, N_NODES, dtype=jnp.int32)
    # random_noise for the concrete (Gumbel-sigmoid) sample, in (0, 1)
    noise = jax.random.uniform(k3, (N_EDGES,), dtype=jnp.float32, minval=1e-6, maxval=1.0 - 1e-6)
    # elayers: Linear(4*D_FEAT, 64) -> ReLU -> Linear(64, 1)
    W1 = jax.random.normal(k4, (4 * D_FEAT, HIDDEN), dtype=jnp.float32) * 0.05
    b1 = jnp.zeros((HIDDEN,), dtype=jnp.float32)
    W2 = jax.random.normal(k5, (HIDDEN, 1), dtype=jnp.float32) * 0.05
    b2 = jnp.zeros((1,), dtype=jnp.float32)
    return {
        "node_emb": node_emb,
        "edge_index": edge_index,
        "noise": noise,
        "W1": W1,
        "b1": b1,
        "W2": W2,
        "b2": b2,
        "src_idx": 0,
        "dst_idx": 1,
    }


def reference(node_emb, edge_index, noise, W1, b1, W2, b2, src_idx, dst_idx):
    # Core edge-mask computation of PinsagePGExp.explain_link:
    # gather per-edge endpoint embeddings + the explained (src, dst) pair
    # embeddings, run the elayers MLP, then concrete_sample (training=True,
    # sample_bias=0.0, beta=temperature=1.0).
    col = edge_index[0]
    row = edge_index[1]
    col_emb = jnp.take(node_emb, col, axis=0)
    row_emb = jnp.take(node_emb, row, axis=0)
    num_edges = edge_index.shape[1]
    self_src_emb = jnp.broadcast_to(node_emb[src_idx], (num_edges, node_emb.shape[1]))
    self_dst_emb = jnp.broadcast_to(node_emb[dst_idx], (num_edges, node_emb.shape[1]))
    emb = jnp.concatenate([col_emb, row_emb, self_src_emb, self_dst_emb], axis=-1)
    h = jax.nn.relu(emb @ W1 + b1)
    w = (h @ W2 + b2).reshape(-1)
    # concrete_sample: bias = 0.0, so random_noise unchanged
    gate_inputs = jnp.log(noise) - jnp.log(1.0 - noise)
    gate_inputs = (gate_inputs + w) / 1.0
    values = jax.nn.sigmoid(gate_inputs)
    return values

if __name__ == "__main__":
    import jax
    _d = setup_inputs()
    print(jax.jit(kernel)(*tuple(_d.values())))

</pallas_src>

<mosaic_0001>
#map = affine_map<(d0, d1) -> (0, 0)>
#map1 = affine_map<(d0, d1) -> (0)>
module attributes {stable_mosaic.version = 14 : i64} {
  func.func @sc_stage(%arg0: i32, %arg1: i32, %arg2: memref<10000x32xi32, #tpu.memory_space<hbm>>, %arg3: memref<10000x32xi32, #tpu.memory_space<hbm>>, %arg4: memref<163840xi32, #tpu.memory_space<hbm>>, %arg5: memref<163840xi32, #tpu.memory_space<hbm>>, %arg6: memref<163840xf32, #tpu.memory_space<hbm>>, %arg7: memref<32x32xbf16, #tpu.memory_space<hbm>>, %arg8: memref<16xf32, #tpu.memory_space<hbm>>, %arg9: memref<160000xf32, #tpu.memory_space<hbm>>, %arg10: memref<5120xi32, #tpu.memory_space<vmem>>, %arg11: memref<5120xi32, #tpu.memory_space<vmem>>, %arg12: memref<5120xf32, #tpu.memory_space<vmem>>, %arg13: memref<5120xf32, #tpu.memory_space<vmem>>, %arg14: memref<128x32xi32, #tpu.memory_space<vmem>>, %arg15: memref<128x32xi32, #tpu.memory_space<vmem>>, %arg16: memref<128x32xi32, #tpu.memory_space<vmem>>, %arg17: memref<128x32xi32, #tpu.memory_space<vmem>>, %arg18: memref<128x32xi32, #tpu.memory_space<vmem>>, %arg19: memref<128x32xi32, #tpu.memory_space<vmem>>, %arg20: memref<128x32xi32, #tpu.memory_space<vmem>>, %arg21: memref<128x32xi32, #tpu.memory_space<vmem>>, %arg22: memref<32x32xbf16, #tpu.memory_space<vmem>>, %arg23: memref<16xf32, #tpu.memory_space<vmem>>, %arg24: memref<!tpu.dma_semaphore, #tpu.memory_space<semaphore_mem>>, %arg25: memref<!tpu.dma_semaphore, #tpu.memory_space<semaphore_mem>>, %arg26: memref<!tpu.dma_semaphore, #tpu.memory_space<semaphore_mem>>, %arg27: memref<!tpu.dma_semaphore, #tpu.memory_space<semaphore_mem>>, %arg28: memref<!tpu.dma_semaphore, #tpu.memory_space<semaphore_mem>>) attributes {dimension_semantics = [#tpu.dimension_semantics<core_parallel>, #tpu.dimension_semantics<subcore_parallel>], iteration_bounds = array<i64: 2, 16>, scalar_prefetch = 0 : i64, scratch_operands = 19 : i64, tpu.core_type = #tpu.core_type<sc_vector_subcore>, window_params = [{transform_indices = #map}, {transform_indices = #map}, {transform_indices = #map1}, {transform_indices = #map1}, {transform_indices = #map1}, {transform_indices = #map}, {transform_indices = #map1}, {transform_indices = #map1}]} {
    %mul3A = arith.constant 2 : i32
    %mul3A_0 = arith.muli %arg1, %mul3A : i32
    %add3A = arith.addi %mul3A_0, %arg0 : i32
    %mul3A_1 = arith.constant 5120 : i32
    %mul3A_2 = arith.muli %add3A, %mul3A_1 : i32
    %dma_start3A = tpu.memref_slice %arg4[%mul3A_2] : memref<163840xi32, #tpu.memory_space<hbm>> -> memref<5120xi32, #tpu.memory_space<hbm>>
    %dma_start3A_3 = tpu.memref_slice %arg4[%mul3A_2] : memref<163840xi32, #tpu.memory_space<hbm>> -> memref<5120xi32, #tpu.memory_space<hbm>>
    tpu.enqueue_dma source(%dma_start3A_3 : memref<5120xi32, #tpu.memory_space<hbm>>) target(%arg10 : memref<5120xi32, #tpu.memory_space<vmem>>) target_semaphore(%arg24 : memref<!tpu.dma_semaphore, #tpu.memory_space<semaphore_mem>>)
    %dma_start3A_4 = tpu.memref_slice %arg5[%mul3A_2] : memref<163840xi32, #tpu.memory_space<hbm>> -> memref<5120xi32, #tpu.memory_space<hbm>>
    %dma_start3A_5 = tpu.memref_slice %arg5[%mul3A_2] : memref<163840xi32, #tpu.memory_space<hbm>> -> memref<5120xi32, #tpu.memory_space<hbm>>
    tpu.enqueue_dma source(%dma_start3A_5 : memref<5120xi32, #tpu.memory_space<hbm>>) target(%arg11 : memref<5120xi32, #tpu.memory_space<vmem>>) target_semaphore(%arg24 : memref<!tpu.dma_semaphore, #tpu.memory_space<semaphore_mem>>)
    %dma_start3A_6 = tpu.memref_slice %arg6[%mul3A_2] : memref<163840xf32, #tpu.memory_space<hbm>> -> memref<5120xf32, #tpu.memory_space<hbm>>
    %dma_start3A_7 = tpu.memref_slice %arg6[%mul3A_2] : memref<163840xf32, #tpu.memory_space<hbm>> -> memref<5120xf32, #tpu.memory_space<hbm>>
    tpu.enqueue_dma source(%dma_start3A_7 : memref<5120xf32, #tpu.memory_space<hbm>>) target(%arg12 : memref<5120xf32, #tpu.memory_space<vmem>>) target_semaphore(%arg24 : memref<!tpu.dma_semaphore, #tpu.memory_space<semaphore_mem>>)
    "tpu.region"() ({
      %run_scoped3A = tpu.sem_alloc : memref<!tpu.dma_semaphore, #tpu.memory_space<semaphore_mem>>
      tpu.enqueue_dma source(%arg7 : memref<32x32xbf16, #tpu.memory_space<hbm>>) target(%arg22 : memref<32x32xbf16, #tpu.memory_space<vmem>>) target_semaphore(%run_scoped3A : memref<!tpu.dma_semaphore, #tpu.memory_space<semaphore_mem>>)
      tpu.wait_dma2 semaphore(%run_scoped3A : memref<!tpu.dma_semaphore, #tpu.memory_space<semaphore_mem>>) src(%arg7 : memref<32x32xbf16, #tpu.memory_space<hbm>>) dst(%arg22 : memref<32x32xbf16, #tpu.memory_space<vmem>>)
      tpu.yield
    }) : () -> ()
    "tpu.region"() ({
      %run_scoped3A = tpu.sem_alloc : memref<!tpu.dma_semaphore, #tpu.memory_space<semaphore_mem>>
      tpu.enqueue_dma source(%arg8 : memref<16xf32, #tpu.memory_space<hbm>>) target(%arg23 : memref<16xf32, #tpu.memory_space<vmem>>) target_semaphore(%run_scoped3A : memref<!tpu.dma_semaphore, #tpu.memory_space<semaphore_mem>>)
      tpu.wait_dma2 semaphore(%run_scoped3A : memref<!tpu.dma_semaphore, #tpu.memory_space<semaphore_mem>>) src(%arg8 : memref<16xf32, #tpu.memory_space<hbm>>) dst(%arg23 : memref<16xf32, #tpu.memory_space<vmem>>)
      tpu.yield
    }) : () -> ()
    %dma_wait3A = tpu.memref_slice %arg4[%mul3A_2] : memref<163840xi32, #tpu.memory_space<hbm>> -> memref<5120xi32, #tpu.memory_space<hbm>>
    %dma_wait3A_8 = tpu.memref_slice %arg4[%mul3A_2] : memref<163840xi32, #tpu.memory_space<hbm>> -> memref<5120xi32, #tpu.memory_space<hbm>>
    tpu.wait_dma2 semaphore(%arg24 : memref<!tpu.dma_semaphore, #tpu.memory_space<semaphore_mem>>) src(%dma_wait3A_8 : memref<5120xi32, #tpu.memory_space<hbm>>) dst(%arg10 : memref<5120xi32, #tpu.memory_space<vmem>>)
    %dma_wait3A_9 = tpu.memref_slice %arg5[%mul3A_2] : memref<163840xi32, #tpu.memory_space<hbm>> -> memref<5120xi32, #tpu.memory_space<hbm>>
    %dma_wait3A_10 = tpu.memref_slice %arg5[%mul3A_2] : memref<163840xi32, #tpu.memory_space<hbm>> -> memref<5120xi32, #tpu.memory_space<hbm>>
    tpu.wait_dma2 semaphore(%arg24 : memref<!tpu.dma_semaphore, #tpu.memory_space<semaphore_mem>>) src(%dma_wait3A_10 : memref<5120xi32, #tpu.memory_space<hbm>>) dst(%arg11 : memref<5120xi32, #tpu.memory_space<vmem>>)
    %dma_wait3A_11 = tpu.memref_slice %arg6[%mul3A_2] : memref<163840xf32, #tpu.memory_space<hbm>> -> memref<5120xf32, #tpu.memory_space<hbm>>
    %dma_wait3A_12 = tpu.memref_slice %arg6[%mul3A_2] : memref<163840xf32, #tpu.memory_space<hbm>> -> memref<5120xf32, #tpu.memory_space<hbm>>
    tpu.wait_dma2 semaphore(%arg24 : memref<!tpu.dma_semaphore, #tpu.memory_space<semaphore_mem>>) src(%dma_wait3A_12 : memref<5120xf32, #tpu.memory_space<hbm>>) dst(%arg12 : memref<5120xf32, #tpu.memory_space<vmem>>)
    %dma_start3A_13 = arith.constant 0 : i32
    %dma_start3A_14 = tpu.memref_slice %arg10[%dma_start3A_13] : memref<5120xi32, #tpu.memory_space<vmem>> -> memref<128xi32, #tpu.memory_space<vmem>>
    %dma_start3A_15 = arith.constant 0 : i32
    %dma_start3A_16 = arith.constant 0 : i32
    %dma_start3A_17 = tpu.memref_slice %arg2[%dma_start3A_15, %dma_start3A_16] : memref<10000x32xi32, #tpu.memory_space<hbm>> -> memref<10000x32xi32, #tpu.memory_space<hbm>>
    tpu.enqueue_indirect_dma source(%dma_start3A_17 : memref<10000x32xi32, #tpu.memory_space<hbm>>) target(%arg14 : memref<128x32xi32, #tpu.memory_space<vmem>>) offsets(%dma_start3A_14 : memref<128xi32, #tpu.memory_space<vmem>>) semaphore(%arg25 : memref<!tpu.dma_semaphore, #tpu.memory_space<semaphore_mem>>)
    %dma_start3A_18 = arith.constant 0 : i32
    %dma_start3A_19 = tpu.memref_slice %arg11[%dma_start3A_18] : memref<5120xi32, #tpu.memory_space<vmem>> -> memref<128xi32, #tpu.memory_space<vmem>>
    %dma_start3A_20 = arith.constant 0 : i32
    %dma_start3A_21 = arith.constant 0 : i32
    %dma_start3A_22 = tpu.memref_slice %arg3[%dma_start3A_20, %dma_start3A_21] : memref<10000x32xi32, #tpu.memory_space<hbm>> -> memref<10000x32xi32, #tpu.memory_space<hbm>>
    tpu.enqueue_indirect_dma source(%dma_start3A_22 : memref<10000x32xi32, #tpu.memory_space<hbm>>) target(%arg15 : memref<128x32xi32, #tpu.memory_space<vmem>>) offsets(%dma_start3A_19 : memref<128xi32, #tpu.memory_space<vmem>>) semaphore(%arg25 : memref<!tpu.dma_semaphore, #tpu.memory_space<semaphore_mem>>)
    %dma_start3A_23 = arith.constant 128 : i32
    %dma_start3A_24 = tpu.memref_slice %arg10[%dma_start3A_23] : memref<5120xi32, #tpu.memory_space<vmem>> -> memref<128xi32, #tpu.memory_space<vmem>>
    %dma_start3A_25 = arith.constant 0 : i32
    %dma_start3A_26 = arith.constant 0 : i32
    %dma_start3A_27 = tpu.memref_slice %arg2[%dma_start3A_25, %dma_start3A_26] : memref<10000x32xi32, #tpu.memory_space<hbm>> -> memref<10000x32xi32, #tpu.memory_space<hbm>>
    tpu.enqueue_indirect_dma source(%dma_start3A_27 : memref<10000x32xi32, #tpu.memory_space<hbm>>) target(%arg16 : memref<128x32xi32, #tpu.memory_space<vmem>>) offsets(%dma_start3A_24 : memref<128xi32, #tpu.memory_space<vmem>>) semaphore(%arg26 : memref<!tpu.dma_semaphore, #tpu.memory_space<semaphore_mem>>)
    %dma_start3A_28 = arith.constant 128 : i32
    %dma_start3A_29 = tpu.memref_slice %arg11[%dma_start3A_28] : memref<5120xi32, #tpu.memory_space<vmem>> -> memref<128xi32, #tpu.memory_space<vmem>>
    %dma_start3A_30 = arith.constant 0 : i32
    %dma_start3A_31 = arith.constant 0 : i32
    %dma_start3A_32 = tpu.memref_slice %arg3[%dma_start3A_30, %dma_start3A_31] : memref<10000x32xi32, #tpu.memory_space<hbm>> -> memref<10000x32xi32, #tpu.memory_space<hbm>>
    tpu.enqueue_indirect_dma source(%dma_start3A_32 : memref<10000x32xi32, #tpu.memory_space<hbm>>) target(%arg17 : memref<128x32xi32, #tpu.memory_space<vmem>>) offsets(%dma_start3A_29 : memref<128xi32, #tpu.memory_space<vmem>>) semaphore(%arg26 : memref<!tpu.dma_semaphore, #tpu.memory_space<semaphore_mem>>)
    %dma_start3A_33 = arith.constant 256 : i32
    %dma_start3A_34 = tpu.memref_slice %arg10[%dma_start3A_33] : memref<5120xi32, #tpu.memory_space<vmem>> -> memref<128xi32, #tpu.memory_space<vmem>>
    %dma_start3A_35 = arith.constant 0 : i32
    %dma_start3A_36 = arith.constant 0 : i32
    %dma_start3A_37 = tpu.memref_slice %arg2[%dma_start3A_35, %dma_start3A_36] : memref<10000x32xi32, #tpu.memory_space<hbm>> -> memref<10000x32xi32, #tpu.memory_space<hbm>>
    tpu.enqueue_indirect_dma source(%dma_start3A_37 : memref<10000x32xi32, #tpu.memory_space<hbm>>) target(%arg18 : memref<128x32xi32, #tpu.memory_space<vmem>>) offsets(%dma_start3A_34 : memref<128xi32, #tpu.memory_space<vmem>>) semaphore(%arg27 : memref<!tpu.dma_semaphore, #tpu.memory_space<semaphore_mem>>)
    %dma_start3A_38 = arith.constant 256 : i32
    %dma_start3A_39 = tpu.memref_slice %arg11[%dma_start3A_38] : memref<5120xi32, #tpu.memory_space<vmem>> -> memref<128xi32, #tpu.memory_space<vmem>>
    %dma_start3A_40 = arith.constant 0 : i32
    %dma_start3A_41 = arith.constant 0 : i32
    %dma_start3A_42 = tpu.memref_slice %arg3[%dma_start3A_40, %dma_start3A_41] : memref<10000x32xi32, #tpu.memory_space<hbm>> -> memref<10000x32xi32, #tpu.memory_space<hbm>>
    tpu.enqueue_indirect_dma source(%dma_start3A_42 : memref<10000x32xi32, #tpu.memory_space<hbm>>) target(%arg19 : memref<128x32xi32, #tpu.memory_space<vmem>>) offsets(%dma_start3A_39 : memref<128xi32, #tpu.memory_space<vmem>>) semaphore(%arg27 : memref<!tpu.dma_semaphore, #tpu.memory_space<semaphore_mem>>)
    %scan3A = arith.constant 0 : i32
    %scan3A_43 = arith.constant 0 : i32
    %scan3A_44 = arith.constant 10 : i32
    %scan3A_45 = arith.addi %scan3A_43, %scan3A_44 : i32
    %scan3A_46 = arith.constant 1 : i32
    scf.for %scan3A_54 = %scan3A_43 to %scan3A_45 step %scan3A_46  : i32 {
      %mul3A_55 = arith.constant 4 : i32
      %mul3A_56 = arith.muli %mul3A_55, %scan3A_54 : i32
      %add3A_57 = arith.constant 0 : i32
      %add3A_58 = arith.addi %mul3A_56, %add3A_57 : i32
      %add3A_59 = arith.constant 3 : i32
      %add3A_60 = arith.addi %add3A_58, %add3A_59 : i32
      %lt3A_61 = arith.constant 40 : i32
      %lt3A_62 = arith.cmpi slt, %add3A_60, %lt3A_61 : i32
      %convert_element_type3A_63 = arith.extui %lt3A_62 : i1 to i32
      %cond3A_64 = arith.constant 0 : i32
      %cond3A_65 = arith.cmpi ne, %convert_element_type3A_63, %cond3A_64 : i32
      scf.if %cond3A_65 {
        %add3A_1005 = arith.constant 3 : i32
        %add3A_1006 = arith.addi %add3A_58, %add3A_1005 : i32
        %mul3A_1007 = arith.constant 128 : i32
        %mul3A_1008 = arith.muli %add3A_1006, %mul3A_1007 : i32
        %dma_start3A_1009 = tpu.memref_slice %arg10[%mul3A_1008] : memref<5120xi32, #tpu.memory_space<vmem>> -> memref<128xi32, #tpu.memory_space<vmem>>
        %dma_start3A_1010 = arith.constant 0 : i32
        %dma_start3A_1011 = arith.constant 0 : i32
        %dma_start3A_1012 = tpu.memref_slice %arg2[%dma_start3A_1010, %dma_start3A_1011] : memref<10000x32xi32, #tpu.memory_space<hbm>> -> memref<10000x32xi32, #tpu.memory_space<hbm>>
        tpu.enqueue_indirect_dma source(%dma_start3A_1012 : memref<10000x32xi32, #tpu.memory_space<hbm>>) target(%arg20 : memref<128x32xi32, #tpu.memory_space<vmem>>) offsets(%dma_start3A_1009 : memref<128xi32, #tpu.memory_space<vmem>>) semaphore(%arg28 : memref<!tpu.dma_semaphore, #tpu.memory_space<semaphore_mem>>)
        %dma_start3A_1013 = tpu.memref_slice %arg11[%mul3A_1008] : memref<5120xi32, #tpu.memory_space<vmem>> -> memref<128xi32, #tpu.memory_space<vmem>>
        %dma_start3A_1014 = arith.constant 0 : i32
        %dma_start3A_1015 = arith.constant 0 : i32
        %dma_start3A_1016 = tpu.memref_slice %arg3[%dma_start3A_1014, %dma_start3A_1015] : memref<10000x32xi32, #tpu.memory_space<hbm>> -> memref<10000x32xi32, #tpu.memory_space<hbm>>
        tpu.enqueue_indirect_dma source(%dma_start3A_1016 : memref<10000x32xi32, #tpu.memory_space<hbm>>) target(%arg21 : memref<128x32xi32, #tpu.memory_space<vmem>>) offsets(%dma_start3A_1013 : memref<128xi32, #tpu.memory_space<vmem>>) semaphore(%arg28 : memref<!tpu.dma_semaphore, #tpu.memory_space<semaphore_mem>>)
      } else {
      }
      %dma_wait3A_66 = arith.constant 0 : i32
      %dma_wait3A_67 = arith.constant 0 : i32
      %dma_wait3A_68 = tpu.memref_slice %arg2[%dma_wait3A_66, %dma_wait3A_67] : memref<10000x32xi32, #tpu.memory_space<hbm>> -> memref<128x32xi32, #tpu.memory_space<hbm>>
      %dma_wait3A_69 = arith.constant 0 : i32
      %dma_wait3A_70 = arith.constant 0 : i32
      %dma_wait3A_71 = tpu.memref_slice %arg2[%dma_wait3A_69, %dma_wait3A_70] : memref<10000x32xi32, #tpu.memory_space<hbm>> -> memref<128x32xi32, #tpu.memory_space<hbm>>
      tpu.wait_dma2 semaphore(%arg25 : memref<!tpu.dma_semaphore, #tpu.memory_space<semaphore_mem>>) src(%dma_wait3A_71 : memref<128x32xi32, #tpu.memory_space<hbm>>) dst(%arg14 : memref<128x32xi32, #tpu.memory_space<vmem>>)
      %dma_wait3A_72 = arith.constant 0 : i32
      %dma_wait3A_73 = arith.constant 0 : i32
      %dma_wait3A_74 = tpu.memref_slice %arg3[%dma_wait3A_72, %dma_wait3A_73] : memref<10000x32xi32, #tpu.memory_space<hbm>> -> memref<128x32xi32, #tpu.memory_space<hbm>>
      %dma_wait3A_75 = arith.constant 0 : i32
      %dma_wait3A_76 = arith.constant 0 : i32
      %dma_wait3A_77 = tpu.memref_slice %arg3[%dma_wait3A_75, %dma_wait3A_76] : memref<10000x32xi32, #tpu.memory_space<hbm>> -> memref<128x32xi32, #tpu.memory_space<hbm>>
      tpu.wait_dma2 semaphore(%arg25 : memref<!tpu.dma_semaphore, #tpu.memory_space<semaphore_mem>>) src(%dma_wait3A_77 : memref<128x32xi32, #tpu.memory_space<hbm>>) dst(%arg15 : memref<128x32xi32, #tpu.memory_space<vmem>>)
      %get3A = arith.constant 0 : index
      %get3A_78 = tpu.vector_load %arg23[%get3A] {strides = array<i32>} : memref<16xf32, #tpu.memory_space<vmem>>, vector<16xf32>,
      %mul3A_79 = arith.constant 128 : i32
      %mul3A_80 = arith.muli %add3A_58, %mul3A_79 : i32
      %add3A_81 = arith.constant 0 : i32
      %add3A_82 = arith.addi %mul3A_80, %add3A_81 : i32
      %broadcast_in_dim3A = arith.constant 0.000000e+00 : f32
      %broadcast_in_dim3A_83 = vector.broadcast %broadcast_in_dim3A : f32 to vector<16xf32>
      %broadcast_in_dim3A_84 = arith.constant 0.000000e+00 : f32
      %broadcast_in_dim3A_85 = vector.broadcast %broadcast_in_dim3A_84 : f32 to vector<16xf32>
      %broadcast_in_dim3A_86 = arith.constant 0.000000e+00 : f32
      %broadcast_in_dim3A_87 = vector.broadcast %broadcast_in_dim3A_86 : f32 to vector<16xf32>
      %broadcast_in_dim3A_88 = arith.constant 0.000000e+00 : f32
      %broadcast_in_dim3A_89 = vector.broadcast %broadcast_in_dim3A_88 : f32 to vector<16xf32>
      %broadcast_in_dim3A_90 = arith.constant 0.000000e+00 : f32
      %broadcast_in_dim3A_91 = vector.broadcast %broadcast_in_dim3A_90 : f32 to vector<16xf32>
      %broadcast_in_dim3A_92 = arith.constant 0.000000e+00 : f32
      %broadcast_in_dim3A_93 = vector.broadcast %broadcast_in_dim3A_92 : f32 to vector<16xf32>
      %broadcast_in_dim3A_94 = arith.constant 0.000000e+00 : f32
      %broadcast_in_dim3A_95 = vector.broadcast %broadcast_in_dim3A_94 : f32 to vector<16xf32>
      %broadcast_in_dim3A_96 = arith.constant 0.000000e+00 : f32
      %broadcast_in_dim3A_97 = vector.broadcast %broadcast_in_dim3A_96 : f32 to vector<16xf32>
      %parallel_loop3A = arith.constant 0 : i32
      %parallel_loop3A_98 = arith.constant 32 : i32
      %parallel_loop3A_99 = arith.constant 1 : i32
      %parallel_loop3A_100:8 = scf.for %parallel_loop3A_1005 = %parallel_loop3A to %parallel_loop3A_98 step %parallel_loop3A_99 iter_args(%parallel_loop3A_1006 = %broadcast_in_dim3A_83, %parallel_loop3A_1007 = %broadcast_in_dim3A_85, %parallel_loop3A_1008 = %broadcast_in_dim3A_87, %parallel_loop3A_1009 = %broadcast_in_dim3A_89, %parallel_loop3A_1010 = %broadcast_in_dim3A_91, %parallel_loop3A_1011 = %broadcast_in_dim3A_93, %parallel_loop3A_1012 = %broadcast_in_dim3A_95, %parallel_loop3A_1013 = %broadcast_in_dim3A_97) -> (vector<16xf32>, vector<16xf32>, vector<16xf32>, vector<16xf32>, vector<16xf32>, vector<16xf32>, vector<16xf32>, vector<16xf32>)  : i32 {
        %parallel_loop3A_1014 = arith.index_cast %parallel_loop3A_1005 : i32 to index
        %parallel_loop3A_1015 = arith.constant 0 : index
        %parallel_loop3A_1016 = tpu.vector_load %arg22[%parallel_loop3A_1014, %parallel_loop3A_1015] {strides = array<i32>} : memref<32x32xbf16, #tpu.memory_space<vmem>>, vector<32xbf16>,
        %parallel_loop3A_1017 = vector.broadcast %parallel_loop3A_1005 : i32 to vector<16xi32>
        %parallel_loop3A_1018 = tpu.iota {dimensions = array<i32: 0>} : vector<16xi32>
        %parallel_loop3A_1019 = arith.constant 0 : i32
        %parallel_loop3A_1020 = vector.broadcast %parallel_loop3A_1019 : i32 to vector<16xi32>
        %parallel_loop3A_1021 = arith.addi %parallel_loop3A_1018, %parallel_loop3A_1020 : vector<16xi32>
        %parallel_loop3A_1022 = tpu.vector_load_idx %arg14[%parallel_loop3A_1021, %parallel_loop3A_1017] : memref<128x32xi32, #tpu.memory_space<vmem>>[vector<16xi32>, vector<16xi32>], vector<16xi32>,
        %parallel_loop3A_1023 = tpu.vector_load_idx %arg15[%parallel_loop3A_1021, %parallel_loop3A_1017] : memref<128x32xi32, #tpu.memory_space<vmem>>[vector<16xi32>, vector<16xi32>], vector<16xi32>,
        %parallel_loop3A_1024 = vector.bitcast %parallel_loop3A_1022 : vector<16xi32> to vector<32xbf16>
        %parallel_loop3A_1025 = vector.bitcast %parallel_loop3A_1023 : vector<16xi32> to vector<32xbf16>
        %parallel_loop3A_1026 = arith.addf %parallel_loop3A_1024, %parallel_loop3A_1025 : vector<32xbf16>
        %parallel_loop3A_1027 = arith.constant 0.000000e+00 : bf16
        %parallel_loop3A_1028 = vector.broadcast %parallel_loop3A_1027 : bf16 to vector<32xbf16>
        %parallel_loop3A_1029 = arith.maximumf %parallel_loop3A_1026, %parallel_loop3A_1028 : vector<32xbf16>
        %parallel_loop3A_1030 = arith.mulf %parallel_loop3A_1029, %parallel_loop3A_1016 : vector<32xbf16>
        %parallel_loop3A_1031 = vector.bitcast %parallel_loop3A_1030 : vector<32xbf16> to vector<16xi32>
        %parallel_loop3A_1032 = arith.constant 16 : i32
        %parallel_loop3A_1033 = vector.broadcast %parallel_loop3A_1032 : i32 to vector<16xi32>
        %parallel_loop3A_1034 = arith.shli %parallel_loop3A_1031, %parallel_loop3A_1033 : vector<16xi32>
        %parallel_loop3A_1035 = vector.bitcast %parallel_loop3A_1034 : vector<16xi32> to vector<16xf32>
        %parallel_loop3A_1036 = arith.constant -65536 : i32
        %parallel_loop3A_1037 = vector.broadcast %parallel_loop3A_1036 : i32 to vector<16xi32>
        %parallel_loop3A_1038 = arith.andi %parallel_loop3A_1031, %parallel_loop3A_1037 : vector<16xi32>
        %parallel_loop3A_1039 = vector.bitcast %parallel_loop3A_1038 : vector<16xi32> to vector<16xf32>
        %parallel_loop3A_1040 = arith.addf %parallel_loop3A_1006, %parallel_loop3A_1035 : vector<16xf32>
        %parallel_loop3A_1041 = arith.addf %parallel_loop3A_1040, %parallel_loop3A_1039 : vector<16xf32>
        %parallel_loop3A_1042 = tpu.iota {dimensions = array<i32: 0>} : vector<16xi32>
        %parallel_loop3A_1043 = arith.constant 16 : i32
        %parallel_loop3A_1044 = vector.broadcast %parallel_loop3A_1043 : i32 to vector<16xi32>
        %parallel_loop3A_1045 = arith.addi %parallel_loop3A_1042, %parallel_loop3A_1044 : vector<16xi32>
        %parallel_loop3A_1046 = tpu.vector_load_idx %arg14[%parallel_loop3A_1045, %parallel_loop3A_1017] : memref<128x32xi32, #tpu.memory_space<vmem>>[vector<16xi32>, vector<16xi32>], vector<16xi32>,
        %parallel_loop3A_1047 = tpu.vector_load_idx %arg15[%parallel_loop3A_1045, %parallel_loop3A_1017] : memref<128x32xi32, #tpu.memory_space<vmem>>[vector<16xi32>, vector<16xi32>], vector<16xi32>,
        %parallel_loop3A_1048 = vector.bitcast %parallel_loop3A_1046 : vector<16xi32> to vector<32xbf16>
        %parallel_loop3A_1049 = vector.bitcast %parallel_loop3A_1047 : vector<16xi32> to vector<32xbf16>
        %parallel_loop3A_1050 = arith.addf %parallel_loop3A_1048, %parallel_loop3A_1049 : vector<32xbf16>
        %parallel_loop3A_1051 = arith.constant 0.000000e+00 : bf16
        %parallel_loop3A_1052 = vector.broadcast %parallel_loop3A_1051 : bf16 to vector<32xbf16>
        %parallel_loop3A_1053 = arith.maximumf %parallel_loop3A_1050, %parallel_loop3A_1052 : vector<32xbf16>
        %parallel_loop3A_1054 = arith.mulf %parallel_loop3A_1053, %parallel_loop3A_1016 : vector<32xbf16>
        %parallel_loop3A_1055 = vector.bitcast %parallel_loop3A_1054 : vector<32xbf16> to vector<16xi32>
        %parallel_loop3A_1056 = arith.constant 16 : i32
        %parallel_loop3A_1057 = vector.broadcast %parallel_loop3A_1056 : i32 to vector<16xi32>
        %parallel_loop3A_1058 = arith.shli %parallel_loop3A_1055, %parallel_loop3A_1057 : vector<16xi32>
        %parallel_loop3A_1059 = vector.bitcast %parallel_loop3A_1058 : vector<16xi32> to vector<16xf32>
        %parallel_loop3A_1060 = arith.constant -65536 : i32
        %parallel_loop3A_1061 = vector.broadcast %parallel_loop3A_1060 : i32 to vector<16xi32>
        %parallel_loop3A_1062 = arith.andi %parallel_loop3A_1055, %parallel_loop3A_1061 : vector<16xi32>
        %parallel_loop3A_1063 = vector.bitcast %parallel_loop3A_1062 : vector<16xi32> to vector<16xf32>
        %parallel_loop3A_1064 = arith.addf %parallel_loop3A_1007, %parallel_loop3A_1059 : vector<16xf32>
        %parallel_loop3A_1065 = arith.addf %parallel_loop3A_1064, %parallel_loop3A_1063 : vector<16xf32>
        %parallel_loop3A_1066 = tpu.iota {dimensions = array<i32: 0>} : vector<16xi32>
        %parallel_loop3A_1067 = arith.constant 32 : i32
        %parallel_loop3A_1068 = vector.broadcast %parallel_loop3A_1067 : i32 to vector<16xi32>
        %parallel_loop3A_1069 = arith.addi %parallel_loop3A_1066, %parallel_loop3A_1068 : vector<16xi32>
        %parallel_loop3A_1070 = tpu.vector_load_idx %arg14[%parallel_loop3A_1069, %parallel_loop3A_1017] : memref<128x32xi32, #tpu.memory_space<vmem>>[vector<16xi32>, vector<16xi32>], vector<16xi32>,
        %parallel_loop3A_1071 = tpu.vector_load_idx %arg15[%parallel_loop3A_1069, %parallel_loop3A_1017] : memref<128x32xi32, #tpu.memory_space<vmem>>[vector<16xi32>, vector<16xi32>], vector<16xi32>,
        %parallel_loop3A_1072 = vector.bitcast %parallel_loop3A_1070 : vector<16xi32> to vector<32xbf16>
        %parallel_loop3A_1073 = vector.bitcast %parallel_loop3A_1071 : vector<16xi32> to vector<32xbf16>
        %parallel_loop3A_1074 = arith.addf %parallel_loop3A_1072, %parallel_loop3A_1073 : vector<32xbf16>
        %parallel_loop3A_1075 = arith.constant 0.000000e+00 : bf16
        %parallel_loop3A_1076 = vector.broadcast %parallel_loop3A_1075 : bf16 to vector<32xbf16>
        %parallel_loop3A_1077 = arith.maximumf %parallel_loop3A_1074, %parallel_loop3A_1076 : vector<32xbf16>
        %parallel_loop3A_1078 = arith.mulf %parallel_loop3A_1077, %parallel_loop3A_1016 : vector<32xbf16>
        %parallel_loop3A_1079 = vector.bitcast %parallel_loop3A_1078 : vector<32xbf16> to vector<16xi32>
        %parallel_loop3A_1080 = arith.constant 16 : i32
        %parallel_loop3A_1081 = vector.broadcast %parallel_loop3A_1080 : i32 to vector<16xi32>
        %parallel_loop3A_1082 = arith.shli %parallel_loop3A_1079, %parallel_loop3A_1081 : vector<16xi32>
        %parallel_loop3A_1083 = vector.bitcast %parallel_loop3A_1082 : vector<16xi32> to vector<16xf32>
        %parallel_loop3A_1084 = arith.constant -65536 : i32
        %parallel_loop3A_1085 = vector.broadcast %parallel_loop3A_1084 : i32 to vector<16xi32>
        %parallel_loop3A_1086 = arith.andi %parallel_loop3A_1079, %parallel_loop3A_1085 : vector<16xi32>
        %parallel_loop3A_1087 = vector.bitcast %parallel_loop3A_1086 : vector<16xi32> to vector<16xf32>
        %parallel_loop3A_1088 = arith.addf %parallel_loop3A_1008, %parallel_loop3A_1083 : vector<16xf32>
        %parallel_loop3A_1089 = arith.addf %parallel_loop3A_1088, %parallel_loop3A_1087 : vector<16xf32>
        %parallel_loop3A_1090 = tpu.iota {dimensions = array<i32: 0>} : vector<16xi32>
        %parallel_loop3A_1091 = arith.constant 48 : i32
        %parallel_loop3A_1092 = vector.broadcast %parallel_loop3A_1091 : i32 to vector<16xi32>
        %parallel_loop3A_1093 = arith.addi %parallel_loop3A_1090, %parallel_loop3A_1092 : vector<16xi32>
        %parallel_loop3A_1094 = tpu.vector_load_idx %arg14[%parallel_loop3A_1093, %parallel_loop3A_1017] : memref<128x32xi32, #tpu.memory_space<vmem>>[vector<16xi32>, vector<16xi32>], vector<16xi32>,
        %parallel_loop3A_1095 = tpu.vector_load_idx %arg15[%parallel_loop3A_1093, %parallel_loop3A_1017] : memref<128x32xi32, #tpu.memory_space<vmem>>[vector<16xi32>, vector<16xi32>], vector<16xi32>,
        %parallel_loop3A_1096 = vector.bitcast %parallel_loop3A_1094 : vector<16xi32> to vector<32xbf16>
        %parallel_loop3A_1097 = vector.bitcast %parallel_loop3A_1095 : vector<16xi32> to vector<32xbf16>
        %parallel_loop3A_1098 = arith.addf %parallel_loop3A_1096, %parallel_loop3A_1097 : vector<32xbf16>
        %parallel_loop3A_1099 = arith.constant 0.000000e+00 : bf16
        %parallel_loop3A_1100 = vector.broadcast %parallel_loop3A_1099 : bf16 to vector<32xbf16>
        %parallel_loop3A_1101 = arith.maximumf %parallel_loop3A_1098, %parallel_loop3A_1100 : vector<32xbf16>
        %parallel_loop3A_1102 = arith.mulf %parallel_loop3A_1101, %parallel_loop3A_1016 : vector<32xbf16>
        %parallel_loop3A_1103 = vector.bitcast %parallel_loop3A_1102 : vector<32xbf16> to vector<16xi32>
        %parallel_loop3A_1104 = arith.constant 16 : i32
        %parallel_loop3A_1105 = vector.broadcast %parallel_loop3A_1104 : i32 to vector<16xi32>
        %parallel_loop3A_1106 = arith.shli %parallel_loop3A_1103, %parallel_loop3A_1105 : vector<16xi32>
        %parallel_loop3A_1107 = vector.bitcast %parallel_loop3A_1106 : vector<16xi32> to vector<16xf32>
        %parallel_loop3A_1108 = arith.constant -65536 : i32
        %parallel_loop3A_1109 = vector.broadcast %parallel_loop3A_1108 : i32 to vector<16xi32>
        %parallel_loop3A_1110 = arith.andi %parallel_loop3A_1103, %parallel_loop3A_1109 : vector<16xi32>
        %parallel_loop3A_1111 = vector.bitcast %parallel_loop3A_1110 : vector<16xi32> to vector<16xf32>
        %parallel_loop3A_1112 = arith.addf %parallel_loop3A_1009, %parallel_loop3A_1107 : vector<16xf32>
        %parallel_loop3A_1113 = arith.addf %parallel_loop3A_1112, %parallel_loop3A_1111 : vector<16xf32>
        %parallel_loop3A_1114 = tpu.iota {dimensions = array<i32: 0>} : vector<16xi32>
        %parallel_loop3A_1115 = arith.constant 64 : i32
        %parallel_loop3A_1116 = vector.broadcast %parallel_loop3A_1115 : i32 to vector<16xi32>
        %parallel_loop3A_1117 = arith.addi %parallel_loop3A_1114, %parallel_loop3A_1116 : vector<16xi32>
        %parallel_loop3A_1118 = tpu.vector_load_idx %arg14[%parallel_loop3A_1117, %parallel_loop3A_1017] : memref<128x32xi32, #tpu.memory_space<vmem>>[vector<16xi32>, vector<16xi32>], vector<16xi32>,
        %parallel_loop3A_1119 = tpu.vector_load_idx %arg15[%parallel_loop3A_1117, %parallel_loop3A_1017] : memref<128x32xi32, #tpu.memory_space<vmem>>[vector<16xi32>, vector<16xi32>], vector<16xi32>,
        %parallel_loop3A_1120 = vector.bitcast %parallel_loop3A_1118 : vector<16xi32> to vector<32xbf16>
        %parallel_loop3A_1121 = vector.bitcast %parallel_loop3A_1119 : vector<16xi32> to vector<32xbf16>
        %parallel_loop3A_1122 = arith.addf %parallel_loop3A_1120, %parallel_loop3A_1121 : vector<32xbf16>
        %parallel_loop3A_1123 = arith.constant 0.000000e+00 : bf16
        %parallel_loop3A_1124 = vector.broadcast %parallel_loop3A_1123 : bf16 to vector<32xbf16>
        %parallel_loop3A_1125 = arith.maximumf %parallel_loop3A_1122, %parallel_loop3A_1124 : vector<32xbf16>
        %parallel_loop3A_1126 = arith.mulf %parallel_loop3A_1125, %parallel_loop3A_1016 : vector<32xbf16>
        %parallel_loop3A_1127 = vector.bitcast %parallel_loop3A_1126 : vector<32xbf16> to vector<16xi32>
        %parallel_loop3A_1128 = arith.constant 16 : i32
        %parallel_loop3A_1129 = vector.broadcast %parallel_loop3A_1128 : i32 to vector<16xi32>
        %parallel_loop3A_1130 = arith.shli %parallel_loop3A_1127, %parallel_loop3A_1129 : vector<16xi32>
        %parallel_loop3A_1131 = vector.bitcast %parallel_loop3A_1130 : vector<16xi32> to vector<16xf32>
        %parallel_loop3A_1132 = arith.constant -65536 : i32
        %parallel_loop3A_1133 = vector.broadcast %parallel_loop3A_1132 : i32 to vector<16xi32>
        %parallel_loop3A_1134 = arith.andi %parallel_loop3A_1127, %parallel_loop3A_1133 : vector<16xi32>
        %parallel_loop3A_1135 = vector.bitcast %parallel_loop3A_1134 : vector<16xi32> to vector<16xf32>
        %parallel_loop3A_1136 = arith.addf %parallel_loop3A_1010, %parallel_loop3A_1131 : vector<16xf32>
        %parallel_loop3A_1137 = arith.addf %parallel_loop3A_1136, %parallel_loop3A_1135 : vector<16xf32>
        %parallel_loop3A_1138 = tpu.iota {dimensions = array<i32: 0>} : vector<16xi32>
        %parallel_loop3A_1139 = arith.constant 80 : i32
        %parallel_loop3A_1140 = vector.broadcast %parallel_loop3A_1139 : i32 to vector<16xi32>
        %parallel_loop3A_1141 = arith.addi %parallel_loop3A_1138, %parallel_loop3A_1140 : vector<16xi32>
        %parallel_loop3A_1142 = tpu.vector_load_idx %arg14[%parallel_loop3A_1141, %parallel_loop3A_1017] : memref<128x32xi32, #tpu.memory_space<vmem>>[vector<16xi32>, vector<16xi32>], vector<16xi32>,
        %parallel_loop3A_1143 = tpu.vector_load_idx %arg15[%parallel_loop3A_1141, %parallel_loop3A_1017] : memref<128x32xi32, #tpu.memory_space<vmem>>[vector<16xi32>, vector<16xi32>], vector<16xi32>,
        %parallel_loop3A_1144 = vector.bitcast %parallel_loop3A_1142 : vector<16xi32> to vector<32xbf16>
        %parallel_loop3A_1145 = vector.bitcast %parallel_loop3A_1143 : vector<16xi32> to vector<32xbf16>
        %parallel_loop3A_1146 = arith.addf %parallel_loop3A_1144, %parallel_loop3A_1145 : vector<32xbf16>
        %parallel_loop3A_1147 = arith.constant 0.000000e+00 : bf16
        %parallel_loop3A_1148 = vector.broadcast %parallel_loop3A_1147 : bf16 to vector<32xbf16>
        %parallel_loop3A_1149 = arith.maximumf %parallel_loop3A_1146, %parallel_loop3A_1148 : vector<32xbf16>
        %parallel_loop3A_1150 = arith.mulf %parallel_loop3A_1149, %parallel_loop3A_1016 : vector<32xbf16>
        %parallel_loop3A_1151 = vector.bitcast %parallel_loop3A_1150 : vector<32xbf16> to vector<16xi32>
        %parallel_loop3A_1152 = arith.constant 16 : i32
        %parallel_loop3A_1153 = vector.broadcast %parallel_loop3A_1152 : i32 to vector<16xi32>
        %parallel_loop3A_1154 = arith.shli %parallel_loop3A_1151, %parallel_loop3A_1153 : vector<16xi32>
        %parallel_loop3A_1155 = vector.bitcast %parallel_loop3A_1154 : vector<16xi32> to vector<16xf32>
        %parallel_loop3A_1156 = arith.constant -65536 : i32
        %parallel_loop3A_1157 = vector.broadcast %parallel_loop3A_1156 : i32 to vector<16xi32>
        %parallel_loop3A_1158 = arith.andi %parallel_loop3A_1151, %parallel_loop3A_1157 : vector<16xi32>
        %parallel_loop3A_1159 = vector.bitcast %parallel_loop3A_1158 : vector<16xi32> to vector<16xf32>
        %parallel_loop3A_1160 = arith.addf %parallel_loop3A_1011, %parallel_loop3A_1155 : vector<16xf32>
        %parallel_loop3A_1161 = arith.addf %parallel_loop3A_1160, %parallel_loop3A_1159 : vector<16xf32>
        %parallel_loop3A_1162 = tpu.iota {dimensions = array<i32: 0>} : vector<16xi32>
        %parallel_loop3A_1163 = arith.constant 96 : i32
        %parallel_loop3A_1164 = vector.broadcast %parallel_loop3A_1163 : i32 to vector<16xi32>
        %parallel_loop3A_1165 = arith.addi %parallel_loop3A_1162, %parallel_loop3A_1164 : vector<16xi32>
        %parallel_loop3A_1166 = tpu.vector_load_idx %arg14[%parallel_loop3A_1165, %parallel_loop3A_1017] : memref<128x32xi32, #tpu.memory_space<vmem>>[vector<16xi32>, vector<16xi32>], vector<16xi32>,
        %parallel_loop3A_1167 = tpu.vector_load_idx %arg15[%parallel_loop3A_1165, %parallel_loop3A_1017] : memref<128x32xi32, #tpu.memory_space<vmem>>[vector<16xi32>, vector<16xi32>], vector<16xi32>,
        %parallel_loop3A_1168 = vector.bitcast %parallel_loop3A_1166 : vector<16xi32> to vector<32xbf16>
        %parallel_loop3A_1169 = vector.bitcast %parallel_loop3A_1167 : vector<16xi32> to vector<32xbf16>
        %parallel_loop3A_1170 = arith.addf %parallel_loop3A_1168, %parallel_loop3A_1169 : vector<32xbf16>
        %parallel_loop3A_1171 = arith.constant 0.000000e+00 : bf16
        %parallel_loop3A_1172 = vector.broadcast %parallel_loop3A_1171 : bf16 to vector<32xbf16>
        %parallel_loop3A_1173 = arith.maximumf %parallel_loop3A_1170, %parallel_loop3A_1172 : vector<32xbf16>
        %parallel_loop3A_1174 = arith.mulf %parallel_loop3A_1173, %parallel_loop3A_1016 : vector<32xbf16>
        %parallel_loop3A_1175 = vector.bitcast %parallel_loop3A_1174 : vector<32xbf16> to vector<16xi32>
        %parallel_loop3A_1176 = arith.constant 16 : i32
        %parallel_loop3A_1177 = vector.broadcast %parallel_loop3A_1176 : i32 to vector<16xi32>
        %parallel_loop3A_1178 = arith.shli %parallel_loop3A_1175, %parallel_loop3A_1177 : vector<16xi32>
        %parallel_loop3A_1179 = vector.bitcast %parallel_loop3A_1178 : vector<16xi32> to vector<16xf32>
        %parallel_loop3A_1180 = arith.constant -65536 : i32
        %parallel_loop3A_1181 = vector.broadcast %parallel_loop3A_1180 : i32 to vector<16xi32>
        %parallel_loop3A_1182 = arith.andi %parallel_loop3A_1175, %parallel_loop3A_1181 : vector<16xi32>
        %parallel_loop3A_1183 = vector.bitcast %parallel_loop3A_1182 : vector<16xi32> to vector<16xf32>
        %parallel_loop3A_1184 = arith.addf %parallel_loop3A_1012, %parallel_loop3A_1179 : vector<16xf32>
        %parallel_loop3A_1185 = arith.addf %parallel_loop3A_1184, %parallel_loop3A_1183 : vector<16xf32>
        %parallel_loop3A_1186 = tpu.iota {dimensions = array<i32: 0>} : vector<16xi32>
        %parallel_loop3A_1187 = arith.constant 112 : i32
        %parallel_loop3A_1188 = vector.broadcast %parallel_loop3A_1187 : i32 to vector<16xi32>
        %parallel_loop3A_1189 = arith.addi %parallel_loop3A_1186, %parallel_loop3A_1188 : vector<16xi32>
        %parallel_loop3A_1190 = tpu.vector_load_idx %arg14[%parallel_loop3A_1189, %parallel_loop3A_1017] : memref<128x32xi32, #tpu.memory_space<vmem>>[vector<16xi32>, vector<16xi32>], vector<16xi32>,
        %parallel_loop3A_1191 = tpu.vector_load_idx %arg15[%parallel_loop3A_1189, %parallel_loop3A_1017] : memref<128x32xi32, #tpu.memory_space<vmem>>[vector<16xi32>, vector<16xi32>], vector<16xi32>,
        %parallel_loop3A_1192 = vector.bitcast %parallel_loop3A_1190 : vector<16xi32> to vector<32xbf16>
        %parallel_loop3A_1193 = vector.bitcast %parallel_loop3A_1191 : vector<16xi32> to vector<32xbf16>
        %parallel_loop3A_1194 = arith.addf %parallel_loop3A_1192, %parallel_loop3A_1193 : vector<32xbf16>
        %parallel_loop3A_1195 = arith.constant 0.000000e+00 : bf16
        %parallel_loop3A_1196 = vector.broadcast %parallel_loop3A_1195 : bf16 to vector<32xbf16>
        %parallel_loop3A_1197 = arith.maximumf %parallel_loop3A_1194, %parallel_loop3A_1196 : vector<32xbf16>
        %parallel_loop3A_1198 = arith.mulf %parallel_loop3A_1197, %parallel_loop3A_1016 : vector<32xbf16>
        %parallel_loop3A_1199 = vector.bitcast %parallel_loop3A_1198 : vector<32xbf16> to vector<16xi32>
        %parallel_loop3A_1200 = arith.constant 16 : i32
        %parallel_loop3A_1201 = vector.broadcast %parallel_loop3A_1200 : i32 to vector<16xi32>
        %parallel_loop3A_1202 = arith.shli %parallel_loop3A_1199, %parallel_loop3A_1201 : vector<16xi32>
        %parallel_loop3A_1203 = vector.bitcast %parallel_loop3A_1202 : vector<16xi32> to vector<16xf32>
        %parallel_loop3A_1204 = arith.constant -65536 : i32
        %parallel_loop3A_1205 = vector.broadcast %parallel_loop3A_1204 : i32 to vector<16xi32>
        %parallel_loop3A_1206 = arith.andi %parallel_loop3A_1199, %parallel_loop3A_1205 : vector<16xi32>
        %parallel_loop3A_1207 = vector.bitcast %parallel_loop3A_1206 : vector<16xi32> to vector<16xf32>
        %parallel_loop3A_1208 = arith.addf %parallel_loop3A_1013, %parallel_loop3A_1203 : vector<16xf32>
        %parallel_loop3A_1209 = arith.addf %parallel_loop3A_1208, %parallel_loop3A_1207 : vector<16xf32>
        scf.yield %parallel_loop3A_1041, %parallel_loop3A_1065, %parallel_loop3A_1089, %parallel_loop3A_1113, %parallel_loop3A_1137, %parallel_loop3A_1161, %parallel_loop3A_1185, %parallel_loop3A_1209 : vector<16xf32>, vector<16xf32>, vector<16xf32>, vector<16xf32>, vector<16xf32>, vector<16xf32>, vector<16xf32>, vector<16xf32>
      } {sc.loop_unroll_factor = 16 : i64, sc.parallel_access}
      %add3A_101 = arith.constant 0 : i32
      %add3A_102 = arith.addi %add3A_82, %add3A_101 : i32
      %get3A_103 = arith.index_cast %add3A_102 : i32 to index
      %get3A_104 = tpu.vector_load %arg12[%get3A_103] {strides = array<i32>} : memref<5120xf32, #tpu.memory_space<vmem>>, vector<16xf32>,
      %sub3A = arith.constant 1.000000e+00 : f32
      %sub3A_105 = vector.broadcast %sub3A : f32 to vector<16xf32>
      %sub3A_106 = arith.subf %sub3A_105, %get3A_104 : vector<16xf32>
      %div3A = arith.divf %sub3A_106, %get3A_104 : vector<16xf32>
      %add3A_107 = arith.addf %parallel_loop3A_100#0, %get3A_78 : vector<16xf32>
      %neg3A = arith.constant 0.000000e+00 : f32
      %neg3A_108 = vector.broadcast %neg3A : f32 to vector<16xf32>
      %neg3A_109 = arith.subf %neg3A_108, %add3A_107 : vector<16xf32>
      %exp3A = math.exp %neg3A_109 : vector<16xf32>
      %mul3A_110 = arith.mulf %div3A, %exp3A : vector<16xf32>
      %add3A_111 = arith.constant 1.000000e+00 : f32
      %add3A_112 = vector.broadcast %add3A_111 : f32 to vector<16xf32>
      %add3A_113 = arith.addf %add3A_112, %mul3A_110 : vector<16xf32>
      %div3A_114 = arith.constant 1.000000e+00 : f32
      %div3A_115 = vector.broadcast %div3A_114 : f32 to vector<16xf32>
      %div3A_116 = arith.divf %div3A_115, %add3A_113 : vector<16xf32>
      %add3A_117 = arith.constant 0 : i32
      %add3A_118 = arith.addi %add3A_82, %add3A_117 : i32
      %swap3A = arith.index_cast %add3A_118 : i32 to index
      %swap3A_119 = tpu.vector_load %arg13[%swap3A] {strides = array<i32>} : memref<5120xf32, #tpu.memory_space<vmem>>, vector<16xf32>,
      tpu.vector_store %arg13[%swap3A], %div3A_116 {strides = array<i32>} : memref<5120xf32, #tpu.memory_space<vmem>>, vector<16xf32>,
      %add3A_120 = arith.constant 16 : i32
      %add3A_121 = arith.addi %add3A_82, %add3A_120 : i32
      %get3A_122 = arith.index_cast %add3A_121 : i32 to index
      %get3A_123 = tpu.vector_load %arg12[%get3A_122] {strides = array<i32>} : memref<5120xf32, #tpu.memory_space<vmem>>, vector<16xf32>,
      %sub3A_124 = arith.constant 1.000000e+00 : f32
      %sub3A_125 = vector.broadcast %sub3A_124 : f32 to vector<16xf32>
      %sub3A_126 = arith.subf %sub3A_125, %get3A_123 : vector<16xf32>
      %div3A_127 = arith.divf %sub3A_126, %get3A_123 : vector<16xf32>
      %add3A_128 = arith.addf %parallel_loop3A_100#1, %get3A_78 : vector<16xf32>
      %neg3A_129 = arith.constant 0.000000e+00 : f32
      %neg3A_130 = vector.broadcast %neg3A_129 : f32 to vector<16xf32>
      %neg3A_131 = arith.subf %neg3A_130, %add3A_128 : vector<16xf32>
      %exp3A_132 = math.exp %neg3A_131 : vector<16xf32>
      %mul3A_133 = arith.mulf %div3A_127, %exp3A_132 : vector<16xf32>
      %add3A_134 = arith.constant 1.000000e+00 : f32
      %add3A_135 = vector.broadcast %add3A_134 : f32 to vector<16xf32>
      %add3A_136 = arith.addf %add3A_135, %mul3A_133 : vector<16xf32>
      %div3A_137 = arith.constant 1.000000e+00 : f32
      %div3A_138 = vector.broadcast %div3A_137 : f32 to vector<16xf32>
      %div3A_139 = arith.divf %div3A_138, %add3A_136 : vector<16xf32>
      %add3A_140 = arith.constant 16 : i32
      %add3A_141 = arith.addi %add3A_82, %add3A_140 : i32
      %swap3A_142 = arith.index_cast %add3A_141 : i32 to index
      %swap3A_143 = tpu.vector_load %arg13[%swap3A_142] {strides = array<i32>} : memref<5120xf32, #tpu.memory_space<vmem>>, vector<16xf32>,
      tpu.vector_store %arg13[%swap3A_142], %div3A_139 {strides = array<i32>} : memref<5120xf32, #tpu.memory_space<vmem>>, vector<16xf32>,
      %add3A_144 = arith.constant 32 : i32
      %add3A_145 = arith.addi %add3A_82, %add3A_144 : i32
      %get3A_146 = arith.index_cast %add3A_145 : i32 to index
      %get3A_147 = tpu.vector_load %arg12[%get3A_146] {strides = array<i32>} : memref<5120xf32, #tpu.memory_space<vmem>>, vector<16xf32>,
      %sub3A_148 = arith.constant 1.000000e+00 : f32
      %sub3A_149 = vector.broadcast %sub3A_148 : f32 to vector<16xf32>
      %sub3A_150 = arith.subf %sub3A_149, %get3A_147 : vector<16xf32>
      %div3A_151 = arith.divf %sub3A_150, %get3A_147 : vector<16xf32>
      %add3A_152 = arith.addf %parallel_loop3A_100#2, %get3A_78 : vector<16xf32>
      %neg3A_153 = arith.constant 0.000000e+00 : f32
      %neg3A_154 = vector.broadcast %neg3A_153 : f32 to vector<16xf32>
      %neg3A_155 = arith.subf %neg3A_154, %add3A_152 : vector<16xf32>
      %exp3A_156 = math.exp %neg3A_155 : vector<16xf32>
      %mul3A_157 = arith.mulf %div3A_151, %exp3A_156 : vector<16xf32>
      %add3A_158 = arith.constant 1.000000e+00 : f32
      %add3A_159 = vector.broadcast %add3A_158 : f32 to vector<16xf32>
      %add3A_160 = arith.addf %add3A_159, %mul3A_157 : vector<16xf32>
      %div3A_161 = arith.constant 1.000000e+00 : f32
      %div3A_162 = vector.broadcast %div3A_161 : f32 to vector<16xf32>
      %div3A_163 = arith.divf %div3A_162, %add3A_160 : vector<16xf32>
      %add3A_164 = arith.constant 32 : i32
      %add3A_165 = arith.addi %add3A_82, %add3A_164 : i32
      %swap3A_166 = arith.index_cast %add3A_165 : i32 to index
      %swap3A_167 = tpu.vector_load %arg13[%swap3A_166] {strides = array<i32>} : memref<5120xf32, #tpu.memory_space<vmem>>, vector<16xf32>,
      tpu.vector_store %arg13[%swap3A_166], %div3A_163 {strides = array<i32>} : memref<5120xf32, #tpu.memory_space<vmem>>, vector<16xf32>,
      %add3A_168 = arith.constant 48 : i32
      %add3A_169 = arith.addi %add3A_82, %add3A_168 : i32
      %get3A_170 = arith.index_cast %add3A_169 : i32 to index
      %get3A_171 = tpu.vector_load %arg12[%get3A_170] {strides = array<i32>} : memref<5120xf32, #tpu.memory_space<vmem>>, vector<16xf32>,
      %sub3A_172 = arith.constant 1.000000e+00 : f32
      %sub3A_173 = vector.broadcast %sub3A_172 : f32 to vector<16xf32>
      %sub3A_174 = arith.subf %sub3A_173, %get3A_171 : vector<16xf32>
      %div3A_175 = arith.divf %sub3A_174, %get3A_171 : vector<16xf32>
      %add3A_176 = arith.addf %parallel_loop3A_100#3, %get3A_78 : vector<16xf32>
      %neg3A_177 = arith.constant 0.000000e+00 : f32
      %neg3A_178 = vector.broadcast %neg3A_177 : f32 to vector<16xf32>
      %neg3A_179 = arith.subf %neg3A_178, %add3A_176 : vector<16xf32>
      %exp3A_180 = math.exp %neg3A_179 : vector<16xf32>
      %mul3A_181 = arith.mulf %div3A_175, %exp3A_180 : vector<16xf32>
      %add3A_182 = arith.constant 1.000000e+00 : f32
      %add3A_183 = vector.broadcast %add3A_182 : f32 to vector<16xf32>
      %add3A_184 = arith.addf %add3A_183, %mul3A_181 : vector<16xf32>
      %div3A_185 = arith.constant 1.000000e+00 : f32
      %div3A_186 = vector.broadcast %div3A_185 : f32 to vector<16xf32>
      %div3A_187 = arith.divf %div3A_186, %add3A_184 : vector<16xf32>
      %add3A_188 = arith.constant 48 : i32
      %add3A_189 = arith.addi %add3A_82, %add3A_188 : i32
      %swap3A_190 = arith.index_cast %add3A_189 : i32 to index
      %swap3A_191 = tpu.vector_load %arg13[%swap3A_190] {strides = array<i32>} : memref<5120xf32, #tpu.memory_space<vmem>>, vector<16xf32>,
      tpu.vector_store %arg13[%swap3A_190], %div3A_187 {strides = array<i32>} : memref<5120xf32, #tpu.memory_space<vmem>>, vector<16xf32>,
      %add3A_192 = arith.constant 64 : i32
      %add3A_193 = arith.addi %add3A_82, %add3A_192 : i32
      %get3A_194 = arith.index_cast %add3A_193 : i32 to index
      %get3A_195 = tpu.vector_load %arg12[%get3A_194] {strides = array<i32>} : memref<5120xf32, #tpu.memory_space<vmem>>, vector<16xf32>,
      %sub3A_196 = arith.constant 1.000000e+00 : f32
      %sub3A_197 = vector.broadcast %sub3A_196 : f32 to vector<16xf32>
      %sub3A_198 = arith.subf %sub3A_197, %get3A_195 : vector<16xf32>
      %div3A_199 = arith.divf %sub3A_198, %get3A_195 : vector<16xf32>
      %add3A_200 = arith.addf %parallel_loop3A_100#4, %get3A_78 : vector<16xf32>
      %neg3A_201 = arith.constant 0.000000e+00 : f32
      %neg3A_202 = vector.broadcast %neg3A_201 : f32 to vector<16xf32>
      %neg3A_203 = arith.subf %neg3A_202, %add3A_200 : vector<16xf32>
      %exp3A_204 = math.exp %neg3A_203 : vector<16xf32>
      %mul3A_205 = arith.mulf %div3A_199, %exp3A_204 : vector<16xf32>
      %add3A_206 = arith.constant 1.000000e+00 : f32
      %add3A_207 = vector.broadcast %add3A_206 : f32 to vector<16xf32>
      %add3A_208 = arith.addf %add3A_207, %mul3A_205 : vector<16xf32>
      %div3A_209 = arith.constant 1.000000e+00 : f32
      %div3A_210 = vector.broadcast %div3A_209 : f32 to vector<16xf32>
      %div3A_211 = arith.divf %div3A_210, %add3A_208 : vector<16xf32>
      %add3A_212 = arith.constant 64 : i32
      %add3A_213 = arith.addi %add3A_82, %add3A_212 : i32
      %swap3A_214 = arith.index_cast %add3A_213 : i32 to index
      %swap3A_215 = tpu.vector_load %arg13[%swap3A_214] {strides = array<i32>} : memref<5120xf32, #tpu.memory_space<vmem>>, vector<16xf32>,
      tpu.vector_store %arg13[%swap3A_214], %div3A_211 {strides = array<i32>} : memref<5120xf32, #tpu.memory_space<vmem>>, vector<16xf32>,
      %add3A_216 = arith.constant 80 : i32
      %add3A_217 = arith.addi %add3A_82, %add3A_216 : i32
      %get3A_218 = arith.index_cast %add3A_217 : i32 to index
      %get3A_219 = tpu.vector_load %arg12[%get3A_218] {strides = array<i32>} : memref<5120xf32, #tpu.memory_space<vmem>>, vector<16xf32>,
      %sub3A_220 = arith.constant 1.000000e+00 : f32
      %sub3A_221 = vector.broadcast %sub3A_220 : f32 to vector<16xf32>
      %sub3A_222 = arith.subf %sub3A_221, %get3A_219 : vector<16xf32>
      %div3A_223 = arith.divf %sub3A_222, %get3A_219 : vector<16xf32>
      %add3A_224 = arith.addf %parallel_loop3A_100#5, %get3A_78 : vector<16xf32>
      %neg3A_225 = arith.constant 0.000000e+00 : f32
      %neg3A_226 = vector.broadcast %neg3A_225 : f32 to vector<16xf32>
      %neg3A_227 = arith.subf %neg3A_226, %add3A_224 : vector<16xf32>
      %exp3A_228 = math.exp %neg3A_227 : vector<16xf32>
      %mul3A_229 = arith.mulf %div3A_223, %exp3A_228 : vector<16xf32>
      %add3A_230 = arith.constant 1.000000e+00 : f32
      %add3A_231 = vector.broadcast %add3A_230 : f32 to vector<16xf32>
      %add3A_232 = arith.addf %add3A_231, %mul3A_229 : vector<16xf32>
      %div3A_233 = arith.constant 1.000000e+00 : f32
      %div3A_234 = vector.broadcast %div3A_233 : f32 to vector<16xf32>
      %div3A_235 = arith.divf %div3A_234, %add3A_232 : vector<16xf32>
      %add3A_236 = arith.constant 80 : i32
      %add3A_237 = arith.addi %add3A_82, %add3A_236 : i32
      %swap3A_238 = arith.index_cast %add3A_237 : i32 to index
      %swap3A_239 = tpu.vector_load %arg13[%swap3A_238] {strides = array<i32>} : memref<5120xf32, #tpu.memory_space<vmem>>, vector<16xf32>,
      tpu.vector_store %arg13[%swap3A_238], %div3A_235 {strides = array<i32>} : memref<5120xf32, #tpu.memory_space<vmem>>, vector<16xf32>,
      %add3A_240 = arith.constant 96 : i32
      %add3A_241 = arith.addi %add3A_82, %add3A_240 : i32
      %get3A_242 = arith.index_cast %add3A_241 : i32 to index
      %get3A_243 = tpu.vector_load %arg12[%get3A_242] {strides = array<i32>} : memref<5120xf32, #tpu.memory_space<vmem>>, vector<16xf32>,
      %sub3A_244 = arith.constant 1.000000e+00 : f32
      %sub3A_245 = vector.broadcast %sub3A_244 : f32 to vector<16xf32>
      %sub3A_246 = arith.subf %sub3A_245, %get3A_243 : vector<16xf32>
      %div3A_247 = arith.divf %sub3A_246, %get3A_243 : vector<16xf32>
      %add3A_248 = arith.addf %parallel_loop3A_100#6, %get3A_78 : vector<16xf32>
      %neg3A_249 = arith.constant 0.000000e+00 : f32
      %neg3A_250 = vector.broadcast %neg3A_249 : f32 to vector<16xf32>
      %neg3A_251 = arith.subf %neg3A_250, %add3A_248 : vector<16xf32>
      %exp3A_252 = math.exp %neg3A_251 : vector<16xf32>
      %mul3A_253 = arith.mulf %div3A_247, %exp3A_252 : vector<16xf32>
      %add3A_254 = arith.constant 1.000000e+00 : f32
      %add3A_255 = vector.broadcast %add3A_254 : f32 to vector<16xf32>
      %add3A_256 = arith.addf %add3A_255, %mul3A_253 : vector<16xf32>
      %div3A_257 = arith.constant 1.000000e+00 : f32
      %div3A_258 = vector.broadcast %div3A_257 : f32 to vector<16xf32>
      %div3A_259 = arith.divf %div3A_258, %add3A_256 : vector<16xf32>
      %add3A_260 = arith.constant 96 : i32
      %add3A_261 = arith.addi %add3A_82, %add3A_260 : i32
      %swap3A_262 = arith.index_cast %add3A_261 : i32 to index
      %swap3A_263 = tpu.vector_load %arg13[%swap3A_262] {strides = array<i32>} : memref<5120xf32, #tpu.memory_space<vmem>>, vector<16xf32>,
      tpu.vector_store %arg13[%swap3A_262], %div3A_259 {strides = array<i32>} : memref<5120xf32, #tpu.memory_space<vmem>>, vector<16xf32>,
      %add3A_264 = arith.constant 112 : i32
      %add3A_265 = arith.addi %add3A_82, %add3A_264 : i32
      %get3A_266 = arith.index_cast %add3A_265 : i32 to index
      %get3A_267 = tpu.vector_load %arg12[%get3A_266] {strides = array<i32>} : memref<5120xf32, #tpu.memory_space<vmem>>, vector<16xf32>,
      %sub3A_268 = arith.constant 1.000000e+00 : f32
      %sub3A_269 = vector.broadcast %sub3A_268 : f32 to vector<16xf32>
      %sub3A_270 = arith.subf %sub3A_269, %get3A_267 : vector<16xf32>
      %div3A_271 = arith.divf %sub3A_270, %get3A_267 : vector<16xf32>
      %add3A_272 = arith.addf %parallel_loop3A_100#7, %get3A_78 : vector<16xf32>
      %neg3A_273 = arith.constant 0.000000e+00 : f32
      %neg3A_274 = vector.broadcast %neg3A_273 : f32 to vector<16xf32>
      %neg3A_275 = arith.subf %neg3A_274, %add3A_272 : vector<16xf32>
      %exp3A_276 = math.exp %neg3A_275 : vector<16xf32>
      %mul3A_277 = arith.mulf %div3A_271, %exp3A_276 : vector<16xf32>
      %add3A_278 = arith.constant 1.000000e+00 : f32
      %add3A_279 = vector.broadcast %add3A_278 : f32 to vector<16xf32>
      %add3A_280 = arith.addf %add3A_279, %mul3A_277 : vector<16xf32>
      %div3A_281 = arith.constant 1.000000e+00 : f32
      %div3A_282 = vector.broadcast %div3A_281 : f32 to vector<16xf32>
      %div3A_283 = arith.divf %div3A_282, %add3A_280 : vector<16xf32>
      %add3A_284 = arith.constant 112 : i32
      %add3A_285 = arith.addi %add3A_82, %add3A_284 : i32
      %swap3A_286 = arith.index_cast %add3A_285 : i32 to index
      %swap3A_287 = tpu.vector_load %arg13[%swap3A_286] {strides = array<i32>} : memref<5120xf32, #tpu.memory_space<vmem>>, vector<16xf32>,
      tpu.vector_store %arg13[%swap3A_286], %div3A_283 {strides = array<i32>} : memref<5120xf32, #tpu.memory_space<vmem>>, vector<16xf32>,
      %add3A_288 = arith.constant 1 : i32
      %add3A_289 = arith.addi %mul3A_56, %add3A_288 : i32
      %add3A_290 = arith.constant 3 : i32
      %add3A_291 = arith.addi %add3A_289, %add3A_290 : i32
      %lt3A_292 = arith.constant 40 : i32
      %lt3A_293 = arith.cmpi slt, %add3A_291, %lt3A_292 : i32
      %convert_element_type3A_294 = arith.extui %lt3A_293 : i1 to i32
      %cond3A_295 = arith.constant 0 : i32
      %cond3A_296 = arith.cmpi ne, %convert_element_type3A_294, %cond3A_295 : i32
      scf.if %cond3A_296 {
        %add3A_1005 = arith.constant 3 : i32
        %add3A_1006 = arith.addi %add3A_289, %add3A_1005 : i32
        %mul3A_1007 = arith.constant 128 : i32
        %mul3A_1008 = arith.muli %add3A_1006, %mul3A_1007 : i32
        %dma_start3A_1009 = tpu.memref_slice %arg10[%mul3A_1008] : memref<5120xi32, #tpu.memory_space<vmem>> -> memref<128xi32, #tpu.memory_space<vmem>>
        %dma_start3A_1010 = arith.constant 0 : i32
        %dma_start3A_1011 = arith.constant 0 : i32
        %dma_start3A_1012 = tpu.memref_slice %arg2[%dma_start3A_1010, %dma_start3A_1011] : memref<10000x32xi32, #tpu.memory_space<hbm>> -> memref<10000x32xi32, #tpu.memory_space<hbm>>
        tpu.enqueue_indirect_dma source(%dma_start3A_1012 : memref<10000x32xi32, #tpu.memory_space<hbm>>) target(%arg14 : memref<128x32xi32, #tpu.memory_space<vmem>>) offsets(%dma_start3A_1009 : memref<128xi32, #tpu.memory_space<vmem>>) semaphore(%arg25 : memref<!tpu.dma_semaphore, #tpu.memory_space<semaphore_mem>>)
        %dma_start3A_1013 = tpu.memref_slice %arg11[%mul3A_1008] : memref<5120xi32, #tpu.memory_space<vmem>> -> memref<128xi32, #tpu.memory_space<vmem>>
        %dma_start3A_1014 = arith.constant 0 : i32
        %dma_start3A_1015 = arith.constant 0 : i32
        %dma_start3A_1016 = tpu.memref_slice %arg3[%dma_start3A_1014, %dma_start3A_1015] : memref<10000x32xi32, #tpu.memory_space<hbm>> -> memref<10000x32xi32, #tpu.memory_space<hbm>>
        tpu.enqueue_indirect_dma source(%dma_start3A_1016 : memref<10000x32xi32, #tpu.memory_space<hbm>>) target(%arg15 : memref<128x32xi32, #tpu.memory_space<vmem>>) offsets(%dma_start3A_1013 : memref<128xi32, #tpu.memory_space<vmem>>) semaphore(%arg25 : memref<!tpu.dma_semaphore, #tpu.memory_space<semaphore_mem>>)
      } else {
      }
      %dma_wait3A_297 = arith.constant 0 : i32
      %dma_wait3A_298 = arith.constant 0 : i32
      %dma_wait3A_299 = tpu.memref_slice %arg2[%dma_wait3A_297, %dma_wait3A_298] : memref<10000x32xi32, #tpu.memory_space<hbm>> -> memref<128x32xi32, #tpu.memory_space<hbm>>
      %dma_wait3A_300 = arith.constant 0 : i32
      %dma_wait3A_301 = arith.constant 0 : i32
      %dma_wait3A_302 = tpu.memref_slice %arg2[%dma_wait3A_300, %dma_wait3A_301] : memref<10000x32xi32, #tpu.memory_space<hbm>> -> memref<128x32xi32, #tpu.memory_space<hbm>>
      tpu.wait_dma2 semaphore(%arg26 : memref<!tpu.dma_semaphore, #tpu.memory_space<semaphore_mem>>) src(%dma_wait3A_302 : memref<128x32xi32, #tpu.memory_space<hbm>>) dst(%arg16 : memref<128x32xi32, #tpu.memory_space<vmem>>)
      %dma_wait3A_303 = arith.constant 0 : i32
      %dma_wait3A_304 = arith.constant 0 : i32
      %dma_wait3A_305 = tpu.memref_slice %arg3[%dma_wait3A_303, %dma_wait3A_304] : memref<10000x32xi32, #tpu.memory_space<hbm>> -> memref<128x32xi32, #tpu.memory_space<hbm>>
      %dma_wait3A_306 = arith.constant 0 : i32
      %dma_wait3A_307 = arith.constant 0 : i32
      %dma_wait3A_308 = tpu.memref_slice %arg3[%dma_wait3A_306, %dma_wait3A_307] : memref<10000x32xi32, #tpu.memory_space<hbm>> -> memref<128x32xi32, #tpu.memory_space<hbm>>
      tpu.wait_dma2 semaphore(%arg26 : memref<!tpu.dma_semaphore, #tpu.memory_space<semaphore_mem>>) src(%dma_wait3A_308 : memref<128x32xi32, #tpu.memory_space<hbm>>) dst(%arg17 : memref<128x32xi32, #tpu.memory_space<vmem>>)
      %get3A_309 = arith.constant 0 : index
      %get3A_310 = tpu.vector_load %arg23[%get3A_309] {strides = array<i32>} : memref<16xf32, #tpu.memory_space<vmem>>, vector<16xf32>,
      %mul3A_311 = arith.constant 128 : i32
      %mul3A_312 = arith.muli %add3A_289, %mul3A_311 : i32
      %add3A_313 = arith.constant 0 : i32
      %add3A_314 = arith.addi %mul3A_312, %add3A_313 : i32
      %broadcast_in_dim3A_315 = arith.constant 0.000000e+00 : f32
      %broadcast_in_dim3A_316 = vector.broadcast %broadcast_in_dim3A_315 : f32 to vector<16xf32>
      %broadcast_in_dim3A_317 = arith.constant 0.000000e+00 : f32
      %broadcast_in_dim3A_318 = vector.broadcast %broadcast_in_dim3A_317 : f32 to vector<16xf32>
      %broadcast_in_dim3A_319 = arith.constant 0.000000e+00 : f32
      %broadcast_in_dim3A_320 = vector.broadcast %broadcast_in_dim3A_319 : f32 to vector<16xf32>
      %broadcast_in_dim3A_321 = arith.constant 0.000000e+00 : f32
      %broadcast_in_dim3A_322 = vector.broadcast %broadcast_in_dim3A_321 : f32 to vector<16xf32>
      %broadcast_in_dim3A_323 = arith.constant 0.000000e+00 : f32
      %broadcast_in_dim3A_324 = vector.broadcast %broadcast_in_dim3A_323 : f32 to vector<16xf32>
      %broadcast_in_dim3A_325 = arith.constant 0.000000e+00 : f32
      %broadcast_in_dim3A_326 = vector.broadcast %broadcast_in_dim3A_325 : f32 to vector<16xf32>
      %broadcast_in_dim3A_327 = arith.constant 0.000000e+00 : f32
      %broadcast_in_dim3A_328 = vector.broadcast %broadcast_in_dim3A_327 : f32 to vector<16xf32>
      %broadcast_in_dim3A_329 = arith.constant 0.000000e+00 : f32
      %broadcast_in_dim3A_330 = vector.broadcast %broadcast_in_dim3A_329 : f32 to vector<16xf32>
      %parallel_loop3A_331 = arith.constant 0 : i32
      %parallel_loop3A_332 = arith.constant 32 : i32
      %parallel_loop3A_333 = arith.constant 1 : i32
      %parallel_loop3A_334:8 = scf.for %parallel_loop3A_1005 = %parallel_loop3A_331 to %parallel_loop3A_332 step %parallel_loop3A_333 iter_args(%parallel_loop3A_1006 = %broadcast_in_dim3A_316, %parallel_loop3A_1007 = %broadcast_in_dim3A_318, %parallel_loop3A_1008 = %broadcast_in_dim3A_320, %parallel_loop3A_1009 = %broadcast_in_dim3A_322, %parallel_loop3A_1010 = %broadcast_in_dim3A_324, %parallel_loop3A_1011 = %broadcast_in_dim3A_326, %parallel_loop3A_1012 = %broadcast_in_dim3A_328, %parallel_loop3A_1013 = %broadcast_in_dim3A_330) -> (vector<16xf32>, vector<16xf32>, vector<16xf32>, vector<16xf32>, vector<16xf32>, vector<16xf32>, vector<16xf32>, vector<16xf32>)  : i32 {
        %parallel_loop3A_1014 = arith.index_cast %parallel_loop3A_1005 : i32 to index
        %parallel_loop3A_1015 = arith.constant 0 : index
        %parallel_loop3A_1016 = tpu.vector_load %arg22[%parallel_loop3A_1014, %parallel_loop3A_1015] {strides = array<i32>} : memref<32x32xbf16, #tpu.memory_space<vmem>>, vector<32xbf16>,
        %parallel_loop3A_1017 = vector.broadcast %parallel_loop3A_1005 : i32 to vector<16xi32>
        %parallel_loop3A_1018 = tpu.iota {dimensions = array<i32: 0>} : vector<16xi32>
        %parallel_loop3A_1019 = arith.constant 0 : i32
        %parallel_loop3A_1020 = vector.broadcast %parallel_loop3A_1019 : i32 to vector<16xi32>
        %parallel_loop3A_1021 = arith.addi %parallel_loop3A_1018, %parallel_loop3A_1020 : vector<16xi32>
        %parallel_loop3A_1022 = tpu.vector_load_idx %arg16[%parallel_loop3A_1021, %parallel_loop3A_1017] : memref<128x32xi32, #tpu.memory_space<vmem>>[vector<16xi32>, vector<16xi32>], vector<16xi32>,
        %parallel_loop3A_1023 = tpu.vector_load_idx %arg17[%parallel_loop3A_1021, %parallel_loop3A_1017] : memref<128x32xi32, #tpu.memory_space<vmem>>[vector<16xi32>, vector<16xi32>], vector<16xi32>,
        %parallel_loop3A_1024 = vector.bitcast %parallel_loop3A_1022 : vector<16xi32> to vector<32xbf16>
        %parallel_loop3A_1025 = vector.bitcast %parallel_loop3A_1023 : vector<16xi32> to vector<32xbf16>
        %parallel_loop3A_1026 = arith.addf %parallel_loop3A_1024, %parallel_loop3A_1025 : vector<32xbf16>
        %parallel_loop3A_1027 = arith.constant 0.000000e+00 : bf16
        %parallel_loop3A_1028 = vector.broadcast %parallel_loop3A_1027 : bf16 to vector<32xbf16>
        %parallel_loop3A_1029 = arith.maximumf %parallel_loop3A_1026, %parallel_loop3A_1028 : vector<32xbf16>
        %parallel_loop3A_1030 = arith.mulf %parallel_loop3A_1029, %parallel_loop3A_1016 : vector<32xbf16>
        %parallel_loop3A_1031 = vector.bitcast %parallel_loop3A_1030 : vector<32xbf16> to vector<16xi32>
        %parallel_loop3A_1032 = arith.constant 16 : i32
        %parallel_loop3A_1033 = vector.broadcast %parallel_loop3A_1032 : i32 to vector<16xi32>
        %parallel_loop3A_1034 = arith.shli %parallel_loop3A_1031, %parallel_loop3A_1033 : vector<16xi32>
        %parallel_loop3A_1035 = vector.bitcast %parallel_loop3A_1034 : vector<16xi32> to vector<16xf32>
        %parallel_loop3A_1036 = arith.constant -65536 : i32
        %parallel_loop3A_1037 = vector.broadcast %parallel_loop3A_1036 : i32 to vector<16xi32>
        %parallel_loop3A_1038 = arith.andi %parallel_loop3A_1031, %parallel_loop3A_1037 : vector<16xi32>
        %parallel_loop3A_1039 = vector.bitcast %parallel_loop3A_1038 : vector<16xi32> to vector<16xf32>
        %parallel_loop3A_1040 = arith.addf %parallel_loop3A_1006, %parallel_loop3A_1035 : vector<16xf32>
        %parallel_loop3A_1041 = arith.addf %parallel_loop3A_1040, %parallel_loop3A_1039 : vector<16xf32>
        %parallel_loop3A_1042 = tpu.iota {dimensions = array<i32: 0>} : vector<16xi32>
        %parallel_loop3A_1043 = arith.constant 16 : i32
        %parallel_loop3A_1044 = vector.broadcast %parallel_loop3A_1043 : i32 to vector<16xi32>
        %parallel_loop3A_1045 = arith.addi %parallel_loop3A_1042, %parallel_loop3A_1044 : vector<16xi32>
        %parallel_loop3A_1046 = tpu.vector_load_idx %arg16[%parallel_loop3A_1045, %parallel_loop3A_1017] : memref<128x32xi32, #tpu.memory_space<vmem>>[vector<16xi32>, vector<16xi32>], vector<16xi32>,
        %parallel_loop3A_1047 = tpu.vector_load_idx %arg17[%parallel_loop3A_1045, %parallel_loop3A_1017] : memref<128x32xi32, #tpu.memory_space<vmem>>[vector<16xi32>, vector<16xi32>], vector<16xi32>,
        %parallel_loop3A_1048 = vector.bitcast %parallel_loop3A_1046 : vector<16xi32> to vector<32xbf16>
        %parallel_loop3A_1049 = vector.bitcast %parallel_loop3A_1047 : vector<16xi32> to vector<32xbf16>
        %parallel_loop3A_1050 = arith.addf %parallel_loop3A_1048, %parallel_loop3A_1049 : vector<32xbf16>
        %parallel_loop3A_1051 = arith.constant 0.000000e+00 : bf16
        %parallel_loop3A_1052 = vector.broadcast %parallel_loop3A_1051 : bf16 to vector<32xbf16>
        %parallel_loop3A_1053 = arith.maximumf %parallel_loop3A_1050, %parallel_loop3A_1052 : vector<32xbf16>
        %parallel_loop3A_1054 = arith.mulf %parallel_loop3A_1053, %parallel_loop3A_1016 : vector<32xbf16>
        %parallel_loop3A_1055 = vector.bitcast %parallel_loop3A_1054 : vector<32xbf16> to vector<16xi32>
        %parallel_loop3A_1056 = arith.constant 16 : i32
        %parallel_loop3A_1057 = vector.broadcast %parallel_loop3A_1056 : i32 to vector<16xi32>
        %parallel_loop3A_1058 = arith.shli %parallel_loop3A_1055, %parallel_loop3A_1057 : vector<16xi32>
        %parallel_loop3A_1059 = vector.bitcast %parallel_loop3A_1058 : vector<16xi32> to vector<16xf32>
        %parallel_loop3A_1060 = arith.constant -65536 : i32
        %parallel_loop3A_1061 = vector.broadcast %parallel_loop3A_1060 : i32 to vector<16xi32>
        %parallel_loop3A_1062 = arith.andi %parallel_loop3A_1055, %parallel_loop3A_1061 : vector<16xi32>
        %parallel_loop3A_1063 = vector.bitcast %parallel_loop3A_1062 : vector<16xi32> to vector<16xf32>
        %parallel_loop3A_1064 = arith.addf %parallel_loop3A_1007, %parallel_loop3A_1059 : vector<16xf32>
        %parallel_loop3A_1065 = arith.addf %parallel_loop3A_1064, %parallel_loop3A_1063 : vector<16xf32>
        %parallel_loop3A_1066 = tpu.iota {dimensions = array<i32: 0>} : vector<16xi32>
        %parallel_loop3A_1067 = arith.constant 32 : i32
        %parallel_loop3A_1068 = vector.broadcast %parallel_loop3A_1067 : i32 to vector<16xi32>
        %parallel_loop3A_1069 = arith.addi %parallel_loop3A_1066, %parallel_loop3A_1068 : vector<16xi32>
        %parallel_loop3A_1070 = tpu.vector_load_idx %arg16[%parallel_loop3A_1069, %parallel_loop3A_1017] : memref<128x32xi32, #tpu.memory_space<vmem>>[vector<16xi32>, vector<16xi32>], vector<16xi32>,
        %parallel_loop3A_1071 = tpu.vector_load_idx %arg17[%parallel_loop3A_1069, %parallel_loop3A_1017] : memref<128x32xi32, #tpu.memory_space<vmem>>[vector<16xi32>, vector<16xi32>], vector<16xi32>,
        %parallel_loop3A_1072 = vector.bitcast %parallel_loop3A_1070 : vector<16xi32> to vector<32xbf16>
        %parallel_loop3A_1073 = vector.bitcast %parallel_loop3A_1071 : vector<16xi32> to vector<32xbf16>
        %parallel_loop3A_1074 = arith.addf %parallel_loop3A_1072, %parallel_loop3A_1073 : vector<32xbf16>
        %parallel_loop3A_1075 = arith.constant 0.000000e+00 : bf16
        %parallel_loop3A_1076 = vector.broadcast %parallel_loop3A_1075 : bf16 to vector<32xbf16>
        %parallel_loop3A_1077 = arith.maximumf %parallel_loop3A_1074, %parallel_loop3A_1076 : vector<32xbf16>
        %parallel_loop3A_1078 = arith.mulf %parallel_loop3A_1077, %parallel_loop3A_1016 : vector<32xbf16>
        %parallel_loop3A_1079 = vector.bitcast %parallel_loop3A_1078 : vector<32xbf16> to vector<16xi32>
        %parallel_loop3A_1080 = arith.constant 16 : i32
        %parallel_loop3A_1081 = vector.broadcast %parallel_loop3A_1080 : i32 to vector<16xi32>
        %parallel_loop3A_1082 = arith.shli %parallel_loop3A_1079, %parallel_loop3A_1081 : vector<16xi32>
        %parallel_loop3A_1083 = vector.bitcast %parallel_loop3A_1082 : vector<16xi32> to vector<16xf32>
        %parallel_loop3A_1084 = arith.constant -65536 : i32
        %parallel_loop3A_1085 = vector.broadcast %parallel_loop3A_1084 : i32 to vector<16xi32>
        %parallel_loop3A_1086 = arith.andi %parallel_loop3A_1079, %parallel_loop3A_1085 : vector<16xi32>
        %parallel_loop3A_1087 = vector.bitcast %parallel_loop3A_1086 : vector<16xi32> to vector<16xf32>
        %parallel_loop3A_1088 = arith.addf %parallel_loop3A_1008, %parallel_loop3A_1083 : vector<16xf32>
        %parallel_loop3A_1089 = arith.addf %parallel_loop3A_1088, %parallel_loop3A_1087 : vector<16xf32>
        %parallel_loop3A_1090 = tpu.iota {dimensions = array<i32: 0>} : vector<16xi32>
        %parallel_loop3A_1091 = arith.constant 48 : i32
        %parallel_loop3A_1092 = vector.broadcast %parallel_loop3A_1091 : i32 to vector<16xi32>
        %parallel_loop3A_1093 = arith.addi %parallel_loop3A_1090, %parallel_loop3A_1092 : vector<16xi32>
        %parallel_loop3A_1094 = tpu.vector_load_idx %arg16[%parallel_loop3A_1093, %parallel_loop3A_1017] : memref<128x32xi32, #tpu.memory_space<vmem>>[vector<16xi32>, vector<16xi32>], vector<16xi32>,
        %parallel_loop3A_1095 = tpu.vector_load_idx %arg17[%parallel_loop3A_1093, %parallel_loop3A_1017] : memref<128x32xi32, #tpu.memory_space<vmem>>[vector<16xi32>, vector<16xi32>], vector<16xi32>,
        %parallel_loop3A_1096 = vector.bitcast %parallel_loop3A_1094 : vector<16xi32> to vector<32xbf16>
        %parallel_loop3A_1097 = vector.bitcast %parallel_loop3A_1095 : vector<16xi32> to vector<32xbf16>
        %parallel_loop3A_1098 = arith.addf %parallel_loop3A_1096, %parallel_loop3A_1097 : vector<32xbf16>
        %parallel_loop3A_1099 = arith.constant 0.000000e+00 : bf16
        %parallel_loop3A_1100 = vector.broadcast %parallel_loop3A_1099 : bf16 to vector<32xbf16>
        %parallel_loop3A_1101 = arith.maximumf %parallel_loop3A_1098, %parallel_loop3A_1100 : vector<32xbf16>
        %parallel_loop3A_1102 = arith.mulf %parallel_loop3A_1101, %parallel_loop3A_1016 : vector<32xbf16>
        %parallel_loop3A_1103 = vector.bitcast %parallel_loop3A_1102 : vector<32xbf16> to vector<16xi32>
        %parallel_loop3A_1104 = arith.constant 16 : i32
        %parallel_loop3A_1105 = vector.broadcast %parallel_loop3A_1104 : i32 to vector<16xi32>
        %parallel_loop3A_1106 = arith.shli %parallel_loop3A_1103, %parallel_loop3A_1105 : vector<16xi32>
        %parallel_loop3A_1107 = vector.bitcast %parallel_loop3A_1106 : vector<16xi32> to vector<16xf32>
        %parallel_loop3A_1108 = arith.constant -65536 : i32
        %parallel_loop3A_1109 = vector.broadcast %parallel_loop3A_1108 : i32 to vector<16xi32>
        %parallel_loop3A_1110 = arith.andi %parallel_loop3A_1103, %parallel_loop3A_1109 : vector<16xi32>
        %parallel_loop3A_1111 = vector.bitcast %parallel_loop3A_1110 : vector<16xi32> to vector<16xf32>
        %parallel_loop3A_1112 = arith.addf %parallel_loop3A_1009, %parallel_loop3A_1107 : vector<16xf32>
        %parallel_loop3A_1113 = arith.addf %parallel_loop3A_1112, %parallel_loop3A_1111 : vector<16xf32>
        %parallel_loop3A_1114 = tpu.iota {dimensions = array<i32: 0>} : vector<16xi32>
        %parallel_loop3A_1115 = arith.constant 64 : i32
        %parallel_loop3A_1116 = vector.broadcast %parallel_loop3A_1115 : i32 to vector<16xi32>
        %parallel_loop3A_1117 = arith.addi %parallel_loop3A_1114, %parallel_loop3A_1116 : vector<16xi32>
        %parallel_loop3A_1118 = tpu.vector_load_idx %arg16[%parallel_loop3A_1117, %parallel_loop3A_1017] : memref<128x32xi32, #tpu.memory_space<vmem>>[vector<16xi32>, vector<16xi32>], vector<16xi32>,
        %parallel_loop3A_1119 = tpu.vector_load_idx %arg17[%parallel_loop3A_1117, %parallel_loop3A_1017] : memref<128x32xi32, #tpu.memory_space<vmem>>[vector<16xi32>, vector<16xi32>], vector<16xi32>,
        %parallel_loop3A_1120 = vector.bitcast %parallel_loop3A_1118 : vector<16xi32> to vector<32xbf16>
        %parallel_loop3A_1121 = vector.bitcast %parallel_loop3A_1119 : vector<16xi32> to vector<32xbf16>
        %parallel_loop3A_1122 = arith.addf %parallel_loop3A_1120, %parallel_loop3A_1121 : vector<32xbf16>
        %parallel_loop3A_1123 = arith.constant 0.000000e+00 : bf16
        %parallel_loop3A_1124 = vector.broadcast %parallel_loop3A_1123 : bf16 to vector<32xbf16>
        %parallel_loop3A_1125 = arith.maximumf %parallel_loop3A_1122, %parallel_loop3A_1124 : vector<32xbf16>
        %parallel_loop3A_1126 = arith.mulf %parallel_loop3A_1125, %parallel_loop3A_1016 : vector<32xbf16>
        %parallel_loop3A_1127 = vector.bitcast %parallel_loop3A_1126 : vector<32xbf16> to vector<16xi32>
        %parallel_loop3A_1128 = arith.constant 16 : i32
        %parallel_loop3A_1129 = vector.broadcast %parallel_loop3A_1128 : i32 to vector<16xi32>
        %parallel_loop3A_1130 = arith.shli %parallel_loop3A_1127, %parallel_loop3A_1129 : vector<16xi32>
        %parallel_loop3A_1131 = vector.bitcast %parallel_loop3A_1130 : vector<16xi32> to vector<16xf32>
        %parallel_loop3A_1132 = arith.constant -65536 : i32
        %parallel_loop3A_1133 = vector.broadcast %parallel_loop3A_1132 : i32 to vector<16xi32>
        %parallel_loop3A_1134 = arith.andi %parallel_loop3A_1127, %parallel_loop3A_1133 : vector<16xi32>
        %parallel_loop3A_1135 = vector.bitcast %parallel_loop3A_1134 : vector<16xi32> to vector<16xf32>
        %parallel_loop3A_1136 = arith.addf %parallel_loop3A_1010, %parallel_loop3A_1131 : vector<16xf32>
        %parallel_loop3A_1137 = arith.addf %parallel_loop3A_1136, %parallel_loop3A_1135 : vector<16xf32>
        %parallel_loop3A_1138 = tpu.iota {dimensions = array<i32: 0>} : vector<16xi32>
        %parallel_loop3A_1139 = arith.constant 80 : i32
        %parallel_loop3A_1140 = vector.broadcast %parallel_loop3A_1139 : i32 to vector<16xi32>
        %parallel_loop3A_1141 = arith.addi %parallel_loop3A_1138, %parallel_loop3A_1140 : vector<16xi32>
        %parallel_loop3A_1142 = tpu.vector_load_idx %arg16[%parallel_loop3A_1141, %parallel_loop3A_1017] : memref<128x32xi32, #tpu.memory_space<vmem>>[vector<16xi32>, vector<16xi32>], vector<16xi32>,
        %parallel_loop3A_1143 = tpu.vector_load_idx %arg17[%parallel_loop3A_1141, %parallel_loop3A_1017] : memref<128x32xi32, #tpu.memory_space<vmem>>[vector<16xi32>, vector<16xi32>], vector<16xi32>,
        %parallel_loop3A_1144 = vector.bitcast %parallel_loop3A_1142 : vector<16xi32> to vector<32xbf16>
        %parallel_loop3A_1145 = vector.bitcast %parallel_loop3A_1143 : vector<16xi32> to vector<32xbf16>
        %parallel_loop3A_1146 = arith.addf %parallel_loop3A_1144, %parallel_loop3A_1145 : vector<32xbf16>
        %parallel_loop3A_1147 = arith.constant 0.000000e+00 : bf16
        %parallel_loop3A_1148 = vector.broadcast %parallel_loop3A_1147 : bf16 to vector<32xbf16>
        %parallel_loop3A_1149 = arith.maximumf %parallel_loop3A_1146, %parallel_loop3A_1148 : vector<32xbf16>
        %parallel_loop3A_1150 = arith.mulf %parallel_loop3A_1149, %parallel_loop3A_1016 : vector<32xbf16>
        %parallel_loop3A_1151 = vector.bitcast %parallel_loop3A_1150 : vector<32xbf16> to vector<16xi32>
        %parallel_loop3A_1152 = arith.constant 16 : i32
        %parallel_loop3A_1153 = vector.broadcast %parallel_loop3A_1152 : i32 to vector<16xi32>
        %parallel_loop3A_1154 = arith.shli %parallel_loop3A_1151, %parallel_loop3A_1153 : vector<16xi32>
        %parallel_loop3A_1155 = vector.bitcast %parallel_loop3A_1154 : vector<16xi32> to vector<16xf32>
        %parallel_loop3A_1156 = arith.constant -65536 : i32
        %parallel_loop3A_1157 = vector.broadcast %parallel_loop3A_1156 : i32 to vector<16xi32>
        %parallel_loop3A_1158 = arith.andi %parallel_loop3A_1151, %parallel_loop3A_1157 : vector<16xi32>
        %parallel_loop3A_1159 = vector.bitcast %parallel_loop3A_1158 : vector<16xi32> to vector<16xf32>
        %parallel_loop3A_1160 = arith.addf %parallel_loop3A_1011, %parallel_loop3A_1155 : vector<16xf32>
        %parallel_loop3A_1161 = arith.addf %parallel_loop3A_1160, %parallel_loop3A_1159 : vector<16xf32>
        %parallel_loop3A_1162 = tpu.iota {dimensions = array<i32: 0>} : vector<16xi32>
        %parallel_loop3A_1163 = arith.constant 96 : i32
        %parallel_loop3A_1164 = vector.broadcast %parallel_loop3A_1163 : i32 to vector<16xi32>
        %parallel_loop3A_1165 = arith.addi %parallel_loop3A_1162, %parallel_loop3A_1164 : vector<16xi32>
        %parallel_loop3A_1166 = tpu.vector_load_idx %arg16[%parallel_loop3A_1165, %parallel_loop3A_1017] : memref<128x32xi32, #tpu.memory_space<vmem>>[vector<16xi32>, vector<16xi32>], vector<16xi32>,
        %parallel_loop3A_1167 = tpu.vector_load_idx %arg17[%parallel_loop3A_1165, %parallel_loop3A_1017] : memref<128x32xi32, #tpu.memory_space<vmem>>[vector<16xi32>, vector<16xi32>], vector<16xi32>,
        %parallel_loop3A_1168 = vector.bitcast %parallel_loop3A_1166 : vector<16xi32> to vector<32xbf16>
        %parallel_loop3A_1169 = vector.bitcast %parallel_loop3A_1167 : vector<16xi32> to vector<32xbf16>
        %parallel_loop3A_1170 = arith.addf %parallel_loop3A_1168, %parallel_loop3A_1169 : vector<32xbf16>
        %parallel_loop3A_1171 = arith.constant 0.000000e+00 : bf16
        %parallel_loop3A_1172 = vector.broadcast %parallel_loop3A_1171 : bf16 to vector<32xbf16>
        %parallel_loop3A_1173 = arith.maximumf %parallel_loop3A_1170, %parallel_loop3A_1172 : vector<32xbf16>
        %parallel_loop3A_1174 = arith.mulf %parallel_loop3A_1173, %parallel_loop3A_1016 : vector<32xbf16>
        %parallel_loop3A_1175 = vector.bitcast %parallel_loop3A_1174 : vector<32xbf16> to vector<16xi32>
        %parallel_loop3A_1176 = arith.constant 16 : i32
        %parallel_loop3A_1177 = vector.broadcast %parallel_loop3A_1176 : i32 to vector<16xi32>
        %parallel_loop3A_1178 = arith.shli %parallel_loop3A_1175, %parallel_loop3A_1177 : vector<16xi32>
        %parallel_loop3A_1179 = vector.bitcast %parallel_loop3A_1178 : vector<16xi32> to vector<16xf32>
        %parallel_loop3A_1180 = arith.constant -65536 : i32
        %parallel_loop3A_1181 = vector.broadcast %parallel_loop3A_1180 : i32 to vector<16xi32>
        %parallel_loop3A_1182 = arith.andi %parallel_loop3A_1175, %parallel_loop3A_1181 : vector<16xi32>
        %parallel_loop3A_1183 = vector.bitcast %parallel_loop3A_1182 : vector<16xi32> to vector<16xf32>
        %parallel_loop3A_1184 = arith.addf %parallel_loop3A_1012, %parallel_loop3A_1179 : vector<16xf32>
        %parallel_loop3A_1185 = arith.addf %parallel_loop3A_1184, %parallel_loop3A_1183 : vector<16xf32>
        %parallel_loop3A_1186 = tpu.iota {dimensions = array<i32: 0>} : vector<16xi32>
        %parallel_loop3A_1187 = arith.constant 112 : i32
        %parallel_loop3A_1188 = vector.broadcast %parallel_loop3A_1187 : i32 to vector<16xi32>
        %parallel_loop3A_1189 = arith.addi %parallel_loop3A_1186, %parallel_loop3A_1188 : vector<16xi32>
        %parallel_loop3A_1190 = tpu.vector_load_idx %arg16[%parallel_loop3A_1189, %parallel_loop3A_1017] : memref<128x32xi32, #tpu.memory_space<vmem>>[vector<16xi32>, vector<16xi32>], vector<16xi32>,
        %parallel_loop3A_1191 = tpu.vector_load_idx %arg17[%parallel_loop3A_1189, %parallel_loop3A_1017] : memref<128x32xi32, #tpu.memory_space<vmem>>[vector<16xi32>, vector<16xi32>], vector<16xi32>,
        %parallel_loop3A_1192 = vector.bitcast %parallel_loop3A_1190 : vector<16xi32> to vector<32xbf16>
        %parallel_loop3A_1193 = vector.bitcast %parallel_loop3A_1191 : vector<16xi32> to vector<32xbf16>
        %parallel_loop3A_1194 = arith.addf %parallel_loop3A_1192, %parallel_loop3A_1193 : vector<32xbf16>
        %parallel_loop3A_1195 = arith.constant 0.000000e+00 : bf16
        %parallel_loop3A_1196 = vector.broadcast %parallel_loop3A_1195 : bf16 to vector<32xbf16>
        %parallel_loop3A_1197 = arith.maximumf %parallel_loop3A_1194, %parallel_loop3A_1196 : vector<32xbf16>
        %parallel_loop3A_1198 = arith.mulf %parallel_loop3A_1197, %parallel_loop3A_1016 : vector<32xbf16>
        %parallel_loop3A_1199 = vector.bitcast %parallel_loop3A_1198 : vector<32xbf16> to vector<16xi32>
        %parallel_loop3A_1200 = arith.constant 16 : i32
        %parallel_loop3A_1201 = vector.broadcast %parallel_loop3A_1200 : i32 to vector<16xi32>
        %parallel_loop3A_1202 = arith.shli %parallel_loop3A_1199, %parallel_loop3A_1201 : vector<16xi32>
        %parallel_loop3A_1203 = vector.bitcast %parallel_loop3A_1202 : vector<16xi32> to vector<16xf32>
        %parallel_loop3A_1204 = arith.constant -65536 : i32
        %parallel_loop3A_1205 = vector.broadcast %parallel_loop3A_1204 : i32 to vector<16xi32>
        %parallel_loop3A_1206 = arith.andi %parallel_loop3A_1199, %parallel_loop3A_1205 : vector<16xi32>
        %parallel_loop3A_1207 = vector.bitcast %parallel_loop3A_1206 : vector<16xi32> to vector<16xf32>
        %parallel_loop3A_1208 = arith.addf %parallel_loop3A_1013, %parallel_loop3A_1203 : vector<16xf32>
        %parallel_loop3A_1209 = arith.addf %parallel_loop3A_1208, %parallel_loop3A_1207 : vector<16xf32>
        scf.yield %parallel_loop3A_1041, %parallel_loop3A_1065, %parallel_loop3A_1089, %parallel_loop3A_1113, %parallel_loop3A_1137, %parallel_loop3A_1161, %parallel_loop3A_1185, %parallel_loop3A_1209 : vector<16xf32>, vector<16xf32>, vector<16xf32>, vector<16xf32>, vector<16xf32>, vector<16xf32>, vector<16xf32>, vector<16xf32>
      } {sc.loop_unroll_factor = 16 : i64, sc.parallel_access}
      %add3A_335 = arith.constant 0 : i32
      %add3A_336 = arith.addi %add3A_314, %add3A_335 : i32
      %get3A_337 = arith.index_cast %add3A_336 : i32 to index
      %get3A_338 = tpu.vector_load %arg12[%get3A_337] {strides = array<i32>} : memref<5120xf32, #tpu.memory_space<vmem>>, vector<16xf32>,
      %sub3A_339 = arith.constant 1.000000e+00 : f32
      %sub3A_340 = vector.broadcast %sub3A_339 : f32 to vector<16xf32>
      %sub3A_341 = arith.subf %sub3A_340, %get3A_338 : vector<16xf32>
      %div3A_342 = arith.divf %sub3A_341, %get3A_338 : vector<16xf32>
      %add3A_343 = arith.addf %parallel_loop3A_334#0, %get3A_310 : vector<16xf32>
      %neg3A_344 = arith.constant 0.000000e+00 : f32
      %neg3A_345 = vector.broadcast %neg3A_344 : f32 to vector<16xf32>
      %neg3A_346 = arith.subf %neg3A_345, %add3A_343 : vector<16xf32>
      %exp3A_347 = math.exp %neg3A_346 : vector<16xf32>
      %mul3A_348 = arith.mulf %div3A_342, %exp3A_347 : vector<16xf32>
      %add3A_349 = arith.constant 1.000000e+00 : f32
      %add3A_350 = vector.broadcast %add3A_349 : f32 to vector<16xf32>
      %add3A_351 = arith.addf %add3A_350, %mul3A_348 : vector<16xf32>
      %div3A_352 = arith.constant 1.000000e+00 : f32
      %div3A_353 = vector.broadcast %div3A_352 : f32 to vector<16xf32>
      %div3A_354 = arith.divf %div3A_353, %add3A_351 : vector<16xf32>
      %add3A_355 = arith.constant 0 : i32
      %add3A_356 = arith.addi %add3A_314, %add3A_355 : i32
      %swap3A_357 = arith.index_cast %add3A_356 : i32 to index
      %swap3A_358 = tpu.vector_load %arg13[%swap3A_357] {strides = array<i32>} : memref<5120xf32, #tpu.memory_space<vmem>>, vector<16xf32>,
      tpu.vector_store %arg13[%swap3A_357], %div3A_354 {strides = array<i32>} : memref<5120xf32, #tpu.memory_space<vmem>>, vector<16xf32>,
      %add3A_359 = arith.constant 16 : i32
      %add3A_360 = arith.addi %add3A_314, %add3A_359 : i32
      %get3A_361 = arith.index_cast %add3A_360 : i32 to index
      %get3A_362 = tpu.vector_load %arg12[%get3A_361] {strides = array<i32>} : memref<5120xf32, #tpu.memory_space<vmem>>, vector<16xf32>,
      %sub3A_363 = arith.constant 1.000000e+00 : f32
      %sub3A_364 = vector.broadcast %sub3A_363 : f32 to vector<16xf32>
      %sub3A_365 = arith.subf %sub3A_364, %get3A_362 : vector<16xf32>
      %div3A_366 = arith.divf %sub3A_365, %get3A_362 : vector<16xf32>
      %add3A_367 = arith.addf %parallel_loop3A_334#1, %get3A_310 : vector<16xf32>
      %neg3A_368 = arith.constant 0.000000e+00 : f32
      %neg3A_369 = vector.broadcast %neg3A_368 : f32 to vector<16xf32>
      %neg3A_370 = arith.subf %neg3A_369, %add3A_367 : vector<16xf32>
      %exp3A_371 = math.exp %neg3A_370 : vector<16xf32>
      %mul3A_372 = arith.mulf %div3A_366, %exp3A_371 : vector<16xf32>
      %add3A_373 = arith.constant 1.000000e+00 : f32
      %add3A_374 = vector.broadcast %add3A_373 : f32 to vector<16xf32>
      %add3A_375 = arith.addf %add3A_374, %mul3A_372 : vector<16xf32>
      %div3A_376 = arith.constant 1.000000e+00 : f32
      %div3A_377 = vector.broadcast %div3A_376 : f32 to vector<16xf32>
      %div3A_378 = arith.divf %div3A_377, %add3A_375 : vector<16xf32>
      %add3A_379 = arith.constant 16 : i32
      %add3A_380 = arith.addi %add3A_314, %add3A_379 : i32
      %swap3A_381 = arith.index_cast %add3A_380 : i32 to index
      %swap3A_382 = tpu.vector_load %arg13[%swap3A_381] {strides = array<i32>} : memref<5120xf32, #tpu.memory_space<vmem>>, vector<16xf32>,
      tpu.vector_store %arg13[%swap3A_381], %div3A_378 {strides = array<i32>} : memref<5120xf32, #tpu.memory_space<vmem>>, vector<16xf32>,
      %add3A_383 = arith.constant 32 : i32
      %add3A_384 = arith.addi %add3A_314, %add3A_383 : i32
      %get3A_385 = arith.index_cast %add3A_384 : i32 to index
      %get3A_386 = tpu.vector_load %arg12[%get3A_385] {strides = array<i32>} : memref<5120xf32, #tpu.memory_space<vmem>>, vector<16xf32>,
      %sub3A_387 = arith.constant 1.000000e+00 : f32
      %sub3A_388 = vector.broadcast %sub3A_387 : f32 to vector<16xf32>
      %sub3A_389 = arith.subf %sub3A_388, %get3A_386 : vector<16xf32>
      %div3A_390 = arith.divf %sub3A_389, %get3A_386 : vector<16xf32>
      %add3A_391 = arith.addf %parallel_loop3A_334#2, %get3A_310 : vector<16xf32>
      %neg3A_392 = arith.constant 0.000000e+00 : f32
      %neg3A_393 = vector.broadcast %neg3A_392 : f32 to vector<16xf32>
      %neg3A_394 = arith.subf %neg3A_393, %add3A_391 : vector<16xf32>
      %exp3A_395 = math.exp %neg3A_394 : vector<16xf32>
      %mul3A_396 = arith.mulf %div3A_390, %exp3A_395 : vector<16xf32>
      %add3A_397 = arith.constant 1.000000e+00 : f32
      %add3A_398 = vector.broadcast %add3A_397 : f32 to vector<16xf32>
      %add3A_399 = arith.addf %add3A_398, %mul3A_396 : vector<16xf32>
      %div3A_400 = arith.constant 1.000000e+00 : f32
      %div3A_401 = vector.broadcast %div3A_400 : f32 to vector<16xf32>
      %div3A_402 = arith.divf %div3A_401, %add3A_399 : vector<16xf32>
      %add3A_403 = arith.constant 32 : i32
      %add3A_404 = arith.addi %add3A_314, %add3A_403 : i32
      %swap3A_405 = arith.index_cast %add3A_404 : i32 to index
      %swap3A_406 = tpu.vector_load %arg13[%swap3A_405] {strides = array<i32>} : memref<5120xf32, #tpu.memory_space<vmem>>, vector<16xf32>,
      tpu.vector_store %arg13[%swap3A_405], %div3A_402 {strides = array<i32>} : memref<5120xf32, #tpu.memory_space<vmem>>, vector<16xf32>,
      %add3A_407 = arith.constant 48 : i32
      %add3A_408 = arith.addi %add3A_314, %add3A_407 : i32
      %get3A_409 = arith.index_cast %add3A_408 : i32 to index
      %get3A_410 = tpu.vector_load %arg12[%get3A_409] {strides = array<i32>} : memref<5120xf32, #tpu.memory_space<vmem>>, vector<16xf32>,
      %sub3A_411 = arith.constant 1.000000e+00 : f32
      %sub3A_412 = vector.broadcast %sub3A_411 : f32 to vector<16xf32>
      %sub3A_413 = arith.subf %sub3A_412, %get3A_410 : vector<16xf32>
      %div3A_414 = arith.divf %sub3A_413, %get3A_410 : vector<16xf32>
      %add3A_415 = arith.addf %parallel_loop3A_334#3, %get3A_310 : vector<16xf32>
      %neg3A_416 = arith.constant 0.000000e+00 : f32
      %neg3A_417 = vector.broadcast %neg3A_416 : f32 to vector<16xf32>
      %neg3A_418 = arith.subf %neg3A_417, %add3A_415 : vector<16xf32>
      %exp3A_419 = math.exp %neg3A_418 : vector<16xf32>
      %mul3A_420 = arith.mulf %div3A_414, %exp3A_419 : vector<16xf32>
      %add3A_421 = arith.constant 1.000000e+00 : f32
      %add3A_422 = vector.broadcast %add3A_421 : f32 to vector<16xf32>
      %add3A_423 = arith.addf %add3A_422, %mul3A_420 : vector<16xf32>
      %div3A_424 = arith.constant 1.000000e+00 : f32
      %div3A_425 = vector.broadcast %div3A_424 : f32 to vector<16xf32>
      %div3A_426 = arith.divf %div3A_425, %add3A_423 : vector<16xf32>
      %add3A_427 = arith.constant 48 : i32
      %add3A_428 = arith.addi %add3A_314, %add3A_427 : i32
      %swap3A_429 = arith.index_cast %add3A_428 : i32 to index
      %swap3A_430 = tpu.vector_load %arg13[%swap3A_429] {strides = array<i32>} : memref<5120xf32, #tpu.memory_space<vmem>>, vector<16xf32>,
      tpu.vector_store %arg13[%swap3A_429], %div3A_426 {strides = array<i32>} : memref<5120xf32, #tpu.memory_space<vmem>>, vector<16xf32>,
      %add3A_431 = arith.constant 64 : i32
      %add3A_432 = arith.addi %add3A_314, %add3A_431 : i32
      %get3A_433 = arith.index_cast %add3A_432 : i32 to index
      %get3A_434 = tpu.vector_load %arg12[%get3A_433] {strides = array<i32>} : memref<5120xf32, #tpu.memory_space<vmem>>, vector<16xf32>,
      %sub3A_435 = arith.constant 1.000000e+00 : f32
      %sub3A_436 = vector.broadcast %sub3A_435 : f32 to vector<16xf32>
      %sub3A_437 = arith.subf %sub3A_436, %get3A_434 : vector<16xf32>
      %div3A_438 = arith.divf %sub3A_437, %get3A_434 : vector<16xf32>
      %add3A_439 = arith.addf %parallel_loop3A_334#4, %get3A_310 : vector<16xf32>
      %neg3A_440 = arith.constant 0.000000e+00 : f32
      %neg3A_441 = vector.broadcast %neg3A_440 : f32 to vector<16xf32>
      %neg3A_442 = arith.subf %neg3A_441, %add3A_439 : vector<16xf32>
      %exp3A_443 = math.exp %neg3A_442 : vector<16xf32>
      %mul3A_444 = arith.mulf %div3A_438, %exp3A_443 : vector<16xf32>
      %add3A_445 = arith.constant 1.000000e+00 : f32
      %add3A_446 = vector.broadcast %add3A_445 : f32 to vector<16xf32>
      %add3A_447 = arith.addf %add3A_446, %mul3A_444 : vector<16xf32>
      %div3A_448 = arith.constant 1.000000e+00 : f32
      %div3A_449 = vector.broadcast %div3A_448 : f32 to vector<16xf32>
      %div3A_450 = arith.divf %div3A_449, %add3A_447 : vector<16xf32>
      %add3A_451 = arith.constant 64 : i32
      %add3A_452 = arith.addi %add3A_314, %add3A_451 : i32
      %swap3A_453 = arith.index_cast %add3A_452 : i32 to index
      %swap3A_454 = tpu.vector_load %arg13[%swap3A_453] {strides = array<i32>} : memref<5120xf32, #tpu.memory_space<vmem>>, vector<16xf32>,
      tpu.vector_store %arg13[%swap3A_453], %div3A_450 {strides = array<i32>} : memref<5120xf32, #tpu.memory_space<vmem>>, vector<16xf32>,
      %add3A_455 = arith.constant 80 : i32
      %add3A_456 = arith.addi %add3A_314, %add3A_455 : i32
      %get3A_457 = arith.index_cast %add3A_456 : i32 to index
      %get3A_458 = tpu.vector_load %arg12[%get3A_457] {strides = array<i32>} : memref<5120xf32, #tpu.memory_space<vmem>>, vector<16xf32>,
      %sub3A_459 = arith.constant 1.000000e+00 : f32
      %sub3A_460 = vector.broadcast %sub3A_459 : f32 to vector<16xf32>
      %sub3A_461 = arith.subf %sub3A_460, %get3A_458 : vector<16xf32>
      %div3A_462 = arith.divf %sub3A_461, %get3A_458 : vector<16xf32>
      %add3A_463 = arith.addf %parallel_loop3A_334#5, %get3A_310 : vector<16xf32>
      %neg3A_464 = arith.constant 0.000000e+00 : f32
      %neg3A_465 = vector.broadcast %neg3A_464 : f32 to vector<16xf32>
      %neg3A_466 = arith.subf %neg3A_465, %add3A_463 : vector<16xf32>
      %exp3A_467 = math.exp %neg3A_466 : vector<16xf32>
      %mul3A_468 = arith.mulf %div3A_462, %exp3A_467 : vector<16xf32>
      %add3A_469 = arith.constant 1.000000e+00 : f32
      %add3A_470 = vector.broadcast %add3A_469 : f32 to vector<16xf32>
      %add3A_471 = arith.addf %add3A_470, %mul3A_468 : vector<16xf32>
      %div3A_472 = arith.constant 1.000000e+00 : f32
      %div3A_473 = vector.broadcast %div3A_472 : f32 to vector<16xf32>
      %div3A_474 = arith.divf %div3A_473, %add3A_471 : vector<16xf32>
      %add3A_475 = arith.constant 80 : i32
      %add3A_476 = arith.addi %add3A_314, %add3A_475 : i32
      %swap3A_477 = arith.index_cast %add3A_476 : i32 to index
      %swap3A_478 = tpu.vector_load %arg13[%swap3A_477] {strides = array<i32>} : memref<5120xf32, #tpu.memory_space<vmem>>, vector<16xf32>,
      tpu.vector_store %arg13[%swap3A_477], %div3A_474 {strides = array<i32>} : memref<5120xf32, #tpu.memory_space<vmem>>, vector<16xf32>,
      %add3A_479 = arith.constant 96 : i32
      %add3A_480 = arith.addi %add3A_314, %add3A_479 : i32
      %get3A_481 = arith.index_cast %add3A_480 : i32 to index
      %get3A_482 = tpu.vector_load %arg12[%get3A_481] {strides = array<i32>} : memref<5120xf32, #tpu.memory_space<vmem>>, vector<16xf32>,
      %sub3A_483 = arith.constant 1.000000e+00 : f32
      %sub3A_484 = vector.broadcast %sub3A_483 : f32 to vector<16xf32>
      %sub3A_485 = arith.subf %sub3A_484, %get3A_482 : vector<16xf32>
      %div3A_486 = arith.divf %sub3A_485, %get3A_482 : vector<16xf32>
      %add3A_487 = arith.addf %parallel_loop3A_334#6, %get3A_310 : vector<16xf32>
      %neg3A_488 = arith.constant 0.000000e+00 : f32
      %neg3A_489 = vector.broadcast %neg3A_488 : f32 to vector<16xf32>
      %neg3A_490 = arith.subf %neg3A_489, %add3A_487 : vector<16xf32>
      %exp3A_491 = math.exp %neg3A_490 : vector<16xf32>
      %mul3A_492 = arith.mulf %div3A_486, %exp3A_491 : vector<16xf32>
      %add3A_493 = arith.constant 1.000000e+00 : f32
      %add3A_494 = vector.broadcast %add3A_493 : f32 to vector<16xf32>
      %add3A_495 = arith.addf %add3A_494, %mul3A_492 : vector<16xf32>
      %div3A_496 = arith.constant 1.000000e+00 : f32
      %div3A_497 = vector.broadcast %div3A_496 : f32 to vector<16xf32>
      %div3A_498 = arith.divf %div3A_497, %add3A_495 : vector<16xf32>
      %add3A_499 = arith.constant 96 : i32
      %add3A_500 = arith.addi %add3A_314, %add3A_499 : i32
      %swap3A_501 = arith.index_cast %add3A_500 : i32 to index
      %swap3A_502 = tpu.vector_load %arg13[%swap3A_501] {strides = array<i32>} : memref<5120xf32, #tpu.memory_space<vmem>>, vector<16xf32>,
      tpu.vector_store %arg13[%swap3A_501], %div3A_498 {strides = array<i32>} : memref<5120xf32, #tpu.memory_space<vmem>>, vector<16xf32>,
      %add3A_503 = arith.constant 112 : i32
      %add3A_504 = arith.addi %add3A_314, %add3A_503 : i32
      %get3A_505 = arith.index_cast %add3A_504 : i32 to index
      %get3A_506 = tpu.vector_load %arg12[%get3A_505] {strides = array<i32>} : memref<5120xf32, #tpu.memory_space<vmem>>, vector<16xf32>,
      %sub3A_507 = arith.constant 1.000000e+00 : f32
      %sub3A_508 = vector.broadcast %sub3A_507 : f32 to vector<16xf32>
      %sub3A_509 = arith.subf %sub3A_508, %get3A_506 : vector<16xf32>
      %div3A_510 = arith.divf %sub3A_509, %get3A_506 : vector<16xf32>
      %add3A_511 = arith.addf %parallel_loop3A_334#7, %get3A_310 : vector<16xf32>
      %neg3A_512 = arith.constant 0.000000e+00 : f32
      %neg3A_513 = vector.broadcast %neg3A_512 : f32 to vector<16xf32>
      %neg3A_514 = arith.subf %neg3A_513, %add3A_511 : vector<16xf32>
      %exp3A_515 = math.exp %neg3A_514 : vector<16xf32>
      %mul3A_516 = arith.mulf %div3A_510, %exp3A_515 : vector<16xf32>
      %add3A_517 = arith.constant 1.000000e+00 : f32
      %add3A_518 = vector.broadcast %add3A_517 : f32 to vector<16xf32>
      %add3A_519 = arith.addf %add3A_518, %mul3A_516 : vector<16xf32>
      %div3A_520 = arith.constant 1.000000e+00 : f32
      %div3A_521 = vector.broadcast %div3A_520 : f32 to vector<16xf32>
      %div3A_522 = arith.divf %div3A_521, %add3A_519 : vector<16xf32>
      %add3A_523 = arith.constant 112 : i32
      %add3A_524 = arith.addi %add3A_314, %add3A_523 : i32
      %swap3A_525 = arith.index_cast %add3A_524 : i32 to index
      %swap3A_526 = tpu.vector_load %arg13[%swap3A_525] {strides = array<i32>} : memref<5120xf32, #tpu.memory_space<vmem>>, vector<16xf32>,
      tpu.vector_store %arg13[%swap3A_525], %div3A_522 {strides = array<i32>} : memref<5120xf32, #tpu.memory_space<vmem>>, vector<16xf32>,
      %add3A_527 = arith.constant 2 : i32
      %add3A_528 = arith.addi %mul3A_56, %add3A_527 : i32
      %add3A_529 = arith.constant 3 : i32
      %add3A_530 = arith.addi %add3A_528, %add3A_529 : i32
      %lt3A_531 = arith.constant 40 : i32
      %lt3A_532 = arith.cmpi slt, %add3A_530, %lt3A_531 : i32
      %convert_element_type3A_533 = arith.extui %lt3A_532 : i1 to i32
      %cond3A_534 = arith.constant 0 : i32
      %cond3A_535 = arith.cmpi ne, %convert_element_type3A_533, %cond3A_534 : i32
      scf.if %cond3A_535 {
        %add3A_1005 = arith.constant 3 : i32
        %add3A_1006 = arith.addi %add3A_528, %add3A_1005 : i32
        %mul3A_1007 = arith.constant 128 : i32
        %mul3A_1008 = arith.muli %add3A_1006, %mul3A_1007 : i32
        %dma_start3A_1009 = tpu.memref_slice %arg10[%mul3A_1008] : memref<5120xi32, #tpu.memory_space<vmem>> -> memref<128xi32, #tpu.memory_space<vmem>>
        %dma_start3A_1010 = arith.constant 0 : i32
        %dma_start3A_1011 = arith.constant 0 : i32
        %dma_start3A_1012 = tpu.memref_slice %arg2[%dma_start3A_1010, %dma_start3A_1011] : memref<10000x32xi32, #tpu.memory_space<hbm>> -> memref<10000x32xi32, #tpu.memory_space<hbm>>
        tpu.enqueue_indirect_dma source(%dma_start3A_1012 : memref<10000x32xi32, #tpu.memory_space<hbm>>) target(%arg16 : memref<128x32xi32, #tpu.memory_space<vmem>>) offsets(%dma_start3A_1009 : memref<128xi32, #tpu.memory_space<vmem>>) semaphore(%arg26 : memref<!tpu.dma_semaphore, #tpu.memory_space<semaphore_mem>>)
        %dma_start3A_1013 = tpu.memref_slice %arg11[%mul3A_1008] : memref<5120xi32, #tpu.memory_space<vmem>> -> memref<128xi32, #tpu.memory_space<vmem>>
        %dma_start3A_1014 = arith.constant 0 : i32
        %dma_start3A_1015 = arith.constant 0 : i32
        %dma_start3A_1016 = tpu.memref_slice %arg3[%dma_start3A_1014, %dma_start3A_1015] : memref<10000x32xi32, #tpu.memory_space<hbm>> -> memref<10000x32xi32, #tpu.memory_space<hbm>>
        tpu.enqueue_indirect_dma source(%dma_start3A_1016 : memref<10000x32xi32, #tpu.memory_space<hbm>>) target(%arg17 : memref<128x32xi32, #tpu.memory_space<vmem>>) offsets(%dma_start3A_1013 : memref<128xi32, #tpu.memory_space<vmem>>) semaphore(%arg26 : memref<!tpu.dma_semaphore, #tpu.memory_space<semaphore_mem>>)
      } else {
      }
      %dma_wait3A_536 = arith.constant 0 : i32
      %dma_wait3A_537 = arith.constant 0 : i32
      %dma_wait3A_538 = tpu.memref_slice %arg2[%dma_wait3A_536, %dma_wait3A_537] : memref<10000x32xi32, #tpu.memory_space<hbm>> -> memref<128x32xi32, #tpu.memory_space<hbm>>
      %dma_wait3A_539 = arith.constant 0 : i32
      %dma_wait3A_540 = arith.constant 0 : i32
      %dma_wait3A_541 = tpu.memref_slice %arg2[%dma_wait3A_539, %dma_wait3A_540] : memref<10000x32xi32, #tpu.memory_space<hbm>> -> memref<128x32xi32, #tpu.memory_space<hbm>>
      tpu.wait_dma2 semaphore(%arg27 : memref<!tpu.dma_semaphore, #tpu.memory_space<semaphore_mem>>) src(%dma_wait3A_541 : memref<128x32xi32, #tpu.memory_space<hbm>>) dst(%arg18 : memref<128x32xi32, #tpu.memory_space<vmem>>)
      %dma_wait3A_542 = arith.constant 0 : i32
      %dma_wait3A_543 = arith.constant 0 : i32
      %dma_wait3A_544 = tpu.memref_slice %arg3[%dma_wait3A_542, %dma_wait3A_543] : memref<10000x32xi32, #tpu.memory_space<hbm>> -> memref<128x32xi32, #tpu.memory_space<hbm>>
      %dma_wait3A_545 = arith.constant 0 : i32
      %dma_wait3A_546 = arith.constant 0 : i32
      %dma_wait3A_547 = tpu.memref_slice %arg3[%dma_wait3A_545, %dma_wait3A_546] : memref<10000x32xi32, #tpu.memory_space<hbm>> -> memref<128x32xi32, #tpu.memory_space<hbm>>
      tpu.wait_dma2 semaphore(%arg27 : memref<!tpu.dma_semaphore, #tpu.memory_space<semaphore_mem>>) src(%dma_wait3A_547 : memref<128x32xi32, #tpu.memory_space<hbm>>) dst(%arg19 : memref<128x32xi32, #tpu.memory_space<vmem>>)
      %get3A_548 = arith.constant 0 : index
      %get3A_549 = tpu.vector_load %arg23[%get3A_548] {strides = array<i32>} : memref<16xf32, #tpu.memory_space<vmem>>, vector<16xf32>,
      %mul3A_550 = arith.constant 128 : i32
      %mul3A_551 = arith.muli %add3A_528, %mul3A_550 : i32
      %add3A_552 = arith.constant 0 : i32
      %add3A_553 = arith.addi %mul3A_551, %add3A_552 : i32
      %broadcast_in_dim3A_554 = arith.constant 0.000000e+00 : f32
      %broadcast_in_dim3A_555 = vector.broadcast %broadcast_in_dim3A_554 : f32 to vector<16xf32>
      %broadcast_in_dim3A_556 = arith.constant 0.000000e+00 : f32
      %broadcast_in_dim3A_557 = vector.broadcast %broadcast_in_dim3A_556 : f32 to vector<16xf32>
      %broadcast_in_dim3A_558 = arith.constant 0.000000e+00 : f32
      %broadcast_in_dim3A_559 = vector.broadcast %broadcast_in_dim3A_558 : f32 to vector<16xf32>
      %broadcast_in_dim3A_560 = arith.constant 0.000000e+00 : f32
      %broadcast_in_dim3A_561 = vector.broadcast %broadcast_in_dim3A_560 : f32 to vector<16xf32>
      %broadcast_in_dim3A_562 = arith.constant 0.000000e+00 : f32
      %broadcast_in_dim3A_563 = vector.broadcast %broadcast_in_dim3A_562 : f32 to vector<16xf32>
      %broadcast_in_dim3A_564 = arith.constant 0.000000e+00 : f32
      %broadcast_in_dim3A_565 = vector.broadcast %broadcast_in_dim3A_564 : f32 to vector<16xf32>
      %broadcast_in_dim3A_566 = arith.constant 0.000000e+00 : f32
      %broadcast_in_dim3A_567 = vector.broadcast %broadcast_in_dim3A_566 : f32 to vector<16xf32>
      %broadcast_in_dim3A_568 = arith.constant 0.000000e+00 : f32
      %broadcast_in_dim3A_569 = vector.broadcast %broadcast_in_dim3A_568 : f32 to vector<16xf32>
      %parallel_loop3A_570 = arith.constant 0 : i32
      %parallel_loop3A_571 = arith.constant 32 : i32
      %parallel_loop3A_572 = arith.constant 1 : i32
      %parallel_loop3A_573:8 = scf.for %parallel_loop3A_1005 = %parallel_loop3A_570 to %parallel_loop3A_571 step %parallel_loop3A_572 iter_args(%parallel_loop3A_1006 = %broadcast_in_dim3A_555, %parallel_loop3A_1007 = %broadcast_in_dim3A_557, %parallel_loop3A_1008 = %broadcast_in_dim3A_559, %parallel_loop3A_1009 = %broadcast_in_dim3A_561, %parallel_loop3A_1010 = %broadcast_in_dim3A_563, %parallel_loop3A_1011 = %broadcast_in_dim3A_565, %parallel_loop3A_1012 = %broadcast_in_dim3A_567, %parallel_loop3A_1013 = %broadcast_in_dim3A_569) -> (vector<16xf32>, vector<16xf32>, vector<16xf32>, vector<16xf32>, vector<16xf32>, vector<16xf32>, vector<16xf32>, vector<16xf32>)  : i32 {
        %parallel_loop3A_1014 = arith.index_cast %parallel_loop3A_1005 : i32 to index
        %parallel_loop3A_1015 = arith.constant 0 : index
        %parallel_loop3A_1016 = tpu.vector_load %arg22[%parallel_loop3A_1014, %parallel_loop3A_1015] {strides = array<i32>} : memref<32x32xbf16, #tpu.memory_space<vmem>>, vector<32xbf16>,
        %parallel_loop3A_1017 = vector.broadcast %parallel_loop3A_1005 : i32 to vector<16xi32>
        %parallel_loop3A_1018 = tpu.iota {dimensions = array<i32: 0>} : vector<16xi32>
        %parallel_loop3A_1019 = arith.constant 0 : i32
        %parallel_loop3A_1020 = vector.broadcast %parallel_loop3A_1019 : i32 to vector<16xi32>
        %parallel_loop3A_1021 = arith.addi %parallel_loop3A_1018, %parallel_loop3A_1020 : vector<16xi32>
        %parallel_loop3A_1022 = tpu.vector_load_idx %arg18[%parallel_loop3A_1021, %parallel_loop3A_1017] : memref<128x32xi32, #tpu.memory_space<vmem>>[vector<16xi32>, vector<16xi32>], vector<16xi32>,
        %parallel_loop3A_1023 = tpu.vector_load_idx %arg19[%parallel_loop3A_1021, %parallel_loop3A_1017] : memref<128x32xi32, #tpu.memory_space<vmem>>[vector<16xi32>, vector<16xi32>], vector<16xi32>,
        %parallel_loop3A_1024 = vector.bitcast %parallel_loop3A_1022 : vector<16xi32> to vector<32xbf16>
        %parallel_loop3A_1025 = vector.bitcast %parallel_loop3A_1023 : vector<16xi32> to vector<32xbf16>
        %parallel_loop3A_1026 = arith.addf %parallel_loop3A_1024, %parallel_loop3A_1025 : vector<32xbf16>
        %parallel_loop3A_1027 = arith.constant 0.000000e+00 : bf16
        %parallel_loop3A_1028 = vector.broadcast %parallel_loop3A_1027 : bf16 to vector<32xbf16>
        %parallel_loop3A_1029 = arith.maximumf %parallel_loop3A_1026, %parallel_loop3A_1028 : vector<32xbf16>
        %parallel_loop3A_1030 = arith.mulf %parallel_loop3A_1029, %parallel_loop3A_1016 : vector<32xbf16>
        %parallel_loop3A_1031 = vector.bitcast %parallel_loop3A_1030 : vector<32xbf16> to vector<16xi32>
        %parallel_loop3A_1032 = arith.constant 16 : i32
        %parallel_loop3A_1033 = vector.broadcast %parallel_loop3A_1032 : i32 to vector<16xi32>
        %parallel_loop3A_1034 = arith.shli %parallel_loop3A_1031, %parallel_loop3A_1033 : vector<16xi32>
        %parallel_loop3A_1035 = vector.bitcast %parallel_loop3A_1034 : vector<16xi32> to vector<16xf32>
        %parallel_loop3A_1036 = arith.constant -65536 : i32
        %parallel_loop3A_1037 = vector.broadcast %parallel_loop3A_1036 : i32 to vector<16xi32>
        %parallel_loop3A_1038 = arith.andi %parallel_loop3A_1031, %parallel_loop3A_1037 : vector<16xi32>
        %parallel_loop3A_1039 = vector.bitcast %parallel_loop3A_1038 : vector<16xi32> to vector<16xf32>
        %parallel_loop3A_1040 = arith.addf %parallel_loop3A_1006, %parallel_loop3A_1035 : vector<16xf32>
        %parallel_loop3A_1041 = arith.addf %parallel_loop3A_1040, %parallel_loop3A_1039 : vector<16xf32>
        %parallel_loop3A_1042 = tpu.iota {dimensions = array<i32: 0>} : vector<16xi32>
        %parallel_loop3A_1043 = arith.constant 16 : i32
        %parallel_loop3A_1044 = vector.broadcast %parallel_loop3A_1043 : i32 to vector<16xi32>
        %parallel_loop3A_1045 = arith.addi %parallel_loop3A_1042, %parallel_loop3A_1044 : vector<16xi32>
        %parallel_loop3A_1046 = tpu.vector_load_idx %arg18[%parallel_loop3A_1045, %parallel_loop3A_1017] : memref<128x32xi32, #tpu.memory_space<vmem>>[vector<16xi32>, vector<16xi32>], vector<16xi32>,
        %parallel_loop3A_1047 = tpu.vector_load_idx %arg19[%parallel_loop3A_1045, %parallel_loop3A_1017] : memref<128x32xi32, #tpu.memory_space<vmem>>[vector<16xi32>, vector<16xi32>], vector<16xi32>,
        %parallel_loop3A_1048 = vector.bitcast %parallel_loop3A_1046 : vector<16xi32> to vector<32xbf16>
        %parallel_loop3A_1049 = vector.bitcast %parallel_loop3A_1047 : vector<16xi32> to vector<32xbf16>
        %parallel_loop3A_1050 = arith.addf %parallel_loop3A_1048, %parallel_loop3A_1049 : vector<32xbf16>
        %parallel_loop3A_1051 = arith.constant 0.000000e+00 : bf16
        %parallel_loop3A_1052 = vector.broadcast %parallel_loop3A_1051 : bf16 to vector<32xbf16>
        %parallel_loop3A_1053 = arith.maximumf %parallel_loop3A_1050, %parallel_loop3A_1052 : vector<32xbf16>
        %parallel_loop3A_1054 = arith.mulf %parallel_loop3A_1053, %parallel_loop3A_1016 : vector<32xbf16>
        %parallel_loop3A_1055 = vector.bitcast %parallel_loop3A_1054 : vector<32xbf16> to vector<16xi32>
        %parallel_loop3A_1056 = arith.constant 16 : i32
        %parallel_loop3A_1057 = vector.broadcast %parallel_loop3A_1056 : i32 to vector<16xi32>
        %parallel_loop3A_1058 = arith.shli %parallel_loop3A_1055, %parallel_loop3A_1057 : vector<16xi32>
        %parallel_loop3A_1059 = vector.bitcast %parallel_loop3A_1058 : vector<16xi32> to vector<16xf32>
        %parallel_loop3A_1060 = arith.constant -65536 : i32
        %parallel_loop3A_1061 = vector.broadcast %parallel_loop3A_1060 : i32 to vector<16xi32>
        %parallel_loop3A_1062 = arith.andi %parallel_loop3A_1055, %parallel_loop3A_1061 : vector<16xi32>
        %parallel_loop3A_1063 = vector.bitcast %parallel_loop3A_1062 : vector<16xi32> to vector<16xf32>
        %parallel_loop3A_1064 = arith.addf %parallel_loop3A_1007, %parallel_loop3A_1059 : vector<16xf32>
        %parallel_loop3A_1065 = arith.addf %parallel_loop3A_1064, %parallel_loop3A_1063 : vector<16xf32>
        %parallel_loop3A_1066 = tpu.iota {dimensions = array<i32: 0>} : vector<16xi32>
        %parallel_loop3A_1067 = arith.constant 32 : i32
        %parallel_loop3A_1068 = vector.broadcast %parallel_loop3A_1067 : i32 to vector<16xi32>
        %parallel_loop3A_1069 = arith.addi %parallel_loop3A_1066, %parallel_loop3A_1068 : vector<16xi32>
        %parallel_loop3A_1070 = tpu.vector_load_idx %arg18[%parallel_loop3A_1069, %parallel_loop3A_1017] : memref<128x32xi32, #tpu.memory_space<vmem>>[vector<16xi32>, vector<16xi32>], vector<16xi32>,
        %parallel_loop3A_1071 = tpu.vector_load_idx %arg19[%parallel_loop3A_1069, %parallel_loop3A_1017] : memref<128x32xi32, #tpu.memory_space<vmem>>[vector<16xi32>, vector<16xi32>], vector<16xi32>,
        %parallel_loop3A_1072 = vector.bitcast %parallel_loop3A_1070 : vector<16xi32> to vector<32xbf16>
        %parallel_loop3A_1073 = vector.bitcast %parallel_loop3A_1071 : vector<16xi32> to vector<32xbf16>
        %parallel_loop3A_1074 = arith.addf %parallel_loop3A_1072, %parallel_loop3A_1073 : vector<32xbf16>
        %parallel_loop3A_1075 = arith.constant 0.000000e+00 : bf16
        %parallel_loop3A_1076 = vector.broadcast %parallel_loop3A_1075 : bf16 to vector<32xbf16>
        %parallel_loop3A_1077 = arith.maximumf %parallel_loop3A_1074, %parallel_loop3A_1076 : vector<32xbf16>
        %parallel_loop3A_1078 = arith.mulf %parallel_loop3A_1077, %parallel_loop3A_1016 : vector<32xbf16>
        %parallel_loop3A_1079 = vector.bitcast %parallel_loop3A_1078 : vector<32xbf16> to vector<16xi32>
        %parallel_loop3A_1080 = arith.constant 16 : i32
        %parallel_loop3A_1081 = vector.broadcast %parallel_loop3A_1080 : i32 to vector<16xi32>
        %parallel_loop3A_1082 = arith.shli %parallel_loop3A_1079, %parallel_loop3A_1081 : vector<16xi32>
        %parallel_loop3A_1083 = vector.bitcast %parallel_loop3A_1082 : vector<16xi32> to vector<16xf32>
        %parallel_loop3A_1084 = arith.constant -65536 : i32
        %parallel_loop3A_1085 = vector.broadcast %parallel_loop3A_1084 : i32 to vector<16xi32>
        %parallel_loop3A_1086 = arith.andi %parallel_loop3A_1079, %parallel_loop3A_1085 : vector<16xi32>
        %parallel_loop3A_1087 = vector.bitcast %parallel_loop3A_1086 : vector<16xi32> to vector<16xf32>
        %parallel_loop3A_1088 = arith.addf %parallel_loop3A_1008, %parallel_loop3A_1083 : vector<16xf32>
        %parallel_loop3A_1089 = arith.addf %parallel_loop3A_1088, %parallel_loop3A_1087 : vector<16xf32>
        %parallel_loop3A_1090 = tpu.iota {dimensions = array<i32: 0>} : vector<16xi32>
        %parallel_loop3A_1091 = arith.constant 48 : i32
        %parallel_loop3A_1092 = vector.broadcast %parallel_loop3A_1091 : i32 to vector<16xi32>
        %parallel_loop3A_1093 = arith.addi %parallel_loop3A_1090, %parallel_loop3A_1092 : vector<16xi32>
        %parallel_loop3A_1094 = tpu.vector_load_idx %arg18[%parallel_loop3A_1093, %parallel_loop3A_1017] : memref<128x32xi32, #tpu.memory_space<vmem>>[vector<16xi32>, vector<16xi32>], vector<16xi32>,
        %parallel_loop3A_1095 = tpu.vector_load_idx %arg19[%parallel_loop3A_1093, %parallel_loop3A_1017] : memref<128x32xi32, #tpu.memory_space<vmem>>[vector<16xi32>, vector<16xi32>], vector<16xi32>,
        %parallel_loop3A_1096 = vector.bitcast %parallel_loop3A_1094 : vector<16xi32> to vector<32xbf16>
        %parallel_loop3A_1097 = vector.bitcast %parallel_loop3A_1095 : vector<16xi32> to vector<32xbf16>
        %parallel_loop3A_1098 = arith.addf %parallel_loop3A_1096, %parallel_loop3A_1097 : vector<32xbf16>
        %parallel_loop3A_1099 = arith.constant 0.000000e+00 : bf16
        %parallel_loop3A_1100 = vector.broadcast %parallel_loop3A_1099 : bf16 to vector<32xbf16>
        %parallel_loop3A_1101 = arith.maximumf %parallel_loop3A_1098, %parallel_loop3A_1100 : vector<32xbf16>
        %parallel_loop3A_1102 = arith.mulf %parallel_loop3A_1101, %parallel_loop3A_1016 : vector<32xbf16>
        %parallel_loop3A_1103 = vector.bitcast %parallel_loop3A_1102 : vector<32xbf16> to vector<16xi32>
        %parallel_loop3A_1104 = arith.constant 16 : i32
        %parallel_loop3A_1105 = vector.broadcast %parallel_loop3A_1104 : i32 to vector<16xi32>
        %parallel_loop3A_1106 = arith.shli %parallel_loop3A_1103, %parallel_loop3A_1105 : vector<16xi32>
        %parallel_loop3A_1107 = vector.bitcast %parallel_loop3A_1106 : vector<16xi32> to vector<16xf32>
        %parallel_loop3A_1108 = arith.constant -65536 : i32
        %parallel_loop3A_1109 = vector.broadcast %parallel_loop3A_1108 : i32 to vector<16xi32>
        %parallel_loop3A_1110 = arith.andi %parallel_loop3A_1103, %parallel_loop3A_1109 : vector<16xi32>
        %parallel_loop3A_1111 = vector.bitcast %parallel_loop3A_1110 : vector<16xi32> to vector<16xf32>
        %parallel_loop3A_1112 = arith.addf %parallel_loop3A_1009, %parallel_loop3A_1107 : vector<16xf32>
        %parallel_loop3A_1113 = arith.addf %parallel_loop3A_1112, %parallel_loop3A_1111 : vector<16xf32>
        %parallel_loop3A_1114 = tpu.iota {dimensions = array<i32: 0>} : vector<16xi32>
        %parallel_loop3A_1115 = arith.constant 64 : i32
        %parallel_loop3A_1116 = vector.broadcast %parallel_loop3A_1115 : i32 to vector<16xi32>
        %parallel_loop3A_1117 = arith.addi %parallel_loop3A_1114, %parallel_loop3A_1116 : vector<16xi32>
        %parallel_loop3A_1118 = tpu.vector_load_idx %arg18[%parallel_loop3A_1117, %parallel_loop3A_1017] : memref<128x32xi32, #tpu.memory_space<vmem>>[vector<16xi32>, vector<16xi32>], vector<16xi32>,
        %parallel_loop3A_1119 = tpu.vector_load_idx %arg19[%parallel_loop3A_1117, %parallel_loop3A_1017] : memref<128x32xi32, #tpu.memory_space<vmem>>[vector<16xi32>, vector<16xi32>], vector<16xi32>,
        %parallel_loop3A_1120 = vector.bitcast %parallel_loop3A_1118 : vector<16xi32> to vector<32xbf16>
        %parallel_loop3A_1121 = vector.bitcast %parallel_loop3A_1119 : vector<16xi32> to vector<32xbf16>
        %parallel_loop3A_1122 = arith.addf %parallel_loop3A_1120, %parallel_loop3A_1121 : vector<32xbf16>
        %parallel_loop3A_1123 = arith.constant 0.000000e+00 : bf16
        %parallel_loop3A_1124 = vector.broadcast %parallel_loop3A_1123 : bf16 to vector<32xbf16>
        %parallel_loop3A_1125 = arith.maximumf %parallel_loop3A_1122, %parallel_loop3A_1124 : vector<32xbf16>
        %parallel_loop3A_1126 = arith.mulf %parallel_loop3A_1125, %parallel_loop3A_1016 : vector<32xbf16>
        %parallel_loop3A_1127 = vector.bitcast %parallel_loop3A_1126 : vector<32xbf16> to vector<16xi32>
        %parallel_loop3A_1128 = arith.constant 16 : i32
        %parallel_loop3A_1129 = vector.broadcast %parallel_loop3A_1128 : i32 to vector<16xi32>
        %parallel_loop3A_1130 = arith.shli %parallel_loop3A_1127, %parallel_loop3A_1129 : vector<16xi32>
        %parallel_loop3A_1131 = vector.bitcast %parallel_loop3A_1130 : vector<16xi32> to vector<16xf32>
        %parallel_loop3A_1132 = arith.constant -65536 : i32
        %parallel_loop3A_1133 = vector.broadcast %parallel_loop3A_1132 : i32 to vector<16xi32>
        %parallel_loop3A_1134 = arith.andi %parallel_loop3A_1127, %parallel_loop3A_1133 : vector<16xi32>
        %parallel_loop3A_1135 = vector.bitcast %parallel_loop3A_1134 : vector<16xi32> to vector<16xf32>
        %parallel_loop3A_1136 = arith.addf %parallel_loop3A_1010, %parallel_loop3A_1131 : vector<16xf32>
        %parallel_loop3A_1137 = arith.addf %parallel_loop3A_1136, %parallel_loop3A_1135 : vector<16xf32>
        %parallel_loop3A_1138 = tpu.iota {dimensions = array<i32: 0>} : vector<16xi32>
        %parallel_loop3A_1139 = arith.constant 80 : i32
        %parallel_loop3A_1140 = vector.broadcast %parallel_loop3A_1139 : i32 to vector<16xi32>
        %parallel_loop3A_1141 = arith.addi %parallel_loop3A_1138, %parallel_loop3A_1140 : vector<16xi32>
        %parallel_loop3A_1142 = tpu.vector_load_idx %arg18[%parallel_loop3A_1141, %parallel_loop3A_1017] : memref<128x32xi32, #tpu.memory_space<vmem>>[vector<16xi32>, vector<16xi32>], vector<16xi32>,
        %parallel_loop3A_1143 = tpu.vector_load_idx %arg19[%parallel_loop3A_1141, %parallel_loop3A_1017] : memref<128x32xi32, #tpu.memory_space<vmem>>[vector<16xi32>, vector<16xi32>], vector<16xi32>,
        %parallel_loop3A_1144 = vector.bitcast %parallel_loop3A_1142 : vector<16xi32> to vector<32xbf16>
        %parallel_loop3A_1145 = vector.bitcast %parallel_loop3A_1143 : vector<16xi32> to vector<32xbf16>
        %parallel_loop3A_1146 = arith.addf %parallel_loop3A_1144, %parallel_loop3A_1145 : vector<32xbf16>
        %parallel_loop3A_1147 = arith.constant 0.000000e+00 : bf16
        %parallel_loop3A_1148 = vector.broadcast %parallel_loop3A_1147 : bf16 to vector<32xbf16>
        %parallel_loop3A_1149 = arith.maximumf %parallel_loop3A_1146, %parallel_loop3A_1148 : vector<32xbf16>
        %parallel_loop3A_1150 = arith.mulf %parallel_loop3A_1149, %parallel_loop3A_1016 : vector<32xbf16>
        %parallel_loop3A_1151 = vector.bitcast %parallel_loop3A_1150 : vector<32xbf16> to vector<16xi32>
        %parallel_loop3A_1152 = arith.constant 16 : i32
        %parallel_loop3A_1153 = vector.broadcast %parallel_loop3A_1152 : i32 to vector<16xi32>
        %parallel_loop3A_1154 = arith.shli %parallel_loop3A_1151, %parallel_loop3A_1153 : vector<16xi32>
        %parallel_loop3A_1155 = vector.bitcast %parallel_loop3A_1154 : vector<16xi32> to vector<16xf32>
        %parallel_loop3A_1156 = arith.constant -65536 : i32
        %parallel_loop3A_1157 = vector.broadcast %parallel_loop3A_1156 : i32 to vector<16xi32>
        %parallel_loop3A_1158 = arith.andi %parallel_loop3A_1151, %parallel_loop3A_1157 : vector<16xi32>
        %parallel_loop3A_1159 = vector.bitcast %parallel_loop3A_1158 : vector<16xi32> to vector<16xf32>
        %parallel_loop3A_1160 = arith.addf %parallel_loop3A_1011, %parallel_loop3A_1155 : vector<16xf32>
        %parallel_loop3A_1161 = arith.addf %parallel_loop3A_1160, %parallel_loop3A_1159 : vector<16xf32>
        %parallel_loop3A_1162 = tpu.iota {dimensions = array<i32: 0>} : vector<16xi32>
        %parallel_loop3A_1163 = arith.constant 96 : i32
        %parallel_loop3A_1164 = vector.broadcast %parallel_loop3A_1163 : i32 to vector<16xi32>
        %parallel_loop3A_1165 = arith.addi %parallel_loop3A_1162, %parallel_loop3A_1164 : vector<16xi32>
        %parallel_loop3A_1166 = tpu.vector_load_idx %arg18[%parallel_loop3A_1165, %parallel_loop3A_1017] : memref<128x32xi32, #tpu.memory_space<vmem>>[vector<16xi32>, vector<16xi32>], vector<16xi32>,
        %parallel_loop3A_1167 = tpu.vector_load_idx %arg19[%parallel_loop3A_1165, %parallel_loop3A_1017] : memref<128x32xi32, #tpu.memory_space<vmem>>[vector<16xi32>, vector<16xi32>], vector<16xi32>,
        %parallel_loop3A_1168 = vector.bitcast %parallel_loop3A_1166 : vector<16xi32> to vector<32xbf16>
        %parallel_loop3A_1169 = vector.bitcast %parallel_loop3A_1167 : vector<16xi32> to vector<32xbf16>
        %parallel_loop3A_1170 = arith.addf %parallel_loop3A_1168, %parallel_loop3A_1169 : vector<32xbf16>
        %parallel_loop3A_1171 = arith.constant 0.000000e+00 : bf16
        %parallel_loop3A_1172 = vector.broadcast %parallel_loop3A_1171 : bf16 to vector<32xbf16>
        %parallel_loop3A_1173 = arith.maximumf %parallel_loop3A_1170, %parallel_loop3A_1172 : vector<32xbf16>
        %parallel_loop3A_1174 = arith.mulf %parallel_loop3A_1173, %parallel_loop3A_1016 : vector<32xbf16>
        %parallel_loop3A_1175 = vector.bitcast %parallel_loop3A_1174 : vector<32xbf16> to vector<16xi32>
        %parallel_loop3A_1176 = arith.constant 16 : i32
        %parallel_loop3A_1177 = vector.broadcast %parallel_loop3A_1176 : i32 to vector<16xi32>
        %parallel_loop3A_1178 = arith.shli %parallel_loop3A_1175, %parallel_loop3A_1177 : vector<16xi32>
        %parallel_loop3A_1179 = vector.bitcast %parallel_loop3A_1178 : vector<16xi32> to vector<16xf32>
        %parallel_loop3A_1180 = arith.constant -65536 : i32
        %parallel_loop3A_1181 = vector.broadcast %parallel_loop3A_1180 : i32 to vector<16xi32>
        %parallel_loop3A_1182 = arith.andi %parallel_loop3A_1175, %parallel_loop3A_1181 : vector<16xi32>
        %parallel_loop3A_1183 = vector.bitcast %parallel_loop3A_1182 : vector<16xi32> to vector<16xf32>
        %parallel_loop3A_1184 = arith.addf %parallel_loop3A_1012, %parallel_loop3A_1179 : vector<16xf32>
        %parallel_loop3A_1185 = arith.addf %parallel_loop3A_1184, %parallel_loop3A_1183 : vector<16xf32>
        %parallel_loop3A_1186 = tpu.iota {dimensions = array<i32: 0>} : vector<16xi32>
        %parallel_loop3A_1187 = arith.constant 112 : i32
        %parallel_loop3A_1188 = vector.broadcast %parallel_loop3A_1187 : i32 to vector<16xi32>
        %parallel_loop3A_1189 = arith.addi %parallel_loop3A_1186, %parallel_loop3A_1188 : vector<16xi32>
        %parallel_loop3A_1190 = tpu.vector_load_idx %arg18[%parallel_loop3A_1189, %parallel_loop3A_1017] : memref<128x32xi32, #tpu.memory_space<vmem>>[vector<16xi32>, vector<16xi32>], vector<16xi32>,
        %parallel_loop3A_1191 = tpu.vector_load_idx %arg19[%parallel_loop3A_1189, %parallel_loop3A_1017] : memref<128x32xi32, #tpu.memory_space<vmem>>[vector<16xi32>, vector<16xi32>], vector<16xi32>,
        %parallel_loop3A_1192 = vector.bitcast %parallel_loop3A_1190 : vector<16xi32> to vector<32xbf16>
        %parallel_loop3A_1193 = vector.bitcast %parallel_loop3A_1191 : vector<16xi32> to vector<32xbf16>
        %parallel_loop3A_1194 = arith.addf %parallel_loop3A_1192, %parallel_loop3A_1193 : vector<32xbf16>
        %parallel_loop3A_1195 = arith.constant 0.000000e+00 : bf16
        %parallel_loop3A_1196 = vector.broadcast %parallel_loop3A_1195 : bf16 to vector<32xbf16>
        %parallel_loop3A_1197 = arith.maximumf %parallel_loop3A_1194, %parallel_loop3A_1196 : vector<32xbf16>
        %parallel_loop3A_1198 = arith.mulf %parallel_loop3A_1197, %parallel_loop3A_1016 : vector<32xbf16>
        %parallel_loop3A_1199 = vector.bitcast %parallel_loop3A_1198 : vector<32xbf16> to vector<16xi32>
        %parallel_loop3A_1200 = arith.constant 16 : i32
        %parallel_loop3A_1201 = vector.broadcast %parallel_loop3A_1200 : i32 to vector<16xi32>
        %parallel_loop3A_1202 = arith.shli %parallel_loop3A_1199, %parallel_loop3A_1201 : vector<16xi32>
        %parallel_loop3A_1203 = vector.bitcast %parallel_loop3A_1202 : vector<16xi32> to vector<16xf32>
        %parallel_loop3A_1204 = arith.constant -65536 : i32
        %parallel_loop3A_1205 = vector.broadcast %parallel_loop3A_1204 : i32 to vector<16xi32>
        %parallel_loop3A_1206 = arith.andi %parallel_loop3A_1199, %parallel_loop3A_1205 : vector<16xi32>
        %parallel_loop3A_1207 = vector.bitcast %parallel_loop3A_1206 : vector<16xi32> to vector<16xf32>
        %parallel_loop3A_1208 = arith.addf %parallel_loop3A_1013, %parallel_loop3A_1203 : vector<16xf32>
        %parallel_loop3A_1209 = arith.addf %parallel_loop3A_1208, %parallel_loop3A_1207 : vector<16xf32>
        scf.yield %parallel_loop3A_1041, %parallel_loop3A_1065, %parallel_loop3A_1089, %parallel_loop3A_1113, %parallel_loop3A_1137, %parallel_loop3A_1161, %parallel_loop3A_1185, %parallel_loop3A_1209 : vector<16xf32>, vector<16xf32>, vector<16xf32>, vector<16xf32>, vector<16xf32>, vector<16xf32>, vector<16xf32>, vector<16xf32>
      } {sc.loop_unroll_factor = 16 : i64, sc.parallel_access}
      %add3A_574 = arith.constant 0 : i32
      %add3A_575 = arith.addi %add3A_553, %add3A_574 : i32
      %get3A_576 = arith.index_cast %add3A_575 : i32 to index
      %get3A_577 = tpu.vector_load %arg12[%get3A_576] {strides = array<i32>} : memref<5120xf32, #tpu.memory_space<vmem>>, vector<16xf32>,
      %sub3A_578 = arith.constant 1.000000e+00 : f32
      %sub3A_579 = vector.broadcast %sub3A_578 : f32 to vector<16xf32>
      %sub3A_580 = arith.subf %sub3A_579, %get3A_577 : vector<16xf32>
      %div3A_581 = arith.divf %sub3A_580, %get3A_577 : vector<16xf32>
      %add3A_582 = arith.addf %parallel_loop3A_573#0, %get3A_549 : vector<16xf32>
      %neg3A_583 = arith.constant 0.000000e+00 : f32
      %neg3A_584 = vector.broadcast %neg3A_583 : f32 to vector<16xf32>
      %neg3A_585 = arith.subf %neg3A_584, %add3A_582 : vector<16xf32>
      %exp3A_586 = math.exp %neg3A_585 : vector<16xf32>
      %mul3A_587 = arith.mulf %div3A_581, %exp3A_586 : vector<16xf32>
      %add3A_588 = arith.constant 1.000000e+00 : f32
      %add3A_589 = vector.broadcast %add3A_588 : f32 to vector<16xf32>
      %add3A_590 = arith.addf %add3A_589, %mul3A_587 : vector<16xf32>
      %div3A_591 = arith.constant 1.000000e+00 : f32
      %div3A_592 = vector.broadcast %div3A_591 : f32 to vector<16xf32>
      %div3A_593 = arith.divf %div3A_592, %add3A_590 : vector<16xf32>
      %add3A_594 = arith.constant 0 : i32
      %add3A_595 = arith.addi %add3A_553, %add3A_594 : i32
      %swap3A_596 = arith.index_cast %add3A_595 : i32 to index
      %swap3A_597 = tpu.vector_load %arg13[%swap3A_596] {strides = array<i32>} : memref<5120xf32, #tpu.memory_space<vmem>>, vector<16xf32>,
      tpu.vector_store %arg13[%swap3A_596], %div3A_593 {strides = array<i32>} : memref<5120xf32, #tpu.memory_space<vmem>>, vector<16xf32>,
      %add3A_598 = arith.constant 16 : i32
      %add3A_599 = arith.addi %add3A_553, %add3A_598 : i32
      %get3A_600 = arith.index_cast %add3A_599 : i32 to index
      %get3A_601 = tpu.vector_load %arg12[%get3A_600] {strides = array<i32>} : memref<5120xf32, #tpu.memory_space<vmem>>, vector<16xf32>,
      %sub3A_602 = arith.constant 1.000000e+00 : f32
      %sub3A_603 = vector.broadcast %sub3A_602 : f32 to vector<16xf32>
      %sub3A_604 = arith.subf %sub3A_603, %get3A_601 : vector<16xf32>
      %div3A_605 = arith.divf %sub3A_604, %get3A_601 : vector<16xf32>
      %add3A_606 = arith.addf %parallel_loop3A_573#1, %get3A_549 : vector<16xf32>
      %neg3A_607 = arith.constant 0.000000e+00 : f32
      %neg3A_608 = vector.broadcast %neg3A_607 : f32 to vector<16xf32>
      %neg3A_609 = arith.subf %neg3A_608, %add3A_606 : vector<16xf32>
      %exp3A_610 = math.exp %neg3A_609 : vector<16xf32>
      %mul3A_611 = arith.mulf %div3A_605, %exp3A_610 : vector<16xf32>
      %add3A_612 = arith.constant 1.000000e+00 : f32
      %add3A_613 = vector.broadcast %add3A_612 : f32 to vector<16xf32>
      %add3A_614 = arith.addf %add3A_613, %mul3A_611 : vector<16xf32>
      %div3A_615 = arith.constant 1.000000e+00 : f32
      %div3A_616 = vector.broadcast %div3A_615 : f32 to vector<16xf32>
      %div3A_617 = arith.divf %div3A_616, %add3A_614 : vector<16xf32>
      %add3A_618 = arith.constant 16 : i32
      %add3A_619 = arith.addi %add3A_553, %add3A_618 : i32
      %swap3A_620 = arith.index_cast %add3A_619 : i32 to index
      %swap3A_621 = tpu.vector_load %arg13[%swap3A_620] {strides = array<i32>} : memref<5120xf32, #tpu.memory_space<vmem>>, vector<16xf32>,
      tpu.vector_store %arg13[%swap3A_620], %div3A_617 {strides = array<i32>} : memref<5120xf32, #tpu.memory_space<vmem>>, vector<16xf32>,
      %add3A_622 = arith.constant 32 : i32
      %add3A_623 = arith.addi %add3A_553, %add3A_622 : i32
      %get3A_624 = arith.index_cast %add3A_623 : i32 to index
      %get3A_625 = tpu.vector_load %arg12[%get3A_624] {strides = array<i32>} : memref<5120xf32, #tpu.memory_space<vmem>>, vector<16xf32>,
      %sub3A_626 = arith.constant 1.000000e+00 : f32
      %sub3A_627 = vector.broadcast %sub3A_626 : f32 to vector<16xf32>
      %sub3A_628 = arith.subf %sub3A_627, %get3A_625 : vector<16xf32>
      %div3A_629 = arith.divf %sub3A_628, %get3A_625 : vector<16xf32>
      %add3A_630 = arith.addf %parallel_loop3A_573#2, %get3A_549 : vector<16xf32>
      %neg3A_631 = arith.constant 0.000000e+00 : f32
      %neg3A_632 = vector.broadcast %neg3A_631 : f32 to vector<16xf32>
      %neg3A_633 = arith.subf %neg3A_632, %add3A_630 : vector<16xf32>
      %exp3A_634 = math.exp %neg3A_633 : vector<16xf32>
      %mul3A_635 = arith.mulf %div3A_629, %exp3A_634 : vector<16xf32>
      %add3A_636 = arith.constant 1.000000e+00 : f32
      %add3A_637 = vector.broadcast %add3A_636 : f32 to vector<16xf32>
      %add3A_638 = arith.addf %add3A_637, %mul3A_635 : vector<16xf32>
      %div3A_639 = arith.constant 1.000000e+00 : f32
      %div3A_640 = vector.broadcast %div3A_639 : f32 to vector<16xf32>
      %div3A_641 = arith.divf %div3A_640, %add3A_638 : vector<16xf32>
      %add3A_642 = arith.constant 32 : i32
      %add3A_643 = arith.addi %add3A_553, %add3A_642 : i32
      %swap3A_644 = arith.index_cast %add3A_643 : i32 to index
      %swap3A_645 = tpu.vector_load %arg13[%swap3A_644] {strides = array<i32>} : memref<5120xf32, #tpu.memory_space<vmem>>, vector<16xf32>,
      tpu.vector_store %arg13[%swap3A_644], %div3A_641 {strides = array<i32>} : memref<5120xf32, #tpu.memory_space<vmem>>, vector<16xf32>,
      %add3A_646 = arith.constant 48 : i32
      %add3A_647 = arith.addi %add3A_553, %add3A_646 : i32
      %get3A_648 = arith.index_cast %add3A_647 : i32 to index
      %get3A_649 = tpu.vector_load %arg12[%get3A_648] {strides = array<i32>} : memref<5120xf32, #tpu.memory_space<vmem>>, vector<16xf32>,
      %sub3A_650 = arith.constant 1.000000e+00 : f32
      %sub3A_651 = vector.broadcast %sub3A_650 : f32 to vector<16xf32>
      %sub3A_652 = arith.subf %sub3A_651, %get3A_649 : vector<16xf32>
      %div3A_653 = arith.divf %sub3A_652, %get3A_649 : vector<16xf32>
      %add3A_654 = arith.addf %parallel_loop3A_573#3, %get3A_549 : vector<16xf32>
      %neg3A_655 = arith.constant 0.000000e+00 : f32
      %neg3A_656 = vector.broadcast %neg3A_655 : f32 to vector<16xf32>
      %neg3A_657 = arith.subf %neg3A_656, %add3A_654 : vector<16xf32>
      %exp3A_658 = math.exp %neg3A_657 : vector<16xf32>
      %mul3A_659 = arith.mulf %div3A_653, %exp3A_658 : vector<16xf32>
      %add3A_660 = arith.constant 1.000000e+00 : f32
      %add3A_661 = vector.broadcast %add3A_660 : f32 to vector<16xf32>
      %add3A_662 = arith.addf %add3A_661, %mul3A_659 : vector<16xf32>
      %div3A_663 = arith.constant 1.000000e+00 : f32
      %div3A_664 = vector.broadcast %div3A_663 : f32 to vector<16xf32>
      %div3A_665 = arith.divf %div3A_664, %add3A_662 : vector<16xf32>
      %add3A_666 = arith.constant 48 : i32
      %add3A_667 = arith.addi %add3A_553, %add3A_666 : i32
      %swap3A_668 = arith.index_cast %add3A_667 : i32 to index
      %swap3A_669 = tpu.vector_load %arg13[%swap3A_668] {strides = array<i32>} : memref<5120xf32, #tpu.memory_space<vmem>>, vector<16xf32>,
      tpu.vector_store %arg13[%swap3A_668], %div3A_665 {strides = array<i32>} : memref<5120xf32, #tpu.memory_space<vmem>>, vector<16xf32>,
      %add3A_670 = arith.constant 64 : i32
      %add3A_671 = arith.addi %add3A_553, %add3A_670 : i32
      %get3A_672 = arith.index_cast %add3A_671 : i32 to index
      %get3A_673 = tpu.vector_load %arg12[%get3A_672] {strides = array<i32>} : memref<5120xf32, #tpu.memory_space<vmem>>, vector<16xf32>,
      %sub3A_674 = arith.constant 1.000000e+00 : f32
      %sub3A_675 = vector.broadcast %sub3A_674 : f32 to vector<16xf32>
      %sub3A_676 = arith.subf %sub3A_675, %get3A_673 : vector<16xf32>
      %div3A_677 = arith.divf %sub3A_676, %get3A_673 : vector<16xf32>
      %add3A_678 = arith.addf %parallel_loop3A_573#4, %get3A_549 : vector<16xf32>
      %neg3A_679 = arith.constant 0.000000e+00 : f32
      %neg3A_680 = vector.broadcast %neg3A_679 : f32 to vector<16xf32>
      %neg3A_681 = arith.subf %neg3A_680, %add3A_678 : vector<16xf32>
      %exp3A_682 = math.exp %neg3A_681 : vector<16xf32>
      %mul3A_683 = arith.mulf %div3A_677, %exp3A_682 : vector<16xf32>
      %add3A_684 = arith.constant 1.000000e+00 : f32
      %add3A_685 = vector.broadcast %add3A_684 : f32 to vector<16xf32>
      %add3A_686 = arith.addf %add3A_685, %mul3A_683 : vector<16xf32>
      %div3A_687 = arith.constant 1.000000e+00 : f32
      %div3A_688 = vector.broadcast %div3A_687 : f32 to vector<16xf32>
      %div3A_689 = arith.divf %div3A_688, %add3A_686 : vector<16xf32>
      %add3A_690 = arith.constant 64 : i32
      %add3A_691 = arith.addi %add3A_553, %add3A_690 : i32
      %swap3A_692 = arith.index_cast %add3A_691 : i32 to index
      %swap3A_693 = tpu.vector_load %arg13[%swap3A_692] {strides = array<i32>} : memref<5120xf32, #tpu.memory_space<vmem>>, vector<16xf32>,
      tpu.vector_store %arg13[%swap3A_692], %div3A_689 {strides = array<i32>} : memref<5120xf32, #tpu.memory_space<vmem>>, vector<16xf32>,
      %add3A_694 = arith.constant 80 : i32
      %add3A_695 = arith.addi %add3A_553, %add3A_694 : i32
      %get3A_696 = arith.index_cast %add3A_695 : i32 to index
      %get3A_697 = tpu.vector_load %arg12[%get3A_696] {strides = array<i32>} : memref<5120xf32, #tpu.memory_space<vmem>>, vector<16xf32>,
      %sub3A_698 = arith.constant 1.000000e+00 : f32
      %sub3A_699 = vector.broadcast %sub3A_698 : f32 to vector<16xf32>
      %sub3A_700 = arith.subf %sub3A_699, %get3A_697 : vector<16xf32>
      %div3A_701 = arith.divf %sub3A_700, %get3A_697 : vector<16xf32>
      %add3A_702 = arith.addf %parallel_loop3A_573#5, %get3A_549 : vector<16xf32>
      %neg3A_703 = arith.constant 0.000000e+00 : f32
      %neg3A_704 = vector.broadcast %neg3A_703 : f32 to vector<16xf32>
      %neg3A_705 = arith.subf %neg3A_704, %add3A_702 : vector<16xf32>
      %exp3A_706 = math.exp %neg3A_705 : vector<16xf32>
      %mul3A_707 = arith.mulf %div3A_701, %exp3A_706 : vector<16xf32>
      %add3A_708 = arith.constant 1.000000e+00 : f32
      %add3A_709 = vector.broadcast %add3A_708 : f32 to vector<16xf32>
      %add3A_710 = arith.addf %add3A_709, %mul3A_707 : vector<16xf32>
      %div3A_711 = arith.constant 1.000000e+00 : f32
      %div3A_712 = vector.broadcast %div3A_711 : f32 to vector<16xf32>
      %div3A_713 = arith.divf %div3A_712, %add3A_710 : vector<16xf32>
      %add3A_714 = arith.constant 80 : i32
      %add3A_715 = arith.addi %add3A_553, %add3A_714 : i32
      %swap3A_716 = arith.index_cast %add3A_715 : i32 to index
      %swap3A_717 = tpu.vector_load %arg13[%swap3A_716] {strides = array<i32>} : memref<5120xf32, #tpu.memory_space<vmem>>, vector<16xf32>,
      tpu.vector_store %arg13[%swap3A_716], %div3A_713 {strides = array<i32>} : memref<5120xf32, #tpu.memory_space<vmem>>, vector<16xf32>,
      %add3A_718 = arith.constant 96 : i32
      %add3A_719 = arith.addi %add3A_553, %add3A_718 : i32
      %get3A_720 = arith.index_cast %add3A_719 : i32 to index
      %get3A_721 = tpu.vector_load %arg12[%get3A_720] {strides = array<i32>} : memref<5120xf32, #tpu.memory_space<vmem>>, vector<16xf32>,
      %sub3A_722 = arith.constant 1.000000e+00 : f32
      %sub3A_723 = vector.broadcast %sub3A_722 : f32 to vector<16xf32>
      %sub3A_724 = arith.subf %sub3A_723, %get3A_721 : vector<16xf32>
      %div3A_725 = arith.divf %sub3A_724, %get3A_721 : vector<16xf32>
      %add3A_726 = arith.addf %parallel_loop3A_573#6, %get3A_549 : vector<16xf32>
      %neg3A_727 = arith.constant 0.000000e+00 : f32
      %neg3A_728 = vector.broadcast %neg3A_727 : f32 to vector<16xf32>
      %neg3A_729 = arith.subf %neg3A_728, %add3A_726 : vector<16xf32>
      %exp3A_730 = math.exp %neg3A_729 : vector<16xf32>
      %mul3A_731 = arith.mulf %div3A_725, %exp3A_730 : vector<16xf32>
      %add3A_732 = arith.constant 1.000000e+00 : f32
      %add3A_733 = vector.broadcast %add3A_732 : f32 to vector<16xf32>
      %add3A_734 = arith.addf %add3A_733, %mul3A_731 : vector<16xf32>
      %div3A_735 = arith.constant 1.000000e+00 : f32
      %div3A_736 = vector.broadcast %div3A_735 : f32 to vector<16xf32>
      %div3A_737 = arith.divf %div3A_736, %add3A_734 : vector<16xf32>
      %add3A_738 = arith.constant 96 : i32
      %add3A_739 = arith.addi %add3A_553, %add3A_738 : i32
      %swap3A_740 = arith.index_cast %add3A_739 : i32 to index
      %swap3A_741 = tpu.vector_load %arg13[%swap3A_740] {strides = array<i32>} : memref<5120xf32, #tpu.memory_space<vmem>>, vector<16xf32>,
      tpu.vector_store %arg13[%swap3A_740], %div3A_737 {strides = array<i32>} : memref<5120xf32, #tpu.memory_space<vmem>>, vector<16xf32>,
      %add3A_742 = arith.constant 112 : i32
      %add3A_743 = arith.addi %add3A_553, %add3A_742 : i32
      %get3A_744 = arith.index_cast %add3A_743 : i32 to index
      %get3A_745 = tpu.vector_load %arg12[%get3A_744] {strides = array<i32>} : memref<5120xf32, #tpu.memory_space<vmem>>, vector<16xf32>,
      %sub3A_746 = arith.constant 1.000000e+00 : f32
      %sub3A_747 = vector.broadcast %sub3A_746 : f32 to vector<16xf32>
      %sub3A_748 = arith.subf %sub3A_747, %get3A_745 : vector<16xf32>
      %div3A_749 = arith.divf %sub3A_748, %get3A_745 : vector<16xf32>
      %add3A_750 = arith.addf %parallel_loop3A_573#7, %get3A_549 : vector<16xf32>
      %neg3A_751 = arith.constant 0.000000e+00 : f32
      %neg3A_752 = vector.broadcast %neg3A_751 : f32 to vector<16xf32>
      %neg3A_753 = arith.subf %neg3A_752, %add3A_750 : vector<16xf32>
      %exp3A_754 = math.exp %neg3A_753 : vector<16xf32>
      %mul3A_755 = arith.mulf %div3A_749, %exp3A_754 : vector<16xf32>
      %add3A_756 = arith.constant 1.000000e+00 : f32
      %add3A_757 = vector.broadcast %add3A_756 : f32 to vector<16xf32>
      %add3A_758 = arith.addf %add3A_757, %mul3A_755 : vector<16xf32>
      %div3A_759 = arith.constant 1.000000e+00 : f32
      %div3A_760 = vector.broadcast %div3A_759 : f32 to vector<16xf32>
      %div3A_761 = arith.divf %div3A_760, %add3A_758 : vector<16xf32>
      %add3A_762 = arith.constant 112 : i32
      %add3A_763 = arith.addi %add3A_553, %add3A_762 : i32
      %swap3A_764 = arith.index_cast %add3A_763 : i32 to index
      %swap3A_765 = tpu.vector_load %arg13[%swap3A_764] {strides = array<i32>} : memref<5120xf32, #tpu.memory_space<vmem>>, vector<16xf32>,
      tpu.vector_store %arg13[%swap3A_764], %div3A_761 {strides = array<i32>} : memref<5120xf32, #tpu.memory_space<vmem>>, vector<16xf32>,
      %add3A_766 = arith.constant 3 : i32
      %add3A_767 = arith.addi %mul3A_56, %add3A_766 : i32
      %add3A_768 = arith.constant 3 : i32
      %add3A_769 = arith.addi %add3A_767, %add3A_768 : i32
      %lt3A_770 = arith.constant 40 : i32
      %lt3A_771 = arith.cmpi slt, %add3A_769, %lt3A_770 : i32
      %convert_element_type3A_772 = arith.extui %lt3A_771 : i1 to i32
      %cond3A_773 = arith.constant 0 : i32
      %cond3A_774 = arith.cmpi ne, %convert_element_type3A_772, %cond3A_773 : i32
      scf.if %cond3A_774 {
        %add3A_1005 = arith.constant 3 : i32
        %add3A_1006 = arith.addi %add3A_767, %add3A_1005 : i32
        %mul3A_1007 = arith.constant 128 : i32
        %mul3A_1008 = arith.muli %add3A_1006, %mul3A_1007 : i32
        %dma_start3A_1009 = tpu.memref_slice %arg10[%mul3A_1008] : memref<5120xi32, #tpu.memory_space<vmem>> -> memref<128xi32, #tpu.memory_space<vmem>>
        %dma_start3A_1010 = arith.constant 0 : i32
        %dma_start3A_1011 = arith.constant 0 : i32
        %dma_start3A_1012 = tpu.memref_slice %arg2[%dma_start3A_1010, %dma_start3A_1011] : memref<10000x32xi32, #tpu.memory_space<hbm>> -> memref<10000x32xi32, #tpu.memory_space<hbm>>
        tpu.enqueue_indirect_dma source(%dma_start3A_1012 : memref<10000x32xi32, #tpu.memory_space<hbm>>) target(%arg18 : memref<128x32xi32, #tpu.memory_space<vmem>>) offsets(%dma_start3A_1009 : memref<128xi32, #tpu.memory_space<vmem>>) semaphore(%arg27 : memref<!tpu.dma_semaphore, #tpu.memory_space<semaphore_mem>>)
        %dma_start3A_1013 = tpu.memref_slice %arg11[%mul3A_1008] : memref<5120xi32, #tpu.memory_space<vmem>> -> memref<128xi32, #tpu.memory_space<vmem>>
        %dma_start3A_1014 = arith.constant 0 : i32
        %dma_start3A_1015 = arith.constant 0 : i32
        %dma_start3A_1016 = tpu.memref_slice %arg3[%dma_start3A_1014, %dma_start3A_1015] : memref<10000x32xi32, #tpu.memory_space<hbm>> -> memref<10000x32xi32, #tpu.memory_space<hbm>>
        tpu.enqueue_indirect_dma source(%dma_start3A_1016 : memref<10000x32xi32, #tpu.memory_space<hbm>>) target(%arg19 : memref<128x32xi32, #tpu.memory_space<vmem>>) offsets(%dma_start3A_1013 : memref<128xi32, #tpu.memory_space<vmem>>) semaphore(%arg27 : memref<!tpu.dma_semaphore, #tpu.memory_space<semaphore_mem>>)
      } else {
      }
      %dma_wait3A_775 = arith.constant 0 : i32
      %dma_wait3A_776 = arith.constant 0 : i32
      %dma_wait3A_777 = tpu.memref_slice %arg2[%dma_wait3A_775, %dma_wait3A_776] : memref<10000x32xi32, #tpu.memory_space<hbm>> -> memref<128x32xi32, #tpu.memory_space<hbm>>
      %dma_wait3A_778 = arith.constant 0 : i32
      %dma_wait3A_779 = arith.constant 0 : i32
      %dma_wait3A_780 = tpu.memref_slice %arg2[%dma_wait3A_778, %dma_wait3A_779] : memref<10000x32xi32, #tpu.memory_space<hbm>> -> memref<128x32xi32, #tpu.memory_space<hbm>>
      tpu.wait_dma2 semaphore(%arg28 : memref<!tpu.dma_semaphore, #tpu.memory_space<semaphore_mem>>) src(%dma_wait3A_780 : memref<128x32xi32, #tpu.memory_space<hbm>>) dst(%arg20 : memref<128x32xi32, #tpu.memory_space<vmem>>)
      %dma_wait3A_781 = arith.constant 0 : i32
      %dma_wait3A_782 = arith.constant 0 : i32
      %dma_wait3A_783 = tpu.memref_slice %arg3[%dma_wait3A_781, %dma_wait3A_782] : memref<10000x32xi32, #tpu.memory_space<hbm>> -> memref<128x32xi32, #tpu.memory_space<hbm>>
      %dma_wait3A_784 = arith.constant 0 : i32
      %dma_wait3A_785 = arith.constant 0 : i32
      %dma_wait3A_786 = tpu.memref_slice %arg3[%dma_wait3A_784, %dma_wait3A_785] : memref<10000x32xi32, #tpu.memory_space<hbm>> -> memref<128x32xi32, #tpu.memory_space<hbm>>
      tpu.wait_dma2 semaphore(%arg28 : memref<!tpu.dma_semaphore, #tpu.memory_space<semaphore_mem>>) src(%dma_wait3A_786 : memref<128x32xi32, #tpu.memory_space<hbm>>) dst(%arg21 : memref<128x32xi32, #tpu.memory_space<vmem>>)
      %get3A_787 = arith.constant 0 : index
      %get3A_788 = tpu.vector_load %arg23[%get3A_787] {strides = array<i32>} : memref<16xf32, #tpu.memory_space<vmem>>, vector<16xf32>,
      %mul3A_789 = arith.constant 128 : i32
      %mul3A_790 = arith.muli %add3A_767, %mul3A_789 : i32
      %add3A_791 = arith.constant 0 : i32
      %add3A_792 = arith.addi %mul3A_790, %add3A_791 : i32
      %broadcast_in_dim3A_793 = arith.constant 0.000000e+00 : f32
      %broadcast_in_dim3A_794 = vector.broadcast %broadcast_in_dim3A_793 : f32 to vector<16xf32>
      %broadcast_in_dim3A_795 = arith.constant 0.000000e+00 : f32
      %broadcast_in_dim3A_796 = vector.broadcast %broadcast_in_dim3A_795 : f32 to vector<16xf32>
      %broadcast_in_dim3A_797 = arith.constant 0.000000e+00 : f32
      %broadcast_in_dim3A_798 = vector.broadcast %broadcast_in_dim3A_797 : f32 to vector<16xf32>
      %broadcast_in_dim3A_799 = arith.constant 0.000000e+00 : f32
      %broadcast_in_dim3A_800 = vector.broadcast %broadcast_in_dim3A_799 : f32 to vector<16xf32>
      %broadcast_in_dim3A_801 = arith.constant 0.000000e+00 : f32
      %broadcast_in_dim3A_802 = vector.broadcast %broadcast_in_dim3A_801 : f32 to vector<16xf32>
      %broadcast_in_dim3A_803 = arith.constant 0.000000e+00 : f32
      %broadcast_in_dim3A_804 = vector.broadcast %broadcast_in_dim3A_803 : f32 to vector<16xf32>
      %broadcast_in_dim3A_805 = arith.constant 0.000000e+00 : f32
      %broadcast_in_dim3A_806 = vector.broadcast %broadcast_in_dim3A_805 : f32 to vector<16xf32>
      %broadcast_in_dim3A_807 = arith.constant 0.000000e+00 : f32
      %broadcast_in_dim3A_808 = vector.broadcast %broadcast_in_dim3A_807 : f32 to vector<16xf32>
      %parallel_loop3A_809 = arith.constant 0 : i32
      %parallel_loop3A_810 = arith.constant 32 : i32
      %parallel_loop3A_811 = arith.constant 1 : i32
      %parallel_loop3A_812:8 = scf.for %parallel_loop3A_1005 = %parallel_loop3A_809 to %parallel_loop3A_810 step %parallel_loop3A_811 iter_args(%parallel_loop3A_1006 = %broadcast_in_dim3A_794, %parallel_loop3A_1007 = %broadcast_in_dim3A_796, %parallel_loop3A_1008 = %broadcast_in_dim3A_798, %parallel_loop3A_1009 = %broadcast_in_dim3A_800, %parallel_loop3A_1010 = %broadcast_in_dim3A_802, %parallel_loop3A_1011 = %broadcast_in_dim3A_804, %parallel_loop3A_1012 = %broadcast_in_dim3A_806, %parallel_loop3A_1013 = %broadcast_in_dim3A_808) -> (vector<16xf32>, vector<16xf32>, vector<16xf32>, vector<16xf32>, vector<16xf32>, vector<16xf32>, vector<16xf32>, vector<16xf32>)  : i32 {
        %parallel_loop3A_1014 = arith.index_cast %parallel_loop3A_1005 : i32 to index
        %parallel_loop3A_1015 = arith.constant 0 : index
        %parallel_loop3A_1016 = tpu.vector_load %arg22[%parallel_loop3A_1014, %parallel_loop3A_1015] {strides = array<i32>} : memref<32x32xbf16, #tpu.memory_space<vmem>>, vector<32xbf16>,
        %parallel_loop3A_1017 = vector.broadcast %parallel_loop3A_1005 : i32 to vector<16xi32>
        %parallel_loop3A_1018 = tpu.iota {dimensions = array<i32: 0>} : vector<16xi32>
        %parallel_loop3A_1019 = arith.constant 0 : i32
        %parallel_loop3A_1020 = vector.broadcast %parallel_loop3A_1019 : i32 to vector<16xi32>
        %parallel_loop3A_1021 = arith.addi %parallel_loop3A_1018, %parallel_loop3A_1020 : vector<16xi32>
        %parallel_loop3A_1022 = tpu.vector_load_idx %arg20[%parallel_loop3A_1021, %parallel_loop3A_1017] : memref<128x32xi32, #tpu.memory_space<vmem>>[vector<16xi32>, vector<16xi32>], vector<16xi32>,
        %parallel_loop3A_1023 = tpu.vector_load_idx %arg21[%parallel_loop3A_1021, %parallel_loop3A_1017] : memref<128x32xi32, #tpu.memory_space<vmem>>[vector<16xi32>, vector<16xi32>], vector<16xi32>,
        %parallel_loop3A_1024 = vector.bitcast %parallel_loop3A_1022 : vector<16xi32> to vector<32xbf16>
        %parallel_loop3A_1025 = vector.bitcast %parallel_loop3A_1023 : vector<16xi32> to vector<32xbf16>
        %parallel_loop3A_1026 = arith.addf %parallel_loop3A_1024, %parallel_loop3A_1025 : vector<32xbf16>
        %parallel_loop3A_1027 = arith.constant 0.000000e+00 : bf16
        %parallel_loop3A_1028 = vector.broadcast %parallel_loop3A_1027 : bf16 to vector<32xbf16>
        %parallel_loop3A_1029 = arith.maximumf %parallel_loop3A_1026, %parallel_loop3A_1028 : vector<32xbf16>
        %parallel_loop3A_1030 = arith.mulf %parallel_loop3A_1029, %parallel_loop3A_1016 : vector<32xbf16>
        %parallel_loop3A_1031 = vector.bitcast %parallel_loop3A_1030 : vector<32xbf16> to vector<16xi32>
        %parallel_loop3A_1032 = arith.constant 16 : i32
        %parallel_loop3A_1033 = vector.broadcast %parallel_loop3A_1032 : i32 to vector<16xi32>
        %parallel_loop3A_1034 = arith.shli %parallel_loop3A_1031, %parallel_loop3A_1033 : vector<16xi32>
        %parallel_loop3A_1035 = vector.bitcast %parallel_loop3A_1034 : vector<16xi32> to vector<16xf32>
        %parallel_loop3A_1036 = arith.constant -65536 : i32
        %parallel_loop3A_1037 = vector.broadcast %parallel_loop3A_1036 : i32 to vector<16xi32>
        %parallel_loop3A_1038 = arith.andi %parallel_loop3A_1031, %parallel_loop3A_1037 : vector<16xi32>
        %parallel_loop3A_1039 = vector.bitcast %parallel_loop3A_1038 : vector<16xi32> to vector<16xf32>
        %parallel_loop3A_1040 = arith.addf %parallel_loop3A_1006, %parallel_loop3A_1035 : vector<16xf32>
        %parallel_loop3A_1041 = arith.addf %parallel_loop3A_1040, %parallel_loop3A_1039 : vector<16xf32>
        %parallel_loop3A_1042 = tpu.iota {dimensions = array<i32: 0>} : vector<16xi32>
        %parallel_loop3A_1043 = arith.constant 16 : i32
        %parallel_loop3A_1044 = vector.broadcast %parallel_loop3A_1043 : i32 to vector<16xi32>
        %parallel_loop3A_1045 = arith.addi %parallel_loop3A_1042, %parallel_loop3A_1044 : vector<16xi32>
        %parallel_loop3A_1046 = tpu.vector_load_idx %arg20[%parallel_loop3A_1045, %parallel_loop3A_1017] : memref<128x32xi32, #tpu.memory_space<vmem>>[vector<16xi32>, vector<16xi32>], vector<16xi32>,
        %parallel_loop3A_1047 = tpu.vector_load_idx %arg21[%parallel_loop3A_1045, %parallel_loop3A_1017] : memref<128x32xi32, #tpu.memory_space<vmem>>[vector<16xi32>, vector<16xi32>], vector<16xi32>,
        %parallel_loop3A_1048 = vector.bitcast %parallel_loop3A_1046 : vector<16xi32> to vector<32xbf16>
        %parallel_loop3A_1049 = vector.bitcast %parallel_loop3A_1047 : vector<16xi32> to vector<32xbf16>
        %parallel_loop3A_1050 = arith.addf %parallel_loop3A_1048, %parallel_loop3A_1049 : vector<32xbf16>
        %parallel_loop3A_1051 = arith.constant 0.000000e+00 : bf16
        %parallel_loop3A_1052 = vector.broadcast %parallel_loop3A_1051 : bf16 to vector<32xbf16>
        %parallel_loop3A_1053 = arith.maximumf %parallel_loop3A_1050, %parallel_loop3A_1052 : vector<32xbf16>
        %parallel_loop3A_1054 = arith.mulf %parallel_loop3A_1053, %parallel_loop3A_1016 : vector<32xbf16>
        %parallel_loop3A_1055 = vector.bitcast %parallel_loop3A_1054 : vector<32xbf16> to vector<16xi32>
        %parallel_loop3A_1056 = arith.constant 16 : i32
        %parallel_loop3A_1057 = vector.broadcast %parallel_loop3A_1056 : i32 to vector<16xi32>
        %parallel_loop3A_1058 = arith.shli %parallel_loop3A_1055, %parallel_loop3A_1057 : vector<16xi32>
        %parallel_loop3A_1059 = vector.bitcast %parallel_loop3A_1058 : vector<16xi32> to vector<16xf32>
        %parallel_loop3A_1060 = arith.constant -65536 : i32
        %parallel_loop3A_1061 = vector.broadcast %parallel_loop3A_1060 : i32 to vector<16xi32>
        %parallel_loop3A_1062 = arith.andi %parallel_loop3A_1055, %parallel_loop3A_1061 : vector<16xi32>
        %parallel_loop3A_1063 = vector.bitcast %parallel_loop3A_1062 : vector<16xi32> to vector<16xf32>
        %parallel_loop3A_1064 = arith.addf %parallel_loop3A_1007, %parallel_loop3A_1059 : vector<16xf32>
        %parallel_loop3A_1065 = arith.addf %parallel_loop3A_1064, %parallel_loop3A_1063 : vector<16xf32>
        %parallel_loop3A_1066 = tpu.iota {dimensions = array<i32: 0>} : vector<16xi32>
        %parallel_loop3A_1067 = arith.constant 32 : i32
        %parallel_loop3A_1068 = vector.broadcast %parallel_loop3A_1067 : i32 to vector<16xi32>
        %parallel_loop3A_1069 = arith.addi %parallel_loop3A_1066, %parallel_loop3A_1068 : vector<16xi32>
        %parallel_loop3A_1070 = tpu.vector_load_idx %arg20[%parallel_loop3A_1069, %parallel_loop3A_1017] : memref<128x32xi32, #tpu.memory_space<vmem>>[vector<16xi32>, vector<16xi32>], vector<16xi32>,
        %parallel_loop3A_1071 = tpu.vector_load_idx %arg21[%parallel_loop3A_1069, %parallel_loop3A_1017] : memref<128x32xi32, #tpu.memory_space<vmem>>[vector<16xi32>, vector<16xi32>], vector<16xi32>,
        %parallel_loop3A_1072 = vector.bitcast %parallel_loop3A_1070 : vector<16xi32> to vector<32xbf16>
        %parallel_loop3A_1073 = vector.bitcast %parallel_loop3A_1071 : vector<16xi32> to vector<32xbf16>
        %parallel_loop3A_1074 = arith.addf %parallel_loop3A_1072, %parallel_loop3A_1073 : vector<32xbf16>
        %parallel_loop3A_1075 = arith.constant 0.000000e+00 : bf16
        %parallel_loop3A_1076 = vector.broadcast %parallel_loop3A_1075 : bf16 to vector<32xbf16>
        %parallel_loop3A_1077 = arith.maximumf %parallel_loop3A_1074, %parallel_loop3A_1076 : vector<32xbf16>
        %parallel_loop3A_1078 = arith.mulf %parallel_loop3A_1077, %parallel_loop3A_1016 : vector<32xbf16>
        %parallel_loop3A_1079 = vector.bitcast %parallel_loop3A_1078 : vector<32xbf16> to vector<16xi32>
        %parallel_loop3A_1080 = arith.constant 16 : i32
        %parallel_loop3A_1081 = vector.broadcast %parallel_loop3A_1080 : i32 to vector<16xi32>
        %parallel_loop3A_1082 = arith.shli %parallel_loop3A_1079, %parallel_loop3A_1081 : vector<16xi32>
        %parallel_loop3A_1083 = vector.bitcast %parallel_loop3A_1082 : vector<16xi32> to vector<16xf32>
        %parallel_loop3A_1084 = arith.constant -65536 : i32
        %parallel_loop3A_1085 = vector.broadcast %parallel_loop3A_1084 : i32 to vector<16xi32>
        %parallel_loop3A_1086 = arith.andi %parallel_loop3A_1079, %parallel_loop3A_1085 : vector<16xi32>
        %parallel_loop3A_1087 = vector.bitcast %parallel_loop3A_1086 : vector<16xi32> to vector<16xf32>
        %parallel_loop3A_1088 = arith.addf %parallel_loop3A_1008, %parallel_loop3A_1083 : vector<16xf32>
        %parallel_loop3A_1089 = arith.addf %parallel_loop3A_1088, %parallel_loop3A_1087 : vector<16xf32>
        %parallel_loop3A_1090 = tpu.iota {dimensions = array<i32: 0>} : vector<16xi32>
        %parallel_loop3A_1091 = arith.constant 48 : i32
        %parallel_loop3A_1092 = vector.broadcast %parallel_loop3A_1091 : i32 to vector<16xi32>
        %parallel_loop3A_1093 = arith.addi %parallel_loop3A_1090, %parallel_loop3A_1092 : vector<16xi32>
        %parallel_loop3A_1094 = tpu.vector_load_idx %arg20[%parallel_loop3A_1093, %parallel_loop3A_1017] : memref<128x32xi32, #tpu.memory_space<vmem>>[vector<16xi32>, vector<16xi32>], vector<16xi32>,
        %parallel_loop3A_1095 = tpu.vector_load_idx %arg21[%parallel_loop3A_1093, %parallel_loop3A_1017] : memref<128x32xi32, #tpu.memory_space<vmem>>[vector<16xi32>, vector<16xi32>], vector<16xi32>,
        %parallel_loop3A_1096 = vector.bitcast %parallel_loop3A_1094 : vector<16xi32> to vector<32xbf16>
        %parallel_loop3A_1097 = vector.bitcast %parallel_loop3A_1095 : vector<16xi32> to vector<32xbf16>
        %parallel_loop3A_1098 = arith.addf %parallel_loop3A_1096, %parallel_loop3A_1097 : vector<32xbf16>
        %parallel_loop3A_1099 = arith.constant 0.000000e+00 : bf16
        %parallel_loop3A_1100 = vector.broadcast %parallel_loop3A_1099 : bf16 to vector<32xbf16>
        %parallel_loop3A_1101 = arith.maximumf %parallel_loop3A_1098, %parallel_loop3A_1100 : vector<32xbf16>
        %parallel_loop3A_1102 = arith.mulf %parallel_loop3A_1101, %parallel_loop3A_1016 : vector<32xbf16>
        %parallel_loop3A_1103 = vector.bitcast %parallel_loop3A_1102 : vector<32xbf16> to vector<16xi32>
        %parallel_loop3A_1104 = arith.constant 16 : i32
        %parallel_loop3A_1105 = vector.broadcast %parallel_loop3A_1104 : i32 to vector<16xi32>
        %parallel_loop3A_1106 = arith.shli %parallel_loop3A_1103, %parallel_loop3A_1105 : vector<16xi32>
        %parallel_loop3A_1107 = vector.bitcast %parallel_loop3A_1106 : vector<16xi32> to vector<16xf32>
        %parallel_loop3A_1108 = arith.constant -65536 : i32
        %parallel_loop3A_1109 = vector.broadcast %parallel_loop3A_1108 : i32 to vector<16xi32>
        %parallel_loop3A_1110 = arith.andi %parallel_loop3A_1103, %parallel_loop3A_1109 : vector<16xi32>
        %parallel_loop3A_1111 = vector.bitcast %parallel_loop3A_1110 : vector<16xi32> to vector<16xf32>
        %parallel_loop3A_1112 = arith.addf %parallel_loop3A_1009, %parallel_loop3A_1107 : vector<16xf32>
        %parallel_loop3A_1113 = arith.addf %parallel_loop3A_1112, %parallel_loop3A_1111 : vector<16xf32>
        %parallel_loop3A_1114 = tpu.iota {dimensions = array<i32: 0>} : vector<16xi32>
        %parallel_loop3A_1115 = arith.constant 64 : i32
        %parallel_loop3A_1116 = vector.broadcast %parallel_loop3A_1115 : i32 to vector<16xi32>
        %parallel_loop3A_1117 = arith.addi %parallel_loop3A_1114, %parallel_loop3A_1116 : vector<16xi32>
        %parallel_loop3A_1118 = tpu.vector_load_idx %arg20[%parallel_loop3A_1117, %parallel_loop3A_1017] : memref<128x32xi32, #tpu.memory_space<vmem>>[vector<16xi32>, vector<16xi32>], vector<16xi32>,
        %parallel_loop3A_1119 = tpu.vector_load_idx %arg21[%parallel_loop3A_1117, %parallel_loop3A_1017] : memref<128x32xi32, #tpu.memory_space<vmem>>[vector<16xi32>, vector<16xi32>], vector<16xi32>,
        %parallel_loop3A_1120 = vector.bitcast %parallel_loop3A_1118 : vector<16xi32> to vector<32xbf16>
        %parallel_loop3A_1121 = vector.bitcast %parallel_loop3A_1119 : vector<16xi32> to vector<32xbf16>
        %parallel_loop3A_1122 = arith.addf %parallel_loop3A_1120, %parallel_loop3A_1121 : vector<32xbf16>
        %parallel_loop3A_1123 = arith.constant 0.000000e+00 : bf16
        %parallel_loop3A_1124 = vector.broadcast %parallel_loop3A_1123 : bf16 to vector<32xbf16>
        %parallel_loop3A_1125 = arith.maximumf %parallel_loop3A_1122, %parallel_loop3A_1124 : vector<32xbf16>
        %parallel_loop3A_1126 = arith.mulf %parallel_loop3A_1125, %parallel_loop3A_1016 : vector<32xbf16>
        %parallel_loop3A_1127 = vector.bitcast %parallel_loop3A_1126 : vector<32xbf16> to vector<16xi32>
        %parallel_loop3A_1128 = arith.constant 16 : i32
        %parallel_loop3A_1129 = vector.broadcast %parallel_loop3A_1128 : i32 to vector<16xi32>
        %parallel_loop3A_1130 = arith.shli %parallel_loop3A_1127, %parallel_loop3A_1129 : vector<16xi32>
        %parallel_loop3A_1131 = vector.bitcast %parallel_loop3A_1130 : vector<16xi32> to vector<16xf32>
        %parallel_loop3A_1132 = arith.constant -65536 : i32
        %parallel_loop3A_1133 = vector.broadcast %parallel_loop3A_1132 : i32 to vector<16xi32>
        %parallel_loop3A_1134 = arith.andi %parallel_loop3A_1127, %parallel_loop3A_1133 : vector<16xi32>
        %parallel_loop3A_1135 = vector.bitcast %parallel_loop3A_1134 : vector<16xi32> to vector<16xf32>
        %parallel_loop3A_1136 = arith.addf %parallel_loop3A_1010, %parallel_loop3A_1131 : vector<16xf32>
        %parallel_loop3A_1137 = arith.addf %parallel_loop3A_1136, %parallel_loop3A_1135 : vector<16xf32>
        %parallel_loop3A_1138 = tpu.iota {dimensions = array<i32: 0>} : vector<16xi32>
        %parallel_loop3A_1139 = arith.constant 80 : i32
        %parallel_loop3A_1140 = vector.broadcast %parallel_loop3A_1139 : i32 to vector<16xi32>
        %parallel_loop3A_1141 = arith.addi %parallel_loop3A_1138, %parallel_loop3A_1140 : vector<16xi32>
        %parallel_loop3A_1142 = tpu.vector_load_idx %arg20[%parallel_loop3A_1141, %parallel_loop3A_1017] : memref<128x32xi32, #tpu.memory_space<vmem>>[vector<16xi32>, vector<16xi32>], vector<16xi32>,
        %parallel_loop3A_1143 = tpu.vector_load_idx %arg21[%parallel_loop3A_1141, %parallel_loop3A_1017] : memref<128x32xi32, #tpu.memory_space<vmem>>[vector<16xi32>, vector<16xi32>], vector<16xi32>,
        %parallel_loop3A_1144 = vector.bitcast %parallel_loop3A_1142 : vector<16xi32> to vector<32xbf16>
        %parallel_loop3A_1145 = vector.bitcast %parallel_loop3A_1143 : vector<16xi32> to vector<32xbf16>
        %parallel_loop3A_1146 = arith.addf %parallel_loop3A_1144, %parallel_loop3A_1145 : vector<32xbf16>
        %parallel_loop3A_1147 = arith.constant 0.000000e+00 : bf16
        %parallel_loop3A_1148 = vector.broadcast %parallel_loop3A_1147 : bf16 to vector<32xbf16>
        %parallel_loop3A_1149 = arith.maximumf %parallel_loop3A_1146, %parallel_loop3A_1148 : vector<32xbf16>
        %parallel_loop3A_1150 = arith.mulf %parallel_loop3A_1149, %parallel_loop3A_1016 : vector<32xbf16>
        %parallel_loop3A_1151 = vector.bitcast %parallel_loop3A_1150 : vector<32xbf16> to vector<16xi32>
        %parallel_loop3A_1152 = arith.constant 16 : i32
        %parallel_loop3A_1153 = vector.broadcast %parallel_loop3A_1152 : i32 to vector<16xi32>
        %parallel_loop3A_1154 = arith.shli %parallel_loop3A_1151, %parallel_loop3A_1153 : vector<16xi32>
        %parallel_loop3A_1155 = vector.bitcast %parallel_loop3A_1154 : vector<16xi32> to vector<16xf32>
        %parallel_loop3A_1156 = arith.constant -65536 : i32
        %parallel_loop3A_1157 = vector.broadcast %parallel_loop3A_1156 : i32 to vector<16xi32>
        %parallel_loop3A_1158 = arith.andi %parallel_loop3A_1151, %parallel_loop3A_1157 : vector<16xi32>
        %parallel_loop3A_1159 = vector.bitcast %parallel_loop3A_1158 : vector<16xi32> to vector<16xf32>
        %parallel_loop3A_1160 = arith.addf %parallel_loop3A_1011, %parallel_loop3A_1155 : vector<16xf32>
        %parallel_loop3A_1161 = arith.addf %parallel_loop3A_1160, %parallel_loop3A_1159 : vector<16xf32>
        %parallel_loop3A_1162 = tpu.iota {dimensions = array<i32: 0>} : vector<16xi32>
        %parallel_loop3A_1163 = arith.constant 96 : i32
        %parallel_loop3A_1164 = vector.broadcast %parallel_loop3A_1163 : i32 to vector<16xi32>
        %parallel_loop3A_1165 = arith.addi %parallel_loop3A_1162, %parallel_loop3A_1164 : vector<16xi32>
        %parallel_loop3A_1166 = tpu.vector_load_idx %arg20[%parallel_loop3A_1165, %parallel_loop3A_1017] : memref<128x32xi32, #tpu.memory_space<vmem>>[vector<16xi32>, vector<16xi32>], vector<16xi32>,
        %parallel_loop3A_1167 = tpu.vector_load_idx %arg21[%parallel_loop3A_1165, %parallel_loop3A_1017] : memref<128x32xi32, #tpu.memory_space<vmem>>[vector<16xi32>, vector<16xi32>], vector<16xi32>,
        %parallel_loop3A_1168 = vector.bitcast %parallel_loop3A_1166 : vector<16xi32> to vector<32xbf16>
        %parallel_loop3A_1169 = vector.bitcast %parallel_loop3A_1167 : vector<16xi32> to vector<32xbf16>
        %parallel_loop3A_1170 = arith.addf %parallel_loop3A_1168, %parallel_loop3A_1169 : vector<32xbf16>
        %parallel_loop3A_1171 = arith.constant 0.000000e+00 : bf16
        %parallel_loop3A_1172 = vector.broadcast %parallel_loop3A_1171 : bf16 to vector<32xbf16>
        %parallel_loop3A_1173 = arith.maximumf %parallel_loop3A_1170, %parallel_loop3A_1172 : vector<32xbf16>
        %parallel_loop3A_1174 = arith.mulf %parallel_loop3A_1173, %parallel_loop3A_1016 : vector<32xbf16>
        %parallel_loop3A_1175 = vector.bitcast %parallel_loop3A_1174 : vector<32xbf16> to vector<16xi32>
        %parallel_loop3A_1176 = arith.constant 16 : i32
        %parallel_loop3A_1177 = vector.broadcast %parallel_loop3A_1176 : i32 to vector<16xi32>
        %parallel_loop3A_1178 = arith.shli %parallel_loop3A_1175, %parallel_loop3A_1177 : vector<16xi32>
        %parallel_loop3A_1179 = vector.bitcast %parallel_loop3A_1178 : vector<16xi32> to vector<16xf32>
        %parallel_loop3A_1180 = arith.constant -65536 : i32
        %parallel_loop3A_1181 = vector.broadcast %parallel_loop3A_1180 : i32 to vector<16xi32>
        %parallel_loop3A_1182 = arith.andi %parallel_loop3A_1175, %parallel_loop3A_1181 : vector<16xi32>
        %parallel_loop3A_1183 = vector.bitcast %parallel_loop3A_1182 : vector<16xi32> to vector<16xf32>
        %parallel_loop3A_1184 = arith.addf %parallel_loop3A_1012, %parallel_loop3A_1179 : vector<16xf32>
        %parallel_loop3A_1185 = arith.addf %parallel_loop3A_1184, %parallel_loop3A_1183 : vector<16xf32>
        %parallel_loop3A_1186 = tpu.iota {dimensions = array<i32: 0>} : vector<16xi32>
        %parallel_loop3A_1187 = arith.constant 112 : i32
        %parallel_loop3A_1188 = vector.broadcast %parallel_loop3A_1187 : i32 to vector<16xi32>
        %parallel_loop3A_1189 = arith.addi %parallel_loop3A_1186, %parallel_loop3A_1188 : vector<16xi32>
        %parallel_loop3A_1190 = tpu.vector_load_idx %arg20[%parallel_loop3A_1189, %parallel_loop3A_1017] : memref<128x32xi32, #tpu.memory_space<vmem>>[vector<16xi32>, vector<16xi32>], vector<16xi32>,
        %parallel_loop3A_1191 = tpu.vector_load_idx %arg21[%parallel_loop3A_1189, %parallel_loop3A_1017] : memref<128x32xi32, #tpu.memory_space<vmem>>[vector<16xi32>, vector<16xi32>], vector<16xi32>,
        %parallel_loop3A_1192 = vector.bitcast %parallel_loop3A_1190 : vector<16xi32> to vector<32xbf16>
        %parallel_loop3A_1193 = vector.bitcast %parallel_loop3A_1191 : vector<16xi32> to vector<32xbf16>
        %parallel_loop3A_1194 = arith.addf %parallel_loop3A_1192, %parallel_loop3A_1193 : vector<32xbf16>
        %parallel_loop3A_1195 = arith.constant 0.000000e+00 : bf16
        %parallel_loop3A_1196 = vector.broadcast %parallel_loop3A_1195 : bf16 to vector<32xbf16>
        %parallel_loop3A_1197 = arith.maximumf %parallel_loop3A_1194, %parallel_loop3A_1196 : vector<32xbf16>
        %parallel_loop3A_1198 = arith.mulf %parallel_loop3A_1197, %parallel_loop3A_1016 : vector<32xbf16>
        %parallel_loop3A_1199 = vector.bitcast %parallel_loop3A_1198 : vector<32xbf16> to vector<16xi32>
        %parallel_loop3A_1200 = arith.constant 16 : i32
        %parallel_loop3A_1201 = vector.broadcast %parallel_loop3A_1200 : i32 to vector<16xi32>
        %parallel_loop3A_1202 = arith.shli %parallel_loop3A_1199, %parallel_loop3A_1201 : vector<16xi32>
        %parallel_loop3A_1203 = vector.bitcast %parallel_loop3A_1202 : vector<16xi32> to vector<16xf32>
        %parallel_loop3A_1204 = arith.constant -65536 : i32
        %parallel_loop3A_1205 = vector.broadcast %parallel_loop3A_1204 : i32 to vector<16xi32>
        %parallel_loop3A_1206 = arith.andi %parallel_loop3A_1199, %parallel_loop3A_1205 : vector<16xi32>
        %parallel_loop3A_1207 = vector.bitcast %parallel_loop3A_1206 : vector<16xi32> to vector<16xf32>
        %parallel_loop3A_1208 = arith.addf %parallel_loop3A_1013, %parallel_loop3A_1203 : vector<16xf32>
        %parallel_loop3A_1209 = arith.addf %parallel_loop3A_1208, %parallel_loop3A_1207 : vector<16xf32>
        scf.yield %parallel_loop3A_1041, %parallel_loop3A_1065, %parallel_loop3A_1089, %parallel_loop3A_1113, %parallel_loop3A_1137, %parallel_loop3A_1161, %parallel_loop3A_1185, %parallel_loop3A_1209 : vector<16xf32>, vector<16xf32>, vector<16xf32>, vector<16xf32>, vector<16xf32>, vector<16xf32>, vector<16xf32>, vector<16xf32>
      } {sc.loop_unroll_factor = 16 : i64, sc.parallel_access}
      %add3A_813 = arith.constant 0 : i32
      %add3A_814 = arith.addi %add3A_792, %add3A_813 : i32
      %get3A_815 = arith.index_cast %add3A_814 : i32 to index
      %get3A_816 = tpu.vector_load %arg12[%get3A_815] {strides = array<i32>} : memref<5120xf32, #tpu.memory_space<vmem>>, vector<16xf32>,
      %sub3A_817 = arith.constant 1.000000e+00 : f32
      %sub3A_818 = vector.broadcast %sub3A_817 : f32 to vector<16xf32>
      %sub3A_819 = arith.subf %sub3A_818, %get3A_816 : vector<16xf32>
      %div3A_820 = arith.divf %sub3A_819, %get3A_816 : vector<16xf32>
      %add3A_821 = arith.addf %parallel_loop3A_812#0, %get3A_788 : vector<16xf32>
      %neg3A_822 = arith.constant 0.000000e+00 : f32
      %neg3A_823 = vector.broadcast %neg3A_822 : f32 to vector<16xf32>
      %neg3A_824 = arith.subf %neg3A_823, %add3A_821 : vector<16xf32>
      %exp3A_825 = math.exp %neg3A_824 : vector<16xf32>
      %mul3A_826 = arith.mulf %div3A_820, %exp3A_825 : vector<16xf32>
      %add3A_827 = arith.constant 1.000000e+00 : f32
      %add3A_828 = vector.broadcast %add3A_827 : f32 to vector<16xf32>
      %add3A_829 = arith.addf %add3A_828, %mul3A_826 : vector<16xf32>
      %div3A_830 = arith.constant 1.000000e+00 : f32
      %div3A_831 = vector.broadcast %div3A_830 : f32 to vector<16xf32>
      %div3A_832 = arith.divf %div3A_831, %add3A_829 : vector<16xf32>
      %add3A_833 = arith.constant 0 : i32
      %add3A_834 = arith.addi %add3A_792, %add3A_833 : i32
      %swap3A_835 = arith.index_cast %add3A_834 : i32 to index
      %swap3A_836 = tpu.vector_load %arg13[%swap3A_835] {strides = array<i32>} : memref<5120xf32, #tpu.memory_space<vmem>>, vector<16xf32>,
      tpu.vector_store %arg13[%swap3A_835], %div3A_832 {strides = array<i32>} : memref<5120xf32, #tpu.memory_space<vmem>>, vector<16xf32>,
      %add3A_837 = arith.constant 16 : i32
      %add3A_838 = arith.addi %add3A_792, %add3A_837 : i32
      %get3A_839 = arith.index_cast %add3A_838 : i32 to index
      %get3A_840 = tpu.vector_load %arg12[%get3A_839] {strides = array<i32>} : memref<5120xf32, #tpu.memory_space<vmem>>, vector<16xf32>,
      %sub3A_841 = arith.constant 1.000000e+00 : f32
      %sub3A_842 = vector.broadcast %sub3A_841 : f32 to vector<16xf32>
      %sub3A_843 = arith.subf %sub3A_842, %get3A_840 : vector<16xf32>
      %div3A_844 = arith.divf %sub3A_843, %get3A_840 : vector<16xf32>
      %add3A_845 = arith.addf %parallel_loop3A_812#1, %get3A_788 : vector<16xf32>
      %neg3A_846 = arith.constant 0.000000e+00 : f32
      %neg3A_847 = vector.broadcast %neg3A_846 : f32 to vector<16xf32>
      %neg3A_848 = arith.subf %neg3A_847, %add3A_845 : vector<16xf32>
      %exp3A_849 = math.exp %neg3A_848 : vector<16xf32>
      %mul3A_850 = arith.mulf %div3A_844, %exp3A_849 : vector<16xf32>
      %add3A_851 = arith.constant 1.000000e+00 : f32
      %add3A_852 = vector.broadcast %add3A_851 : f32 to vector<16xf32>
      %add3A_853 = arith.addf %add3A_852, %mul3A_850 : vector<16xf32>
      %div3A_854 = arith.constant 1.000000e+00 : f32
      %div3A_855 = vector.broadcast %div3A_854 : f32 to vector<16xf32>
      %div3A_856 = arith.divf %div3A_855, %add3A_853 : vector<16xf32>
      %add3A_857 = arith.constant 16 : i32
      %add3A_858 = arith.addi %add3A_792, %add3A_857 : i32
      %swap3A_859 = arith.index_cast %add3A_858 : i32 to index
      %swap3A_860 = tpu.vector_load %arg13[%swap3A_859] {strides = array<i32>} : memref<5120xf32, #tpu.memory_space<vmem>>, vector<16xf32>,
      tpu.vector_store %arg13[%swap3A_859], %div3A_856 {strides = array<i32>} : memref<5120xf32, #tpu.memory_space<vmem>>, vector<16xf32>,
      %add3A_861 = arith.constant 32 : i32
      %add3A_862 = arith.addi %add3A_792, %add3A_861 : i32
      %get3A_863 = arith.index_cast %add3A_862 : i32 to index
      %get3A_864 = tpu.vector_load %arg12[%get3A_863] {strides = array<i32>} : memref<5120xf32, #tpu.memory_space<vmem>>, vector<16xf32>,
      %sub3A_865 = arith.constant 1.000000e+00 : f32
      %sub3A_866 = vector.broadcast %sub3A_865 : f32 to vector<16xf32>
      %sub3A_867 = arith.subf %sub3A_866, %get3A_864 : vector<16xf32>
      %div3A_868 = arith.divf %sub3A_867, %get3A_864 : vector<16xf32>
      %add3A_869 = arith.addf %parallel_loop3A_812#2, %get3A_788 : vector<16xf32>
      %neg3A_870 = arith.constant 0.000000e+00 : f32
      %neg3A_871 = vector.broadcast %neg3A_870 : f32 to vector<16xf32>
      %neg3A_872 = arith.subf %neg3A_871, %add3A_869 : vector<16xf32>
      %exp3A_873 = math.exp %neg3A_872 : vector<16xf32>
      %mul3A_874 = arith.mulf %div3A_868, %exp3A_873 : vector<16xf32>
      %add3A_875 = arith.constant 1.000000e+00 : f32
      %add3A_876 = vector.broadcast %add3A_875 : f32 to vector<16xf32>
      %add3A_877 = arith.addf %add3A_876, %mul3A_874 : vector<16xf32>
      %div3A_878 = arith.constant 1.000000e+00 : f32
      %div3A_879 = vector.broadcast %div3A_878 : f32 to vector<16xf32>
      %div3A_880 = arith.divf %div3A_879, %add3A_877 : vector<16xf32>
      %add3A_881 = arith.constant 32 : i32
      %add3A_882 = arith.addi %add3A_792, %add3A_881 : i32
      %swap3A_883 = arith.index_cast %add3A_882 : i32 to index
      %swap3A_884 = tpu.vector_load %arg13[%swap3A_883] {strides = array<i32>} : memref<5120xf32, #tpu.memory_space<vmem>>, vector<16xf32>,
      tpu.vector_store %arg13[%swap3A_883], %div3A_880 {strides = array<i32>} : memref<5120xf32, #tpu.memory_space<vmem>>, vector<16xf32>,
      %add3A_885 = arith.constant 48 : i32
      %add3A_886 = arith.addi %add3A_792, %add3A_885 : i32
      %get3A_887 = arith.index_cast %add3A_886 : i32 to index
      %get3A_888 = tpu.vector_load %arg12[%get3A_887] {strides = array<i32>} : memref<5120xf32, #tpu.memory_space<vmem>>, vector<16xf32>,
      %sub3A_889 = arith.constant 1.000000e+00 : f32
      %sub3A_890 = vector.broadcast %sub3A_889 : f32 to vector<16xf32>
      %sub3A_891 = arith.subf %sub3A_890, %get3A_888 : vector<16xf32>
      %div3A_892 = arith.divf %sub3A_891, %get3A_888 : vector<16xf32>
      %add3A_893 = arith.addf %parallel_loop3A_812#3, %get3A_788 : vector<16xf32>
      %neg3A_894 = arith.constant 0.000000e+00 : f32
      %neg3A_895 = vector.broadcast %neg3A_894 : f32 to vector<16xf32>
      %neg3A_896 = arith.subf %neg3A_895, %add3A_893 : vector<16xf32>
      %exp3A_897 = math.exp %neg3A_896 : vector<16xf32>
      %mul3A_898 = arith.mulf %div3A_892, %exp3A_897 : vector<16xf32>
      %add3A_899 = arith.constant 1.000000e+00 : f32
      %add3A_900 = vector.broadcast %add3A_899 : f32 to vector<16xf32>
      %add3A_901 = arith.addf %add3A_900, %mul3A_898 : vector<16xf32>
      %div3A_902 = arith.constant 1.000000e+00 : f32
      %div3A_903 = vector.broadcast %div3A_902 : f32 to vector<16xf32>
      %div3A_904 = arith.divf %div3A_903, %add3A_901 : vector<16xf32>
      %add3A_905 = arith.constant 48 : i32
      %add3A_906 = arith.addi %add3A_792, %add3A_905 : i32
      %swap3A_907 = arith.index_cast %add3A_906 : i32 to index
      %swap3A_908 = tpu.vector_load %arg13[%swap3A_907] {strides = array<i32>} : memref<5120xf32, #tpu.memory_space<vmem>>, vector<16xf32>,
      tpu.vector_store %arg13[%swap3A_907], %div3A_904 {strides = array<i32>} : memref<5120xf32, #tpu.memory_space<vmem>>, vector<16xf32>,
      %add3A_909 = arith.constant 64 : i32
      %add3A_910 = arith.addi %add3A_792, %add3A_909 : i32
      %get3A_911 = arith.index_cast %add3A_910 : i32 to index
      %get3A_912 = tpu.vector_load %arg12[%get3A_911] {strides = array<i32>} : memref<5120xf32, #tpu.memory_space<vmem>>, vector<16xf32>,
      %sub3A_913 = arith.constant 1.000000e+00 : f32
      %sub3A_914 = vector.broadcast %sub3A_913 : f32 to vector<16xf32>
      %sub3A_915 = arith.subf %sub3A_914, %get3A_912 : vector<16xf32>
      %div3A_916 = arith.divf %sub3A_915, %get3A_912 : vector<16xf32>
      %add3A_917 = arith.addf %parallel_loop3A_812#4, %get3A_788 : vector<16xf32>
      %neg3A_918 = arith.constant 0.000000e+00 : f32
      %neg3A_919 = vector.broadcast %neg3A_918 : f32 to vector<16xf32>
      %neg3A_920 = arith.subf %neg3A_919, %add3A_917 : vector<16xf32>
      %exp3A_921 = math.exp %neg3A_920 : vector<16xf32>
      %mul3A_922 = arith.mulf %div3A_916, %exp3A_921 : vector<16xf32>
      %add3A_923 = arith.constant 1.000000e+00 : f32
      %add3A_924 = vector.broadcast %add3A_923 : f32 to vector<16xf32>
      %add3A_925 = arith.addf %add3A_924, %mul3A_922 : vector<16xf32>
      %div3A_926 = arith.constant 1.000000e+00 : f32
      %div3A_927 = vector.broadcast %div3A_926 : f32 to vector<16xf32>
      %div3A_928 = arith.divf %div3A_927, %add3A_925 : vector<16xf32>
      %add3A_929 = arith.constant 64 : i32
      %add3A_930 = arith.addi %add3A_792, %add3A_929 : i32
      %swap3A_931 = arith.index_cast %add3A_930 : i32 to index
      %swap3A_932 = tpu.vector_load %arg13[%swap3A_931] {strides = array<i32>} : memref<5120xf32, #tpu.memory_space<vmem>>, vector<16xf32>,
      tpu.vector_store %arg13[%swap3A_931], %div3A_928 {strides = array<i32>} : memref<5120xf32, #tpu.memory_space<vmem>>, vector<16xf32>,
      %add3A_933 = arith.constant 80 : i32
      %add3A_934 = arith.addi %add3A_792, %add3A_933 : i32
      %get3A_935 = arith.index_cast %add3A_934 : i32 to index
      %get3A_936 = tpu.vector_load %arg12[%get3A_935] {strides = array<i32>} : memref<5120xf32, #tpu.memory_space<vmem>>, vector<16xf32>,
      %sub3A_937 = arith.constant 1.000000e+00 : f32
      %sub3A_938 = vector.broadcast %sub3A_937 : f32 to vector<16xf32>
      %sub3A_939 = arith.subf %sub3A_938, %get3A_936 : vector<16xf32>
      %div3A_940 = arith.divf %sub3A_939, %get3A_936 : vector<16xf32>
      %add3A_941 = arith.addf %parallel_loop3A_812#5, %get3A_788 : vector<16xf32>
      %neg3A_942 = arith.constant 0.000000e+00 : f32
      %neg3A_943 = vector.broadcast %neg3A_942 : f32 to vector<16xf32>
      %neg3A_944 = arith.subf %neg3A_943, %add3A_941 : vector<16xf32>
      %exp3A_945 = math.exp %neg3A_944 : vector<16xf32>
      %mul3A_946 = arith.mulf %div3A_940, %exp3A_945 : vector<16xf32>
      %add3A_947 = arith.constant 1.000000e+00 : f32
      %add3A_948 = vector.broadcast %add3A_947 : f32 to vector<16xf32>
      %add3A_949 = arith.addf %add3A_948, %mul3A_946 : vector<16xf32>
      %div3A_950 = arith.constant 1.000000e+00 : f32
      %div3A_951 = vector.broadcast %div3A_950 : f32 to vector<16xf32>
      %div3A_952 = arith.divf %div3A_951, %add3A_949 : vector<16xf32>
      %add3A_953 = arith.constant 80 : i32
      %add3A_954 = arith.addi %add3A_792, %add3A_953 : i32
      %swap3A_955 = arith.index_cast %add3A_954 : i32 to index
      %swap3A_956 = tpu.vector_load %arg13[%swap3A_955] {strides = array<i32>} : memref<5120xf32, #tpu.memory_space<vmem>>, vector<16xf32>,
      tpu.vector_store %arg13[%swap3A_955], %div3A_952 {strides = array<i32>} : memref<5120xf32, #tpu.memory_space<vmem>>, vector<16xf32>,
      %add3A_957 = arith.constant 96 : i32
      %add3A_958 = arith.addi %add3A_792, %add3A_957 : i32
      %get3A_959 = arith.index_cast %add3A_958 : i32 to index
      %get3A_960 = tpu.vector_load %arg12[%get3A_959] {strides = array<i32>} : memref<5120xf32, #tpu.memory_space<vmem>>, vector<16xf32>,
      %sub3A_961 = arith.constant 1.000000e+00 : f32
      %sub3A_962 = vector.broadcast %sub3A_961 : f32 to vector<16xf32>
      %sub3A_963 = arith.subf %sub3A_962, %get3A_960 : vector<16xf32>
      %div3A_964 = arith.divf %sub3A_963, %get3A_960 : vector<16xf32>
      %add3A_965 = arith.addf %parallel_loop3A_812#6, %get3A_788 : vector<16xf32>
      %neg3A_966 = arith.constant 0.000000e+00 : f32
      %neg3A_967 = vector.broadcast %neg3A_966 : f32 to vector<16xf32>
      %neg3A_968 = arith.subf %neg3A_967, %add3A_965 : vector<16xf32>
      %exp3A_969 = math.exp %neg3A_968 : vector<16xf32>
      %mul3A_970 = arith.mulf %div3A_964, %exp3A_969 : vector<16xf32>
      %add3A_971 = arith.constant 1.000000e+00 : f32
      %add3A_972 = vector.broadcast %add3A_971 : f32 to vector<16xf32>
      %add3A_973 = arith.addf %add3A_972, %mul3A_970 : vector<16xf32>
      %div3A_974 = arith.constant 1.000000e+00 : f32
      %div3A_975 = vector.broadcast %div3A_974 : f32 to vector<16xf32>
      %div3A_976 = arith.divf %div3A_975, %add3A_973 : vector<16xf32>
      %add3A_977 = arith.constant 96 : i32
      %add3A_978 = arith.addi %add3A_792, %add3A_977 : i32
      %swap3A_979 = arith.index_cast %add3A_978 : i32 to index
      %swap3A_980 = tpu.vector_load %arg13[%swap3A_979] {strides = array<i32>} : memref<5120xf32, #tpu.memory_space<vmem>>, vector<16xf32>,
      tpu.vector_store %arg13[%swap3A_979], %div3A_976 {strides = array<i32>} : memref<5120xf32, #tpu.memory_space<vmem>>, vector<16xf32>,
      %add3A_981 = arith.constant 112 : i32
      %add3A_982 = arith.addi %add3A_792, %add3A_981 : i32
      %get3A_983 = arith.index_cast %add3A_982 : i32 to index
      %get3A_984 = tpu.vector_load %arg12[%get3A_983] {strides = array<i32>} : memref<5120xf32, #tpu.memory_space<vmem>>, vector<16xf32>,
      %sub3A_985 = arith.constant 1.000000e+00 : f32
      %sub3A_986 = vector.broadcast %sub3A_985 : f32 to vector<16xf32>
      %sub3A_987 = arith.subf %sub3A_986, %get3A_984 : vector<16xf32>
      %div3A_988 = arith.divf %sub3A_987, %get3A_984 : vector<16xf32>
      %add3A_989 = arith.addf %parallel_loop3A_812#7, %get3A_788 : vector<16xf32>
      %neg3A_990 = arith.constant 0.000000e+00 : f32
      %neg3A_991 = vector.broadcast %neg3A_990 : f32 to vector<16xf32>
      %neg3A_992 = arith.subf %neg3A_991, %add3A_989 : vector<16xf32>
      %exp3A_993 = math.exp %neg3A_992 : vector<16xf32>
      %mul3A_994 = arith.mulf %div3A_988, %exp3A_993 : vector<16xf32>
      %add3A_995 = arith.constant 1.000000e+00 : f32
      %add3A_996 = vector.broadcast %add3A_995 : f32 to vector<16xf32>
      %add3A_997 = arith.addf %add3A_996, %mul3A_994 : vector<16xf32>
      %div3A_998 = arith.constant 1.000000e+00 : f32
      %div3A_999 = vector.broadcast %div3A_998 : f32 to vector<16xf32>
      %div3A_1000 = arith.divf %div3A_999, %add3A_997 : vector<16xf32>
      %add3A_1001 = arith.constant 112 : i32
      %add3A_1002 = arith.addi %add3A_792, %add3A_1001 : i32
      %swap3A_1003 = arith.index_cast %add3A_1002 : i32 to index
      %swap3A_1004 = tpu.vector_load %arg13[%swap3A_1003] {strides = array<i32>} : memref<5120xf32, #tpu.memory_space<vmem>>, vector<16xf32>,
      tpu.vector_store %arg13[%swap3A_1003], %div3A_1000 {strides = array<i32>} : memref<5120xf32, #tpu.memory_space<vmem>>, vector<16xf32>,
    }
    %scan3A_47 = arith.constant 10 : i32
    %lt3A = arith.constant 31 : i32
    %lt3A_48 = arith.cmpi slt, %add3A, %lt3A : i32
    %convert_element_type3A = arith.extui %lt3A_48 : i1 to i32
    %cond3A = arith.constant 0 : i32
    %cond3A_49 = arith.cmpi ne, %convert_element_type3A, %cond3A : i32
    scf.if %cond3A_49 {
      "tpu.region"() ({
        %run_scoped3A = tpu.sem_alloc : memref<!tpu.dma_semaphore, #tpu.memory_space<semaphore_mem>>
        %dma_start3A_54 = tpu.memref_slice %arg9[%mul3A_2] : memref<160000xf32, #tpu.memory_space<hbm>> -> memref<5120xf32, #tpu.memory_space<hbm>>
        %dma_start3A_55 = tpu.memref_slice %arg9[%mul3A_2] : memref<160000xf32, #tpu.memory_space<hbm>> -> memref<5120xf32, #tpu.memory_space<hbm>>
        tpu.enqueue_dma source(%arg13 : memref<5120xf32, #tpu.memory_space<vmem>>) target(%dma_start3A_55 : memref<5120xf32, #tpu.memory_space<hbm>>) target_semaphore(%run_scoped3A : memref<!tpu.dma_semaphore, #tpu.memory_space<semaphore_mem>>)
        %dma_wait3A_56 = tpu.memref_slice %arg9[%mul3A_2] : memref<160000xf32, #tpu.memory_space<hbm>> -> memref<5120xf32, #tpu.memory_space<hbm>>
        %dma_wait3A_57 = tpu.memref_slice %arg9[%mul3A_2] : memref<160000xf32, #tpu.memory_space<hbm>> -> memref<5120xf32, #tpu.memory_space<hbm>>
        tpu.wait_dma2 semaphore(%run_scoped3A : memref<!tpu.dma_semaphore, #tpu.memory_space<semaphore_mem>>) src(%arg13 : memref<5120xf32, #tpu.memory_space<vmem>>) dst(%dma_wait3A_57 : memref<5120xf32, #tpu.memory_space<hbm>>)
        tpu.yield
      }) : () -> ()
    } else {
    }
    %eq3A = arith.constant 31 : i32
    %eq3A_50 = arith.cmpi eq, %add3A, %eq3A : i32
    %convert_element_type3A_51 = arith.extui %eq3A_50 : i1 to i32
    %cond3A_52 = arith.constant 0 : i32
    %cond3A_53 = arith.cmpi ne, %convert_element_type3A_51, %cond3A_52 : i32
    scf.if %cond3A_53 {
      "tpu.region"() ({
        %run_scoped3A = tpu.sem_alloc : memref<!tpu.dma_semaphore, #tpu.memory_space<semaphore_mem>>
        %dma_start3A_54 = arith.constant 0 : i32
        %dma_start3A_55 = tpu.memref_slice %arg13[%dma_start3A_54] : memref<5120xf32, #tpu.memory_space<vmem>> -> memref<1280xf32, #tpu.memory_space<vmem>>
        %dma_start3A_56 = tpu.memref_slice %arg9[%mul3A_2] : memref<160000xf32, #tpu.memory_space<hbm>> -> memref<1280xf32, #tpu.memory_space<hbm>>
        %dma_start3A_57 = tpu.memref_slice %arg9[%mul3A_2] : memref<160000xf32, #tpu.memory_space<hbm>> -> memref<1280xf32, #tpu.memory_space<hbm>>
        %dma_start3A_58 = arith.constant 0 : i32
        %dma_start3A_59 = tpu.memref_slice %arg13[%dma_start3A_58] : memref<5120xf32, #tpu.memory_space<vmem>> -> memref<1280xf32, #tpu.memory_space<vmem>>
        tpu.enqueue_dma source(%dma_start3A_59 : memref<1280xf32, #tpu.memory_space<vmem>>) target(%dma_start3A_57 : memref<1280xf32, #tpu.memory_space<hbm>>) target_semaphore(%run_scoped3A : memref<!tpu.dma_semaphore, #tpu.memory_space<semaphore_mem>>)
        %dma_wait3A_60 = arith.constant 0 : i32
        %dma_wait3A_61 = tpu.memref_slice %arg13[%dma_wait3A_60] : memref<5120xf32, #tpu.memory_space<vmem>> -> memref<1280xf32, #tpu.memory_space<vmem>>
        %dma_wait3A_62 = tpu.memref_slice %arg9[%mul3A_2] : memref<160000xf32, #tpu.memory_space<hbm>> -> memref<1280xf32, #tpu.memory_space<hbm>>
        %dma_wait3A_63 = tpu.memref_slice %arg9[%mul3A_2] : memref<160000xf32, #tpu.memory_space<hbm>> -> memref<1280xf32, #tpu.memory_space<hbm>>
        %dma_wait3A_64 = arith.constant 0 : i32
        %dma_wait3A_65 = tpu.memref_slice %arg13[%dma_wait3A_64] : memref<5120xf32, #tpu.memory_space<vmem>> -> memref<1280xf32, #tpu.memory_space<vmem>>
        tpu.wait_dma2 semaphore(%run_scoped3A : memref<!tpu.dma_semaphore, #tpu.memory_space<semaphore_mem>>) src(%dma_wait3A_65 : memref<1280xf32, #tpu.memory_space<vmem>>) dst(%dma_wait3A_63 : memref<1280xf32, #tpu.memory_space<hbm>>)
        tpu.yield
      }) : () -> ()
    } else {
    }
    return
  }
}

module attributes {stable_mosaic.version = 14 : i64} {
  func.func @_pack_body(%arg0: i32, %arg1: memref<1000x128xf32, #tpu.memory_space<vmem>>, %arg2: memref<128x64xf32, #tpu.memory_space<vmem>>, %arg3: memref<128x64xf32, #tpu.memory_space<vmem>>, %arg4: memref<8x128xf32, #tpu.memory_space<vmem>>, %arg5: memref<128x128xf32, #tpu.memory_space<vmem>>, %arg6: memref<8x64xf32, #tpu.memory_space<vmem>>, %arg7: memref<1000x32xi32, #tpu.memory_space<vmem>>, %arg8: memref<1000x32xi32, #tpu.memory_space<vmem>>) attributes {dimension_semantics = [#tpu.dimension_semantics<arbitrary>], iteration_bounds = array<i64: 10>, scalar_prefetch = 0 : i64, scratch_operands = 0 : i64, tpu.core_type = #tpu.core_type<tc>, window_params = [{transform_indices = @transform_0, window_bounds = array<i64: 1000, 128>}, {pipeline_mode = #tpu.pipeline_mode<synchronous>, transform_indices = @transform_1, window_bounds = array<i64: 128, 64>}, {pipeline_mode = #tpu.pipeline_mode<synchronous>, transform_indices = @transform_2, window_bounds = array<i64: 128, 64>}, {pipeline_mode = #tpu.pipeline_mode<synchronous>, transform_indices = @transform_3, window_bounds = array<i64: 8, 128>}, {pipeline_mode = #tpu.pipeline_mode<synchronous>, transform_indices = @transform_4, window_bounds = array<i64: 128, 128>}, {pipeline_mode = #tpu.pipeline_mode<synchronous>, transform_indices = @transform_5, window_bounds = array<i64: 8, 64>}, {transform_indices = @transform_6, window_bounds = array<i64: 1000, 32>}, {transform_indices = @transform_7, window_bounds = array<i64: 1000, 32>}]} {
    %get3A = arith.constant 0 : index
    %get3A_0 = arith.constant 0 : index
    %get3A_1 = vector.load %arg4[%get3A, %get3A_0] : memref<8x128xf32, #tpu.memory_space<vmem>>, vector<8x128xf32>
    %get3A_2 = arith.constant 0 : index
    %get3A_3 = arith.constant 0 : index
    %get3A_4 = vector.load %arg5[%get3A_2, %get3A_3] : memref<128x128xf32, #tpu.memory_space<vmem>>, vector<128x128xf32>
    %dot_general3A = arith.constant dense<0.000000e+00> : vector<8x128xf32>
    %dot_general3A_5 = tpu.matmul %get3A_1, %get3A_4, %dot_general3A {dimension_numbers = #tpu.dot_dimension_numbers<[1], [0], [0], [1], [0, 0, 1, 1], [], []>, transpose_lhs_hint = false} : vector<8x128xf32>, vector<128x128xf32>, vector<8x128xf32> -> vector<8x128xf32>
    %slice3A = vector.extract_strided_slice %dot_general3A_5 {offsets = [0, 0], sizes = [1, 64], strides = [1, 1]} : vector<8x128xf32> to vector<1x64xf32>
    %slice3A_6 = vector.extract_strided_slice %dot_general3A_5 {offsets = [1, 64], sizes = [1, 64], strides = [1, 1]} : vector<8x128xf32> to vector<1x64xf32>
    %add3A = arith.addf %slice3A, %slice3A_6 : vector<1x64xf32>
    %get3A_7 = arith.constant 0 : index
    %get3A_8 = arith.constant 0 : index
    %get3A_9 = vector.load %arg6[%get3A_7, %get3A_8] : memref<8x64xf32, #tpu.memory_space<vmem>>, vector<1x64xf32>
    %add3A_10 = arith.addf %add3A, %get3A_9 : vector<1x64xf32>
    %get3A_11 = arith.constant 0 : index
    %get3A_12 = arith.constant 0 : index
    %get3A_13 = vector.load %arg1[%get3A_11, %get3A_12] : memref<1000x128xf32, #tpu.memory_space<vmem>>, vector<1000x128xf32>
    %get3A_14 = arith.constant 0 : index
    %get3A_15 = arith.constant 0 : index
    %get3A_16 = vector.load %arg2[%get3A_14, %get3A_15] : memref<128x64xf32, #tpu.memory_space<vmem>>, vector<128x64xf32>
    %dot_general3A_17 = arith.constant dense<0.000000e+00> : vector<1000x64xf32>
    %dot_general3A_18 = tpu.matmul %get3A_13, %get3A_16, %dot_general3A_17 {dimension_numbers = #tpu.dot_dimension_numbers<[1], [0], [0], [1], [0, 0, 1, 1], [], []>, transpose_lhs_hint = false} : vector<1000x128xf32>, vector<128x64xf32>, vector<1000x64xf32> -> vector<1000x64xf32>
    %add3A_19 = vector.broadcast %add3A_10 : vector<1x64xf32> to vector<1000x64xf32>
    %add3A_20 = arith.addf %dot_general3A_18, %add3A_19 : vector<1000x64xf32>
    %get3A_21 = arith.constant 0 : index
    %get3A_22 = arith.constant 0 : index
    %get3A_23 = vector.load %arg3[%get3A_21, %get3A_22] : memref<128x64xf32, #tpu.memory_space<vmem>>, vector<128x64xf32>
    %dot_general3A_24 = arith.constant dense<0.000000e+00> : vector<1000x64xf32>
    %dot_general3A_25 = tpu.matmul %get3A_13, %get3A_23, %dot_general3A_24 {dimension_numbers = #tpu.dot_dimension_numbers<[1], [0], [0], [1], [0, 0, 1, 1], [], []>, transpose_lhs_hint = false} : vector<1000x128xf32>, vector<128x64xf32>, vector<1000x64xf32> -> vector<1000x64xf32>
    %slice3A_26 = vector.extract_strided_slice %add3A_20 {offsets = [0, 0], sizes = [1000, 32], strides = [1, 1]} : vector<1000x64xf32> to vector<1000x32xf32>
    %bitcast_convert_type3A = tpu.bitcast %slice3A_26 : vector<1000x32xf32> -> vector<1000x32xi32>
    %slice3A_27 = vector.extract_strided_slice %add3A_20 {offsets = [0, 32], sizes = [1000, 32], strides = [1, 1]} : vector<1000x64xf32> to vector<1000x32xf32>
    %bitcast_convert_type3A_28 = tpu.bitcast %slice3A_27 : vector<1000x32xf32> -> vector<1000x32xi32>
    %add3A_29 = arith.constant 32768 : i32
    %add3A_30 = vector.broadcast %add3A_29 : i32 to vector<1000x32xi32>
    %add3A_31 = arith.addi %bitcast_convert_type3A, %add3A_30 : vector<1000x32xi32>
    %and3A = arith.constant -65536 : i32
    %and3A_32 = vector.broadcast %and3A : i32 to vector<1000x32xi32>
    %and3A_33 = arith.andi %add3A_31, %and3A_32 : vector<1000x32xi32>
    %add3A_34 = arith.constant 32768 : i32
    %add3A_35 = vector.broadcast %add3A_34 : i32 to vector<1000x32xi32>
    %add3A_36 = arith.addi %bitcast_convert_type3A_28, %add3A_35 : vector<1000x32xi32>
    %shift_right_logical3A = arith.constant 16 : i32
    %shift_right_logical3A_37 = vector.broadcast %shift_right_logical3A : i32 to vector<1000x32xi32>
    %shift_right_logical3A_38 = arith.shrui %add3A_36, %shift_right_logical3A_37 : vector<1000x32xi32>
    %or3A = arith.ori %and3A_33, %shift_right_logical3A_38 : vector<1000x32xi32>
    %swap3A = arith.constant 0 : index
    %swap3A_39 = arith.constant 0 : index
    %swap3A_40 = vector.load %arg7[%swap3A, %swap3A_39] : memref<1000x32xi32, #tpu.memory_space<vmem>>, vector<1000x32xi32>
    tpu.vector_store %arg7[%swap3A, %swap3A_39], %or3A {strides = array<i32>} : memref<1000x32xi32, #tpu.memory_space<vmem>>, vector<1000x32xi32>,
    %slice3A_41 = vector.extract_strided_slice %dot_general3A_25 {offsets = [0, 0], sizes = [1000, 32], strides = [1, 1]} : vector<1000x64xf32> to vector<1000x32xf32>
    %bitcast_convert_type3A_42 = tpu.bitcast %slice3A_41 : vector<1000x32xf32> -> vector<1000x32xi32>
    %slice3A_43 = vector.extract_strided_slice %dot_general3A_25 {offsets = [0, 32], sizes = [1000, 32], strides = [1, 1]} : vector<1000x64xf32> to vector<1000x32xf32>
    %bitcast_convert_type3A_44 = tpu.bitcast %slice3A_43 : vector<1000x32xf32> -> vector<1000x32xi32>
    %add3A_45 = arith.constant 32768 : i32
    %add3A_46 = vector.broadcast %add3A_45 : i32 to vector<1000x32xi32>
    %add3A_47 = arith.addi %bitcast_convert_type3A_42, %add3A_46 : vector<1000x32xi32>
    %and3A_48 = arith.constant -65536 : i32
    %and3A_49 = vector.broadcast %and3A_48 : i32 to vector<1000x32xi32>
    %and3A_50 = arith.andi %add3A_47, %and3A_49 : vector<1000x32xi32>
    %add3A_51 = arith.constant 32768 : i32
    %add3A_52 = vector.broadcast %add3A_51 : i32 to vector<1000x32xi32>
    %add3A_53 = arith.addi %bitcast_convert_type3A_44, %add3A_52 : vector<1000x32xi32>
    %shift_right_logical3A_54 = arith.constant 16 : i32
    %shift_right_logical3A_55 = vector.broadcast %shift_right_logical3A_54 : i32 to vector<1000x32xi32>
    %shift_right_logical3A_56 = arith.shrui %add3A_53, %shift_right_logical3A_55 : vector<1000x32xi32>
    %or3A_57 = arith.ori %and3A_50, %shift_right_logical3A_56 : vector<1000x32xi32>
    %swap3A_58 = arith.constant 0 : index
    %swap3A_59 = arith.constant 0 : index
    %swap3A_60 = vector.load %arg8[%swap3A_58, %swap3A_59] : memref<1000x32xi32, #tpu.memory_space<vmem>>, vector<1000x32xi32>
    tpu.vector_store %arg8[%swap3A_58, %swap3A_59], %or3A_57 {strides = array<i32>} : memref<1000x32xi32, #tpu.memory_space<vmem>>, vector<1000x32xi32>,
    return
  }
  func.func @transform_0(%arg0: i32) -> (i32, i32) {
    %c0_i32 = arith.constant 0 : i32
    %c0_i32_0 = arith.constant 0 : i32
    return %arg0, %c0_i32 : i32, i32
  }
  func.func @transform_1(%arg0: i32) -> (i32, i32) {
    %c0_i32 = arith.constant 0 : i32
    %c0_i32_0 = arith.constant 0 : i32
    %c0_i32_1 = arith.constant 0 : i32
    return %c0_i32, %c0_i32_0 : i32, i32
  }
  func.func @transform_2(%arg0: i32) -> (i32, i32) {
    %c0_i32 = arith.constant 0 : i32
    %c0_i32_0 = arith.constant 0 : i32
    %c0_i32_1 = arith.constant 0 : i32
    return %c0_i32, %c0_i32_0 : i32, i32
  }
  func.func @transform_3(%arg0: i32) -> (i32, i32) {
    %c0_i32 = arith.constant 0 : i32
    %c0_i32_0 = arith.constant 0 : i32
    %c0_i32_1 = arith.constant 0 : i32
    return %c0_i32, %c0_i32_0 : i32, i32
  }
  func.func @transform_4(%arg0: i32) -> (i32, i32) {
    %c0_i32 = arith.constant 0 : i32
    %c0_i32_0 = arith.constant 0 : i32
    %c0_i32_1 = arith.constant 0 : i32
    return %c0_i32, %c0_i32_0 : i32, i32
  }
  func.func @transform_5(%arg0: i32) -> (i32, i32) {
    %c0_i32 = arith.constant 0 : i32
    %c0_i32_0 = arith.constant 0 : i32
    %c0_i32_1 = arith.constant 0 : i32
    return %c0_i32, %c0_i32_0 : i32, i32
  }
  func.func @transform_6(%arg0: i32) -> (i32, i32) {
    %c0_i32 = arith.constant 0 : i32
    %c0_i32_0 = arith.constant 0 : i32
    return %arg0, %c0_i32 : i32, i32
  }
  func.func @transform_7(%arg0: i32) -> (i32, i32) {
    %c0_i32 = arith.constant 0 : i32
    %c0_i32_0 = arith.constant 0 : i32
    return %arg0, %c0_i32 : i32, i32
  }
}

</mosaic_0001>

<sc_bundles>
// kernel: kernel.4.cloned.1.call-start
scs
__scs_entry_jumppad:
0x0: {  	(pc) =	sbr.rel $0x88, $3  }
0x1: {  	(tag) =	ssettag $0x0;
	lr =	simm.s32 $0x1  }
0x2: {  	[smem:$0x3F98] =	sst lr;
	_ =	strace $0xD0000000  }
0x3: {  	_ = 	snop  }
0x4: {  	_ = 	snop  }
0x5: {  	_ = 	snop  }
0x6: {  	_ = 	snop  }
0x7: {  	_ = 	snop  }
__scs_overlays_trampoline_lowered:
0x8: {  	[smem:$0x3FA7] =	sst s0  }
0x9: {  	[smem:$0x3FA8] =	sst s1  }
0xa: {  	[smem:$0x3FA9] =	sst s2  }
0xb: {  	[smem:$0x3FAA] =	sst s3  }
0xc: {  	[smem:$0x3FAB] =	sst s4  }
0xd: {  	[smem:$0x3FAC] =	sst s5  }
0xe: {  	[smem:$0x3FAD] =	sst s6  }
0xf: {  	[smem:$0x3FAE] =	sst s7  }
0x10: {  	[smem:$0x3FAF] =	sst s8  }
0x11: {  	[smem:$0x3FB0] =	sst s9;
	s0 =	simm.s32 @!p0 $0x0  }
0x12: {  	s1 =	sld [smem:$0x3F96];
	s0 =	simm.s32 @p0 $0x1  }
0x13: {  	[smem:$0x3FB1] =	sst s0;
	s0 =	simm.s32 @!p1 $0x0  }
0x14: {  	s2 =	sld [smem:$0x3F95];
	s0 =	simm.s32 @p1 $0x1  }
0x15: {  	[smem:$0x3FB2] =	sst s0;
	s0 =	simm.s32 @!p2 $0x0  }
0x16: {  	s3 =	sld [smem:$0x3FDB];
	s0 =	simm.s32 @p2 $0x1  }
0x17: {  	s4 =	simm.s32 $0x1BF5;
	[smem:$0x3FB4] =	sst s0  }
0x18: {  	s0 =	sld [smem:$0x3F97];
	_ =	swait.ge [sflag:s4], $0x0  }
0x19: {  	s7 =	sld [smem:$0x3F98]  }
0x1a: {  	s8 =	sadd.s32 $0xFFFFE003, lr  }
0x1b: {  	s9 =	sadd.s32 $0xFFFFFEF7, lr;
	s5 =	simm.s32 $0xFFFFFFFF;
	p2 =	slt.u32 s8, $0xFFFFF086  }
0x1c: {  	p1 =	slt.u32 s9, $0xF7A;
	s5 =	simm.s32 @!p2 $0x0  }
0x1d: {  	s5 =	simm.s32 @p1 $0x1;
	p0 =	seq.s32 s7, s2  }
0x1e: {  	s7 =	smul.u32 @!p0 $0xF7A, s2;
	p2 =	seq.s32 @!p0 s5, $0x0  }
0x1f: {  	s9 =	smul.u32 $0xF7A, s1;
	s8 =	simm.s32 @!p0 $0x1BF5;
	p2 =	por !p2, p0  }
0x20: {  	[sflag:s8] =	ssyncset.s32 @!p0 $0xFFFFF086;
	s6 =	sadd.s32 @!p0 s3, s7;
	s7 =	simm.s32 @!p0 $0x108  }
0x21: {  	s3 =	sadd.s32 s3, s9;
	s6 =	sadd.s32 @!p0 $0x88, s6;
	s7 =	simm.s32 @p2 $0x1082  }
0x22: {  	[simem:s7], [sflag:s8] =	dma.local @!p0 [hbm:s6], $0xF7A  }
0x23: {  	s9 =	sor.u32 $0xD0000000, s2;
	s6 =	simm.s32 $0x108;
	_ =	swait.ge @!p0 [sflag:s8], $0x0  }
0x24: {  	s3 =	sadd.s32 $0x88, s3;
	s6 =	simm.s32 @!p1 $0x1082;
	[sflag:s4] =	ssyncset.s32 $0xFFFFF086  }
0x25: {  	[simem:s6], [sflag:s4] =	dma.local [hbm:s3], $0xF7A  }
0x26: {  	[smem:$0x3F98] =	sst s1;
	(tag) =	ssettag s2;
	_ =	strace s9  }
0x27: {  	s1 =	sld [smem:$0x3FA8]  }
0x28: {  	s2 =	sld [smem:$0x3FA9]  }
0x29: {  	s4 =	sld [smem:$0x3FAB]  }
0x2a: {  	p0 =	seq.s32 s5, $0x0;
	s5 =	sld [smem:$0x3FAC]  }
0x2b: {  	s6 =	sld [smem:$0x3FAD]  }
0x2c: {  	s7 =	sld [smem:$0x3FAE]  }
0x2d: {  	s3 =	simm.s32 $0x108;
	s8 =	sld [smem:$0x3FAF]  }
0x2e: {  	s3 =	simm.s32 @!p0 $0x1082;
	s9 =	sld [smem:$0x3FB0]  }
0x2f: {  	lr =	sadd.s32 s0, s3;
	s0 =	sld [smem:$0x3FA7]  }
0x30: {  	s3 =	sld [smem:$0x3FAA]  }
0x31: {  	[smem:$0x3FB3] =	sst s10  }
0x32: {  	s10 =	sld [smem:$0x3FB1];
	_ =	sdelay $0x3  }
0x33: {  	p0 =	seq.s32 s10, $0x1;
	s10 =	sld [smem:$0x3FB3];
	_ =	sdelay $0x3  }
0x34: {  	[smem:$0x3FB3] =	sst s10  }
0x35: {  	s10 =	sld [smem:$0x3FB2];
	_ =	sdelay $0x3  }
0x36: {  	p1 =	seq.s32 s10, $0x1;
	s10 =	sld [smem:$0x3FB3];
	_ =	sdelay $0x3  }
0x37: {  	[smem:$0x3FB3] =	sst s10  }
0x38: {  	s10 =	sld [smem:$0x3FB4]  }
0x39: {  	_ = 	snop;
	(pc) =	sbr.ind lr, $3  }
0x3a: {  	_ = 	snop  }
0x3b: {  	_ = 	snop  }
0x3c: {  	p2 =	seq.s32 s10, $0x1;
	s10 =	sld [smem:$0x3FB3]  }
0x3d: {  	_ =	shalt  }
0x3e: {  	_ =	shalt  }
0x3f: {  	_ =	shalt  }
0x40: {  	_ =	shalt  }
0x41: {  	_ =	shalt  }
0x42: {  	_ =	shalt  }
0x43: {  	_ =	shalt  }
0x44: {  	_ =	shalt  }
0x45: {  	_ =	shalt  }
0x46: {  	_ =	shalt  }
0x47: {  	_ =	shalt  }
0x48: {  	_ =	shalt  }
0x49: {  	_ =	shalt  }
0x4a: {  	_ =	shalt  }
0x4b: {  	_ =	shalt  }
0x4c: {  	_ =	shalt  }
0x4d: {  	_ =	shalt  }
0x4e: {  	_ =	shalt  }
0x4f: {  	_ =	shalt  }
0x50: {  	_ =	shalt  }
0x51: {  	_ =	shalt  }
0x52: {  	_ =	shalt  }
0x53: {  	_ =	shalt  }
0x54: {  	_ =	shalt  }
0x55: {  	_ =	shalt  }
0x56: {  	_ =	shalt  }
0x57: {  	_ =	shalt  }
0x58: {  	_ =	shalt  }
0x59: {  	_ =	shalt  }
0x5a: {  	_ =	shalt  }
0x5b: {  	_ =	shalt  }
0x5c: {  	_ =	shalt  }
0x5d: {  	_ =	shalt  }
0x5e: {  	_ =	shalt  }
0x5f: {  	_ =	shalt  }
0x60: {  	_ =	shalt  }
0x61: {  	_ =	shalt  }
0x62: {  	_ =	shalt  }
0x63: {  	_ =	shalt  }
0x64: {  	_ =	shalt  }
0x65: {  	_ =	shalt  }
0x66: {  	_ =	shalt  }
0x67: {  	_ =	shalt  }
0x68: {  	_ =	shalt  }
0x69: {  	_ =	shalt  }
0x6a: {  	_ =	shalt  }
0x6b: {  	_ =	shalt  }
0x6c: {  	_ =	shalt  }
0x6d: {  	_ =	shalt  }
0x6e: {  	_ =	shalt  }
0x6f: {  	_ =	shalt  }
0x70: {  	_ =	shalt  }
0x71: {  	_ =	shalt  }
0x72: {  	_ =	shalt  }
0x73: {  	_ =	shalt  }
0x74: {  	_ =	shalt  }
0x75: {  	_ =	shalt  }
0x76: {  	_ =	shalt  }
0x77: {  	_ =	shalt  }
0x78: {  	_ =	shalt  }
0x79: {  	_ =	shalt  }
0x7a: {  	_ =	shalt  }
0x7b: {  	_ =	shalt  }
0x7c: {  	_ =	shalt  }
0x7d: {  	_ =	shalt  }
0x7e: {  	_ =	shalt  }
0x7f: {  	_ =	shalt  }
0x80: {  	_ =	shalt  }
0x81: {  	_ =	shalt  }
0x82: {  	_ =	shalt  }
0x83: {  	_ =	shalt  }
0x84: {  	_ =	shalt  }
0x85: {  	_ =	shalt  }
0x86: {  	_ =	shalt  }
0x87: {  	_ =	shalt  }
.Lfunc_end0:
.L_simem_size_0:
called_computation_lowered:
.L_overlay_start_0:
0x88: {  	s2 =	sld [smem:$0x3FD9]  }
0x89: {  	s3 =	sld [smem:$0x3FFE];
	_ =	sdelay $0x1  }
0x8a: {  	s1 =	srdreg.scid  }
0x8b: {  	s0 =	sand.u32 $0x1, s1  }
0x8c: {  	s17 =	sshll.u32 s0, $0xA;
	s2 =	sadd.s32 s3, s2  }
0x8d: {  	s2 =	sadd.s32 s2, s17  }
0x8e: {  	[smem:$0x3FBF] =	sst s2  }
0x8f: {  	_ = 	snop  }
0x90: {  	s2 =	sld [smem:$0x3FD0];
	(tm) =	ssettm $0x1  }
0x91: {  	s18 =	sld [smem:$0x3FFB];
	_ =	sdelay $0x3  }
0x92: {  	_ =	strace s18  }
0x93: {  	s3 =	sld [smem:$0x3FFC];
	_ =	sdelay $0x3  }
0x94: {  	_ =	strace s3  }
0x95: {  	s3 =	sld [smem:$0x3FFD];
	_ =	sdelay $0x3  }
0x96: {  	_ =	strace s3  }
0x97: {  	_ =	strace $0x8FFFFFFF  }
0x98: {  	s19 =	sld [smem:$0x3FDB];
	_ =	sdelay $0x1  }
0x99: {  	s4 =	simm.s32 $_scs_section_size  }
0x9a: {  	s5 =	simm.s32 $_size__tile_overlayer_lowered;
	s6 =	simm.s32 $_tile_overlayer_lowered  }
0x9b: {  	s22 =	simm.s32 $0x1BFF;
	s21 =	sshll.u32 s6, $0x1;
	s3 =	sadd.s32 s4, s19  }
0x9c: {  	s7 =	simm.s32 $0x0;
	s20 =	sshll.u32 s5, $0x1;
	s5 =	sadd.s32 s21, s3  }
0x9d: {  	[timem:s7], [sflag:s22] =	dma.local [hbm:s5], s20  }
0x9e: {  	_ =	swait.ge [sflag:s22], s20  }
0x9f: {  	s4 =	ssub.s32 $0x0, s20;
	[sflag:s22] =	ssyncset.done $0x0  }
0xa0: {  	[sflag:s22] =	ssyncadd.s32 s4;
	_ =	sdelay $0x1  }
0xa1: {  	s23 =	simm.s32 $0x1B8B  }
0xa2: {  	_ =	swait.ge [sflag:s23], $0x1  }
0xa3: {  	[sflag:s23] =	ssyncset.done $0x0  }
0xa4: {  	s25 =	simm.s32 $0x1B8E;
	s24 =	sld [smem:$0x3FFE];
	[sflag:s23] =	ssyncadd.s32 $0xFFFFFFFF  }
0xa5: {  	s26 =	simm.s32 $execute0_lowered;
	[smem:$0x3FD2] =	sst s25  }
0xa6: {  	s5 =	sshll.u32 s26, $0x1;
	_ =	strace $0x80000046;
	[dreg:$0x1] =	wrdreg $0xFFFFFFFF  }
0xa7: {  	s28 =	simm.s32 $_size_execute0_lowered;
	s3 =	sadd.s32 s3, s5;
	[dreg:$0x0] =	wrdreg $0x0  }
0xa8: {  	s5 =	sshll.u32 s28, $0x1;
	[dreg:$0x2] =	wrdreg s3  }
0xa9: {  	[dreg:$0x3] =	wrdreg s5  }
0xaa: {  	[dreg:$0x4] =	wrdreg $0xC0  }
0xab: {  	_ =	task [dreg:s7], $0x5FFFF  }
0xac: {  	[dreg:$0x1] =	wrdreg $0xFFFFFFFF  }
0xad: {  	[dreg:$0x0] =	wrdreg $0x60  }
0xae: {  	[dreg:$0x2] =	wrdreg s24  }
0xaf: {  	[dreg:$0x3] =	wrdreg s2  }
0xb0: {  	[dreg:$0x4] =	wrdreg $0x9  }
0xb1: {  	_ =	task.clear_ibuf [dreg:s7], $0x5FFFF;
	_ =	strace $0x90000046  }
0xb2: {  	s29 =	simm.s32 $0x9;
	_ =	strace $0x80000048  }
0xb3: {  	_ =	swait.ge [sflag:s29], $0x1  }
0xb4: {  	[sflag:s29] =	ssyncadd.s32 $0xFFFFFFFF  }
0xb5: {  	_ =	strace $0x90000048  }
0xb6: {  	_ =	sfence  }
0xb7: {  	s30 =	sld [smem:$0x0];
	_ =	sdelay $0x2  }
0xb8: {  	s31 =	sshll.u32 s1, $0xD;
	s1 =	sshrl.u32 s1, $0x2  }
0xb9: {  	s3 =	sand.u32 $0x4000, s31;
	s1 =	sadd.s32 s1, s30  }
0xba: {  	s0 =	sor.u32 s3, s0;
	s1 =	sshll.u32 s1, $0x11  }
0xbb: {  	s0 =	sor.u32 s1, s0  }
0xbc: {  	s0 =	sadd.s32 $0x8F2B, s0  }
0xbd: {  	[sflag:s0] =	ssyncadd.remote.s32 $0x1  }
0xbe: {  	_ =	sfence.sel $0xFFFF  }
0xbf: {  	[dreg:$0x0] =	wrdreg $0xFFFFFFFF;
	(pc) =	sbr.abs _section_cstart, $3  }
0xc0: {  	[dreg:$0x1] =	wrdreg $0xFFFFFFFF  }
0xc1: {  	_ =	task.clear_ibuf [dreg:s7], $0x2FFFF;
	_ =	strace $0x9FFFFFFF  }
0xc2: {  	(tm) =	ssettm $0x7FFFFFFF  }
0xc3: {  	_ =	shalt  }
tec
execute0_lowered:
.L_overlay_start_1:
0x0: {  	(tag) =	ssettag $0x1  }
0x1: {  	v0 =	vlaneseq.u32  }
0x2: {  	v62 =	vmul.u32 $0x20, v0;
	_ =	sdelay $0x1  }
0x3: {  	v3 =	vor.u32 $0x1, v62  }
0x4: {  	[tilespmem:$0x1FC50] =	vst v3;
	v3 =	vor.u32 $0x201, v62  }
0x5: {  	[tilespmem:$0x1FC60] =	vst v3;
	v3 =	vor.u32 $0x401, v62  }
0x6: {  	[tilespmem:$0x1FC70] =	vst v3;
	v3 =	vor.u32 $0x601, v62  }
0x7: {  	[tilespmem:$0x1FC80] =	vst v3;
	v3 =	vor.u32 $0x801, v62  }
0x8: {  	[tilespmem:$0x1FC90] =	vst v3;
	v3 =	vor.u32 $0xA01, v62  }
0x9: {  	[tilespmem:$0x1FCA0] =	vst v3;
	v3 =	vor.u32 $0xC01, v62  }
0xa: {  	[tilespmem:$0x1FCB0] =	vst v3;
	v3 =	vor.u32 $0xE01, v62  }
0xb: {  	[tilespmem:$0x1FCC0] =	vst v3;
	v3 =	vor.u32 $0x2, v62  }
0xc: {  	[tilespmem:$0x1FCD0] =	vst v3;
	v3 =	vor.u32 $0x202, v62  }
0xd: {  	[tilespmem:$0x1FCE0] =	vst v3;
	v3 =	vor.u32 $0x402, v62  }
0xe: {  	s2 =	stileid.u32;
	[tilespmem:$0x1FCF0] =	vst v3;
	v3 =	vor.u32 $0x602, v62  }
0xf: {  	s1 =	rddreg [dreg:$0x0];
	s24 =	sshll.u32 s2, $0x1;
	s2 =	simm.s32 $0x0;
	[tilespmem:$0x1FD00] =	vst v3;
	v3 =	vor.u32 $0x802, v62  }
0x10: {  	[smem:$0x7FF] =	sst s2;
	[tilespmem:$0x1FD10] =	vst v3;
	v3 =	vor.u32 $0xA02, v62  }
0x11: {  	s10 =	rddreg [dreg:$0x1];
	v27 =	vor.u32 $0x200, v62;
	_ =	strace $0x80000047;
	[tilespmem:$0x1FD20] =	vst v3  }
0x12: {  	v18 =	vor.u32 $0x400, v62;
	[tilespmem:$0x1FF90] =	vst v27  }
0x13: {  	v20 =	vor.u32 $0x600, v62;
	[tilespmem:$0x1FFA0] =	vst v18  }
0x14: {  	v21 =	vor.u32 $0x800, v62;
	[tilespmem:$0x1FFB0] =	vst v20  }
0x15: {  	v24 =	vor.u32 $0xC00, v62;
	[tilespmem:$0x1FFC0] =	vst v21  }
0x16: {  	v26 =	vor.u32 $0xE00, v62;
	[tilespmem:$0x1FFD0] =	vst v24  }
0x17: {  	v23 =	vor.u32 $0xA00, v62;
	[tilespmem:$0x1FFE0] =	vst v26  }
0x18: {  	v3 =	vor.u32 $0xC02, v62;
	[tilespmem:$0x1FFF0] =	vst v23  }
0x19: {  	[tilespmem:$0x1FD30] =	vst v3;
	v3 =	vor.u32 $0xE02, v62  }
0x1a: {  	[tilespmem:$0x1FD40] =	vst v3;
	v3 =	vor.u32 $0x3, v62  }
0x1b: {  	[tilespmem:$0x1FD50] =	vst v3;
	v3 =	vor.u32 $0x203, v62  }
0x1c: {  	[tilespmem:$0x1FD60] =	vst v3;
	v3 =	vor.u32 $0x403, v62  }
0x1d: {  	[tilespmem:$0x1FD70] =	vst v3;
	v3 =	vor.u32 $0x603, v62  }
0x1e: {  	[tilespmem:$0x1FD80] =	vst v3;
	v3 =	vor.u32 $0x803, v62  }
0x1f: {  	[tilespmem:$0x1FD90] =	vst v3;
	v3 =	vor.u32 $0xA03, v62  }
0x20: {  	[tilespmem:$0x1FDA0] =	vst v3;
	v3 =	vor.u32 $0xC03, v62  }
0x21: {  	[tilespmem:$0x1FDB0] =	vst v3;
	v3 =	vor.u32 $0xE03, v62  }
0x22: {  	[tilespmem:$0x1FDC0] =	vst v3;
	v3 =	vor.u32 $0x4, v62  }
0x23: {  	[tilespmem:$0x1FDD0] =	vst v3;
	v3 =	vor.u32 $0x204, v62  }
0x24: {  	[tilespmem:$0x1FDE0] =	vst v3;
	v3 =	vor.u32 $0x404, v62  }
0x25: {  	[tilespmem:$0x1FDF0] =	vst v3;
	v3 =	vor.u32 $0x604, v62  }
0x26: {  	[tilespmem:$0x1FE00] =	vst v3;
	v3 =	vor.u32 $0x804, v62  }
0x27: {  	[tilespmem:$0x1FE10] =	vst v3;
	v3 =	vor.u32 $0xA04, v62  }
0x28: {  	[tilespmem:$0x1FE20] =	vst v3;
	v3 =	vor.u32 $0xC04, v62  }
0x29: {  	[tilespmem:$0x1FE30] =	vst v3;
	v3 =	vor.u32 $0xE04, v62  }
0x2a: {  	[tilespmem:$0x1FE40] =	vst v3;
	v3 =	vor.u32 $0x5, v62  }
0x2b: {  	[tilespmem:$0x1FE50] =	vst v3;
	v3 =	vor.u32 $0x205, v62  }
0x2c: {  	[tilespmem:$0x1FE60] =	vst v3;
	v3 =	vor.u32 $0x405, v62  }
0x2d: {  	[tilespmem:$0x1FE70] =	vst v3;
	v3 =	vor.u32 $0x605, v62  }
0x2e: {  	[tilespmem:$0x1FE80] =	vst v3;
	v3 =	vor.u32 $0x805, v62  }
0x2f: {  	[tilespmem:$0x1FE90] =	vst v3;
	v3 =	vor.u32 $0xA05, v62  }
0x30: {  	[tilespmem:$0x1FEA0] =	vst v3;
	v3 =	vor.u32 $0xC05, v62  }
0x31: {  	[tilespmem:$0x1FEB0] =	vst v3;
	v3 =	vor.u32 $0xE05, v62  }
0x32: {  	[tilespmem:$0x1FEC0] =	vst v3;
	v3 =	vor.u32 $0x6, v62  }
0x33: {  	s0 =	srdreg.scid;
	s15 =	simm.s32 $0x6;
	[tilespmem:$0x1FED0] =	vst v3;
	v3 =	vor.u32 $0x206, v62  }
0x34: {  	s17 =	simm.s32 $0x1;
	s18 =	simm.s32 $0x80;
	s19 =	simm.s32 $0x5000;
	[tilespmem:$0x1FEE0] =	vst v3;
	v3 =	vor.u32 $0x406, v62  }
0x35: {  	s20 =	simm.s32 $0x6000;
	s21 =	simm.s32 $0x7000;
	s23 =	simm.s32 $0x8000;
	[tilespmem:$0x1FEF0] =	vst v3;
	v3 =	vor.u32 $0x606, v62  }
0x36: {  	s28 =	simm.s32 $0xA000;
	s29 =	simm.s32 $0xB000;
	s30 =	simm.s32 $0xC000;
	[tilespmem:$0x1FF00] =	vst v3;
	v3 =	vor.u32 $0x806, v62  }
0x37: {  	s31 =	simm.s32 $0x2;
	s13 =	simm.s32 $0x5;
	s5 =	sand.u32 $0x1, s0;
	[tilespmem:$0x1FF10] =	vst v3;
	v3 =	vor.u32 $0xA06, v62  }
0x38: {  	s14 =	simm.s32 $0x0;
	s3 =	sadd.s32 $0xB400, s1;
	s0 =	sor.u32 s5, s24;
	[tilespmem:$0x1FF20] =	vst v3;
	v3 =	vor.u32 $0xC06, v62  }
0x39: {  	s4 =	sadd.s32 $0x1600, s1;
	s7 =	ssub.s32 $0x2, s5;
	s11 =	smul.u32 $0x280, s0;
	[tilespmem:$0x1FF30] =	vst v3;
	v3 =	vor.u32 $0xE06, v62  }
0x3a: {  	s25 =	sadd.s32 $0x15200, s1;
	s6 =	sadd.s32 $0x24400, s1;
	s26 =	sshrl.u32 s7, $0x1;
	[tilespmem:$0x1FF40] =	vst v3;
	v3 =	vor.u32 $0x7, v62  }
0x3b: {  	p0 =	seq.s32 s0, $0x1F;
	s0 =	simm.s32 $0x4;
	s9 =	sadd.s32 s11, s1;
	[tilespmem:$0x1FF50] =	vst v3;
	v3 =	vor.u32 $0x207, v62  }
0x3c: {  	s1 =	ssub.s32 s7, s26;
	s10 =	sadd.s32 s10, s11;
	s7 =	sadd.s32 $0x1A400, s9;
	[tilespmem:$0x1FF60] =	vst v3;
	v3 =	vor.u32 $0x407, v62  }
0x3d: {  	v1 =	vimm.s32 $0x0;
	vm0 =	vcmask $0x300;
	s8 =	sadd.s32 $0x15400, s9;
	s9 =	sadd.s32 $0x1F400, s9;
	s11 =	smax.u32 s1, $0x1;
	[tilespmem:$0x1FF70] =	vst v3;
	v3 =	vor.u32 $0x607, v62  }
0x3e: {  	v2 =	vimm.bf16 $0.0e+00;
	v1 =	vsel vm0, $0x3, v1;
	s1 =	simm.s32 $0x3;
	[dreg:$0x3] =	wrdreg s25;
	s25 =	simm.s32 $0x9000;
	[tilespmem:$0x1FF80] =	vst v3  }
.LBB2_1:
0x3f: {  	[tilespmem:s2], [sflag:$0x1] =	stream.linear.gather [hbm4b:s7+s2], $0x1400, $0x38;
	[tilespmem:$0xD210] =	vst v63  }
0x40: {  	s12 =	simm.s32 $0x1400  }
0x41: {  	[tilespmem:s12], [sflag:$0x1] =	stream.linear.gather [hbm4b:s8+s2], $0x1400, $0x38;
	[tilespmem:$0xD210] =	vst v63  }
0x42: {  	s5 =	simm.s32 $0x2800  }
0x43: {  	[tilespmem:s5], [sflag:$0x1] =	stream.linear.gather [hbm4b:s9+s2], $0x1400, $0x38;
	[tilespmem:$0xD210] =	vst v63  }
0x44: {  	s26 =	rddreg [dreg:$0x3];
	s16 =	simm.s32 $0xD000  }
0x45: {  	[tilespmem:s16], [sflag:$0x6] =	stream.linear.gather [hbm4b:s26+s2], $0x200, $0x38;
	[tilespmem:$0xD210] =	vst v63  }
0x46: {  	_ =	swait.ge [sflag:s15], $0x200  }
0x47: {  	[sflag:s15] =	ssyncset.done $0x0  }
0x48: {  	s16 =	simm.s32 $0xD200;
	[sflag:s15] =	ssyncadd.s32 $0xFFFFFE00  }
0x49: {  	[tilespmem:s16], [sflag:$0x6] =	stream.linear.gather [hbm4b:s6+s2], $0x10, $0x38;
	[tilespmem:$0xD210] =	vst v63  }
0x4a: {  	_ =	swait.ge [sflag:s15], $0x10  }
0x4b: {  	[sflag:s15] =	ssyncset.done $0x0  }
0x4c: {  	[sflag:s15] =	ssyncadd.s32 $0xFFFFFFF0  }
0x4d: {  	_ =	swait.ge [sflag:s17], $0x1400  }
0x4e: {  	[sflag:s17] =	ssyncset.done $0x0  }
0x4f: {  	[sflag:s17] =	ssyncadd.s32 $0xFFFFEC00  }
0x50: {  	_ =	swait.ge [sflag:s17], $0x1400  }
0x51: {  	[sflag:s17] =	ssyncset.done $0x0  }
0x52: {  	[sflag:s17] =	ssyncadd.s32 $0xFFFFEC00  }
0x53: {  	_ =	swait.ge [sflag:s17], $0x1400  }
0x54: {  	[sflag:s17] =	ssyncset.done $0x0  }
0x55: {  	[sflag:s17] =	ssyncadd.s32 $0xFFFFEC00  }
0x56: {  	[tilespmem:s19], [sflag:$0x2] =	stream.indirect.gather [hbm4b:s3+s18], $0x20, s2, s18, $0xb8;
	[tilespmem:$0xD210] =	vst v63  }
0x57: {  	_ = 	snop  }
0x58: {  	[tilespmem:s20], [sflag:$0x2] =	stream.indirect.gather [hbm4b:s4+s18], $0x20, s12, s18, $0xb8;
	[tilespmem:$0xD210] =	vst v63  }
0x59: {  	_ = 	snop  }
0x5a: {  	[tilespmem:s21], [sflag:$0x3] =	stream.indirect.gather [hbm4b:s3+s18], $0x20, s18, s18, $0xb8;
	[tilespmem:$0xD210] =	vst v63  }
0x5b: {  	s22 =	simm.s32 $0x1480  }
0x5c: {  	[tilespmem:s23], [sflag:$0x3] =	stream.indirect.gather [hbm4b:s4+s18], $0x20, s22, s18, $0xb8;
	[tilespmem:$0xD210] =	vst v63  }
0x5d: {  	s24 =	simm.s32 $0x100  }
0x5e: {  	[tilespmem:s25], [sflag:$0x4] =	stream.indirect.gather [hbm4b:s3+s18], $0x20, s24, s18, $0xb8;
	[tilespmem:$0xD210] =	vst v63  }
0x5f: {  	s26 =	simm.s32 $0x1500;
	s16 =	simm.s32 $0x0  }
0x60: {  	[tilespmem:s28], [sflag:$0x4] =	stream.indirect.gather [hbm4b:s4+s18], $0x20, s26, s18, $0xb8;
	[tilespmem:$0xD210] =	vst v63  }
.LBB2_2:
0x61: {  	s22 =	sshll.u32 s16, $0x9  }
0x62: {  	s24 =	sor.u32 $0x180, s22  }
0x63: {  	[tilespmem:s29], [sflag:$0x5] =	stream.indirect.gather [hbm4b:s3+s18], $0x20, s24, s18, $0xb8;
	[tilespmem:$0xD210] =	vst v63  }
0x64: {  	s26 =	sadd.s32 $0x1580, s22  }
0x65: {  	[tilespmem:s30], [sflag:$0x5] =	stream.indirect.gather [hbm4b:s4+s18], $0x20, s26, s18, $0xb8;
	[tilespmem:$0xD210] =	vst v63  }
0x66: {  	_ =	swait.ge [sflag:s31], $0x1000  }
0x67: {  	[sflag:s31] =	ssyncset.done $0x0  }
0x68: {  	[sflag:s31] =	ssyncadd.s32 $0xFFFFF000  }
0x69: {  	_ =	swait.ge [sflag:s31], $0x1000  }
0x6a: {  	[sflag:s31] =	ssyncset.done $0x0  }
0x6b: {  	[sflag:s31] =	ssyncadd.s32 $0xFFFFF000  }
0x6c: {  	v0 =	vld [tilespmem:$0xD200];
	_ =	sdelay $0x2  }
0x6d: {  	v5 =	vimm.f32 $0.0e+00;
	v6 =	vimm.f32 $0.0e+00  }
0x6e: {  	v7 =	vimm.f32 $0.0e+00;
	v8 =	vimm.f32 $0.0e+00;
	v9 =	vimm.f32 $0.0e+00  }
0x6f: {  	p1 =	por $0x1, $0x1;
	v10 =	vimm.f32 $0.0e+00;
	v11 =	vimm.f32 $0.0e+00;
	v12 =	vimm.f32 $0.0e+00;
	s26 =	simm.s32 $0x0;
	v32 =	vld [tilespmem:$0x1FC60];
	[tilespmem:$0x1FC40] =	vst v0  }
.LBB2_3:
0x70: {  	v3 =	vmov s26  }
0x71: {  	v3 =	vshrl.u32 v3, $0x3  }
0x72: {  	v3 =	vshll.u32 v3, v1  }
0x73: {  	v3 =	vbroadcast v3, $0x0;
	_ =	sdelay $0x1  }
0x74: {  	v4 =	vor.u32 v62, v3;
	_ =	sdelay $0x1  }
0x75: {  	s12 =	sshll.u32 s26, $0x4;
	v63 =	vor.u32 v27, v3  }
0x76: {  	v0 =	vld [tilespmem:$0x1FC50];
	s12 =	sand.u32 $0x3FFFFFF0, s12;
	v13 =	vor.u32 v18, v3  }
0x77: {  	v14 =	vld [tilespmem:s12+$0xD000]  }
0x78: {  	v36 =	vld.idx.msk [tilespmem:v4+s19+$0x0], $0xffff  }
0x79: {  	v4 =	vld.idx.msk [tilespmem:v4+s20+$0x0], $0xffff  }
0x7a: {  	v15 =	vld.idx.msk [tilespmem:v63+s19+$0x0], $0xffff  }
0x7b: {  	v38 =	vld.idx.msk [tilespmem:v13+s19+$0x0], $0xffff  }
0x7c: {  	v16 =	vor.u32 v20, v3;
	v13 =	vld.idx.msk [tilespmem:v13+s20+$0x0], $0xffff  }
0x7d: {  	v37 =	vld.idx.msk [tilespmem:v63+s20+$0x0], $0xffff  }
0x7e: {  	v34 =	vld [tilespmem:$0x1FC70];
	v17 =	vor.u32 v21, v3  }
0x7f: {  	v46 =	vld [tilespmem:$0x1FC80];
	v4 =	vadd.bf16 v4, v36  }
0x80: {  	s5 =	sor.u32 $0x1, s26;
	v48 =	vld [tilespmem:$0x1FC90];
	v19 =	vor.u32 v23, v3  }
0x81: {  	v22 =	vmov s5;
	v18 =	vld.idx.msk [tilespmem:v16+s19+$0x0], $0xffff;
	v13 =	vadd.bf16 v13, v38;
	v4 =	vmax.bf16 v4, v2  }
0x82: {  	v22 =	vshrl.u32 v22, $0x3;
	v16 =	vld.idx.msk [tilespmem:v16+s20+$0x0], $0xffff;
	v15 =	vadd.bf16 v37, v15;
	v4 =	vmul.bf16 v4, v14  }
0x83: {  	v21 =	vor.u32 v24, v3;
	v3 =	vor.u32 v26, v3;
	v39 =	vld.idx.msk [tilespmem:v17+s19+$0x0], $0xffff;
	v13 =	vmax.bf16 v13, v2  }
0x84: {  	v17 =	vld.idx.msk [tilespmem:v17+s20+$0x0], $0xffff;
	v15 =	vmax.bf16 v15, v2;
	v13 =	vmul.bf16 v13, v14;
	v20 =	vshll.u32 v4, $0x10  }
0x85: {  	v15 =	vmul.bf16 v15, v14;
	v12 =	vadd.f32 v20, v12;
	v20 =	vshll.u32 v22, v1;
	v22 =	vld.idx.msk [tilespmem:v19+s19+$0x0], $0xffff  }
0x86: {  	v4 =	vand.u32 $0xFFFF0000, v4;
	v40 =	vshll.u32 v13, $0x10;
	v19 =	vld.idx.msk [tilespmem:v19+s20+$0x0], $0xffff;
	v20 =	vbroadcast v20, $0x0  }
0x87: {  	v52 =	vld [tilespmem:$0x1FCB0];
	v10 =	vadd.f32 v40, v10;
	v4 =	vadd.f32 v4, v12;
	v12 =	vshll.u32 v15, $0x10  }
0x88: {  	v11 =	vadd.f32 v12, v11;
	v12 =	vadd.bf16 v16, v18;
	v16 =	vld.idx.msk [tilespmem:v21+s19+$0x0], $0xffff;
	v18 =	vor.u32 v0, v20  }
0x89: {  	v17 =	vadd.bf16 v17, v39;
	v13 =	vand.u32 $0xFFFF0000, v13;
	v15 =	vand.u32 $0xFFFF0000, v15;
	v21 =	vld.idx.msk [tilespmem:v21+s20+$0x0], $0xffff  }
0x8a: {  	v54 =	vld [tilespmem:$0x1FCC0];
	v10 =	vadd.f32 v13, v10;
	v11 =	vadd.f32 v15, v11  }
0x8b: {  	v12 =	vmax.bf16 v12, v2;
	v15 =	vmax.bf16 v17, v2;
	v17 =	vld.idx.msk [tilespmem:v3+s19+$0x0], $0xffff;
	v19 =	vadd.bf16 v19, v22  }
0x8c: {  	v3 =	vld.idx.msk [tilespmem:v3+s20+$0x0], $0xffff;
	v12 =	vmul.bf16 v12, v14;
	v13 =	vmul.bf16 v15, v14;
	v15 =	vor.u32 v32, v20  }
0x8d: {  	v43 =	vor.u32 v34, v20;
	v19 =	vmax.bf16 v19, v2;
	v22 =	vld.idx.msk [tilespmem:v18+s19+$0x0], $0xffff  }
0x8e: {  	s12 =	sshll.u32 s5, $0x4;
	v41 =	vshll.u32 v12, $0x10;
	v42 =	vshll.u32 v13, $0x10;
	v16 =	vadd.bf16 v21, v16;
	v18 =	vld.idx.msk [tilespmem:v18+s20+$0x0], $0xffff  }
0x8f: {  	v56 =	vld [tilespmem:$0x1FCD0];
	s12 =	sand.u32 $0x3FFFFFF0, s12;
	v12 =	vand.u32 $0xFFFF0000, v12;
	v9 =	vadd.f32 v41, v9;
	v8 =	vadd.f32 v42, v8  }
0x90: {  	v13 =	vand.u32 $0xFFFF0000, v13;
	v19 =	vmul.bf16 v19, v14;
	v21 =	vld [tilespmem:s12+$0xD000];
	v16 =	vmax.bf16 v16, v2  }
0x91: {  	v9 =	vadd.f32 v12, v9;
	v8 =	vadd.f32 v13, v8;
	v12 =	vmul.bf16 v16, v14;
	v13 =	vld.idx.msk [tilespmem:v15+s19+$0x0], $0xffff  }
0x92: {  	v3 =	vadd.bf16 v3, v17;
	v17 =	vor.u32 v46, v20;
	v16 =	vshll.u32 v19, $0x10;
	v15 =	vld.idx.msk [tilespmem:v15+s20+$0x0], $0xffff  }
0x93: {  	v59 =	vld [tilespmem:$0x1FCF0];
	v19 =	vand.u32 $0xFFFF0000, v19;
	v50 =	vshll.u32 v12, $0x10;
	v18 =	vadd.bf16 v18, v22  }
0x94: {  	v7 =	vadd.f32 v16, v7;
	v3 =	vmax.bf16 v3, v2;
	v6 =	vadd.f32 v50, v6;
	v50 =	vld [tilespmem:$0x1FCA0]  }
0x95: {  	v16 =	vld.idx.msk [tilespmem:v43+s19+$0x0], $0xffff;
	v3 =	vmul.bf16 v3, v14;
	v12 =	vand.u32 $0xFFFF0000, v12;
	v14 =	vmax.bf16 v18, v2  }
0x96: {  	v7 =	vadd.f32 v19, v7;
	v19 =	vld.idx.msk [tilespmem:v43+s20+$0x0], $0xffff;
	v18 =	vor.u32 v48, v20;
	v14 =	vmul.bf16 v14, v21  }
0x97: {  	v6 =	vadd.f32 v12, v6;
	v12 =	vshll.u32 v3, $0x10;
	v13 =	vadd.bf16 v15, v13;
	v15 =	vld.idx.msk [tilespmem:v17+s19+$0x0], $0xffff  }
0x98: {  	v17 =	vld.idx.msk [tilespmem:v17+s20+$0x0], $0xffff;
	v5 =	vadd.f32 v12, v5  }
0x99: {  	v29 =	vld [tilespmem:$0x1FD00];
	v3 =	vand.u32 $0xFFFF0000, v3;
	v12 =	vshll.u32 v14, $0x10;
	v22 =	vor.u32 v50, v20  }
0x9a: {  	v53 =	vld [tilespmem:$0x1FD50];
	v4 =	vadd.f32 v12, v4;
	v12 =	vmax.bf16 v13, v2;
	v3 =	vadd.f32 v3, v5  }
0x9b: {  	s5 =	sor.u32 $0x2, s26;
	v5 =	vand.u32 $0xFFFF0000, v14;
	v14 =	vor.u32 v52, v20;
	v16 =	vadd.bf16 v19, v16;
	v13 =	vld.idx.msk [tilespmem:v18+s19+$0x0], $0xffff  }
0x9c: {  	v12 =	vmul.bf16 v12, v21;
	v4 =	vadd.f32 v5, v4;
	v5 =	vld.idx.msk [tilespmem:v18+s20+$0x0], $0xffff;
	v18 =	vmov s5  }
0x9d: {  	v0 =	vld [tilespmem:$0x1FCE0];
	v19 =	vor.u32 v54, v20;
	v15 =	vadd.bf16 v17, v15;
	v18 =	vshrl.u32 v18, $0x3  }
0x9e: {  	v16 =	vmax.bf16 v16, v2;
	v51 =	vshll.u32 v12, $0x10;
	v18 =	vshll.u32 v18, v1;
	v17 =	vld.idx.msk [tilespmem:v22+s19+$0x0], $0xffff  }
0x9f: {  	s12 =	sshll.u32 s5, $0x4;
	s5 =	sor.u32 $0x3, s26;
	v12 =	vand.u32 $0xFFFF0000, v12;
	v16 =	vmul.bf16 v16, v21;
	v20 =	vld.idx.msk [tilespmem:v22+s20+$0x0], $0xffff;
	v18 =	vbroadcast v18, $0x0  }
0xa0: {  	v36 =	vld [tilespmem:$0x1FD20];
	v33 =	vmov s5;
	v11 =	vadd.f32 v51, v11;
	v15 =	vmax.bf16 v15, v2  }
0xa1: {  	v15 =	vmul.bf16 v15, v21;
	v5 =	vadd.bf16 v5, v13;
	v13 =	vld.idx.msk [tilespmem:v14+s19+$0x0], $0xffff;
	v22 =	vor.u32 v56, v18  }
0xa2: {  	v31 =	vmovc v62;
	v62 =	vshrl.u32 v33, $0x3;
	v11 =	vadd.f32 v12, v11;
	v12 =	vshll.u32 v16, $0x10;
	v14 =	vld.idx.msk [tilespmem:v14+s20+$0x0], $0xffff  }
0xa3: {  	v55 =	vld.idx.msk [tilespmem:v19+s19+$0x0], $0xffff;
	v10 =	vadd.f32 v12, v10;
	v12 =	vshll.u32 v15, $0x10;
	v5 =	vmax.bf16 v5, v2  }
0xa4: {  	v19 =	vld.idx.msk [tilespmem:v19+s20+$0x0], $0xffff;
	v5 =	vmul.bf16 v5, v21;
	v17 =	vadd.bf16 v20, v17;
	v20 =	vor.u32 v0, v18  }
0xa5: {  	v16 =	vand.u32 $0xFFFF0000, v16;
	v9 =	vadd.f32 v12, v9;
	v12 =	vand.u32 $0xFFFF0000, v15;
	v0 =	vld [tilespmem:$0x1FD10]  }
0xa6: {  	v10 =	vadd.f32 v16, v10;
	v15 =	vshll.u32 v5, $0x10;
	v16 =	vmax.bf16 v17, v2;
	v17 =	vld.idx.msk [tilespmem:v22+s19+$0x0], $0xffff  }
0xa7: {  	s12 =	sand.u32 $0x3FFFFFF0, s12;
	v58 =	vor.u32 v29, v18;
	v13 =	vadd.bf16 v14, v13;
	v8 =	vadd.f32 v15, v8;
	v15 =	vld.idx.msk [tilespmem:v22+s20+$0x0], $0xffff  }
0xa8: {  	v9 =	vadd.f32 v12, v9;
	v14 =	vld [tilespmem:s12+$0xD000];
	v12 =	vmul.bf16 v16, v21;
	v16 =	vor.u32 v59, v18  }
0xa9: {  	v19 =	vadd.bf16 v19, v55;
	v5 =	vand.u32 $0xFFFF0000, v5;
	v13 =	vmax.bf16 v13, v2;
	v22 =	vld.idx.msk [tilespmem:v20+s19+$0x0], $0xffff  }
0xaa: {  	v5 =	vadd.f32 v5, v8;
	v8 =	vshll.u32 v12, $0x10;
	v12 =	vand.u32 $0xFFFF0000, v12;
	v20 =	vld.idx.msk [tilespmem:v20+s20+$0x0], $0xffff  }
0xab: {  	v38 =	vld [tilespmem:$0x1FD30];
	v7 =	vadd.f32 v8, v7;
	v8 =	vmul.bf16 v13, v21;
	v13 =	vmax.bf16 v19, v2  }
0xac: {  	v40 =	vld [tilespmem:$0x1FD40];
	v13 =	vmul.bf16 v13, v21;
	v15 =	vadd.bf16 v15, v17;
	v17 =	vor.u32 v0, v18  }
0xad: {  	v7 =	vadd.f32 v12, v7;
	v12 =	vshll.u32 v8, $0x10;
	v8 =	vand.u32 $0xFFFF0000, v8;
	v19 =	vld.idx.msk [tilespmem:v16+s19+$0x0], $0xffff  }
0xae: {  	v16 =	vld.idx.msk [tilespmem:v16+s20+$0x0], $0xffff;
	v6 =	vadd.f32 v12, v6;
	v12 =	vshll.u32 v13, $0x10;
	v15 =	vmax.bf16 v15, v2  }
0xaf: {  	v3 =	vadd.f32 v12, v3;
	v12 =	vmul.bf16 v15, v14;
	v15 =	vadd.bf16 v20, v22;
	v20 =	vld.idx.msk [tilespmem:v58+s19+$0x0], $0xffff  }
0xb0: {  	v21 =	vor.u32 v36, v18;
	v6 =	vadd.f32 v8, v6;
	v8 =	vand.u32 $0xFFFF0000, v13;
	v13 =	vld.idx.msk [tilespmem:v58+s20+$0x0], $0xffff  }
0xb1: {  	v62 =	vshll.u32 v62, v1;
	v22 =	vld.idx.msk [tilespmem:v17+s19+$0x0], $0xffff  }
0xb2: {  	v3 =	vadd.f32 v8, v3;
	v8 =	vshll.u32 v12, $0x10;
	v15 =	vmax.bf16 v15, v2;
	v17 =	vld.idx.msk [tilespmem:v17+s20+$0x0], $0xffff  }
0xb3: {  	v60 =	vld [tilespmem:$0x1FD70];
	v16 =	vadd.bf16 v16, v19;
	v19 =	vor.u32 v38, v18;
	v15 =	vmul.bf16 v15, v14  }
0xb4: {  	v33 =	vld [tilespmem:$0x1FD60];
	v62 =	vbroadcast v62, $0x0;
	v18 =	vor.u32 v40, v18;
	v4 =	vadd.f32 v8, v4  }
0xb5: {  	v35 =	vld.idx.msk [tilespmem:v21+s19+$0x0], $0xffff;
	v16 =	vmax.bf16 v16, v2;
	v8 =	vshll.u32 v15, $0x10;
	v13 =	vadd.bf16 v13, v20  }
0xb6: {  	v20 =	vor.u32 v53, v62;
	v8 =	vadd.f32 v8, v11;
	v11 =	vmul.bf16 v16, v14;
	v16 =	vld.idx.msk [tilespmem:v21+s20+$0x0], $0xffff  }
0xb7: {  	v0 =	vld [tilespmem:$0x1FD80];
	v12 =	vand.u32 $0xFFFF0000, v12;
	v15 =	vand.u32 $0xFFFF0000, v15;
	v17 =	vadd.bf16 v17, v22  }
0xb8: {  	v4 =	vadd.f32 v12, v4;
	v8 =	vadd.f32 v15, v8;
	v12 =	vshll.u32 v11, $0x10;
	v15 =	vld.idx.msk [tilespmem:v19+s19+$0x0], $0xffff  }
0xb9: {  	v10 =	vadd.f32 v12, v10;
	v12 =	vmax.bf16 v13, v2;
	v13 =	vmax.bf16 v17, v2;
	v17 =	vld.idx.msk [tilespmem:v19+s20+$0x0], $0xffff  }
0xba: {  	v11 =	vand.u32 $0xFFFF0000, v11;
	v19 =	vld.idx.msk [tilespmem:v18+s19+$0x0], $0xffff;
	v12 =	vmul.bf16 v12, v14  }
0xbb: {  	v13 =	vmul.bf16 v13, v14;
	v22 =	vld.idx.msk [tilespmem:v20+s19+$0x0], $0xffff;
	v10 =	vadd.f32 v11, v10;
	v11 =	vadd.bf16 v16, v35  }
0xbc: {  	v16 =	vld.idx.msk [tilespmem:v18+s20+$0x0], $0xffff;
	v18 =	vshll.u32 v12, $0x10  }
0xbd: {  	v21 =	vshll.u32 v13, $0x10;
	v9 =	vadd.f32 v18, v9;
	v11 =	vmax.bf16 v11, v2;
	v18 =	vld.idx.msk [tilespmem:v20+s20+$0x0], $0xffff  }
0xbe: {  	v5 =	vadd.f32 v21, v5;
	v11 =	vmul.bf16 v11, v14  }
0xbf: {  	v30 =	vld [tilespmem:$0x1FDA0];
	s12 =	sshll.u32 s5, $0x4;
	v12 =	vand.u32 $0xFFFF0000, v12;
	v13 =	vand.u32 $0xFFFF0000, v13;
	v20 =	vor.u32 v33, v62  }
0xc0: {  	v49 =	vld [tilespmem:$0x1FDE0];
	s12 =	sand.u32 $0x3FFFFFF0, s12;
	v9 =	vadd.f32 v12, v9;
	v5 =	vadd.f32 v13, v5;
	v12 =	vshll.u32 v11, $0x10  }
0xc1: {  	v13 =	vadd.bf16 v17, v15;
	v15 =	vld [tilespmem:s12+$0xD000];
	v17 =	vor.u32 v60, v62;
	v7 =	vadd.f32 v12, v7  }
0xc2: {  	v12 =	vadd.bf16 v16, v19;
	v16 =	vadd.bf16 v18, v22;
	v18 =	vor.u32 v0, v62;
	v0 =	vld [tilespmem:$0x1FD90]  }
0xc3: {  	v41 =	vld [tilespmem:$0x1FDC0]  }
0xc4: {  	v51 =	vld [tilespmem:$0x1FDB0];
	v37 =	vor.u32 v30, v62;
	v13 =	vmax.bf16 v13, v2  }
0xc5: {  	v11 =	vand.u32 $0xFFFF0000, v11;
	v13 =	vmul.bf16 v13, v14;
	v19 =	vld.idx.msk [tilespmem:v20+s19+$0x0], $0xffff;
	v12 =	vmax.bf16 v12, v2  }
0xc6: {  	v7 =	vadd.f32 v11, v7;
	v11 =	vmul.bf16 v12, v14;
	v12 =	vmax.bf16 v16, v2;
	v14 =	vld.idx.msk [tilespmem:v20+s20+$0x0], $0xffff  }
0xc7: {  	v16 =	vshll.u32 v13, $0x10;
	v20 =	vld.idx.msk [tilespmem:v17+s19+$0x0], $0xffff;
	v12 =	vmul.bf16 v12, v15;
	v21 =	vor.u32 v0, v62  }
0xc8: {  	v13 =	vand.u32 $0xFFFF0000, v13;
	v17 =	vld.idx.msk [tilespmem:v17+s20+$0x0], $0xffff;
	v6 =	vadd.f32 v16, v6;
	v16 =	vshll.u32 v11, $0x10  }
0xc9: {  	s5 =	sor.u32 $0x4, s26;
	v11 =	vand.u32 $0xFFFF0000, v11;
	v3 =	vadd.f32 v16, v3;
	v16 =	vshll.u32 v12, $0x10;
	v22 =	vld.idx.msk [tilespmem:v18+s19+$0x0], $0xffff  }
0xca: {  	v6 =	vadd.f32 v13, v6;
	v13 =	vld.idx.msk [tilespmem:v18+s20+$0x0], $0xffff;
	v4 =	vadd.f32 v16, v4;
	v16 =	vmov s5  }
0xcb: {  	v42 =	vld [tilespmem:$0x1FDD0];
	v3 =	vadd.f32 v11, v3;
	v11 =	vand.u32 $0xFFFF0000, v12;
	v12 =	vadd.bf16 v14, v19  }
0xcc: {  	v14 =	vor.u32 v51, v62;
	v16 =	vshrl.u32 v16, $0x3;
	v4 =	vadd.f32 v11, v4;
	v11 =	vld.idx.msk [tilespmem:v21+s19+$0x0], $0xffff  }
0xcd: {  	v17 =	vadd.bf16 v17, v20;
	v16 =	vshll.u32 v16, v1;
	v12 =	vmax.bf16 v12, v2;
	v18 =	vld.idx.msk [tilespmem:v21+s20+$0x0], $0xffff  }
0xce: {  	v61 =	vld [tilespmem:$0x1FDF0];
	v16 =	vbroadcast v16, $0x0;
	v12 =	vmul.bf16 v12, v15  }
0xcf: {  	v25 =	vld [tilespmem:$0x1FE40];
	v20 =	vor.u32 v41, v62;
	v17 =	vmax.bf16 v17, v2;
	v13 =	vadd.bf16 v13, v22  }
0xd0: {  	v19 =	vld.idx.msk [tilespmem:v37+s19+$0x0], $0xffff;
	v17 =	vmul.bf16 v17, v15;
	v43 =	vor.u32 v42, v16;
	v22 =	vshll.u32 v12, $0x10  }
0xd1: {  	v21 =	vld.idx.msk [tilespmem:v37+s20+$0x0], $0xffff;
	v12 =	vand.u32 $0xFFFF0000, v12;
	v13 =	vmax.bf16 v13, v2;
	v8 =	vadd.f32 v22, v8  }
0xd2: {  	v44 =	vshll.u32 v17, $0x10;
	v22 =	vld.idx.msk [tilespmem:v14+s19+$0x0], $0xffff;
	v13 =	vmul.bf16 v13, v15;
	v11 =	vadd.bf16 v18, v11  }
0xd3: {  	v14 =	vld.idx.msk [tilespmem:v14+s20+$0x0], $0xffff;
	v10 =	vadd.f32 v44, v10;
	v8 =	vadd.f32 v12, v8  }
0xd4: {  	v12 =	vand.u32 $0xFFFF0000, v17;
	v17 =	vld.idx.msk [tilespmem:v20+s19+$0x0], $0xffff;
	v18 =	vshll.u32 v13, $0x10;
	v11 =	vmax.bf16 v11, v2  }
0xd5: {  	v20 =	vld.idx.msk [tilespmem:v20+s20+$0x0], $0xffff;
	v9 =	vadd.f32 v18, v9;
	v18 =	vor.u32 v49, v16;
	v11 =	vmul.bf16 v11, v15  }
0xd6: {  	v28 =	vmovc v32;
	v32 =	vld [tilespmem:$0x1FE00];
	v19 =	vadd.bf16 v21, v19;
	v10 =	vadd.f32 v12, v10;
	v12 =	vand.u32 $0xFFFF0000, v13  }
0xd7: {  	v21 =	vld.idx.msk [tilespmem:v43+s20+$0x0], $0xffff;
	v9 =	vadd.f32 v12, v9;
	v12 =	vshll.u32 v11, $0x10  }
0xd8: {  	v13 =	vmax.bf16 v19, v2;
	v19 =	vld.idx.msk [tilespmem:v43+s19+$0x0], $0xffff;
	v5 =	vadd.f32 v12, v5;
	v12 =	vadd.bf16 v14, v22  }
0xd9: {  	v35 =	vld [tilespmem:$0x1FE10];
	v13 =	vmul.bf16 v13, v15;
	v11 =	vand.u32 $0xFFFF0000, v11;
	v14 =	vor.u32 v61, v16  }
0xda: {  	s12 =	sshll.u32 s5, $0x4;
	v17 =	vadd.bf16 v20, v17;
	v5 =	vadd.f32 v11, v5;
	v11 =	vmax.bf16 v12, v2;
	v12 =	vld.idx.msk [tilespmem:v18+s19+$0x0], $0xffff  }
0xdb: {  	s12 =	sand.u32 $0x3FFFFFF0, s12;
	v22 =	vshll.u32 v13, $0x10;
	v18 =	vld.idx.msk [tilespmem:v18+s20+$0x0], $0xffff  }
0xdc: {  	v20 =	vld [tilespmem:s12+$0xD000];
	v7 =	vadd.f32 v22, v7;
	v17 =	vmax.bf16 v17, v2;
	v22 =	vor.u32 v32, v16  }
0xdd: {  	v37 =	vld [tilespmem:$0x1FE30];
	v11 =	vmul.bf16 v11, v15;
	v15 =	vmul.bf16 v17, v15;
	v17 =	vadd.bf16 v21, v19  }
0xde: {  	v13 =	vand.u32 $0xFFFF0000, v13;
	v21 =	vor.u32 v35, v16;
	v19 =	vld.idx.msk [tilespmem:v14+s19+$0x0], $0xffff  }
0xdf: {  	v7 =	vadd.f32 v13, v7;
	v13 =	vshll.u32 v11, $0x10;
	v17 =	vmax.bf16 v17, v2;
	v14 =	vld.idx.msk [tilespmem:v14+s20+$0x0], $0xffff  }
0xe0: {  	v6 =	vadd.f32 v13, v6;
	v13 =	vshll.u32 v15, $0x10;
	v12 =	vadd.bf16 v18, v12;
	v18 =	vld [tilespmem:$0x1FE20]  }
0xe1: {  	s5 =	sor.u32 $0x5, s26;
	v11 =	vand.u32 $0xFFFF0000, v11;
	v3 =	vadd.f32 v13, v3;
	v13 =	vmul.bf16 v17, v20;
	v17 =	vld.idx.msk [tilespmem:v22+s20+$0x0], $0xffff  }
0xe2: {  	v45 =	vmov s5;
	v6 =	vadd.f32 v11, v6;
	v11 =	vand.u32 $0xFFFF0000, v15;
	v15 =	vld.idx.msk [tilespmem:v22+s19+$0x0], $0xffff  }
0xe3: {  	v62 =	vshrl.u32 v45, $0x3;
	v22 =	vld.idx.msk [tilespmem:v21+s19+$0x0], $0xffff;
	v3 =	vadd.f32 v11, v3;
	v11 =	vshll.u32 v13, $0x10  }
0xe4: {  	v12 =	vmax.bf16 v12, v2;
	v14 =	vadd.bf16 v14, v19;
	v19 =	vld.idx.msk [tilespmem:v21+s20+$0x0], $0xffff;
	v21 =	vor.u32 v37, v16  }
0xe5: {  	v4 =	vadd.f32 v11, v4;
	v11 =	vmul.bf16 v12, v20;
	v18 =	vor.u32 v18, v16  }
0xe6: {  	v13 =	vand.u32 $0xFFFF0000, v13;
	v12 =	vshll.u32 v62, v1  }
0xe7: {  	v39 =	vld [tilespmem:$0x1FE50];
	v14 =	vmax.bf16 v14, v2;
	v16 =	vor.u32 v25, v16;
	v47 =	vshll.u32 v11, $0x10  }
0xe8: {  	v4 =	vadd.f32 v13, v4;
	v25 =	vld [tilespmem:$0x1FE60];
	v14 =	vmul.bf16 v14, v20;
	v15 =	vadd.bf16 v17, v15  }
0xe9: {  	v12 =	vbroadcast v12, $0x0;
	v8 =	vadd.f32 v47, v8;
	v19 =	vadd.bf16 v19, v22;
	v22 =	vld.idx.msk [tilespmem:v21+s19+$0x0], $0xffff  }
0xea: {  	v11 =	vand.u32 $0xFFFF0000, v11;
	v55 =	vshll.u32 v14, $0x10;
	v15 =	vmax.bf16 v15, v2;
	v17 =	vld.idx.msk [tilespmem:v18+s19+$0x0], $0xffff  }
0xeb: {  	v8 =	vadd.f32 v11, v8;
	v10 =	vadd.f32 v55, v10;
	v15 =	vmul.bf16 v15, v20;
	v13 =	vld.idx.msk [tilespmem:v18+s20+$0x0], $0xffff  }
0xec: {  	v11 =	vand.u32 $0xFFFF0000, v14;
	v18 =	vor.u32 v39, v12;
	v14 =	vmax.bf16 v19, v2;
	v19 =	vld.idx.msk [tilespmem:v16+s19+$0x0], $0xffff  }
0xed: {  	v16 =	vld.idx.msk [tilespmem:v16+s20+$0x0], $0xffff;
	v10 =	vadd.f32 v11, v10;
	v11 =	vshll.u32 v15, $0x10  }
0xee: {  	v21 =	vld.idx.msk [tilespmem:v21+s20+$0x0], $0xffff;
	v9 =	vadd.f32 v11, v9  }
0xef: {  	v57 =	vor.u32 v25, v12;
	v25 =	vld [tilespmem:$0x1FEA0];
	v15 =	vand.u32 $0xFFFF0000, v15  }
0xf0: {  	v9 =	vadd.f32 v15, v9;
	v15 =	vld [tilespmem:$0x1FE70]  }
0xf1: {  	v14 =	vmul.bf16 v14, v20;
	v11 =	vadd.bf16 v13, v17;
	v13 =	vld.idx.msk [tilespmem:v18+s19+$0x0], $0xffff  }
0xf2: {  	v16 =	vadd.bf16 v16, v19;
	v19 =	vld [tilespmem:$0x1FE80]  }
0xf3: {  	v17 =	vshll.u32 v14, $0x10;
	v18 =	vld.idx.msk [tilespmem:v18+s20+$0x0], $0xffff  }
0xf4: {  	v5 =	vadd.f32 v17, v5;
	v11 =	vmax.bf16 v11, v2  }
0xf5: {  	v45 =	vld [tilespmem:$0x1FEB0];
	s12 =	sshll.u32 s5, $0x4;
	v14 =	vand.u32 $0xFFFF0000, v14;
	v11 =	vmul.bf16 v11, v20;
	v15 =	vor.u32 v15, v12  }
0xf6: {  	v43 =	vld [tilespmem:$0x1FE90];
	s12 =	sand.u32 $0x3FFFFFF0, s12;
	v5 =	vadd.f32 v14, v5  }
0xf7: {  	v17 =	vld [tilespmem:s12+$0xD000];
	v14 =	vadd.bf16 v21, v22;
	v21 =	vshll.u32 v11, $0x10;
	v19 =	vor.u32 v19, v12  }
0xf8: {  	v55 =	vor.u32 v25, v12;
	v13 =	vadd.bf16 v18, v13;
	v18 =	vld.idx.msk [tilespmem:v57+s19+$0x0], $0xffff;
	v7 =	vadd.f32 v21, v7  }
0xf9: {  	v16 =	vmax.bf16 v16, v2;
	v14 =	vmax.bf16 v14, v2;
	v11 =	vand.u32 $0xFFFF0000, v11;
	v21 =	vld.idx.msk [tilespmem:v57+s20+$0x0], $0xffff  }
0xfa: {  	v14 =	vmul.bf16 v14, v20;
	v7 =	vadd.f32 v11, v7;
	v11 =	vmul.bf16 v16, v20;
	v16 =	vld.idx.msk [tilespmem:v15+s19+$0x0], $0xffff  }
0xfb: {  	v22 =	vor.u32 v43, v12;
	v13 =	vmax.bf16 v13, v2;
	v15 =	vld.idx.msk [tilespmem:v15+s20+$0x0], $0xffff  }
0xfc: {  	v20 =	vshll.u32 v14, $0x10;
	v13 =	vmul.bf16 v13, v17;
	v58 =	vld.idx.msk [tilespmem:v19+s19+$0x0], $0xffff  }
0xfd: {  	v6 =	vadd.f32 v20, v6;
	v20 =	vshll.u32 v11, $0x10;
	v19 =	vld.idx.msk [tilespmem:v19+s20+$0x0], $0xffff  }
0xfe: {  	v3 =	vadd.f32 v20, v3;
	v20 =	vshll.u32 v13, $0x10;
	v18 =	vadd.bf16 v21, v18;
	v21 =	vld [tilespmem:$0x1FEC0]  }
0xff: {  	v11 =	vand.u32 $0xFFFF0000, v11;
	v4 =	vadd.f32 v20, v4;
	v20 =	vld.idx.msk [tilespmem:v55+s19+$0x0], $0xffff  }
0x100: {  	v3 =	vadd.f32 v11, v3;
	v11 =	vand.u32 $0xFFFF0000, v13;
	v13 =	vld.idx.msk [tilespmem:v22+s19+$0x0], $0xffff  }
0x101: {  	v15 =	vadd.bf16 v15, v16;
	v16 =	vld.idx.msk [tilespmem:v22+s20+$0x0], $0xffff  }
0x102: {  	v22 =	vld.idx.msk [tilespmem:v55+s20+$0x0], $0xffff  }
0x103: {  	v14 =	vand.u32 $0xFFFF0000, v14  }
0x104: {  	v6 =	vadd.f32 v14, v6  }
0x105: {  	s5 =	sor.u32 $0x6, s26;
	v14 =	vor.u32 v45, v12;
	v4 =	vadd.f32 v11, v4;
	v11 =	vmax.bf16 v18, v2  }
0x106: {  	v18 =	vmov s5;
	v11 =	vmul.bf16 v11, v17;
	v19 =	vadd.bf16 v19, v58  }
0x107: {  	v18 =	vshrl.u32 v18, $0x3;
	v12 =	vor.u32 v21, v12;
	v20 =	vadd.bf16 v22, v20;
	v22 =	vld [tilespmem:$0x1FEE0]  }
0x108: {  	v15 =	vmax.bf16 v15, v2;
	v18 =	vshll.u32 v18, v1;
	v21 =	vshll.u32 v11, $0x10  }
0x109: {  	v47 =	vld [tilespmem:$0x1FED0];
	v15 =	vmul.bf16 v15, v17;
	v19 =	vmax.bf16 v19, v2;
	v8 =	vadd.f32 v21, v8  }
0x10a: {  	v18 =	vbroadcast v18, $0x0;
	v11 =	vand.u32 $0xFFFF0000, v11;
	v19 =	vmul.bf16 v19, v17;
	v21 =	vld.idx.msk [tilespmem:v14+s19+$0x0], $0xffff  }
0x10b: {  	v14 =	vld.idx.msk [tilespmem:v14+s20+$0x0], $0xffff;
	v57 =	vshll.u32 v15, $0x10;
	v13 =	vadd.bf16 v16, v13;
	v8 =	vadd.f32 v11, v8  }
0x10c: {  	v10 =	vadd.f32 v57, v10;
	v11 =	vshll.u32 v19, $0x10;
	v22 =	vor.u32 v22, v18  }
0x10d: {  	v15 =	vand.u32 $0xFFFF0000, v15;
	v13 =	vmax.bf16 v13, v2;
	v9 =	vadd.f32 v11, v9  }
0x10e: {  	v55 =	vld [tilespmem:$0x1FEF0];
	v11 =	vmul.bf16 v13, v17;
	v10 =	vadd.f32 v15, v10;
	v15 =	vmax.bf16 v20, v2  }
0x10f: {  	v16 =	vor.u32 v47, v18;
	v58 =	vld.idx.msk [tilespmem:v12+s19+$0x0], $0xffff;
	v13 =	vand.u32 $0xFFFF0000, v19;
	v15 =	vmul.bf16 v15, v17  }
0x110: {  	v12 =	vld.idx.msk [tilespmem:v12+s20+$0x0], $0xffff;
	v9 =	vadd.f32 v13, v9;
	v14 =	vadd.bf16 v14, v21;
	v13 =	vshll.u32 v11, $0x10  }
0x111: {  	v5 =	vadd.f32 v13, v5;
	v13 =	vshll.u32 v15, $0x10;
	v21 =	vld.idx.msk [tilespmem:v22+s19+$0x0], $0xffff  }
0x112: {  	v7 =	vadd.f32 v13, v7;
	v13 =	vmax.bf16 v14, v2;
	v14 =	vld.idx.msk [tilespmem:v22+s20+$0x0], $0xffff  }
0x113: {  	v22 =	vld [tilespmem:$0x1FF00]  }
0x114: {  	v19 =	vld.idx.msk [tilespmem:v16+s19+$0x0], $0xffff  }
0x115: {  	v20 =	vor.u32 v55, v18;
	v16 =	vld.idx.msk [tilespmem:v16+s20+$0x0], $0xffff  }
0x116: {  	s12 =	sshll.u32 s5, $0x4  }
0x117: {  	s12 =	sand.u32 $0x3FFFFFF0, s12;
	v12 =	vadd.bf16 v12, v58  }
0x118: {  	v62 =	vld [tilespmem:s12+$0xD000];
	v11 =	vand.u32 $0xFFFF0000, v11;
	v15 =	vand.u32 $0xFFFF0000, v15;
	v22 =	vor.u32 v22, v18  }
0x119: {  	v58 =	vld [tilespmem:$0x1FF10];
	v13 =	vmul.bf16 v13, v17;
	v5 =	vadd.f32 v11, v5;
	v12 =	vmax.bf16 v12, v2  }
0x11a: {  	v7 =	vadd.f32 v15, v7;
	v11 =	vmul.bf16 v12, v17;
	v15 =	vadd.bf16 v16, v19;
	v16 =	vld.idx.msk [tilespmem:v20+s19+$0x0], $0xffff  }
0x11b: {  	v12 =	vshll.u32 v13, $0x10;
	v19 =	vld.idx.msk [tilespmem:v20+s20+$0x0], $0xffff  }
0x11c: {  	v6 =	vadd.f32 v12, v6;
	v12 =	vshll.u32 v11, $0x10;
	v14 =	vadd.bf16 v14, v21;
	v21 =	vld [tilespmem:$0x1FF20]  }
0x11d: {  	v3 =	vadd.f32 v12, v3;
	v12 =	vmax.bf16 v15, v2;
	v15 =	vld.idx.msk [tilespmem:v22+s19+$0x0], $0xffff  }
0x11e: {  	v20 =	vld.idx.msk [tilespmem:v22+s20+$0x0], $0xffff  }
0x11f: {  	v17 =	vor.u32 v58, v18  }
0x120: {  	v22 =	vld [tilespmem:$0x1FF30]  }
0x121: {  	v13 =	vand.u32 $0xFFFF0000, v13  }
0x122: {  	v11 =	vand.u32 $0xFFFF0000, v11;
	v6 =	vadd.f32 v13, v6;
	v12 =	vmul.bf16 v12, v62  }
0x123: {  	v3 =	vadd.f32 v11, v3;
	v21 =	vor.u32 v21, v18;
	v15 =	vadd.bf16 v20, v15;
	v20 =	vld [tilespmem:$0x1FF40]  }
0x124: {  	v16 =	vadd.bf16 v19, v16;
	v13 =	vshll.u32 v12, $0x10;
	v11 =	vmax.bf16 v14, v2;
	v14 =	vld.idx.msk [tilespmem:v17+s19+$0x0], $0xffff  }
0x125: {  	s5 =	sor.u32 $0x7, s26;
	v4 =	vadd.f32 v13, v4;
	v13 =	vld.idx.msk [tilespmem:v17+s20+$0x0], $0xffff;
	v11 =	vmul.bf16 v11, v62;
	v22 =	vor.u32 v22, v18  }
0x126: {  	v63 =	vld [tilespmem:$0x1FF50];
	v17 =	vmov s5  }
0x127: {  	v16 =	vmax.bf16 v16, v2;
	v17 =	vshrl.u32 v17, $0x3;
	v44 =	vshll.u32 v11, $0x10  }
0x128: {  	v17 =	vshll.u32 v17, v1;
	v8 =	vadd.f32 v44, v8;
	v19 =	vld.idx.msk [tilespmem:v21+s19+$0x0], $0xffff;
	v18 =	vor.u32 v20, v18  }
0x129: {  	v16 =	vmul.bf16 v16, v62;
	v11 =	vand.u32 $0xFFFF0000, v11;
	v17 =	vbroadcast v17, $0x0;
	v20 =	vld.idx.msk [tilespmem:v21+s20+$0x0], $0xffff  }
0x12a: {  	v13 =	vadd.bf16 v13, v14;
	v8 =	vadd.f32 v11, v8;
	v21 =	vld.idx.msk [tilespmem:v22+s19+$0x0], $0xffff  }
0x12b: {  	v11 =	vshll.u32 v16, $0x10;
	v15 =	vmax.bf16 v15, v2;
	v14 =	vld.idx.msk [tilespmem:v22+s20+$0x0], $0xffff;
	v22 =	vor.u32 v63, v17  }
0x12c: {  	v57 =	vld [tilespmem:$0x1FF70];
	v12 =	vand.u32 $0xFFFF0000, v12;
	v10 =	vadd.f32 v11, v10;
	v15 =	vmul.bf16 v15, v62  }
0x12d: {  	v4 =	vadd.f32 v12, v4;
	v16 =	vand.u32 $0xFFFF0000, v16;
	v12 =	vmax.bf16 v13, v2;
	v13 =	vld.idx.msk [tilespmem:v18+s19+$0x0], $0xffff  }
0x12e: {  	v10 =	vadd.f32 v16, v10;
	v11 =	vshll.u32 v15, $0x10;
	v16 =	vadd.bf16 v20, v19;
	v20 =	vld [tilespmem:$0x1FF60]  }
0x12f: {  	v9 =	vadd.f32 v11, v9;
	v11 =	vmul.bf16 v12, v62;
	v12 =	vld.idx.msk [tilespmem:v18+s20+$0x0], $0xffff  }
0x130: {  	v15 =	vand.u32 $0xFFFF0000, v15;
	v18 =	vld.idx.msk [tilespmem:v22+s19+$0x0], $0xffff  }
0x131: {  	v9 =	vadd.f32 v15, v9;
	v15 =	vshll.u32 v11, $0x10;
	v19 =	vld.idx.msk [tilespmem:v22+s20+$0x0], $0xffff  }
0x132: {  	v5 =	vadd.f32 v15, v5;
	v14 =	vadd.bf16 v14, v21;
	v21 =	vld [tilespmem:$0x1FF80]  }
0x133: {  	v11 =	vand.u32 $0xFFFF0000, v11;
	v16 =	vmax.bf16 v16, v2;
	v20 =	vor.u32 v20, v17  }
0x134: {  	s12 =	sshll.u32 s5, $0x4;
	v5 =	vadd.f32 v11, v5;
	v15 =	vmul.bf16 v16, v62  }
0x135: {  	s12 =	sand.u32 $0x3FFFFFF0, s12;
	v14 =	vmax.bf16 v14, v2;
	v12 =	vadd.bf16 v12, v13;
	v13 =	vor.u32 v57, v17  }
0x136: {  	v14 =	vmul.bf16 v14, v62;
	v16 =	vld [tilespmem:s12+$0xD000];
	v11 =	vshll.u32 v15, $0x10;
	v15 =	vand.u32 $0xFFFF0000, v15  }
0x137: {  	v18 =	vadd.bf16 v19, v18;
	v21 =	vor.u32 v21, v17;
	v12 =	vmax.bf16 v12, v2  }
0x138: {  	v7 =	vadd.f32 v11, v7;
	v11 =	vshll.u32 v14, $0x10;
	v12 =	vmul.bf16 v12, v62;
	v19 =	vld.idx.msk [tilespmem:v20+s19+$0x0], $0xffff  }
0x139: {  	v6 =	vadd.f32 v11, v6;
	v18 =	vmax.bf16 v18, v2;
	v62 =	vmovc v31;
	v31 =	vor.u32 $0x807, v31;
	v11 =	vld.idx.msk [tilespmem:v20+s20+$0x0], $0xffff  }
0x13a: {  	v7 =	vadd.f32 v15, v7;
	v22 =	vor.u32 v31, v17;
	v15 =	vshll.u32 v12, $0x10;
	v20 =	vld.idx.msk [tilespmem:v13+s19+$0x0], $0xffff  }
0x13b: {  	v14 =	vand.u32 $0xFFFF0000, v14;
	v13 =	vld.idx.msk [tilespmem:v13+s20+$0x0], $0xffff;
	v3 =	vadd.f32 v15, v3;
	v15 =	vmul.bf16 v18, v16  }
0x13c: {  	v6 =	vadd.f32 v14, v6;
	v44 =	vor.u32 $0xA07, v62;
	v12 =	vand.u32 $0xFFFF0000, v12  }
0x13d: {  	v23 =	vor.u32 v44, v17;
	v18 =	vld.idx.msk [tilespmem:v21+s19+$0x0], $0xffff;
	v12 =	vadd.f32 v12, v3;
	v14 =	vshll.u32 v15, $0x10  }
0x13e: {  	s5 =	sor.u32 $0x8, s26;
	v15 =	vand.u32 $0xFFFF0000, v15;
	v3 =	vor.u32 $0xC07, v62;
	v11 =	vadd.bf16 v11, v19;
	v19 =	vld.idx.msk [tilespmem:v21+s20+$0x0], $0xffff  }
0x13f: {  	v14 =	vadd.f32 v14, v4;
	v24 =	vor.u32 v3, v17;
	v4 =	vmov s5;
	v21 =	vld.idx.msk [tilespmem:v22+s19+$0x0], $0xffff  }
0x140: {  	v13 =	vadd.bf16 v13, v20;
	v20 =	vld.idx.msk [tilespmem:v22+s20+$0x0], $0xffff;
	v22 =	vshrl.u32 v4, $0x3;
	v11 =	vmax.bf16 v11, v2  }
0x141: {  	v4 =	vor.u32 $0xE07, v62;
	v22 =	vshll.u32 v22, v1;
	v11 =	vmul.bf16 v11, v16  }
0x142: {  	v17 =	vor.u32 v4, v17;
	v14 =	vadd.f32 v15, v14;
	v13 =	vmax.bf16 v13, v2  }
0x143: {  	v22 =	vbroadcast v22, $0x0;
	v13 =	vmul.bf16 v13, v16;
	v15 =	vshll.u32 v11, $0x10  }
0x144: {  	v11 =	vand.u32 $0xFFFF0000, v11;
	v8 =	vadd.f32 v15, v8;
	v15 =	vadd.bf16 v19, v18  }
0x145: {  	v25 =	vld.idx.msk [tilespmem:v23+s19+$0x0], $0xffff;
	v26 =	vshll.u32 v13, $0x10;
	v20 =	vadd.bf16 v20, v21;
	v13 =	vand.u32 $0xFFFF0000, v13  }
0x146: {  	v23 =	vld.idx.msk [tilespmem:v23+s20+$0x0], $0xffff;
	v10 =	vadd.f32 v26, v10;
	v8 =	vadd.f32 v11, v8;
	v11 =	vmax.bf16 v15, v2  }
0x147: {  	v21 =	vld.idx.msk [tilespmem:v24+s20+$0x0], $0xffff;
	v19 =	vor.u32 v62, v22;
	v15 =	vmax.bf16 v20, v2;
	v11 =	vmul.bf16 v11, v16  }
0x148: {  	v18 =	vld.idx.msk [tilespmem:v24+s19+$0x0], $0xffff;
	v10 =	vadd.f32 v13, v10;
	v13 =	vmul.bf16 v15, v16  }
0x149: {  	v20 =	vld.idx.msk [tilespmem:v17+s19+$0x0], $0xffff;
	v24 =	vshll.u32 v11, $0x10  }
0x14a: {  	v15 =	vld.idx.msk [tilespmem:v17+s20+$0x0], $0xffff;
	v9 =	vadd.f32 v24, v9;
	v24 =	vshll.u32 v13, $0x10  }
0x14b: {  	v5 =	vadd.f32 v24, v5;
	v24 =	vld [tilespmem:$0x1FFA0]  }
0x14c: {  	v23 =	vadd.bf16 v23, v25;
	v25 =	vld.idx.msk [tilespmem:v19+s19+$0x0], $0xffff  }
0x14d: {  	v17 =	vor.u32 v27, v22;
	v19 =	vld.idx.msk [tilespmem:v19+s20+$0x0], $0xffff  }
0x14e: {  	s12 =	sshll.u32 s5, $0x4  }
0x14f: {  	s12 =	sand.u32 $0x3FFFFFF0, s12;
	v11 =	vand.u32 $0xFFFF0000, v11;
	v18 =	vadd.bf16 v21, v18  }
0x150: {  	v21 =	vmax.bf16 v23, v2;
	v23 =	vld [tilespmem:s12+$0xD000];
	v13 =	vand.u32 $0xFFFF0000, v13;
	v24 =	vor.u32 v24, v22  }
0x151: {  	v21 =	vmul.bf16 v21, v16;
	v9 =	vadd.f32 v11, v9;
	v15 =	vadd.bf16 v15, v20;
	v20 =	vld [tilespmem:$0x1FFB0]  }
0x152: {  	v18 =	vmax.bf16 v18, v2;
	v5 =	vadd.f32 v13, v5;
	v13 =	vld.idx.msk [tilespmem:v17+s19+$0x0], $0xffff;
	v19 =	vadd.bf16 v19, v25  }
0x153: {  	v11 =	vmul.bf16 v18, v16;
	v18 =	vshll.u32 v21, $0x10;
	v17 =	vld.idx.msk [tilespmem:v17+s20+$0x0], $0xffff;
	v15 =	vmax.bf16 v15, v2  }
0x154: {  	v7 =	vadd.f32 v18, v7;
	v15 =	vmul.bf16 v15, v16;
	v16 =	vmax.bf16 v19, v2;
	v19 =	vld [tilespmem:$0x1FFC0]  }
0x155: {  	v21 =	vand.u32 $0xFFFF0000, v21;
	v26 =	vshll.u32 v11, $0x10;
	v18 =	vld.idx.msk [tilespmem:v24+s19+$0x0], $0xffff  }
0x156: {  	v6 =	vadd.f32 v26, v6;
	v7 =	vadd.f32 v21, v7;
	v20 =	vor.u32 v20, v22;
	v21 =	vld.idx.msk [tilespmem:v24+s20+$0x0], $0xffff  }
0x157: {  	v11 =	vand.u32 $0xFFFF0000, v11;
	v16 =	vmul.bf16 v16, v23;
	v24 =	vld [tilespmem:$0x1FFF0]  }
0x158: {  	v6 =	vadd.f32 v11, v6;
	v11 =	vshll.u32 v15, $0x10  }
0x159: {  	v11 =	vadd.f32 v11, v12;
	v12 =	vshll.u32 v16, $0x10  }
0x15a: {  	v12 =	vadd.f32 v12, v14;
	v14 =	vand.u32 $0xFFFF0000, v16;
	v16 =	vld [tilespmem:$0x1FFD0];
	v19 =	vor.u32 v19, v22  }
0x15b: {  	v13 =	vadd.bf16 v17, v13;
	v17 =	vld.idx.msk [tilespmem:v20+s19+$0x0], $0xffff  }
0x15c: {  	v20 =	vld.idx.msk [tilespmem:v20+s20+$0x0], $0xffff;
	v24 =	vor.u32 v24, v22  }
0x15d: {  	v18 =	vadd.bf16 v21, v18;
	v21 =	vld [tilespmem:$0x1FFE0]  }
0x15e: {  	v15 =	vand.u32 $0xFFFF0000, v15  }
0x15f: {  	v11 =	vadd.f32 v15, v11;
	v15 =	vld.idx.msk [tilespmem:v19+s19+$0x0], $0xffff  }
0x160: {  	v12 =	vadd.f32 v14, v12;
	v14 =	vld.idx.msk [tilespmem:v19+s20+$0x0], $0xffff  }
0x161: {  	v13 =	vmax.bf16 v13, v2;
	v17 =	vadd.bf16 v20, v17;
	v20 =	vld.idx.msk [tilespmem:v24+s19+$0x0], $0xffff  }
0x162: {  	s5 =	sor.u32 $0x9, s26;
	v13 =	vmul.bf16 v13, v23;
	v16 =	vor.u32 v16, v22;
	v21 =	vor.u32 v21, v22;
	v22 =	vld.idx.msk [tilespmem:v24+s20+$0x0], $0xffff  }
0x163: {  	v19 =	vmov s5;
	v24 =	vld [tilespmem:$0x1FC50]  }
0x164: {  	v25 =	vshll.u32 v13, $0x10;
	v13 =	vand.u32 $0xFFFF0000, v13;
	v19 =	vshrl.u32 v19, $0x3  }
0x165: {  	v8 =	vadd.f32 v25, v8;
	v19 =	vshll.u32 v19, v1;
	v18 =	vmax.bf16 v18, v2  }
0x166: {  	v19 =	vbroadcast v19, $0x0;
	v18 =	vmul.bf16 v18, v23;
	v17 =	vmax.bf16 v17, v2  }
0x167: {  	v8 =	vadd.f32 v13, v8;
	v17 =	vmul.bf16 v17, v23;
	v14 =	vadd.bf16 v14, v15;
	v15 =	vld.idx.msk [tilespmem:v16+s19+$0x0], $0xffff  }
0x168: {  	v13 =	vshll.u32 v18, $0x10;
	v18 =	vand.u32 $0xFFFF0000, v18;
	v16 =	vld.idx.msk [tilespmem:v16+s20+$0x0], $0xffff;
	v24 =	vor.u32 v24, v19  }
0x169: {  	v10 =	vadd.f32 v13, v10;
	v13 =	vshll.u32 v17, $0x10;
	v14 =	vmax.bf16 v14, v2;
	v25 =	vld.idx.msk [tilespmem:v21+s19+$0x0], $0xffff  }
0x16a: {  	v9 =	vadd.f32 v13, v9;
	v14 =	vmul.bf16 v14, v23;
	v20 =	vadd.bf16 v22, v20;
	v21 =	vld.idx.msk [tilespmem:v21+s20+$0x0], $0xffff  }
0x16b: {  	v13 =	vand.u32 $0xFFFF0000, v17;
	v10 =	vadd.f32 v18, v10;
	v22 =	vor.u32 v28, v19  }
0x16c: {  	v9 =	vadd.f32 v13, v9;
	v17 =	vshll.u32 v14, $0x10;
	v18 =	vmax.bf16 v20, v2  }
0x16d: {  	s12 =	sshll.u32 s5, $0x4;
	v5 =	vadd.f32 v17, v5;
	v13 =	vmul.bf16 v18, v23;
	v18 =	vor.u32 v34, v19;
	v20 =	vld.idx.msk [tilespmem:v24+s19+$0x0], $0xffff  }
0x16e: {  	s12 =	sand.u32 $0x3FFFFFF0, s12;
	v14 =	vand.u32 $0xFFFF0000, v14;
	v15 =	vadd.bf16 v16, v15;
	v17 =	vld.idx.msk [tilespmem:v24+s20+$0x0], $0xffff  }
0x16f: {  	v16 =	vld [tilespmem:s12+$0xD000];
	v5 =	vadd.f32 v14, v5;
	v14 =	vshll.u32 v13, $0x10;
	v21 =	vadd.bf16 v21, v25  }
0x170: {  	v15 =	vmax.bf16 v15, v2;
	v24 =	vld.idx.msk [tilespmem:v22+s19+$0x0], $0xffff;
	v13 =	vand.u32 $0xFFFF0000, v13;
	v7 =	vadd.f32 v14, v7  }
0x171: {  	v22 =	vld.idx.msk [tilespmem:v22+s20+$0x0], $0xffff;
	v25 =	vor.u32 v46, v19;
	v14 =	vmul.bf16 v15, v23;
	v15 =	vmax.bf16 v21, v2  }
0x172: {  	v15 =	vmul.bf16 v15, v23;
	v7 =	vadd.f32 v13, v7;
	v21 =	vld.idx.msk [tilespmem:v18+s19+$0x0], $0xffff  }
0x173: {  	v13 =	vshll.u32 v14, $0x10;
	v18 =	vld.idx.msk [tilespmem:v18+s20+$0x0], $0xffff;
	v17 =	vadd.bf16 v17, v20;
	v20 =	vor.u32 v48, v19  }
0x174: {  	v6 =	vadd.f32 v13, v6;
	v13 =	vshll.u32 v15, $0x10  }
0x175: {  	v14 =	vand.u32 $0xFFFF0000, v14;
	v11 =	vadd.f32 v13, v11  }
0x176: {  	v6 =	vadd.f32 v14, v6;
	v14 =	vand.u32 $0xFFFF0000, v15;
	v15 =	vld.idx.msk [tilespmem:v25+s20+$0x0], $0xffff;
	v17 =	vmax.bf16 v17, v2  }
0x177: {  	s5 =	sor.u32 $0xA, s26;
	v23 =	vor.u32 v50, v19;
	v13 =	vmul.bf16 v17, v16;
	v17 =	vadd.bf16 v22, v24;
	v22 =	vld.idx.msk [tilespmem:v25+s19+$0x0], $0xffff  }
0x178: {  	v11 =	vadd.f32 v14, v11;
	v25 =	vmov s5;
	v18 =	vadd.bf16 v18, v21;
	v24 =	vld.idx.msk [tilespmem:v20+s19+$0x0], $0xffff  }
0x179: {  	v21 =	vor.u32 v52, v19;
	v25 =	vshrl.u32 v25, $0x3;
	v17 =	vmax.bf16 v17, v2;
	v20 =	vld.idx.msk [tilespmem:v20+s20+$0x0], $0xffff  }
0x17a: {  	v19 =	vor.u32 v54, v19;
	v25 =	vshll.u32 v25, v1;
	v17 =	vmul.bf16 v17, v16  }
0x17b: {  	v14 =	vshll.u32 v13, $0x10;
	v18 =	vmax.bf16 v18, v2;
	v25 =	vbroadcast v25, $0x0  }
0x17c: {  	v12 =	vadd.f32 v14, v12;
	v14 =	vshll.u32 v17, $0x10;
	v15 =	vadd.bf16 v15, v22  }
0x17d: {  	v26 =	vld.idx.msk [tilespmem:v23+s19+$0x0], $0xffff;
	v22 =	vor.u32 v56, v25;
	v8 =	vadd.f32 v14, v8;
	v14 =	vmul.bf16 v18, v16  }
0x17e: {  	v13 =	vand.u32 $0xFFFF0000, v13;
	v17 =	vand.u32 $0xFFFF0000, v17;
	v18 =	vld.idx.msk [tilespmem:v23+s20+$0x0], $0xffff;
	v20 =	vadd.bf16 v20, v24  }
0x17f: {  	v12 =	vadd.f32 v13, v12;
	v8 =	vadd.f32 v17, v8;
	v13 =	vshll.u32 v14, $0x10;
	v17 =	vld.idx.msk [tilespmem:v21+s19+$0x0], $0xffff  }
0x180: {  	v10 =	vadd.f32 v13, v10;
	v13 =	vmax.bf16 v15, v2;
	v15 =	vmax.bf16 v20, v2;
	v20 =	vld.idx.msk [tilespmem:v21+s20+$0x0], $0xffff  }
0x181: {  	v21 =	vld.idx.msk [tilespmem:v19+s19+$0x0], $0xffff;
	v13 =	vmul.bf16 v13, v16  }
0x182: {  	v14 =	vand.u32 $0xFFFF0000, v14;
	v24 =	vld.idx.msk [tilespmem:v22+s19+$0x0], $0xffff  }
0x183: {  	v10 =	vadd.f32 v14, v10;
	v14 =	vadd.bf16 v18, v26;
	v18 =	vld.idx.msk [tilespmem:v19+s20+$0x0], $0xffff;
	v19 =	vshll.u32 v13, $0x10  }
0x184: {  	v9 =	vadd.f32 v19, v9;
	v19 =	vld.idx.msk [tilespmem:v22+s20+$0x0], $0xffff  }
0x185: {  	v22 =	vld [tilespmem:$0x1FCE0]  }
0x186: {  	v15 =	vmul.bf16 v15, v16;
	_ =	sdelay $0x1  }
0x187: {  	v23 =	vshll.u32 v15, $0x10  }
0x188: {  	v13 =	vand.u32 $0xFFFF0000, v13;
	v5 =	vadd.f32 v23, v5;
	v14 =	vmax.bf16 v14, v2  }
0x189: {  	v15 =	vand.u32 $0xFFFF0000, v15;
	v14 =	vmul.bf16 v14, v16;
	v22 =	vor.u32 v22, v25  }
0x18a: {  	s12 =	sshll.u32 s5, $0x4;
	v9 =	vadd.f32 v13, v9;
	v5 =	vadd.f32 v15, v5  }
0x18b: {  	s12 =	sand.u32 $0x3FFFFFF0, s12;
	v23 =	vld [tilespmem:$0x1FD10];
	v15 =	vadd.bf16 v20, v17;
	v20 =	vor.u32 v59, v25;
	v13 =	vshll.u32 v14, $0x10  }
0x18c: {  	v17 =	vld [tilespmem:s12+$0xD000];
	v7 =	vadd.f32 v13, v7;
	v13 =	vadd.bf16 v18, v21  }
0x18d: {  	v15 =	vmax.bf16 v15, v2;
	v18 =	vadd.bf16 v19, v24;
	v19 =	vor.u32 v29, v25  }
0x18e: {  	v15 =	vmul.bf16 v15, v16;
	v13 =	vmax.bf16 v13, v2;
	v21 =	vld.idx.msk [tilespmem:v22+s19+$0x0], $0xffff  }
0x18f: {  	v14 =	vand.u32 $0xFFFF0000, v14;
	v13 =	vmul.bf16 v13, v16;
	v16 =	vld.idx.msk [tilespmem:v22+s20+$0x0], $0xffff  }
0x190: {  	v7 =	vadd.f32 v14, v7;
	v14 =	vmax.bf16 v18, v2;
	v18 =	vshll.u32 v15, $0x10;
	v22 =	vld.idx.msk [tilespmem:v20+s19+$0x0], $0xffff  }
0x191: {  	v23 =	vor.u32 v23, v25;
	v14 =	vmul.bf16 v14, v17;
	v6 =	vadd.f32 v18, v6;
	v20 =	vld.idx.msk [tilespmem:v20+s20+$0x0], $0xffff  }
0x192: {  	v26 =	vor.u32 v36, v25;
	v15 =	vand.u32 $0xFFFF0000, v15;
	v18 =	vshll.u32 v13, $0x10;
	v24 =	vld.idx.msk [tilespmem:v19+s19+$0x0], $0xffff  }
0x193: {  	s5 =	sor.u32 $0xB, s26;
	v11 =	vadd.f32 v18, v11;
	v18 =	vshll.u32 v14, $0x10;
	v6 =	vadd.f32 v15, v6;
	v15 =	vld.idx.msk [tilespmem:v19+s20+$0x0], $0xffff  }
0x194: {  	v13 =	vand.u32 $0xFFFF0000, v13;
	v12 =	vadd.f32 v18, v12;
	v18 =	vmov s5  }
0x195: {  	v11 =	vadd.f32 v13, v11;
	v13 =	vand.u32 $0xFFFF0000, v14;
	v14 =	vadd.bf16 v16, v21  }
0x196: {  	v18 =	vshrl.u32 v18, $0x3;
	v12 =	vadd.f32 v13, v12;
	v13 =	vld.idx.msk [tilespmem:v23+s19+$0x0], $0xffff;
	v16 =	vor.u32 v38, v25  }
0x197: {  	v18 =	vshll.u32 v18, v1;
	v19 =	vadd.bf16 v20, v22;
	v20 =	vld.idx.msk [tilespmem:v23+s20+$0x0], $0xffff;
	v14 =	vmax.bf16 v14, v2  }
0x198: {  	v21 =	vld.idx.msk [tilespmem:v26+s19+$0x0], $0xffff;
	v22 =	vor.u32 v40, v25;
	v15 =	vadd.bf16 v15, v24;
	v14 =	vmul.bf16 v14, v17  }
0x199: {  	v18 =	vbroadcast v18, $0x0;
	v23 =	vld.idx.msk [tilespmem:v26+s20+$0x0], $0xffff;
	v19 =	vmax.bf16 v19, v2  }
0x19a: {  	v15 =	vmax.bf16 v15, v2;
	v19 =	vmul.bf16 v19, v17;
	v24 =	vshll.u32 v14, $0x10  }
0x19b: {  	v25 =	vor.u32 v53, v18;
	v15 =	vmul.bf16 v15, v17;
	v8 =	vadd.f32 v24, v8;
	v24 =	vld.idx.msk [tilespmem:v16+s19+$0x0], $0xffff  }
0x19c: {  	v14 =	vand.u32 $0xFFFF0000, v14;
	v26 =	vshll.u32 v19, $0x10;
	v13 =	vadd.bf16 v20, v13;
	v16 =	vld.idx.msk [tilespmem:v16+s20+$0x0], $0xffff  }
0x19d: {  	v20 =	vshll.u32 v15, $0x10;
	v8 =	vadd.f32 v14, v8;
	v14 =	vand.u32 $0xFFFF0000, v19;
	v19 =	vld.idx.msk [tilespmem:v22+s19+$0x0], $0xffff  }
0x19e: {  	v21 =	vadd.bf16 v23, v21;
	v10 =	vadd.f32 v26, v10;
	v13 =	vmax.bf16 v13, v2;
	v22 =	vld.idx.msk [tilespmem:v22+s20+$0x0], $0xffff  }
0x19f: {  	v9 =	vadd.f32 v20, v9;
	v20 =	vor.u32 v33, v18;
	v13 =	vmul.bf16 v13, v17  }
0x1a0: {  	v10 =	vadd.f32 v14, v10;
	v14 =	vand.u32 $0xFFFF0000, v15  }
0x1a1: {  	v15 =	vmax.bf16 v21, v2;
	v9 =	vadd.f32 v14, v9;
	v14 =	vshll.u32 v13, $0x10  }
0x1a2: {  	v23 =	vld.idx.msk [tilespmem:v25+s20+$0x0], $0xffff;
	v15 =	vmul.bf16 v15, v17;
	v5 =	vadd.f32 v14, v5;
	v14 =	vadd.bf16 v16, v24  }
0x1a3: {  	v21 =	vld.idx.msk [tilespmem:v25+s19+$0x0], $0xffff;
	v13 =	vand.u32 $0xFFFF0000, v13;
	v19 =	vadd.bf16 v22, v19  }
0x1a4: {  	v16 =	vshll.u32 v15, $0x10;
	v5 =	vadd.f32 v13, v5;
	v13 =	vmax.bf16 v14, v2;
	v14 =	vld.idx.msk [tilespmem:v20+s19+$0x0], $0xffff  }
0x1a5: {  	s12 =	sshll.u32 s5, $0x4;
	v7 =	vadd.f32 v16, v7;
	v16 =	vmax.bf16 v19, v2;
	v19 =	vld.idx.msk [tilespmem:v20+s20+$0x0], $0xffff  }
0x1a6: {  	s12 =	sand.u32 $0x3FFFFFF0, s12;
	v20 =	vld [tilespmem:$0x1FD80]  }
0x1a7: {  	v22 =	vld [tilespmem:s12+$0xD000]  }
0x1a8: {  	v24 =	vor.u32 v60, v18;
	v15 =	vand.u32 $0xFFFF0000, v15  }
0x1a9: {  	v13 =	vmul.bf16 v13, v17;
	v16 =	vmul.bf16 v16, v17;
	v17 =	vadd.bf16 v23, v21  }
0x1aa: {  	v7 =	vadd.f32 v15, v7;
	v21 =	vor.u32 v0, v18  }
0x1ab: {  	v15 =	vshll.u32 v13, $0x10;
	v17 =	vmax.bf16 v17, v2;
	v20 =	vor.u32 v20, v18  }
0x1ac: {  	v6 =	vadd.f32 v15, v6;
	v15 =	vmul.bf16 v17, v22  }
0x1ad: {  	v13 =	vand.u32 $0xFFFF0000, v13;
	v25 =	vld.idx.msk [tilespmem:v24+s19+$0x0], $0xffff;
	v14 =	vadd.bf16 v19, v14  }
0x1ae: {  	v23 =	vshll.u32 v16, $0x10;
	v17 =	vld.idx.msk [tilespmem:v24+s20+$0x0], $0xffff;
	v6 =	vadd.f32 v13, v6;
	v13 =	vshll.u32 v15, $0x10  }
0x1af: {  	v11 =	vadd.f32 v23, v11;
	v12 =	vadd.f32 v13, v12;
	v13 =	vmax.bf16 v14, v2;
	v14 =	vld.idx.msk [tilespmem:v21+s19+$0x0], $0xffff  }
0x1b0: {  	v16 =	vand.u32 $0xFFFF0000, v16;
	v23 =	vor.u32 v30, v18;
	v19 =	vld.idx.msk [tilespmem:v20+s19+$0x0], $0xffff  }
0x1b1: {  	s5 =	sor.u32 $0xC, s26;
	v11 =	vadd.f32 v16, v11;
	v16 =	vld.idx.msk [tilespmem:v20+s20+$0x0], $0xffff  }
0x1b2: {  	v24 =	vmov s5;
	v15 =	vand.u32 $0xFFFF0000, v15;
	v20 =	vld.idx.msk [tilespmem:v21+s20+$0x0], $0xffff;
	v21 =	vor.u32 v51, v18  }
0x1b3: {  	v13 =	vmul.bf16 v13, v22;
	v12 =	vadd.f32 v15, v12;
	v15 =	vadd.bf16 v17, v25  }
0x1b4: {  	v17 =	vshrl.u32 v24, $0x3;
	v18 =	vor.u32 v41, v18  }
0x1b5: {  	v25 =	vld.idx.msk [tilespmem:v23+s19+$0x0], $0xffff;
	v24 =	vshll.u32 v13, $0x10;
	v17 =	vshll.u32 v17, v1;
	v15 =	vmax.bf16 v15, v2  }
0x1b6: {  	v8 =	vadd.f32 v24, v8;
	v15 =	vmul.bf16 v15, v22;
	v16 =	vadd.bf16 v16, v19;
	v19 =	vld.idx.msk [tilespmem:v23+s20+$0x0], $0xffff  }
0x1b7: {  	v13 =	vand.u32 $0xFFFF0000, v13;
	v17 =	vbroadcast v17, $0x0;
	v14 =	vadd.bf16 v20, v14;
	v20 =	vld.idx.msk [tilespmem:v21+s19+$0x0], $0xffff  }
0x1b8: {  	v8 =	vadd.f32 v13, v8;
	v13 =	vshll.u32 v15, $0x10;
	v21 =	vld.idx.msk [tilespmem:v21+s20+$0x0], $0xffff  }
0x1b9: {  	v23 =	vor.u32 v42, v17;
	v10 =	vadd.f32 v13, v10;
	v13 =	vmax.bf16 v14, v2;
	v14 =	vld.idx.msk [tilespmem:v18+s19+$0x0], $0xffff  }
0x1ba: {  	v16 =	vmax.bf16 v16, v2;
	v18 =	vld.idx.msk [tilespmem:v18+s20+$0x0], $0xffff  }
0x1bb: {  	v15 =	vand.u32 $0xFFFF0000, v15;
	v16 =	vmul.bf16 v16, v22  }
0x1bc: {  	v10 =	vadd.f32 v15, v10;
	v15 =	vor.u32 v49, v17  }
0x1bd: {  	s12 =	sshll.u32 s5, $0x4;
	v13 =	vmul.bf16 v13, v22;
	v24 =	vshll.u32 v16, $0x10;
	v19 =	vadd.bf16 v19, v25  }
0x1be: {  	s12 =	sand.u32 $0x3FFFFFF0, s12;
	v16 =	vand.u32 $0xFFFF0000, v16;
	v25 =	vld.idx.msk [tilespmem:v23+s19+$0x0], $0xffff;
	v20 =	vadd.bf16 v21, v20;
	v21 =	vor.u32 v61, v17  }
0x1bf: {  	v9 =	vadd.f32 v24, v9;
	v24 =	vshll.u32 v13, $0x10;
	v14 =	vadd.bf16 v18, v14;
	v18 =	vld [tilespmem:s12+$0xD000]  }
0x1c0: {  	v19 =	vmax.bf16 v19, v2;
	v5 =	vadd.f32 v24, v5;
	v24 =	vor.u32 v32, v17;
	v32 =	vmovc v28;
	v28 =	vld [tilespmem:$0x1FE20]  }
0x1c1: {  	v9 =	vadd.f32 v16, v9;
	v16 =	vmul.bf16 v19, v22;
	v19 =	vld.idx.msk [tilespmem:v23+s20+$0x0], $0xffff  }
0x1c2: {  	v13 =	vand.u32 $0xFFFF0000, v13;
	v20 =	vmax.bf16 v20, v2;
	v23 =	vld.idx.msk [tilespmem:v15+s19+$0x0], $0xffff  }
0x1c3: {  	v15 =	vld.idx.msk [tilespmem:v15+s20+$0x0], $0xffff;
	v5 =	vadd.f32 v13, v5;
	v14 =	vmax.bf16 v14, v2;
	v13 =	vshll.u32 v16, $0x10  }
0x1c4: {  	v14 =	vmul.bf16 v14, v22;
	v7 =	vadd.f32 v13, v7;
	v13 =	vmul.bf16 v20, v22;
	v22 =	vld.idx.msk [tilespmem:v21+s19+$0x0], $0xffff  }
0x1c5: {  	v16 =	vand.u32 $0xFFFF0000, v16;
	v20 =	vor.u32 v35, v17;
	v21 =	vld.idx.msk [tilespmem:v21+s20+$0x0], $0xffff  }
0x1c6: {  	v51 =	vld [tilespmem:$0x1FE40];
	v19 =	vadd.bf16 v19, v25;
	v7 =	vadd.f32 v16, v7;
	v16 =	vshll.u32 v13, $0x10  }
0x1c7: {  	v13 =	vand.u32 $0xFFFF0000, v13;
	v6 =	vadd.f32 v16, v6;
	v16 =	vshll.u32 v14, $0x10  }
0x1c8: {  	v25 =	vor.u32 v28, v17;
	v19 =	vmax.bf16 v19, v2;
	v11 =	vadd.f32 v16, v11  }
0x1c9: {  	v16 =	vmul.bf16 v19, v18;
	v19 =	vld.idx.msk [tilespmem:v24+s19+$0x0], $0xffff;
	v6 =	vadd.f32 v13, v6;
	v13 =	vand.u32 $0xFFFF0000, v14  }
0x1ca: {  	v14 =	vadd.bf16 v15, v23;
	v15 =	vld.idx.msk [tilespmem:v24+s20+$0x0], $0xffff;
	v21 =	vadd.bf16 v21, v22;
	v22 =	vor.u32 v37, v17  }
0x1cb: {  	s5 =	sor.u32 $0xD, s26;
	v23 =	vld.idx.msk [tilespmem:v20+s19+$0x0], $0xffff;
	v17 =	vor.u32 v51, v17;
	v11 =	vadd.f32 v13, v11;
	v13 =	vshll.u32 v16, $0x10  }
0x1cc: {  	v12 =	vadd.f32 v13, v12;
	v13 =	vmax.bf16 v14, v2;
	v14 =	vld.idx.msk [tilespmem:v20+s20+$0x0], $0xffff;
	v20 =	vmov s5  }
0x1cd: {  	v52 =	vld [tilespmem:$0x1FE60];
	v21 =	vmax.bf16 v21, v2;
	v20 =	vshrl.u32 v20, $0x3;
	v13 =	vmul.bf16 v13, v18  }
0x1ce: {  	v16 =	vand.u32 $0xFFFF0000, v16;
	v24 =	vld.idx.msk [tilespmem:v25+s20+$0x0], $0xffff;
	v21 =	vmul.bf16 v21, v18;
	v20 =	vshll.u32 v20, v1  }
0x1cf: {  	v12 =	vadd.f32 v16, v12;
	v16 =	vld.idx.msk [tilespmem:v25+s19+$0x0], $0xffff;
	v20 =	vbroadcast v20, $0x0;
	v25 =	vshll.u32 v13, $0x10  }
0x1d0: {  	v15 =	vadd.bf16 v15, v19;
	v8 =	vadd.f32 v25, v8;
	v25 =	vld.idx.msk [tilespmem:v22+s19+$0x0], $0xffff  }
0x1d1: {  	v22 =	vld.idx.msk [tilespmem:v22+s20+$0x0], $0xffff;
	v14 =	vadd.bf16 v14, v23;
	v19 =	vor.u32 v39, v20;
	v23 =	vshll.u32 v21, $0x10  }
0x1d2: {  	v13 =	vand.u32 $0xFFFF0000, v13;
	v15 =	vmax.bf16 v15, v2;
	v10 =	vadd.f32 v23, v10;
	v23 =	vld.idx.msk [tilespmem:v17+s19+$0x0], $0xffff  }
0x1d3: {  	v15 =	vmul.bf16 v15, v18;
	v21 =	vand.u32 $0xFFFF0000, v21;
	v26 =	vor.u32 v52, v20;
	v17 =	vld.idx.msk [tilespmem:v17+s20+$0x0], $0xffff  }
0x1d4: {  	v0 =	vld [tilespmem:$0x1FE70];
	v8 =	vadd.f32 v13, v8;
	v14 =	vmax.bf16 v14, v2;
	v16 =	vadd.bf16 v24, v16  }
0x1d5: {  	v53 =	vld [tilespmem:$0x1FE80];
	v13 =	vshll.u32 v15, $0x10;
	v15 =	vand.u32 $0xFFFF0000, v15;
	v14 =	vmul.bf16 v14, v18  }
0x1d6: {  	v10 =	vadd.f32 v21, v10;
	v9 =	vadd.f32 v13, v9;
	v16 =	vmax.bf16 v16, v2;
	v24 =	vld.idx.msk [tilespmem:v19+s19+$0x0], $0xffff  }
0x1d7: {  	v21 =	vshll.u32 v14, $0x10;
	v13 =	vmul.bf16 v16, v18;
	v16 =	vld.idx.msk [tilespmem:v19+s20+$0x0], $0xffff;
	v19 =	vadd.bf16 v22, v25  }
0x1d8: {  	v14 =	vand.u32 $0xFFFF0000, v14;
	v5 =	vadd.f32 v21, v5;
	v17 =	vadd.bf16 v17, v23  }
0x1d9: {  	v54 =	vld [tilespmem:$0x1FEA0];
	s12 =	sshll.u32 s5, $0x4;
	v9 =	vadd.f32 v15, v9;
	v21 =	vor.u32 v0, v20;
	v15 =	vmax.bf16 v19, v2  }
0x1da: {  	s12 =	sand.u32 $0x3FFFFFF0, s12;
	v22 =	vld.idx.msk [tilespmem:v26+s20+$0x0], $0xffff;
	v5 =	vadd.f32 v14, v5;
	v14 =	vshll.u32 v13, $0x10;
	v17 =	vmax.bf16 v17, v2  }
0x1db: {  	v19 =	vld [tilespmem:s12+$0xD000];
	v7 =	vadd.f32 v14, v7;
	v14 =	vmul.bf16 v15, v18;
	v17 =	vmul.bf16 v17, v18  }
0x1dc: {  	v23 =	vor.u32 v53, v20;
	v13 =	vand.u32 $0xFFFF0000, v13;
	v15 =	vld.idx.msk [tilespmem:v26+s19+$0x0], $0xffff;
	v16 =	vadd.bf16 v16, v24  }
0x1dd: {  	v7 =	vadd.f32 v13, v7;
	v13 =	vshll.u32 v14, $0x10;
	v18 =	vshll.u32 v17, $0x10  }
0x1de: {  	v56 =	vld [tilespmem:$0x1FEC0];
	v6 =	vadd.f32 v13, v6;
	v13 =	vmax.bf16 v16, v2;
	v16 =	vor.u32 v43, v20  }
0x1df: {  	v14 =	vand.u32 $0xFFFF0000, v14;
	v24 =	vld.idx.msk [tilespmem:v21+s19+$0x0], $0xffff;
	v11 =	vadd.f32 v18, v11  }
0x1e0: {  	v13 =	vmul.bf16 v13, v19;
	v6 =	vadd.f32 v14, v6;
	v14 =	vand.u32 $0xFFFF0000, v17;
	v17 =	vld.idx.msk [tilespmem:v21+s20+$0x0], $0xffff  }
0x1e1: {  	s5 =	sor.u32 $0xE, s26;
	v15 =	vadd.bf16 v22, v15;
	v21 =	vld.idx.msk [tilespmem:v23+s19+$0x0], $0xffff;
	v22 =	vor.u32 v54, v20  }
0x1e2: {  	v25 =	vmov s5;
	v18 =	vshll.u32 v13, $0x10;
	v11 =	vadd.f32 v14, v11;
	v14 =	vld.idx.msk [tilespmem:v23+s20+$0x0], $0xffff  }
0x1e3: {  	v23 =	vor.u32 v45, v20;
	v12 =	vadd.f32 v18, v12;
	v15 =	vmax.bf16 v15, v2;
	v18 =	vld.idx.msk [tilespmem:v16+s19+$0x0], $0xffff  }
0x1e4: {  	v25 =	vshrl.u32 v25, $0x3;
	v13 =	vand.u32 $0xFFFF0000, v13;
	v15 =	vmul.bf16 v15, v19;
	v16 =	vld.idx.msk [tilespmem:v16+s20+$0x0], $0xffff  }
0x1e5: {  	v59 =	vld [tilespmem:$0x1FEE0];
	v12 =	vadd.f32 v13, v12;
	v13 =	vadd.bf16 v17, v24;
	v17 =	vshll.u32 v25, v1  }
0x1e6: {  	v20 =	vor.u32 v56, v20;
	v24 =	vshll.u32 v15, $0x10;
	v25 =	vld.idx.msk [tilespmem:v22+s19+$0x0], $0xffff;
	v17 =	vbroadcast v17, $0x0  }
0x1e7: {  	v8 =	vadd.f32 v24, v8;
	v14 =	vadd.bf16 v14, v21;
	v21 =	vld.idx.msk [tilespmem:v22+s20+$0x0], $0xffff;
	v13 =	vmax.bf16 v13, v2  }
0x1e8: {  	v15 =	vand.u32 $0xFFFF0000, v15;
	v22 =	vld.idx.msk [tilespmem:v23+s19+$0x0], $0xffff;
	v13 =	vmul.bf16 v13, v19;
	v24 =	vor.u32 v47, v17  }
0x1e9: {  	v8 =	vadd.f32 v15, v8;
	v14 =	vmax.bf16 v14, v2;
	v15 =	vadd.bf16 v16, v18;
	v16 =	vld.idx.msk [tilespmem:v23+s20+$0x0], $0xffff  }
0x1ea: {  	v60 =	vld [tilespmem:$0x1FF00];
	v23 =	vor.u32 v59, v17;
	v14 =	vmul.bf16 v14, v19;
	v18 =	vshll.u32 v13, $0x10  }
0x1eb: {  	v13 =	vand.u32 $0xFFFF0000, v13;
	v15 =	vmax.bf16 v15, v2;
	v10 =	vadd.f32 v18, v10;
	v18 =	vld.idx.msk [tilespmem:v20+s19+$0x0], $0xffff  }
0x1ec: {  	v26 =	vshll.u32 v14, $0x10;
	v15 =	vmul.bf16 v15, v19;
	v21 =	vadd.bf16 v21, v25;
	v20 =	vld.idx.msk [tilespmem:v20+s20+$0x0], $0xffff  }
0x1ed: {  	s12 =	sshll.u32 s5, $0x4;
	v9 =	vadd.f32 v26, v9;
	v10 =	vadd.f32 v13, v10;
	v13 =	vand.u32 $0xFFFF0000, v14;
	v14 =	vld.idx.msk [tilespmem:v24+s19+$0x0], $0xffff  }
0x1ee: {  	s12 =	sand.u32 $0x3FFFFFF0, s12;
	v25 =	vshll.u32 v15, $0x10;
	v21 =	vmax.bf16 v21, v2;
	v16 =	vadd.bf16 v16, v22;
	v22 =	vld.idx.msk [tilespmem:v24+s20+$0x0], $0xffff  }
0x1ef: {  	v24 =	vld [tilespmem:s12+$0xD000];
	v5 =	vadd.f32 v25, v5;
	v21 =	vmul.bf16 v21, v19;
	v25 =	vor.u32 v55, v17  }
0x1f0: {  	v9 =	vadd.f32 v13, v9;
	v13 =	vand.u32 $0xFFFF0000, v15;
	v15 =	vmax.bf16 v16, v2;
	v16 =	vld.idx.msk [tilespmem:v23+s19+$0x0], $0xffff  }
0x1f1: {  	v23 =	vld.idx.msk [tilespmem:v23+s20+$0x0], $0xffff;
	v5 =	vadd.f32 v13, v5;
	v13 =	vshll.u32 v21, $0x10;
	v15 =	vmul.bf16 v15, v19  }
0x1f2: {  	v29 =	vld [tilespmem:$0x1FF20];
	v21 =	vand.u32 $0xFFFF0000, v21;
	v7 =	vadd.f32 v13, v7;
	v13 =	vadd.bf16 v20, v18  }
0x1f3: {  	v20 =	vor.u32 v60, v17;
	v18 =	vshll.u32 v15, $0x10;
	v14 =	vadd.bf16 v22, v14  }
0x1f4: {  	v7 =	vadd.f32 v21, v7;
	v6 =	vadd.f32 v18, v6;
	v13 =	vmax.bf16 v13, v2;
	v18 =	vld.idx.msk [tilespmem:v25+s19+$0x0], $0xffff  }
0x1f5: {  	v21 =	vor.u32 v58, v17;
	v13 =	vmul.bf16 v13, v19;
	v14 =	vmax.bf16 v14, v2;
	v19 =	vld.idx.msk [tilespmem:v25+s20+$0x0], $0xffff  }
0x1f6: {  	v0 =	vld [tilespmem:$0x1FF30];
	v15 =	vand.u32 $0xFFFF0000, v15;
	v16 =	vadd.bf16 v23, v16;
	v14 =	vmul.bf16 v14, v24  }
0x1f7: {  	v30 =	vld [tilespmem:$0x1FF40];
	v22 =	vor.u32 v29, v17;
	v6 =	vadd.f32 v15, v6;
	v15 =	vshll.u32 v13, $0x10  }
0x1f8: {  	v16 =	vmax.bf16 v16, v2;
	v23 =	vld.idx.msk [tilespmem:v20+s19+$0x0], $0xffff;
	v11 =	vadd.f32 v15, v11;
	v15 =	vshll.u32 v14, $0x10  }
0x1f9: {  	v13 =	vand.u32 $0xFFFF0000, v13;
	v12 =	vadd.f32 v15, v12;
	v15 =	vmul.bf16 v16, v24;
	v16 =	vld.idx.msk [tilespmem:v20+s20+$0x0], $0xffff  }
0x1fa: {  	s26 =	sor.u32 $0xF, s26;
	v11 =	vadd.f32 v13, v11;
	v13 =	vand.u32 $0xFFFF0000, v14;
	v14 =	vadd.bf16 v19, v18;
	v18 =	vld.idx.msk [tilespmem:v21+s19+$0x0], $0xffff  }
0x1fb: {  	v25 =	vmov s26;
	v20 =	vor.u32 v0, v17;
	v19 =	vld.idx.msk [tilespmem:v21+s20+$0x0], $0xffff  }
0x1fc: {  	v21 =	vld.idx.msk [tilespmem:v22+s19+$0x0], $0xffff;
	v12 =	vadd.f32 v13, v12;
	v13 =	vshll.u32 v15, $0x10;
	v14 =	vmax.bf16 v14, v2  }
0x1fd: {  	v8 =	vadd.f32 v13, v8;
	v13 =	vmul.bf16 v14, v24;
	v14 =	vld.idx.msk [tilespmem:v22+s20+$0x0], $0xffff;
	v22 =	vshrl.u32 v25, $0x3  }
0x1fe: {  	v61 =	vld [tilespmem:$0x1FF60];
	v17 =	vor.u32 v30, v17;
	v22 =	vshll.u32 v22, v1  }
0x1ff: {  	v15 =	vand.u32 $0xFFFF0000, v15;
	v16 =	vadd.bf16 v16, v23;
	v22 =	vbroadcast v22, $0x0  }
0x200: {  	v8 =	vadd.f32 v15, v8;
	v15 =	vshll.u32 v13, $0x10;
	v18 =	vadd.bf16 v19, v18;
	v19 =	vld.idx.msk [tilespmem:v20+s20+$0x0], $0xffff  }
0x201: {  	v10 =	vadd.f32 v15, v10;
	v15 =	vmax.bf16 v16, v2;
	v16 =	vld.idx.msk [tilespmem:v20+s19+$0x0], $0xffff;
	v20 =	vor.u32 v63, v22  }
0x202: {  	v13 =	vand.u32 $0xFFFF0000, v13;
	v15 =	vmul.bf16 v15, v24;
	v63 =	vld [tilespmem:$0x1FF80]  }
0x203: {  	v23 =	vor.u32 v61, v22;
	v10 =	vadd.f32 v13, v10;
	v13 =	vadd.bf16 v14, v21;
	v21 =	vld.idx.msk [tilespmem:v17+s19+$0x0], $0xffff  }
0x204: {  	v18 =	vmax.bf16 v18, v2;
	v17 =	vld.idx.msk [tilespmem:v17+s20+$0x0], $0xffff;
	v14 =	vshll.u32 v15, $0x10  }
0x205: {  	v25 =	vor.u32 v57, v22;
	v9 =	vadd.f32 v14, v9;
	v14 =	vmul.bf16 v18, v24  }
0x206: {  	v15 =	vand.u32 $0xFFFF0000, v15;
	v13 =	vmax.bf16 v13, v2;
	v16 =	vadd.bf16 v19, v16;
	v19 =	vld.idx.msk [tilespmem:v20+s19+$0x0], $0xffff  }
0x207: {  	v13 =	vmul.bf16 v13, v24;
	v9 =	vadd.f32 v15, v9;
	v15 =	vshll.u32 v14, $0x10;
	v20 =	vld.idx.msk [tilespmem:v20+s20+$0x0], $0xffff  }
0x208: {  	s12 =	sshll.u32 s26, $0x4;
	v27 =	vor.u32 v63, v22;
	v5 =	vadd.f32 v15, v5;
	v15 =	vmax.bf16 v16, v2;
	v16 =	vld.idx.msk [tilespmem:v23+s19+$0x0], $0xffff  }
0x209: {  	s12 =	sand.u32 $0x3FFFFFF0, s12;
	v14 =	vand.u32 $0xFFFF0000, v14;
	v26 =	vshll.u32 v13, $0x10;
	v23 =	vld.idx.msk [tilespmem:v23+s20+$0x0], $0xffff;
	v17 =	vadd.bf16 v17, v21  }
0x20a: {  	v18 =	vld [tilespmem:s12+$0xD000];
	v7 =	vadd.f32 v26, v7;
	v15 =	vmul.bf16 v15, v24;
	v26 =	vor.u32 v31, v22  }
0x20b: {  	v13 =	vand.u32 $0xFFFF0000, v13;
	v21 =	vld.idx.msk [tilespmem:v25+s20+$0x0], $0xffff;
	v5 =	vadd.f32 v14, v5;
	v17 =	vmax.bf16 v17, v2  }
0x20c: {  	v7 =	vadd.f32 v13, v7;
	v13 =	vld.idx.msk [tilespmem:v25+s19+$0x0], $0xffff;
	v14 =	vshll.u32 v15, $0x10;
	v25 =	vor.u32 v44, v22  }
0x20d: {  	v15 =	vand.u32 $0xFFFF0000, v15;
	v6 =	vadd.f32 v14, v6;
	v14 =	vadd.bf16 v20, v19;
	v19 =	vld.idx.msk [tilespmem:v27+s19+$0x0], $0xffff  }
0x20e: {  	v20 =	vld.idx.msk [tilespmem:v27+s20+$0x0], $0xffff;
	v27 =	vor.u32 v3, v22;
	v22 =	vor.u32 v4, v22;
	v16 =	vadd.bf16 v23, v16  }
0x20f: {  	v6 =	vadd.f32 v15, v6;
	v15 =	vmul.bf16 v17, v24;
	v14 =	vmax.bf16 v14, v2;
	v17 =	vld.idx.msk [tilespmem:v26+s19+$0x0], $0xffff  }
0x210: {  	v23 =	vld.idx.msk [tilespmem:v26+s20+$0x0], $0xffff;
	v14 =	vmul.bf16 v14, v18;
	v16 =	vmax.bf16 v16, v2  }
0x211: {  	v24 =	vshll.u32 v15, $0x10;
	v15 =	vand.u32 $0xFFFF0000, v15;
	v13 =	vadd.bf16 v21, v13;
	v21 =	vld.idx.msk [tilespmem:v25+s19+$0x0], $0xffff  }
0x212: {  	v25 =	vld.idx.msk [tilespmem:v25+s20+$0x0], $0xffff;
	v16 =	vmul.bf16 v16, v18;
	v11 =	vadd.f32 v24, v11;
	v24 =	vshll.u32 v14, $0x10  }
0x213: {  	v19 =	vadd.bf16 v20, v19;
	v20 =	vld.idx.msk [tilespmem:v22+s19+$0x0], $0xffff;
	v12 =	vadd.f32 v24, v12;
	v13 =	vmax.bf16 v13, v2  }
0x214: {  	v24 =	vld.idx.msk [tilespmem:v27+s19+$0x0], $0xffff;
	v15 =	vadd.f32 v15, v11;
	v11 =	vand.u32 $0xFFFF0000, v14;
	v13 =	vmul.bf16 v13, v18  }
0x215: {  	v14 =	vld.idx.msk [tilespmem:v27+s20+$0x0], $0xffff;
	v12 =	vadd.f32 v11, v12;
	v11 =	vshll.u32 v16, $0x10  }
0x216: {  	v22 =	vld.idx.msk [tilespmem:v22+s20+$0x0], $0xffff;
	v8 =	vadd.f32 v11, v8;
	v11 =	vadd.bf16 v23, v17;
	v17 =	vshll.u32 v13, $0x10  }
0x217: {  	v16 =	vand.u32 $0xFFFF0000, v16;
	v10 =	vadd.f32 v17, v10;
	v17 =	vmax.bf16 v19, v2  }
0x218: {  	v13 =	vand.u32 $0xFFFF0000, v13;
	v17 =	vmul.bf16 v17, v18;
	v19 =	vmax.bf16 v11, v2  }
0x219: {  	v11 =	vadd.f32 v16, v8;
	v10 =	vadd.f32 v13, v10;
	v8 =	vmul.bf16 v19, v18  }
0x21a: {  	v13 =	vadd.bf16 v25, v21;
	v14 =	vadd.bf16 v14, v24;
	v16 =	vshll.u32 v17, $0x10  }
0x21b: {  	v17 =	vand.u32 $0xFFFF0000, v17;
	v9 =	vadd.f32 v16, v9;
	v16 =	vadd.bf16 v22, v20  }
0x21c: {  	v19 =	vshll.u32 v8, $0x10;
	v13 =	vmax.bf16 v13, v2;
	v14 =	vmax.bf16 v14, v2  }
0x21d: {  	v26 =	vld [tilespmem:$0x1FFE0];
	v5 =	vadd.f32 v19, v5;
	v13 =	vmul.bf16 v13, v18;
	v16 =	vmax.bf16 v16, v2  }
0x21e: {  	p2 =	por p1, p1;
	v27 =	vld [tilespmem:$0x1FF90];
	v8 =	vand.u32 $0xFFFF0000, v8;
	v14 =	vmul.bf16 v14, v18;
	v16 =	vmul.bf16 v16, v18  }
.Ltmp0:
0x21f: {  	v23 =	vld [tilespmem:$0x1FFF0];
	v9 =	vadd.f32 v17, v9;
	v8 =	vadd.f32 v8, v5;
	v5 =	vshll.u32 v13, $0x10;
	(pc) =	sbr.rel @p2 .LBB2_3-.Ltmp0, $4  }
0x220: {  	v21 =	vld [tilespmem:$0x1FFC0];
	v5 =	vadd.f32 v5, v7;
	v7 =	vshll.u32 v14, $0x10;
	v17 =	vshll.u32 v16, $0x10  }
0x221: {  	v24 =	vld [tilespmem:$0x1FFD0];
	v6 =	vadd.f32 v7, v6;
	v7 =	vand.u32 $0xFFFF0000, v13;
	v15 =	vadd.f32 v17, v15  }
0x222: {  	v20 =	vld [tilespmem:$0x1FFB0];
	v13 =	vand.u32 $0xFFFF0000, v16;
	v7 =	vadd.f32 v7, v5;
	v5 =	vand.u32 $0xFFFF0000, v14  }
0x223: {  	p1 =	por $0x0, $0x0;
	s26 =	simm.s32 $0x10;
	v18 =	vld [tilespmem:$0x1FFA0];
	v6 =	vadd.f32 v5, v6;
	v5 =	vadd.f32 v13, v15  }
0x224: {  	v0 =	vld [tilespmem:$0x1FC40];
	_ =	sdelay $0x3  }
0x225: {  	v13 =	vld [tilespmem:s22+$0x2800]  }
0x226: {  	v12 =	vadd.f32 v12, v0;
	_ =	sdelay $0x1  }
0x227: {  	v12 =	vsub.f32 $0.0e+00, v12;
	_ =	sdelay $0x1  }
0x228: {  	(erf) = vrcp.f32 v13;
	v12 =	vmul.f32 $1.442695020e+00, v12;
	_ =	sdelay $0x1  }
0x229: {  	(erf) = vpow2.f32 v12;
	_ =	sdelay $0x5  }
0x22a: {  	v12 =	vsub.f32 $1.000000000e+00, v13  }
0x22b: {  	v13 =	vpop (erf)  }
0x22c: {  	v12 =	vmul.f32 v13, v12  }
0x22d: {  	v13 =	vpop (erf)  }
0x22e: {  	v12 =	vmul.f32 v12, v13;
	v13 =	vld [tilespmem:s22+$0x2810]  }
0x22f: {  	v11 =	vadd.f32 v11, v0  }
0x230: {  	v12 =	vadd.f32 $1.000000000e+00, v12  }
0x231: {  	v11 =	vsub.f32 $0.0e+00, v11  }
0x232: {  	(erf) = vrcp.f32 v12  }
0x233: {  	v11 =	vmul.f32 $1.442695020e+00, v11;
	(erf) = vrcp.f32 v13;
	_ =	sdelay $0x1  }
0x234: {  	(erf) = vpow2.f32 v11;
	_ =	sdelay $0x5  }
0x235: {  	v12 =	vsub.f32 $1.000000000e+00, v13;
	v11 =	vpop (erf)  }
0x236: {  	v13 =	vpop (erf)  }
0x237: {  	v12 =	vmul.f32 v13, v12  }
0x238: {  	v13 =	vpop (erf)  }
0x239: {  	v12 =	vmul.f32 v12, v13;
	v13 =	vld [tilespmem:s22+$0x2820]  }
0x23a: {  	v10 =	vadd.f32 v10, v0  }
0x23b: {  	v12 =	vadd.f32 $1.000000000e+00, v12  }
0x23c: {  	v10 =	vsub.f32 $0.0e+00, v10  }
0x23d: {  	(erf) = vrcp.f32 v12  }
0x23e: {  	v10 =	vmul.f32 $1.442695020e+00, v10;
	(erf) = vrcp.f32 v13;
	_ =	sdelay $0x1  }
0x23f: {  	(erf) = vpow2.f32 v10;
	_ =	sdelay $0x5  }
0x240: {  	v12 =	vsub.f32 $1.000000000e+00, v13;
	v10 =	vpop (erf)  }
0x241: {  	v13 =	vpop (erf)  }
0x242: {  	v12 =	vmul.f32 v13, v12  }
0x243: {  	v13 =	vpop (erf)  }
0x244: {  	v12 =	vmul.f32 v12, v13;
	v13 =	vld [tilespmem:s22+$0x2830]  }
0x245: {  	v9 =	vadd.f32 v9, v0  }
0x246: {  	v12 =	vadd.f32 $1.000000000e+00, v12  }
0x247: {  	v9 =	vsub.f32 $0.0e+00, v9  }
0x248: {  	(erf) = vrcp.f32 v12  }
0x249: {  	v9 =	vmul.f32 $1.442695020e+00, v9;
	(erf) = vrcp.f32 v13;
	_ =	sdelay $0x1  }
0x24a: {  	(erf) = vpow2.f32 v9;
	_ =	sdelay $0x5  }
0x24b: {  	v12 =	vsub.f32 $1.000000000e+00, v13;
	v9 =	vpop (erf)  }
0x24c: {  	v13 =	vpop (erf)  }
0x24d: {  	v12 =	vmul.f32 v13, v12  }
0x24e: {  	v13 =	vpop (erf)  }
0x24f: {  	v12 =	vmul.f32 v12, v13;
	v13 =	vld [tilespmem:s22+$0x2840]  }
0x250: {  	v8 =	vadd.f32 v8, v0  }
0x251: {  	v12 =	vadd.f32 $1.000000000e+00, v12  }
0x252: {  	v8 =	vsub.f32 $0.0e+00, v8  }
0x253: {  	(erf) = vrcp.f32 v12  }
0x254: {  	v8 =	vmul.f32 $1.442695020e+00, v8;
	(erf) = vrcp.f32 v13;
	_ =	sdelay $0x1  }
0x255: {  	(erf) = vpow2.f32 v8;
	_ =	sdelay $0x5  }
0x256: {  	v12 =	vsub.f32 $1.000000000e+00, v13;
	v8 =	vpop (erf)  }
0x257: {  	v13 =	vpop (erf)  }
0x258: {  	v12 =	vmul.f32 v13, v12  }
0x259: {  	v13 =	vpop (erf)  }
0x25a: {  	v12 =	vmul.f32 v12, v13;
	v13 =	vld [tilespmem:s22+$0x2850]  }
0x25b: {  	v7 =	vadd.f32 v7, v0  }
0x25c: {  	v12 =	vadd.f32 $1.000000000e+00, v12  }
0x25d: {  	v7 =	vsub.f32 $0.0e+00, v7  }
0x25e: {  	(erf) = vrcp.f32 v12  }
0x25f: {  	v7 =	vmul.f32 $1.442695020e+00, v7;
	(erf) = vrcp.f32 v13;
	_ =	sdelay $0x1  }
0x260: {  	(erf) = vpow2.f32 v7;
	_ =	sdelay $0x5  }
0x261: {  	v12 =	vsub.f32 $1.000000000e+00, v13;
	v7 =	vpop (erf)  }
0x262: {  	v13 =	vpop (erf)  }
0x263: {  	v12 =	vmul.f32 v13, v12  }
0x264: {  	v13 =	vpop (erf)  }
0x265: {  	v12 =	vmul.f32 v12, v13;
	v13 =	vld [tilespmem:s22+$0x2860]  }
0x266: {  	v6 =	vadd.f32 v6, v0  }
0x267: {  	v12 =	vadd.f32 $1.000000000e+00, v12  }
0x268: {  	v6 =	vsub.f32 $0.0e+00, v6  }
0x269: {  	(erf) = vrcp.f32 v12  }
0x26a: {  	v6 =	vmul.f32 $1.442695020e+00, v6;
	(erf) = vrcp.f32 v13;
	_ =	sdelay $0x1  }
0x26b: {  	(erf) = vpow2.f32 v6;
	_ =	sdelay $0x5  }
0x26c: {  	v12 =	vsub.f32 $1.000000000e+00, v13;
	v6 =	vpop (erf)  }
0x26d: {  	v13 =	vpop (erf)  }
0x26e: {  	v12 =	vmul.f32 v13, v12  }
0x26f: {  	v13 =	vpop (erf)  }
0x270: {  	v12 =	vmul.f32 v12, v13;
	v13 =	vld [tilespmem:s22+$0x2870]  }
0x271: {  	v5 =	vadd.f32 v5, v0  }
0x272: {  	v12 =	vadd.f32 $1.000000000e+00, v12  }
0x273: {  	v5 =	vsub.f32 $0.0e+00, v5  }
0x274: {  	(erf) = vrcp.f32 v12  }
0x275: {  	v5 =	vmul.f32 $1.442695020e+00, v5;
	(erf) = vrcp.f32 v13;
	_ =	sdelay $0x1  }
0x276: {  	(erf) = vpow2.f32 v5;
	_ =	sdelay $0x5  }
0x277: {  	v12 =	vsub.f32 $1.000000000e+00, v13;
	v5 =	vpop (erf)  }
0x278: {  	v13 =	vpop (erf)  }
0x279: {  	v12 =	vmul.f32 v13, v12  }
0x27a: {  	v13 =	vpop (erf)  }
0x27b: {  	v12 =	vmul.f32 v12, v13;
	_ =	sdelay $0x1  }
0x27c: {  	v12 =	vadd.f32 $1.000000000e+00, v12;
	_ =	sdelay $0x1  }
0x27d: {  	(erf) = vrcp.f32 v12;
	_ =	sdelay $0x2  }
0x27e: {  	[tilespmem:s22+$0x3C00] =	vst v11  }
0x27f: {  	[tilespmem:s22+$0x3C10] =	vst v10  }
0x280: {  	[tilespmem:s22+$0x3C20] =	vst v9  }
0x281: {  	[tilespmem:s22+$0x3C30] =	vst v8  }
0x282: {  	[tilespmem:s22+$0x3C40] =	vst v7  }
0x283: {  	[tilespmem:s22+$0x3C50] =	vst v6  }
0x284: {  	p1 =	seq.s32 s16, $0x9;
	[tilespmem:s22+$0x3C60] =	vst v5;
	v5 =	vpop (erf)  }
0x285: {  	s12 =	sadd.s32 @!p1 $0x200, s22;
	s26 =	simm.s32 @!p1 $0x80;
	s5 =	simm.s32 @!p1 $0x5000;
	[tilespmem:s22+$0x3C70] =	vst v5  }
0x286: {  	[tilespmem:s5], [sflag:$0x2] =	stream.indirect.gather @!p1 [hbm4b:s3+s26], $0x20, s12, s26, $0xb8;
	[tilespmem:$0xD210] =	vst v63  }
0x287: {  	s5 =	sadd.s32 @!p1 $0x1600, s22;
	s12 =	simm.s32 @!p1 $0x6000  }
0x288: {  	[tilespmem:s12], [sflag:$0x2] =	stream.indirect.gather @!p1 [hbm4b:s4+s26], $0x20, s5, s26, $0xb8;
	[tilespmem:$0xD210] =	vst v63  }
0x289: {  	_ =	swait.ge [sflag:s1], $0x1000  }
0x28a: {  	[sflag:s1] =	ssyncset.done $0x0  }
0x28b: {  	[sflag:s1] =	ssyncadd.s32 $0xFFFFF000  }
0x28c: {  	_ =	swait.ge [sflag:s1], $0x1000  }
0x28d: {  	v35 =	vld [tilespmem:$0x1FC70]  }
0x28e: {  	v37 =	vld [tilespmem:$0x1FC80]  }
0x28f: {  	v39 =	vld [tilespmem:$0x1FC90]  }
0x290: {  	v36 =	vld [tilespmem:$0x1FCA0]  }
0x291: {  	v38 =	vld [tilespmem:$0x1FCB0]  }
0x292: {  	v40 =	vld [tilespmem:$0x1FCC0]  }
0x293: {  	v42 =	vld [tilespmem:$0x1FCD0]  }
0x294: {  	v63 =	vmov v44;
	v44 =	vld [tilespmem:$0x1FCE0]  }
0x295: {  	v46 =	vld [tilespmem:$0x1FCF0]  }
0x296: {  	v41 =	vld [tilespmem:$0x1FD00]  }
0x297: {  	v43 =	vld [tilespmem:$0x1FD10]  }
0x298: {  	[sflag:s1] =	ssyncset.done $0x0;
	v45 =	vld [tilespmem:$0x1FD20]  }
0x299: {  	v47 =	vld [tilespmem:$0x1FD30];
	[sflag:s1] =	ssyncadd.s32 $0xFFFFF000  }
0x29a: {  	v0 =	vld [tilespmem:$0xD200]  }
0x29b: {  	v49 =	vld [tilespmem:$0x1FD40];
	[tilespmem:$0x1FC00] =	vst v63  }
0x29c: {  	v51 =	vld [tilespmem:$0x1FD50];
	[tilespmem:$0x1FC10] =	vst v3  }
0x29d: {  	v11 =	vimm.f32 $0.0e+00;
	v10 =	vimm.f32 $0.0e+00;
	v53 =	vld [tilespmem:$0x1FD60];
	[tilespmem:$0x1FC20] =	vst v4  }
0x29e: {  	v9 =	vimm.f32 $0.0e+00;
	v8 =	vimm.f32 $0.0e+00;
	v7 =	vimm.f32 $0.0e+00;
	v55 =	vld [tilespmem:$0x1FD70];
	[tilespmem:$0x1FC30] =	vst v31  }
0x29f: {  	p2 =	por $0x1, $0x1;
	v14 =	vmovc v62;
	v6 =	vimm.f32 $0.0e+00;
	v12 =	vimm.f32 $0.0e+00;
	v5 =	vimm.f32 $0.0e+00;
	s26 =	simm.s32 $0x0;
	v57 =	vld [tilespmem:$0x1FD80];
	[tilespmem:$0x1FBF0] =	vst v0  }
.LBB2_5:
0x2a0: {  	v13 =	vmov s26  }
0x2a1: {  	v13 =	vshrl.u32 v13, $0x3  }
0x2a2: {  	v0 =	vld [tilespmem:$0x1FFA0];
	v13 =	vshll.u32 v13, v1  }
0x2a3: {  	v13 =	vbroadcast v13, $0x0;
	_ =	sdelay $0x1  }
0x2a4: {  	v34 =	vmov v14;
	v14 =	vor.u32 v14, v13;
	_ =	sdelay $0x1  }
0x2a5: {  	v18 =	vor.u32 v0, v13  }
0x2a6: {  	v0 =	vld [tilespmem:$0x1FFB0];
	_ =	sdelay $0x1  }
0x2a7: {  	v16 =	vld.idx.msk [tilespmem:v14+s21+$0x0], $0xffff  }
0x2a8: {  	v14 =	vld.idx.msk [tilespmem:v14+s23+$0x0], $0xffff  }
0x2a9: {  	v15 =	vor.u32 v27, v13;
	v32 =	vld.idx.msk [tilespmem:v18+s21+$0x0], $0xffff  }
0x2aa: {  	s5 =	sshll.u32 s26, $0x4;
	v20 =	vor.u32 v0, v13;
	v0 =	vld [tilespmem:$0x1FFC0]  }
0x2ab: {  	s5 =	sand.u32 $0x3FFFFFF0, s5;
	v18 =	vld.idx.msk [tilespmem:v18+s23+$0x0], $0xffff  }
0x2ac: {  	v17 =	vld [tilespmem:s5+$0xD000];
	v50 =	vor.u32 v24, v13  }
0x2ad: {  	s12 =	sor.u32 $0x1, s26;
	v60 =	vld [tilespmem:$0x1FC50]  }
0x2ae: {  	v24 =	vmov s12;
	v19 =	vld.idx.msk [tilespmem:v15+s21+$0x0], $0xffff;
	v14 =	vadd.bf16 v14, v16  }
0x2af: {  	v52 =	vshrl.u32 v24, $0x3;
	v15 =	vld.idx.msk [tilespmem:v15+s23+$0x0], $0xffff;
	v21 =	vor.u32 v0, v13  }
0x2b0: {  	v0 =	vld [tilespmem:$0x1FFF0];
	v16 =	vadd.bf16 v18, v32;
	v18 =	vshll.u32 v52, v1;
	v14 =	vmax.bf16 v14, v2  }
0x2b1: {  	v56 =	vld.idx.msk [tilespmem:v50+s21+$0x0], $0xffff;
	v18 =	vbroadcast v18, $0x0;
	v14 =	vmul.bf16 v14, v17  }
0x2b2: {  	v33 =	vld.idx.msk [tilespmem:v20+s21+$0x0], $0xffff  }
0x2b3: {  	v20 =	vld.idx.msk [tilespmem:v20+s23+$0x0], $0xffff;
	v24 =	vor.u32 v60, v18;
	v22 =	vshll.u32 v14, $0x10  }
0x2b4: {  	v15 =	vadd.bf16 v15, v19;
	v48 =	vld.idx.msk [tilespmem:v21+s21+$0x0], $0xffff;
	v12 =	vadd.f32 v22, v12  }
0x2b5: {  	v23 =	vor.u32 v0, v13;
	v14 =	vand.u32 $0xFFFF0000, v14;
	v0 =	vld [tilespmem:$0x1FC60]  }
0x2b6: {  	v15 =	vmax.bf16 v15, v2;
	v12 =	vadd.f32 v14, v12;
	v14 =	vld.idx.msk [tilespmem:v21+s23+$0x0], $0xffff  }
0x2b7: {  	v15 =	vmul.bf16 v15, v17;
	v13 =	vor.u32 v26, v13;
	v21 =	vld.idx.msk [tilespmem:v50+s23+$0x0], $0xffff  }
0x2b8: {  	v19 =	vadd.bf16 v20, v33;
	v62 =	vld.idx.msk [tilespmem:v24+s21+$0x0], $0xffff  }
0x2b9: {  	v16 =	vmax.bf16 v16, v2;
	v25 =	vshll.u32 v15, $0x10;
	v63 =	vld.idx.msk [tilespmem:v24+s23+$0x0], $0xffff  }
0x2ba: {  	v16 =	vmul.bf16 v16, v17;
	v11 =	vadd.f32 v25, v11;
	v19 =	vmax.bf16 v19, v2;
	v54 =	vld.idx.msk [tilespmem:v23+s21+$0x0], $0xffff  }
0x2bb: {  	v15 =	vand.u32 $0xFFFF0000, v15;
	v19 =	vmul.bf16 v19, v17;
	v23 =	vld.idx.msk [tilespmem:v23+s23+$0x0], $0xffff  }
0x2bc: {  	v11 =	vadd.f32 v15, v11;
	v15 =	vshll.u32 v16, $0x10;
	v25 =	vld.idx.msk [tilespmem:v13+s21+$0x0], $0xffff;
	v58 =	vor.u32 v0, v18  }
0x2bd: {  	v33 =	vor.u32 v35, v18;
	v10 =	vadd.f32 v15, v10;
	v15 =	vshll.u32 v19, $0x10;
	v13 =	vld.idx.msk [tilespmem:v13+s23+$0x0], $0xffff  }
0x2be: {  	v16 =	vand.u32 $0xFFFF0000, v16;
	v9 =	vadd.f32 v15, v9;
	v14 =	vadd.bf16 v14, v48  }
0x2bf: {  	v10 =	vadd.f32 v16, v10;
	v15 =	vand.u32 $0xFFFF0000, v19  }
0x2c0: {  	v9 =	vadd.f32 v15, v9;
	v32 =	vadd.bf16 v21, v56;
	v14 =	vmax.bf16 v14, v2  }
0x2c1: {  	v16 =	vadd.bf16 v63, v62;
	v20 =	vadd.bf16 v23, v54;
	v24 =	vld.idx.msk [tilespmem:v58+s21+$0x0], $0xffff;
	v14 =	vmul.bf16 v14, v17  }
0x2c2: {  	v48 =	vor.u32 v39, v18;
	v13 =	vadd.bf16 v13, v25;
	v19 =	vmax.bf16 v32, v2;
	v23 =	vld.idx.msk [tilespmem:v58+s23+$0x0], $0xffff  }
0x2c3: {  	v50 =	vld.idx.msk [tilespmem:v33+s21+$0x0], $0xffff;
	v25 =	vor.u32 v37, v18;
	v61 =	vmax.bf16 v20, v2;
	v59 =	vshll.u32 v14, $0x10  }
0x2c4: {  	s5 =	sshll.u32 s12, $0x4;
	v52 =	vld.idx.msk [tilespmem:v33+s23+$0x0], $0xffff;
	v16 =	vmax.bf16 v16, v2;
	v15 =	vmul.bf16 v61, v17;
	v8 =	vadd.f32 v59, v8  }
0x2c5: {  	s5 =	sand.u32 $0x3FFFFFF0, s5;
	v58 =	vor.u32 v36, v18;
	v13 =	vmax.bf16 v13, v2;
	v14 =	vand.u32 $0xFFFF0000, v14  }
0x2c6: {  	v21 =	vld [tilespmem:s5+$0xD000];
	v13 =	vmul.bf16 v13, v17;
	v8 =	vadd.f32 v14, v8;
	v14 =	vshll.u32 v15, $0x10  }
0x2c7: {  	v54 =	vadd.bf16 v23, v24;
	v24 =	vld.idx.msk [tilespmem:v48+s21+$0x0], $0xffff;
	v7 =	vadd.f32 v14, v7;
	v14 =	vmul.bf16 v19, v17  }
0x2c8: {  	v59 =	vor.u32 v38, v18;
	v18 =	vor.u32 v40, v18;
	v15 =	vand.u32 $0xFFFF0000, v15;
	v17 =	vld.idx.msk [tilespmem:v48+s23+$0x0], $0xffff  }
0x2c9: {  	v19 =	vadd.bf16 v52, v50;
	v7 =	vadd.f32 v15, v7;
	v15 =	vshll.u32 v14, $0x10  }
0x2ca: {  	v14 =	vand.u32 $0xFFFF0000, v14;
	v6 =	vadd.f32 v15, v6;
	v15 =	vshll.u32 v13, $0x10  }
0x2cb: {  	v19 =	vmax.bf16 v19, v2;
	v13 =	vand.u32 $0xFFFF0000, v13;
	v5 =	vadd.f32 v15, v5  }
0x2cc: {  	s12 =	sor.u32 $0x2, s26;
	v56 =	vld.idx.msk [tilespmem:v25+s21+$0x0], $0xffff;
	v15 =	vmul.bf16 v16, v21;
	v16 =	vmax.bf16 v54, v2;
	v6 =	vadd.f32 v14, v6  }
0x2cd: {  	v14 =	vld.idx.msk [tilespmem:v25+s23+$0x0], $0xffff;
	v16 =	vmul.bf16 v16, v21;
	v25 =	vmov s12;
	v17 =	vadd.bf16 v17, v24  }
0x2ce: {  	v5 =	vadd.f32 v13, v5;
	v13 =	vshll.u32 v15, $0x10;
	v25 =	vshrl.u32 v25, $0x3  }
0x2cf: {  	v12 =	vadd.f32 v13, v12;
	v13 =	vshll.u32 v16, $0x10;
	v25 =	vshll.u32 v25, v1  }
0x2d0: {  	v26 =	vld.idx.msk [tilespmem:v58+s21+$0x0], $0xffff;
	v15 =	vand.u32 $0xFFFF0000, v15;
	v25 =	vbroadcast v25, $0x0;
	v11 =	vadd.f32 v13, v11  }
0x2d1: {  	v61 =	vld.idx.msk [tilespmem:v58+s23+$0x0], $0xffff;
	v16 =	vand.u32 $0xFFFF0000, v16;
	v13 =	vmul.bf16 v19, v21;
	v12 =	vadd.f32 v15, v12  }
0x2d2: {  	v14 =	vadd.bf16 v14, v56;
	v62 =	vor.u32 v42, v25;
	v11 =	vadd.f32 v16, v11  }
0x2d3: {  	v63 =	vld.idx.msk [tilespmem:v59+s21+$0x0], $0xffff;
	v15 =	vshll.u32 v13, $0x10;
	v13 =	vand.u32 $0xFFFF0000, v13;
	v54 =	vor.u32 v44, v25  }
0x2d4: {  	v32 =	vld.idx.msk [tilespmem:v59+s23+$0x0], $0xffff;
	v56 =	vor.u32 v46, v25;
	v10 =	vadd.f32 v15, v10;
	v15 =	vmax.bf16 v17, v2  }
0x2d5: {  	v33 =	vld.idx.msk [tilespmem:v18+s21+$0x0], $0xffff;
	v59 =	vor.u32 v41, v25;
	v14 =	vmax.bf16 v14, v2;
	v15 =	vmul.bf16 v15, v21  }
0x2d6: {  	v18 =	vld.idx.msk [tilespmem:v18+s23+$0x0], $0xffff;
	v14 =	vmul.bf16 v14, v21;
	v10 =	vadd.f32 v13, v10;
	v13 =	vadd.bf16 v61, v26  }
0x2d7: {  	v26 =	vor.u32 v45, v25;
	v50 =	vshll.u32 v15, $0x10;
	v15 =	vand.u32 $0xFFFF0000, v15;
	v24 =	vld.idx.msk [tilespmem:v62+s21+$0x0], $0xffff  }
0x2d8: {  	s5 =	sshll.u32 s12, $0x4;
	v48 =	vshll.u32 v14, $0x10;
	v8 =	vadd.f32 v50, v8;
	v13 =	vmax.bf16 v13, v2;
	v52 =	vld.idx.msk [tilespmem:v62+s23+$0x0], $0xffff  }
0x2d9: {  	s5 =	sand.u32 $0x3FFFFFF0, s5;
	v14 =	vand.u32 $0xFFFF0000, v14;
	v9 =	vadd.f32 v48, v9;
	v13 =	vmul.bf16 v13, v21  }
0x2da: {  	v16 =	vld [tilespmem:s5+$0xD000];
	v50 =	vor.u32 v47, v25;
	v8 =	vadd.f32 v15, v8;
	v15 =	vadd.bf16 v32, v63  }
0x2db: {  	v17 =	vld.idx.msk [tilespmem:v56+s23+$0x0], $0xffff;
	v9 =	vadd.f32 v14, v9;
	v14 =	vshll.u32 v13, $0x10;
	v13 =	vand.u32 $0xFFFF0000, v13  }
0x2dc: {  	v32 =	vld.idx.msk [tilespmem:v56+s21+$0x0], $0xffff;
	v7 =	vadd.f32 v14, v7;
	v14 =	vadd.bf16 v18, v33;
	v15 =	vmax.bf16 v15, v2  }
0x2dd: {  	s12 =	sor.u32 $0x3, s26;
	v33 =	vor.u32 v43, v25;
	v58 =	vadd.bf16 v52, v24;
	v15 =	vmul.bf16 v15, v21  }
0x2de: {  	v61 =	vld.idx.msk [tilespmem:v54+s21+$0x0], $0xffff;
	v52 =	vmov s12;
	v14 =	vmax.bf16 v14, v2;
	v7 =	vadd.f32 v13, v7  }
0x2df: {  	v62 =	vld.idx.msk [tilespmem:v54+s23+$0x0], $0xffff;
	v13 =	vmul.bf16 v14, v21;
	v14 =	vmax.bf16 v58, v2;
	v63 =	vshll.u32 v15, $0x10  }
0x2e0: {  	v19 =	vshrl.u32 v52, $0x3;
	v14 =	vmul.bf16 v14, v16;
	v6 =	vadd.f32 v63, v6  }
0x2e1: {  	v24 =	vld.idx.msk [tilespmem:v59+s21+$0x0], $0xffff;
	v15 =	vand.u32 $0xFFFF0000, v15;
	v17 =	vadd.bf16 v17, v32;
	v46 =	vshll.u32 v13, $0x10  }
0x2e2: {  	v5 =	vadd.f32 v46, v5;
	v48 =	vshll.u32 v14, $0x10;
	v6 =	vadd.f32 v15, v6;
	v15 =	vld.idx.msk [tilespmem:v59+s23+$0x0], $0xffff  }
0x2e3: {  	v56 =	vld.idx.msk [tilespmem:v26+s21+$0x0], $0xffff;
	v19 =	vshll.u32 v19, v1;
	v13 =	vand.u32 $0xFFFF0000, v13;
	v12 =	vadd.f32 v48, v12  }
0x2e4: {  	v54 =	vld.idx.msk [tilespmem:v33+s23+$0x0], $0xffff;
	v5 =	vadd.f32 v13, v5;
	v13 =	vand.u32 $0xFFFF0000, v14;
	v14 =	vadd.bf16 v62, v61  }
0x2e5: {  	v58 =	vor.u32 v49, v25;
	v19 =	vbroadcast v19, $0x0;
	v59 =	vld.idx.msk [tilespmem:v26+s23+$0x0], $0xffff  }
0x2e6: {  	v17 =	vmax.bf16 v17, v2;
	v12 =	vadd.f32 v13, v12;
	v13 =	vld.idx.msk [tilespmem:v33+s21+$0x0], $0xffff;
	v14 =	vmax.bf16 v14, v2  }
0x2e7: {  	v17 =	vmul.bf16 v17, v16;
	v14 =	vmul.bf16 v14, v16;
	v15 =	vadd.bf16 v15, v24  }
0x2e8: {  	v25 =	vor.u32 v51, v19;
	v32 =	vor.u32 v53, v19  }
0x2e9: {  	v18 =	vld.idx.msk [tilespmem:v50+s23+$0x0], $0xffff;
	v26 =	vshll.u32 v17, $0x10;
	v24 =	vshll.u32 v14, $0x10;
	v15 =	vmax.bf16 v15, v2  }
0x2ea: {  	v61 =	vld.idx.msk [tilespmem:v58+s21+$0x0], $0xffff;
	v10 =	vadd.f32 v26, v10;
	v11 =	vadd.f32 v24, v11;
	v15 =	vmul.bf16 v15, v16  }
0x2eb: {  	v22 =	vld.idx.msk [tilespmem:v58+s23+$0x0], $0xffff;
	v21 =	vadd.bf16 v59, v56;
	v14 =	vand.u32 $0xFFFF0000, v14;
	v13 =	vadd.bf16 v54, v13  }
0x2ec: {  	v24 =	vld.idx.msk [tilespmem:v50+s21+$0x0], $0xffff;
	v11 =	vadd.f32 v14, v11;
	v14 =	vand.u32 $0xFFFF0000, v17;
	v62 =	vshll.u32 v15, $0x10  }
0x2ed: {  	v58 =	vld [tilespmem:$0x1FDB0];
	v13 =	vmax.bf16 v13, v2;
	v10 =	vadd.f32 v14, v10;
	v9 =	vadd.f32 v62, v9  }
0x2ee: {  	v63 =	vld.idx.msk [tilespmem:v25+s21+$0x0], $0xffff;
	v13 =	vmul.bf16 v13, v16;
	v14 =	vand.u32 $0xFFFF0000, v15;
	v15 =	vmax.bf16 v21, v2  }
0x2ef: {  	v33 =	vld.idx.msk [tilespmem:v25+s23+$0x0], $0xffff;
	v15 =	vmul.bf16 v15, v16  }
0x2f0: {  	v46 =	vor.u32 v55, v19;
	v48 =	vld.idx.msk [tilespmem:v32+s21+$0x0], $0xffff;
	v9 =	vadd.f32 v14, v9;
	v14 =	vshll.u32 v13, $0x10  }
0x2f1: {  	s5 =	sshll.u32 s12, $0x4;
	v52 =	vld.idx.msk [tilespmem:v32+s23+$0x0], $0xffff;
	v8 =	vadd.f32 v14, v8;
	v14 =	vadd.bf16 v18, v24;
	v24 =	vshll.u32 v15, $0x10  }
0x2f2: {  	s5 =	sand.u32 $0x3FFFFFF0, s5;
	v17 =	vadd.bf16 v22, v61;
	v13 =	vand.u32 $0xFFFF0000, v13;
	v7 =	vadd.f32 v24, v7  }
0x2f3: {  	v24 =	vor.u32 v57, v19;
	v8 =	vadd.f32 v13, v8;
	v13 =	vmax.bf16 v14, v2;
	v14 =	vld [tilespmem:s5+$0xD000]  }
0x2f4: {  	v4 =	vld [tilespmem:$0x1FDA0];
	v25 =	vor.u32 v58, v19;
	v17 =	vmax.bf16 v17, v2;
	v13 =	vmul.bf16 v13, v16  }
0x2f5: {  	v0 =	vld [tilespmem:$0x1FDC0];
	v50 =	vadd.bf16 v33, v63;
	v15 =	vand.u32 $0xFFFF0000, v15;
	v16 =	vmul.bf16 v17, v16  }
0x2f6: {  	v63 =	vld [tilespmem:$0x1FD90];
	v20 =	vadd.bf16 v52, v48;
	v7 =	vadd.f32 v15, v7;
	v15 =	vshll.u32 v13, $0x10  }
0x2f7: {  	v54 =	vld.idx.msk [tilespmem:v46+s21+$0x0], $0xffff;
	v17 =	vmax.bf16 v50, v2;
	v6 =	vadd.f32 v15, v6;
	v15 =	vshll.u32 v16, $0x10  }
0x2f8: {  	v13 =	vand.u32 $0xFFFF0000, v13;
	v33 =	vld.idx.msk [tilespmem:v24+s21+$0x0], $0xffff;
	v5 =	vadd.f32 v15, v5;
	v15 =	vmul.bf16 v17, v14  }
0x2f9: {  	v20 =	vmax.bf16 v20, v2;
	v48 =	vld.idx.msk [tilespmem:v24+s23+$0x0], $0xffff;
	v6 =	vadd.f32 v13, v6;
	v13 =	vand.u32 $0xFFFF0000, v16  }
0x2fa: {  	v18 =	vld.idx.msk [tilespmem:v46+s23+$0x0], $0xffff;
	v46 =	vor.u32 v4, v19;
	v5 =	vadd.f32 v13, v5;
	v13 =	vshll.u32 v15, $0x10  }
0x2fb: {  	v32 =	vor.u32 v63, v19;
	v12 =	vadd.f32 v13, v12;
	v13 =	vmul.bf16 v20, v14  }
0x2fc: {  	v15 =	vand.u32 $0xFFFF0000, v15  }
0x2fd: {  	s12 =	sor.u32 $0x4, s26;
	v59 =	vld.idx.msk [tilespmem:v25+s21+$0x0], $0xffff;
	v12 =	vadd.f32 v15, v12;
	v15 =	vshll.u32 v13, $0x10  }
0x2fe: {  	v26 =	vmov s12;
	v11 =	vadd.f32 v15, v11;
	v15 =	vadd.bf16 v48, v33;
	v33 =	vld [tilespmem:$0x1FDD0]  }
0x2ff: {  	v52 =	vshrl.u32 v26, $0x3;
	v19 =	vor.u32 v0, v19;
	v56 =	vld.idx.msk [tilespmem:v46+s21+$0x0], $0xffff  }
0x300: {  	v18 =	vadd.bf16 v18, v54;
	v54 =	vshll.u32 v52, v1;
	v24 =	vld.idx.msk [tilespmem:v32+s21+$0x0], $0xffff  }
0x301: {  	v50 =	vld.idx.msk [tilespmem:v32+s23+$0x0], $0xffff;
	v20 =	vbroadcast v54, $0x0  }
0x302: {  	v17 =	vld.idx.msk [tilespmem:v46+s23+$0x0], $0xffff  }
0x303: {  	v0 =	vld [tilespmem:$0x1FDE0];
	v18 =	vmax.bf16 v18, v2;
	v61 =	vor.u32 v33, v20  }
0x304: {  	v32 =	vld.idx.msk [tilespmem:v19+s21+$0x0], $0xffff;
	v18 =	vmul.bf16 v18, v14  }
0x305: {  	v46 =	vld.idx.msk [tilespmem:v19+s23+$0x0], $0xffff  }
0x306: {  	v26 =	vshll.u32 v18, $0x10;
	v21 =	vadd.bf16 v50, v24;
	v24 =	vld.idx.msk [tilespmem:v25+s23+$0x0], $0xffff  }
0x307: {  	v3 =	vld [tilespmem:$0x1FDF0];
	v10 =	vadd.f32 v26, v10;
	v13 =	vand.u32 $0xFFFF0000, v13;
	v17 =	vadd.bf16 v17, v56  }
0x308: {  	v62 =	vmax.bf16 v21, v2;
	v11 =	vadd.f32 v13, v11;
	v13 =	vmax.bf16 v15, v2;
	v50 =	vld.idx.msk [tilespmem:v61+s21+$0x0], $0xffff  }
0x309: {  	v48 =	vor.u32 v0, v20;
	v15 =	vand.u32 $0xFFFF0000, v18;
	v13 =	vmul.bf16 v13, v14;
	v22 =	vld.idx.msk [tilespmem:v61+s23+$0x0], $0xffff  }
0x30a: {  	v17 =	vmax.bf16 v17, v2;
	v18 =	vadd.bf16 v46, v32;
	v10 =	vadd.f32 v15, v10;
	v61 =	vld [tilespmem:$0x1FE00]  }
0x30b: {  	v15 =	vmul.bf16 v62, v14;
	v16 =	vadd.bf16 v24, v59;
	v25 =	vshll.u32 v13, $0x10  }
0x30c: {  	v17 =	vmul.bf16 v17, v14;
	v59 =	vmax.bf16 v18, v2;
	v9 =	vadd.f32 v25, v9  }
0x30d: {  	v28 =	vmovc v37;
	v37 =	vld [tilespmem:$0x1FE30];
	v13 =	vand.u32 $0xFFFF0000, v13;
	v16 =	vmax.bf16 v16, v2;
	v25 =	vshll.u32 v15, $0x10  }
0x30e: {  	s5 =	sshll.u32 s12, $0x4;
	v0 =	vld [tilespmem:$0x1FE20];
	v8 =	vadd.f32 v25, v8;
	v25 =	vor.u32 v3, v20;
	v9 =	vadd.f32 v13, v9  }
0x30f: {  	s5 =	sand.u32 $0x3FFFFFF0, s5;
	v13 =	vmul.bf16 v16, v14;
	v14 =	vmul.bf16 v59, v14;
	v59 =	vmovc v35;
	v35 =	vld [tilespmem:$0x1FE10];
	v54 =	vor.u32 v61, v20  }
0x310: {  	v24 =	vld [tilespmem:s5+$0xD000]  }
0x311: {  	v19 =	vld.idx.msk [tilespmem:v48+s23+$0x0], $0xffff;
	v15 =	vand.u32 $0xFFFF0000, v15  }
0x312: {  	v52 =	vshll.u32 v17, $0x10;
	v8 =	vadd.f32 v15, v8;
	v15 =	vld.idx.msk [tilespmem:v48+s21+$0x0], $0xffff;
	v22 =	vadd.bf16 v22, v50  }
0x313: {  	v7 =	vadd.f32 v52, v7;
	v26 =	vshll.u32 v13, $0x10;
	v46 =	vld.idx.msk [tilespmem:v25+s21+$0x0], $0xffff  }
0x314: {  	v6 =	vadd.f32 v26, v6;
	v48 =	vor.u32 v35, v20;
	v62 =	vmax.bf16 v22, v2;
	v52 =	vld.idx.msk [tilespmem:v54+s21+$0x0], $0xffff  }
0x315: {  	v13 =	vand.u32 $0xFFFF0000, v13;
	v16 =	vmul.bf16 v62, v24;
	v21 =	vld.idx.msk [tilespmem:v54+s23+$0x0], $0xffff  }
0x316: {  	v6 =	vadd.f32 v13, v6;
	v13 =	vshll.u32 v14, $0x10;
	v54 =	vor.u32 v0, v20;
	v0 =	vld [tilespmem:$0x1FE40]  }
0x317: {  	v15 =	vadd.bf16 v19, v15;
	v5 =	vadd.f32 v13, v5;
	v50 =	vld.idx.msk [tilespmem:v25+s23+$0x0], $0xffff;
	v13 =	vshll.u32 v16, $0x10  }
0x318: {  	v14 =	vand.u32 $0xFFFF0000, v14;
	v12 =	vadd.f32 v13, v12  }
0x319: {  	v5 =	vadd.f32 v14, v5;
	v14 =	vand.u32 $0xFFFF0000, v16;
	v13 =	vmax.bf16 v15, v2;
	v15 =	vld.idx.msk [tilespmem:v48+s21+$0x0], $0xffff  }
0x31a: {  	s12 =	sor.u32 $0x5, s26;
	v56 =	vor.u32 v37, v20;
	v12 =	vadd.f32 v14, v12;
	v14 =	vld.idx.msk [tilespmem:v48+s23+$0x0], $0xffff  }
0x31b: {  	v17 =	vand.u32 $0xFFFF0000, v17;
	v62 =	vmov s12;
	v20 =	vor.u32 v0, v20;
	v0 =	vmovc v39;
	v39 =	vld [tilespmem:$0x1FE50]  }
0x31c: {  	v7 =	vadd.f32 v17, v7;
	v32 =	vshrl.u32 v62, $0x3;
	v17 =	vadd.bf16 v50, v46;
	v46 =	vld.idx.msk [tilespmem:v54+s21+$0x0], $0xffff  }
0x31d: {  	v18 =	vshll.u32 v32, v1;
	v48 =	vld.idx.msk [tilespmem:v54+s23+$0x0], $0xffff  }
0x31e: {  	v18 =	vbroadcast v18, $0x0  }
0x31f: {  	v19 =	vadd.bf16 v21, v52;
	v52 =	vld [tilespmem:$0x1FE60]  }
0x320: {  	v16 =	vld.idx.msk [tilespmem:v56+s23+$0x0], $0xffff;
	v13 =	vmul.bf16 v13, v24;
	v50 =	vor.u32 v39, v18  }
0x321: {  	v14 =	vadd.bf16 v14, v15;
	v15 =	vld.idx.msk [tilespmem:v56+s21+$0x0], $0xffff  }
0x322: {  	v17 =	vmax.bf16 v17, v2;
	v25 =	vshll.u32 v13, $0x10;
	v21 =	vadd.bf16 v48, v46;
	v48 =	vmovc v41;
	v41 =	vld [tilespmem:$0x1FE70]  }
0x323: {  	v17 =	vmul.bf16 v17, v24;
	v11 =	vadd.f32 v25, v11;
	v19 =	vmax.bf16 v19, v2;
	v25 =	vld.idx.msk [tilespmem:v20+s21+$0x0], $0xffff  }
0x324: {  	v13 =	vand.u32 $0xFFFF0000, v13;
	v19 =	vmul.bf16 v19, v24;
	v20 =	vld.idx.msk [tilespmem:v20+s23+$0x0], $0xffff;
	v22 =	vor.u32 v52, v18  }
0x325: {  	v11 =	vadd.f32 v13, v11;
	v13 =	vshll.u32 v17, $0x10;
	v62 =	vld.idx.msk [tilespmem:v50+s21+$0x0], $0xffff  }
0x326: {  	s5 =	sshll.u32 s12, $0x4;
	v10 =	vadd.f32 v13, v10;
	v13 =	vshll.u32 v19, $0x10;
	v14 =	vmax.bf16 v14, v2;
	v32 =	vld.idx.msk [tilespmem:v50+s23+$0x0], $0xffff  }
0x327: {  	s5 =	sand.u32 $0x3FFFFFF0, s5;
	v14 =	vmul.bf16 v14, v24;
	v9 =	vadd.f32 v13, v9;
	v46 =	vor.u32 v41, v18;
	v50 =	vmovc v43;
	v43 =	vld [tilespmem:$0x1FE90]  }
0x328: {  	v13 =	vand.u32 $0xFFFF0000, v19;
	v15 =	vadd.bf16 v16, v15;
	v16 =	vld [tilespmem:s5+$0xD000]  }
0x329: {  	v56 =	vmax.bf16 v21, v2;
	v54 =	vshll.u32 v14, $0x10;
	v9 =	vadd.f32 v13, v9;
	v52 =	vld.idx.msk [tilespmem:v22+s21+$0x0], $0xffff  }
0x32a: {  	v13 =	vmul.bf16 v56, v24;
	v8 =	vadd.f32 v54, v8;
	v20 =	vadd.bf16 v20, v25;
	v25 =	vld [tilespmem:$0x1FE80]  }
0x32b: {  	v17 =	vand.u32 $0xFFFF0000, v17;
	v14 =	vand.u32 $0xFFFF0000, v14;
	v15 =	vmax.bf16 v15, v2;
	v22 =	vld.idx.msk [tilespmem:v22+s23+$0x0], $0xffff  }
0x32c: {  	v8 =	vadd.f32 v14, v8;
	v14 =	vshll.u32 v13, $0x10;
	v54 =	vor.u32 v43, v18;
	v56 =	vld.idx.msk [tilespmem:v46+s21+$0x0], $0xffff  }
0x32d: {  	v7 =	vadd.f32 v14, v7;
	v14 =	vmul.bf16 v15, v24;
	v15 =	vmax.bf16 v20, v2;
	v19 =	vld.idx.msk [tilespmem:v46+s23+$0x0], $0xffff  }
0x32e: {  	v10 =	vadd.f32 v17, v10;
	v13 =	vand.u32 $0xFFFF0000, v13;
	v15 =	vmul.bf16 v15, v24;
	v46 =	vld [tilespmem:$0x1FEA0]  }
0x32f: {  	v29 =	vmovc v45;
	v45 =	vld [tilespmem:$0x1FEB0];
	v7 =	vadd.f32 v13, v7;
	v13 =	vshll.u32 v14, $0x10;
	v25 =	vor.u32 v25, v18  }
0x330: {  	v30 =	vmovc v47;
	v47 =	vld [tilespmem:$0x1FED0];
	v17 =	vadd.bf16 v32, v62;
	v6 =	vadd.f32 v13, v6;
	v13 =	vshll.u32 v15, $0x10  }
0x331: {  	v14 =	vand.u32 $0xFFFF0000, v14;
	v62 =	vadd.bf16 v22, v52;
	v5 =	vadd.f32 v13, v5;
	v24 =	vld.idx.msk [tilespmem:v54+s21+$0x0], $0xffff  }
0x332: {  	v17 =	vmax.bf16 v17, v2;
	v6 =	vadd.f32 v14, v6;
	v14 =	vand.u32 $0xFFFF0000, v15;
	v20 =	vld.idx.msk [tilespmem:v54+s23+$0x0], $0xffff  }
0x333: {  	v13 =	vmul.bf16 v17, v16;
	v17 =	vmax.bf16 v62, v2;
	v23 =	vor.u32 v46, v18;
	v54 =	vld [tilespmem:$0x1FEC0]  }
0x334: {  	s12 =	sor.u32 $0x6, s26;
	v52 =	vor.u32 v45, v18;
	v5 =	vadd.f32 v14, v5;
	v17 =	vmul.bf16 v17, v16;
	v32 =	vld.idx.msk [tilespmem:v25+s21+$0x0], $0xffff  }
0x335: {  	v15 =	vld.idx.msk [tilespmem:v25+s23+$0x0], $0xffff;
	v14 =	vshll.u32 v13, $0x10;
	v25 =	vmov s12;
	v19 =	vadd.bf16 v19, v56  }
0x336: {  	v25 =	vshrl.u32 v25, $0x3;
	v12 =	vadd.f32 v14, v12  }
0x337: {  	v31 =	vmovc v49;
	v49 =	vld [tilespmem:$0x1FEF0];
	v14 =	vshll.u32 v17, $0x10;
	v25 =	vshll.u32 v25, v1;
	v19 =	vmax.bf16 v19, v2  }
0x338: {  	v11 =	vadd.f32 v14, v11;
	v25 =	vbroadcast v25, $0x0;
	v26 =	vld.idx.msk [tilespmem:v23+s21+$0x0], $0xffff;
	v18 =	vor.u32 v54, v18  }
0x339: {  	v13 =	vand.u32 $0xFFFF0000, v13;
	v17 =	vand.u32 $0xFFFF0000, v17;
	v14 =	vmul.bf16 v19, v16;
	v56 =	vld.idx.msk [tilespmem:v23+s23+$0x0], $0xffff  }
0x33a: {  	v11 =	vadd.f32 v17, v11;
	v17 =	vld.idx.msk [tilespmem:v52+s21+$0x0], $0xffff;
	v15 =	vadd.bf16 v15, v32;
	v62 =	vor.u32 v47, v25  }
0x33b: {  	v12 =	vadd.f32 v13, v12;
	v20 =	vadd.bf16 v20, v24;
	v13 =	vshll.u32 v14, $0x10;
	v32 =	vld.idx.msk [tilespmem:v52+s23+$0x0], $0xffff  }
0x33c: {  	v52 =	vld [tilespmem:$0x1FEE0];
	v10 =	vadd.f32 v13, v10;
	v13 =	vmax.bf16 v15, v2  }
0x33d: {  	v14 =	vand.u32 $0xFFFF0000, v14;
	v15 =	vmax.bf16 v20, v2;
	v13 =	vmul.bf16 v13, v16;
	v21 =	vld.idx.msk [tilespmem:v18+s21+$0x0], $0xffff  }
0x33e: {  	v15 =	vmul.bf16 v15, v16;
	v10 =	vadd.f32 v14, v10;
	v14 =	vadd.bf16 v56, v26;
	v18 =	vld.idx.msk [tilespmem:v18+s23+$0x0], $0xffff  }
0x33f: {  	v54 =	vshll.u32 v13, $0x10;
	v13 =	vand.u32 $0xFFFF0000, v13;
	v24 =	vld.idx.msk [tilespmem:v62+s21+$0x0], $0xffff  }
0x340: {  	v56 =	vshll.u32 v15, $0x10;
	v62 =	vld.idx.msk [tilespmem:v62+s23+$0x0], $0xffff;
	v9 =	vadd.f32 v54, v9;
	v14 =	vmax.bf16 v14, v2  }
0x341: {  	v22 =	vor.u32 v52, v25;
	v8 =	vadd.f32 v56, v8;
	v56 =	vld [tilespmem:$0x1FF00];
	v14 =	vmul.bf16 v14, v16  }
0x342: {  	s5 =	sshll.u32 s12, $0x4;
	v20 =	vor.u32 v49, v25;
	v15 =	vand.u32 $0xFFFF0000, v15;
	v52 =	vmovc v51;
	v51 =	vld [tilespmem:$0x1FF10];
	v9 =	vadd.f32 v13, v9  }
0x343: {  	s5 =	sand.u32 $0x3FFFFFF0, s5;
	v8 =	vadd.f32 v15, v8;
	v15 =	vadd.bf16 v32, v17;
	v13 =	vshll.u32 v14, $0x10  }
0x344: {  	v17 =	vld [tilespmem:s5+$0xD000];
	v7 =	vadd.f32 v13, v7;
	v13 =	vadd.bf16 v18, v21  }
0x345: {  	v26 =	vld [tilespmem:$0x1FF20];
	v15 =	vmax.bf16 v15, v2;
	v54 =	vadd.bf16 v62, v24  }
0x346: {  	v19 =	vor.u32 v56, v25;
	v15 =	vmul.bf16 v15, v16;
	v21 =	vld.idx.msk [tilespmem:v22+s21+$0x0], $0xffff;
	v13 =	vmax.bf16 v13, v2  }
0x347: {  	v14 =	vand.u32 $0xFFFF0000, v14;
	v32 =	vor.u32 v51, v25;
	v13 =	vmul.bf16 v13, v16;
	v16 =	vld.idx.msk [tilespmem:v22+s23+$0x0], $0xffff  }
0x348: {  	s12 =	sor.u32 $0x7, s26;
	v7 =	vadd.f32 v14, v7;
	v14 =	vmax.bf16 v54, v2;
	v62 =	vshll.u32 v15, $0x10;
	v22 =	vld.idx.msk [tilespmem:v20+s21+$0x0], $0xffff  }
0x349: {  	v14 =	vmul.bf16 v14, v17;
	v6 =	vadd.f32 v62, v6;
	v20 =	vld.idx.msk [tilespmem:v20+s23+$0x0], $0xffff;
	v62 =	vmov s12  }
0x34a: {  	v26 =	vor.u32 v26, v25;
	v18 =	vshrl.u32 v62, $0x3;
	v62 =	vld [tilespmem:$0x1FF40];
	v54 =	vshll.u32 v13, $0x10  }
0x34b: {  	v15 =	vand.u32 $0xFFFF0000, v15;
	v56 =	vshll.u32 v14, $0x10;
	v24 =	vld.idx.msk [tilespmem:v19+s21+$0x0], $0xffff;
	v5 =	vadd.f32 v54, v5  }
0x34c: {  	v6 =	vadd.f32 v15, v6;
	v13 =	vand.u32 $0xFFFF0000, v13;
	v15 =	vld.idx.msk [tilespmem:v19+s23+$0x0], $0xffff;
	v12 =	vadd.f32 v56, v12  }
0x34d: {  	v5 =	vadd.f32 v13, v5;
	v13 =	vand.u32 $0xFFFF0000, v14;
	v14 =	vadd.bf16 v16, v21;
	v54 =	vmovc v53;
	v53 =	vld [tilespmem:$0x1FF30]  }
0x34e: {  	v12 =	vadd.f32 v13, v12;
	v13 =	vld.idx.msk [tilespmem:v32+s21+$0x0], $0xffff  }
0x34f: {  	v56 =	vadd.bf16 v20, v22;
	v22 =	vor.u32 v62, v25;
	v62 =	vmovc v55;
	v55 =	vld [tilespmem:$0x1FF50];
	v14 =	vmax.bf16 v14, v2  }
0x350: {  	v18 =	vshll.u32 v18, v1;
	v32 =	vld.idx.msk [tilespmem:v32+s23+$0x0], $0xffff;
	v14 =	vmul.bf16 v14, v17  }
0x351: {  	v23 =	vld.idx.msk [tilespmem:v26+s23+$0x0], $0xffff;
	v18 =	vbroadcast v18, $0x0;
	v19 =	vmax.bf16 v56, v2;
	v15 =	vadd.bf16 v15, v24  }
0x352: {  	v21 =	vld.idx.msk [tilespmem:v26+s21+$0x0], $0xffff;
	v19 =	vmul.bf16 v19, v17;
	v16 =	vor.u32 v53, v25;
	v24 =	vshll.u32 v14, $0x10  }
0x353: {  	v15 =	vmax.bf16 v15, v2;
	v14 =	vand.u32 $0xFFFF0000, v14;
	v11 =	vadd.f32 v24, v11  }
0x354: {  	v56 =	vld [tilespmem:$0x1FF60];
	v26 =	vshll.u32 v19, $0x10;
	v15 =	vmul.bf16 v15, v17;
	v25 =	vor.u32 v55, v18  }
0x355: {  	v13 =	vadd.bf16 v32, v13;
	v11 =	vadd.f32 v14, v11;
	v14 =	vand.u32 $0xFFFF0000, v19;
	v19 =	vld.idx.msk [tilespmem:v22+s21+$0x0], $0xffff  }
0x356: {  	v10 =	vadd.f32 v26, v10;
	v22 =	vld.idx.msk [tilespmem:v22+s23+$0x0], $0xffff  }
0x357: {  	v21 =	vadd.bf16 v23, v21;
	v32 =	vshll.u32 v15, $0x10;
	v13 =	vmax.bf16 v13, v2;
	v24 =	vld.idx.msk [tilespmem:v16+s21+$0x0], $0xffff  }
0x358: {  	v9 =	vadd.f32 v32, v9;
	v10 =	vadd.f32 v14, v10;
	v13 =	vmul.bf16 v13, v17;
	v16 =	vld.idx.msk [tilespmem:v16+s23+$0x0], $0xffff  }
0x359: {  	v14 =	vand.u32 $0xFFFF0000, v15;
	v15 =	vmax.bf16 v21, v2;
	v21 =	vor.u32 v56, v18;
	v56 =	vmovc v57;
	v57 =	vld [tilespmem:$0x1FF70]  }
0x35a: {  	v20 =	vld.idx.msk [tilespmem:v25+s21+$0x0], $0xffff  }
0x35b: {  	v9 =	vadd.f32 v14, v9;
	v15 =	vmul.bf16 v15, v17;
	v14 =	vshll.u32 v13, $0x10;
	v32 =	vld.idx.msk [tilespmem:v25+s23+$0x0], $0xffff  }
0x35c: {  	v13 =	vand.u32 $0xFFFF0000, v13;
	v8 =	vadd.f32 v14, v8  }
0x35d: {  	v19 =	vadd.bf16 v22, v19;
	v14 =	vadd.bf16 v16, v24;
	v24 =	vshll.u32 v15, $0x10  }
0x35e: {  	v8 =	vadd.f32 v13, v8;
	v7 =	vadd.f32 v24, v7;
	v24 =	vld [tilespmem:$0x1FF80]  }
0x35f: {  	v16 =	vor.u32 v57, v18;
	v19 =	vmax.bf16 v19, v2;
	v13 =	vmax.bf16 v14, v2  }
0x360: {  	v13 =	vmul.bf16 v13, v17;
	v17 =	vmul.bf16 v19, v17;
	v19 =	vadd.bf16 v32, v20;
	v32 =	vld [tilespmem:$0x1FC30]  }
0x361: {  	s5 =	sshll.u32 s12, $0x4;
	v25 =	vld [tilespmem:$0x1FC10]  }
0x362: {  	s5 =	sand.u32 $0x3FFFFFF0, s5;
	v22 =	vld.idx.msk [tilespmem:v21+s21+$0x0], $0xffff  }
0x363: {  	v14 =	vld [tilespmem:s5+$0xD000];
	v24 =	vor.u32 v24, v18  }
0x364: {  	v15 =	vand.u32 $0xFFFF0000, v15;
	v20 =	vld.idx.msk [tilespmem:v21+s23+$0x0], $0xffff  }
0x365: {  	v7 =	vadd.f32 v15, v7;
	v15 =	vshll.u32 v13, $0x10;
	v21 =	vld.idx.msk [tilespmem:v16+s21+$0x0], $0xffff;
	v23 =	vor.u32 v32, v18  }
0x366: {  	v16 =	vld.idx.msk [tilespmem:v16+s23+$0x0], $0xffff;
	v6 =	vadd.f32 v15, v6;
	v15 =	vshll.u32 v17, $0x10  }
0x367: {  	v19 =	vmax.bf16 v19, v2;
	v13 =	vand.u32 $0xFFFF0000, v13;
	v5 =	vadd.f32 v15, v5;
	v32 =	vld [tilespmem:$0x1FC00]  }
0x368: {  	v15 =	vmul.bf16 v19, v14;
	v6 =	vadd.f32 v13, v6;
	v13 =	vand.u32 $0xFFFF0000, v17;
	v17 =	vld.idx.msk [tilespmem:v24+s21+$0x0], $0xffff  }
0x369: {  	s12 =	sor.u32 $0x8, s26;
	v20 =	vadd.bf16 v20, v22;
	v22 =	vld.idx.msk [tilespmem:v24+s23+$0x0], $0xffff  }
0x36a: {  	v26 =	vmov s12;
	v5 =	vadd.f32 v13, v5;
	v13 =	vshll.u32 v15, $0x10;
	v24 =	vld.idx.msk [tilespmem:v23+s21+$0x0], $0xffff  }
0x36b: {  	v20 =	vmax.bf16 v20, v2;
	v16 =	vadd.bf16 v16, v21;
	v12 =	vadd.f32 v13, v12;
	v21 =	vld.idx.msk [tilespmem:v23+s23+$0x0], $0xffff  }
0x36c: {  	v13 =	vmul.bf16 v20, v14;
	v19 =	vor.u32 v32, v18;
	v32 =	vshrl.u32 v26, $0x3;
	v26 =	vld [tilespmem:$0x1FC20]  }
0x36d: {  	v25 =	vor.u32 v25, v18;
	v15 =	vand.u32 $0xFFFF0000, v15  }
0x36e: {  	v16 =	vmax.bf16 v16, v2;
	v12 =	vadd.f32 v15, v12;
	v15 =	vshll.u32 v13, $0x10  }
0x36f: {  	v16 =	vmul.bf16 v16, v14;
	v13 =	vand.u32 $0xFFFF0000, v13;
	v32 =	vshll.u32 v32, v1  }
0x370: {  	v11 =	vadd.f32 v15, v11;
	v20 =	vbroadcast v32, $0x0;
	v15 =	vadd.bf16 v22, v17  }
0x371: {  	v18 =	vor.u32 v26, v18;
	v26 =	vshll.u32 v16, $0x10;
	v21 =	vadd.bf16 v21, v24  }
0x372: {  	v11 =	vadd.f32 v13, v11;
	v13 =	vmax.bf16 v15, v2;
	v10 =	vadd.f32 v26, v10  }
0x373: {  	v17 =	vld.idx.msk [tilespmem:v25+s21+$0x0], $0xffff;
	v15 =	vand.u32 $0xFFFF0000, v16;
	v13 =	vmul.bf16 v13, v14;
	v32 =	vmax.bf16 v21, v2  }
0x374: {  	v23 =	vld.idx.msk [tilespmem:v19+s21+$0x0], $0xffff;
	v10 =	vadd.f32 v15, v10;
	v15 =	vmul.bf16 v32, v14;
	v32 =	vor.u32 v27, v20  }
0x375: {  	v24 =	vld.idx.msk [tilespmem:v25+s23+$0x0], $0xffff;
	v25 =	vshll.u32 v13, $0x10  }
0x376: {  	v19 =	vld.idx.msk [tilespmem:v19+s23+$0x0], $0xffff;
	v9 =	vadd.f32 v25, v9;
	v25 =	vshll.u32 v15, $0x10  }
0x377: {  	v21 =	vld.idx.msk [tilespmem:v18+s21+$0x0], $0xffff;
	v8 =	vadd.f32 v25, v8  }
0x378: {  	v22 =	vor.u32 v34, v20;
	v16 =	vld.idx.msk [tilespmem:v18+s23+$0x0], $0xffff;
	v15 =	vand.u32 $0xFFFF0000, v15  }
0x379: {  	v8 =	vadd.f32 v15, v8;
	v15 =	vld.idx.msk [tilespmem:v32+s21+$0x0], $0xffff  }
0x37a: {  	v18 =	vld.idx.msk [tilespmem:v32+s23+$0x0], $0xffff  }
0x37b: {  	v32 =	vld [tilespmem:$0x1FFB0]  }
0x37c: {  	v25 =	vld [tilespmem:$0x1FFA0]  }
0x37d: {  	v19 =	vadd.bf16 v19, v23;
	v23 =	vld.idx.msk [tilespmem:v22+s21+$0x0], $0xffff  }
0x37e: {  	v13 =	vand.u32 $0xFFFF0000, v13;
	v17 =	vadd.bf16 v24, v17;
	v22 =	vld.idx.msk [tilespmem:v22+s23+$0x0], $0xffff  }
0x37f: {  	s5 =	sshll.u32 s12, $0x4;
	v9 =	vadd.f32 v13, v9;
	v19 =	vmax.bf16 v19, v2  }
0x380: {  	s5 =	sand.u32 $0x3FFFFFF0, s5;
	v17 =	vmax.bf16 v17, v2;
	v16 =	vadd.bf16 v16, v21;
	v21 =	vor.u32 v32, v20;
	v32 =	vld [tilespmem:$0x1FFC0]  }
0x381: {  	v24 =	vld [tilespmem:s5+$0xD000];
	v19 =	vmul.bf16 v19, v14;
	v13 =	vmul.bf16 v17, v14;
	v25 =	vor.u32 v25, v20;
	_ =	sdelay $0x1  }
0x382: {  	v17 =	vshll.u32 v19, $0x10;
	v26 =	vshll.u32 v13, $0x10;
	v22 =	vadd.bf16 v22, v23  }
0x383: {  	v7 =	vadd.f32 v17, v7;
	v6 =	vadd.f32 v26, v6;
	v16 =	vmax.bf16 v16, v2  }
0x384: {  	v14 =	vmul.bf16 v16, v14;
	v16 =	vmax.bf16 v22, v2;
	v22 =	vor.u32 v32, v20  }
0x385: {  	v19 =	vand.u32 $0xFFFF0000, v19;
	v13 =	vand.u32 $0xFFFF0000, v13;
	v16 =	vmul.bf16 v16, v24;
	v17 =	vld.idx.msk [tilespmem:v25+s21+$0x0], $0xffff  }
0x386: {  	v7 =	vadd.f32 v19, v7;
	v6 =	vadd.f32 v13, v6;
	v13 =	vshll.u32 v14, $0x10;
	v19 =	vld.idx.msk [tilespmem:v25+s23+$0x0], $0xffff  }
0x387: {  	v15 =	vadd.bf16 v18, v15;
	v5 =	vadd.f32 v13, v5;
	v13 =	vshll.u32 v16, $0x10;
	v32 =	vld [tilespmem:$0x1FFF0]  }
0x388: {  	v14 =	vand.u32 $0xFFFF0000, v14;
	v12 =	vadd.f32 v13, v12;
	v18 =	vld.idx.msk [tilespmem:v21+s21+$0x0], $0xffff  }
0x389: {  	v13 =	vmax.bf16 v15, v2;
	v5 =	vadd.f32 v14, v5;
	v14 =	vand.u32 $0xFFFF0000, v16;
	v15 =	vld.idx.msk [tilespmem:v22+s21+$0x0], $0xffff  }
0x38a: {  	v12 =	vadd.f32 v14, v12;
	v14 =	vld.idx.msk [tilespmem:v22+s23+$0x0], $0xffff  }
0x38b: {  	s12 =	sor.u32 $0x9, s26;
	v22 =	vld [tilespmem:$0x1FFD0]  }
0x38c: {  	v21 =	vld.idx.msk [tilespmem:v21+s23+$0x0], $0xffff;
	v23 =	vor.u32 v32, v20;
	v32 =	vmov s12  }
0x38d: {  	v17 =	vadd.bf16 v19, v17;
	v19 =	vshrl.u32 v32, $0x3;
	v32 =	vld [tilespmem:$0x1FFE0];
	_ =	sdelay $0x1  }
0x38e: {  	v13 =	vmul.bf16 v13, v24  }
0x38f: {  	v16 =	vor.u32 v22, v20  }
0x390: {  	v25 =	vshll.u32 v13, $0x10;
	v18 =	vadd.bf16 v21, v18;
	v19 =	vshll.u32 v19, v1;
	v21 =	vld.idx.msk [tilespmem:v23+s21+$0x0], $0xffff  }
0x391: {  	v17 =	vmax.bf16 v17, v2;
	v19 =	vbroadcast v19, $0x0;
	v22 =	vld.idx.msk [tilespmem:v23+s23+$0x0], $0xffff;
	v20 =	vor.u32 v32, v20  }
0x392: {  	v13 =	vand.u32 $0xFFFF0000, v13;
	v11 =	vadd.f32 v25, v11;
	v17 =	vmul.bf16 v17, v24;
	v32 =	vld [tilespmem:$0x1FC60]  }
0x393: {  	v18 =	vmax.bf16 v18, v2;
	v14 =	vadd.bf16 v14, v15;
	v23 =	vor.u32 v60, v19  }
0x394: {  	v11 =	vadd.f32 v13, v11;
	v18 =	vmul.bf16 v18, v24;
	v13 =	vshll.u32 v17, $0x10;
	v15 =	vld.idx.msk [tilespmem:v16+s21+$0x0], $0xffff  }
0x395: {  	v10 =	vadd.f32 v13, v10;
	v14 =	vmax.bf16 v14, v2;
	v16 =	vld.idx.msk [tilespmem:v16+s23+$0x0], $0xffff  }
0x396: {  	v17 =	vand.u32 $0xFFFF0000, v17;
	v13 =	vshll.u32 v18, $0x10;
	v14 =	vmul.bf16 v14, v24;
	v25 =	vld.idx.msk [tilespmem:v20+s21+$0x0], $0xffff  }
0x397: {  	v10 =	vadd.f32 v17, v10;
	v21 =	vadd.bf16 v22, v21;
	v20 =	vld.idx.msk [tilespmem:v20+s23+$0x0], $0xffff;
	v22 =	vor.u32 v32, v19  }
0x398: {  	v9 =	vadd.f32 v13, v9;
	v13 =	vand.u32 $0xFFFF0000, v18;
	v17 =	vld.idx.msk [tilespmem:v23+s23+$0x0], $0xffff;
	v32 =	vshll.u32 v14, $0x10  }
0x399: {  	s5 =	sshll.u32 s12, $0x4;
	v60 =	vmax.bf16 v21, v2;
	v21 =	vld.idx.msk [tilespmem:v23+s21+$0x0], $0xffff;
	v8 =	vadd.f32 v32, v8;
	v32 =	vor.u32 v59, v19  }
0x39a: {  	s5 =	sand.u32 $0x3FFFFFF0, s5;
	v9 =	vadd.f32 v13, v9;
	v13 =	vmul.bf16 v60, v24  }
0x39b: {  	v14 =	vand.u32 $0xFFFF0000, v14;
	v15 =	vadd.bf16 v16, v15;
	v16 =	vld [tilespmem:s5+$0xD000]  }
0x39c: {  	v8 =	vadd.f32 v14, v8;
	v14 =	vshll.u32 v13, $0x10;
	v20 =	vadd.bf16 v20, v25;
	v60 =	vld.idx.msk [tilespmem:v22+s21+$0x0], $0xffff  }
0x39d: {  	v22 =	vld.idx.msk [tilespmem:v22+s23+$0x0], $0xffff;
	v25 =	vor.u32 v28, v19;
	v7 =	vadd.f32 v14, v7;
	v15 =	vmax.bf16 v15, v2  }
0x39e: {  	v17 =	vadd.bf16 v17, v21;
	v21 =	vld.idx.msk [tilespmem:v32+s21+$0x0], $0xffff;
	v14 =	vmul.bf16 v15, v24;
	v15 =	vmax.bf16 v20, v2  }
0x39f: {  	v13 =	vand.u32 $0xFFFF0000, v13;
	v18 =	vld.idx.msk [tilespmem:v32+s23+$0x0], $0xffff;
	v20 =	vor.u32 v0, v19;
	v15 =	vmul.bf16 v15, v24  }
0x3a0: {  	v7 =	vadd.f32 v13, v7;
	v17 =	vmax.bf16 v17, v2;
	v13 =	vshll.u32 v14, $0x10  }
0x3a1: {  	v14 =	vand.u32 $0xFFFF0000, v14;
	v6 =	vadd.f32 v13, v6;
	v13 =	vshll.u32 v15, $0x10  }
0x3a2: {  	v32 =	vadd.bf16 v22, v60;
	v22 =	vld.idx.msk [tilespmem:v25+s21+$0x0], $0xffff;
	v60 =	vor.u32 v36, v19;
	v5 =	vadd.f32 v13, v5  }
0x3a3: {  	s12 =	sor.u32 $0xA, s26;
	v13 =	vmul.bf16 v17, v16;
	v6 =	vadd.f32 v14, v6;
	v14 =	vand.u32 $0xFFFF0000, v15;
	v15 =	vld.idx.msk [tilespmem:v25+s23+$0x0], $0xffff  }
0x3a4: {  	v18 =	vadd.bf16 v18, v21;
	v17 =	vmax.bf16 v32, v2;
	v24 =	vld.idx.msk [tilespmem:v20+s21+$0x0], $0xffff;
	v25 =	vmov s12  }
0x3a5: {  	v20 =	vld.idx.msk [tilespmem:v20+s23+$0x0], $0xffff;
	v32 =	vor.u32 v38, v19;
	v19 =	vor.u32 v40, v19;
	v5 =	vadd.f32 v14, v5  }
0x3a6: {  	v14 =	vshll.u32 v13, $0x10;
	v17 =	vmul.bf16 v17, v16;
	v25 =	vshrl.u32 v25, $0x3  }
0x3a7: {  	v13 =	vand.u32 $0xFFFF0000, v13;
	v18 =	vmax.bf16 v18, v2;
	v25 =	vshll.u32 v25, v1  }
0x3a8: {  	v12 =	vadd.f32 v14, v12;
	v14 =	vshll.u32 v17, $0x10;
	v26 =	vld.idx.msk [tilespmem:v60+s21+$0x0], $0xffff;
	v25 =	vbroadcast v25, $0x0  }
0x3a9: {  	v17 =	vand.u32 $0xFFFF0000, v17;
	v60 =	vld.idx.msk [tilespmem:v60+s23+$0x0], $0xffff;
	v11 =	vadd.f32 v14, v11;
	v14 =	vmul.bf16 v18, v16  }
0x3aa: {  	v46 =	vld [tilespmem:$0x1FCF0];
	v15 =	vadd.bf16 v15, v22;
	v20 =	vadd.bf16 v20, v24;
	v22 =	vor.u32 v42, v25  }
0x3ab: {  	v12 =	vadd.f32 v13, v12;
	v21 =	vld.idx.msk [tilespmem:v19+s21+$0x0], $0xffff;
	v11 =	vadd.f32 v17, v11;
	v13 =	vshll.u32 v14, $0x10  }
0x3ac: {  	v18 =	vld.idx.msk [tilespmem:v19+s23+$0x0], $0xffff;
	v10 =	vadd.f32 v13, v10;
	v13 =	vmax.bf16 v15, v2;
	v15 =	vmax.bf16 v20, v2  }
0x3ad: {  	v17 =	vld.idx.msk [tilespmem:v32+s21+$0x0], $0xffff;
	v14 =	vand.u32 $0xFFFF0000, v14;
	v13 =	vmul.bf16 v13, v16;
	v15 =	vmul.bf16 v15, v16  }
0x3ae: {  	v20 =	vld.idx.msk [tilespmem:v32+s23+$0x0], $0xffff;
	v10 =	vadd.f32 v14, v10;
	v14 =	vadd.bf16 v60, v26  }
0x3af: {  	v32 =	vshll.u32 v13, $0x10;
	v13 =	vand.u32 $0xFFFF0000, v13;
	v60 =	vshll.u32 v15, $0x10;
	v24 =	vld.idx.msk [tilespmem:v22+s21+$0x0], $0xffff  }
0x3b0: {  	v9 =	vadd.f32 v32, v9;
	v8 =	vadd.f32 v60, v8;
	v14 =	vmax.bf16 v14, v2;
	v32 =	vld.idx.msk [tilespmem:v22+s23+$0x0], $0xffff  }
0x3b1: {  	s5 =	sshll.u32 s12, $0x4;
	v15 =	vand.u32 $0xFFFF0000, v15;
	v60 =	vor.u32 v44, v25;
	v14 =	vmul.bf16 v14, v16  }
0x3b2: {  	s5 =	sand.u32 $0x3FFFFFF0, s5;
	v19 =	vor.u32 v48, v25;
	v9 =	vadd.f32 v13, v9;
	v8 =	vadd.f32 v15, v8  }
0x3b3: {  	v15 =	vadd.bf16 v20, v17;
	v17 =	vld [tilespmem:s5+$0xD000];
	v20 =	vor.u32 v46, v25;
	v13 =	vshll.u32 v14, $0x10  }
0x3b4: {  	v23 =	vor.u32 v50, v25;
	v7 =	vadd.f32 v13, v7;
	v13 =	vadd.bf16 v18, v21  }
0x3b5: {  	v26 =	vor.u32 v29, v25;
	v15 =	vmax.bf16 v15, v2;
	v32 =	vadd.bf16 v32, v24  }
0x3b6: {  	v14 =	vand.u32 $0xFFFF0000, v14;
	v15 =	vmul.bf16 v15, v16;
	v21 =	vld.idx.msk [tilespmem:v60+s21+$0x0], $0xffff;
	v13 =	vmax.bf16 v13, v2  }
0x3b7: {  	s12 =	sor.u32 $0xB, s26;
	v7 =	vadd.f32 v14, v7;
	v13 =	vmul.bf16 v13, v16;
	v14 =	vmax.bf16 v32, v2;
	v16 =	vld.idx.msk [tilespmem:v60+s23+$0x0], $0xffff  }
0x3b8: {  	v18 =	vmov s12;
	v60 =	vshll.u32 v15, $0x10;
	v22 =	vld.idx.msk [tilespmem:v20+s21+$0x0], $0xffff;
	v14 =	vmul.bf16 v14, v17  }
0x3b9: {  	v18 =	vshrl.u32 v18, $0x3;
	v20 =	vld.idx.msk [tilespmem:v20+s23+$0x0], $0xffff;
	v6 =	vadd.f32 v60, v6;
	v32 =	vshll.u32 v13, $0x10  }
0x3ba: {  	v24 =	vld.idx.msk [tilespmem:v19+s21+$0x0], $0xffff;
	v15 =	vand.u32 $0xFFFF0000, v15;
	v5 =	vadd.f32 v32, v5;
	v60 =	vshll.u32 v14, $0x10  }
0x3bb: {  	v13 =	vand.u32 $0xFFFF0000, v13;
	v6 =	vadd.f32 v15, v6;
	v15 =	vld.idx.msk [tilespmem:v19+s23+$0x0], $0xffff;
	v12 =	vadd.f32 v60, v12  }
0x3bc: {  	v5 =	vadd.f32 v13, v5;
	v13 =	vand.u32 $0xFFFF0000, v14;
	v14 =	vadd.bf16 v16, v21  }
0x3bd: {  	v18 =	vshll.u32 v18, v1;
	v60 =	vld.idx.msk [tilespmem:v23+s23+$0x0], $0xffff;
	v16 =	vor.u32 v30, v25  }
0x3be: {  	v32 =	vadd.bf16 v20, v22;
	v12 =	vadd.f32 v13, v12;
	v13 =	vld.idx.msk [tilespmem:v23+s21+$0x0], $0xffff;
	v14 =	vmax.bf16 v14, v2  }
0x3bf: {  	v18 =	vbroadcast v18, $0x0;
	v21 =	vld.idx.msk [tilespmem:v26+s21+$0x0], $0xffff;
	v22 =	vor.u32 v31, v25;
	v14 =	vmul.bf16 v14, v17  }
0x3c0: {  	v19 =	vmax.bf16 v32, v2;
	v32 =	vld.idx.msk [tilespmem:v26+s23+$0x0], $0xffff;
	v15 =	vadd.bf16 v15, v24  }
0x3c1: {  	v25 =	vor.u32 v52, v18;
	v19 =	vmul.bf16 v19, v17;
	v24 =	vshll.u32 v14, $0x10  }
0x3c2: {  	v14 =	vand.u32 $0xFFFF0000, v14;
	v15 =	vmax.bf16 v15, v2;
	v11 =	vadd.f32 v24, v11;
	v24 =	vld.idx.msk [tilespmem:v16+s21+$0x0], $0xffff  }
0x3c3: {  	v26 =	vshll.u32 v19, $0x10;
	v15 =	vmul.bf16 v15, v17;
	v13 =	vadd.bf16 v60, v13;
	v16 =	vld.idx.msk [tilespmem:v16+s23+$0x0], $0xffff  }
0x3c4: {  	v10 =	vadd.f32 v26, v10;
	v11 =	vadd.f32 v14, v11;
	v14 =	vand.u32 $0xFFFF0000, v19;
	v19 =	vld.idx.msk [tilespmem:v22+s21+$0x0], $0xffff  }
0x3c5: {  	v21 =	vadd.bf16 v32, v21;
	v60 =	vshll.u32 v15, $0x10;
	v13 =	vmax.bf16 v13, v2;
	v22 =	vld.idx.msk [tilespmem:v22+s23+$0x0], $0xffff  }
0x3c6: {  	v20 =	vor.u32 v54, v18;
	v9 =	vadd.f32 v60, v9;
	v13 =	vmul.bf16 v13, v17  }
0x3c7: {  	v23 =	vld.idx.msk [tilespmem:v25+s23+$0x0], $0xffff;
	v10 =	vadd.f32 v14, v10;
	v14 =	vand.u32 $0xFFFF0000, v15;
	v15 =	vmax.bf16 v21, v2  }
0x3c8: {  	s5 =	sshll.u32 s12, $0x4;
	v21 =	vld.idx.msk [tilespmem:v25+s21+$0x0], $0xffff;
	v15 =	vmul.bf16 v15, v17;
	v9 =	vadd.f32 v14, v9;
	v14 =	vshll.u32 v13, $0x10  }
0x3c9: {  	s5 =	sand.u32 $0x3FFFFFF0, s5;
	v8 =	vadd.f32 v14, v8;
	v14 =	vadd.bf16 v16, v24;
	v24 =	vor.u32 v62, v18  }
0x3ca: {  	v13 =	vand.u32 $0xFFFF0000, v13;
	v32 =	vshll.u32 v15, $0x10;
	v19 =	vadd.bf16 v22, v19;
	v22 =	vld [tilespmem:s5+$0xD000]  }
0x3cb: {  	v15 =	vand.u32 $0xFFFF0000, v15;
	v8 =	vadd.f32 v13, v8;
	v13 =	vmax.bf16 v14, v2;
	v14 =	vld.idx.msk [tilespmem:v20+s21+$0x0], $0xffff  }
0x3cc: {  	v7 =	vadd.f32 v32, v7;
	v60 =	vmax.bf16 v19, v2;
	v19 =	vld.idx.msk [tilespmem:v20+s23+$0x0], $0xffff;
	v20 =	vor.u32 v56, v18  }
0x3cd: {  	v32 =	vadd.bf16 v23, v21;
	v13 =	vmul.bf16 v13, v17;
	v16 =	vmul.bf16 v60, v17  }
0x3ce: {  	v21 =	vor.u32 v63, v18;
	v23 =	vor.u32 v4, v18;
	v7 =	vadd.f32 v15, v7;
	v25 =	vld.idx.msk [tilespmem:v24+s21+$0x0], $0xffff  }
0x3cf: {  	v17 =	vmax.bf16 v32, v2;
	v15 =	vshll.u32 v13, $0x10;
	v32 =	vld.idx.msk [tilespmem:v24+s23+$0x0], $0xffff;
	v60 =	vshll.u32 v16, $0x10  }
0x3d0: {  	v6 =	vadd.f32 v15, v6;
	v15 =	vmul.bf16 v17, v22;
	v5 =	vadd.f32 v60, v5;
	v60 =	vld [tilespmem:$0x1FDC0]  }
0x3d1: {  	v13 =	vand.u32 $0xFFFF0000, v13;
	v16 =	vand.u32 $0xFFFF0000, v16;
	v14 =	vadd.bf16 v19, v14;
	v19 =	vld.idx.msk [tilespmem:v20+s21+$0x0], $0xffff  }
0x3d2: {  	s12 =	sor.u32 $0xC, s26;
	v6 =	vadd.f32 v13, v6;
	v13 =	vshll.u32 v15, $0x10;
	v5 =	vadd.f32 v16, v5;
	v16 =	vld.idx.msk [tilespmem:v20+s23+$0x0], $0xffff  }
0x3d3: {  	v24 =	vmov s12;
	v12 =	vadd.f32 v13, v12;
	v20 =	vld.idx.msk [tilespmem:v21+s23+$0x0], $0xffff  }
0x3d4: {  	v15 =	vand.u32 $0xFFFF0000, v15;
	v13 =	vmax.bf16 v14, v2;
	v14 =	vld.idx.msk [tilespmem:v21+s21+$0x0], $0xffff;
	v21 =	vor.u32 v58, v18  }
0x3d5: {  	v12 =	vadd.f32 v15, v12;
	v15 =	vadd.bf16 v32, v25;
	v32 =	vshrl.u32 v24, $0x3  }
0x3d6: {  	v13 =	vmul.bf16 v13, v22;
	v17 =	vshll.u32 v32, v1  }
0x3d7: {  	v25 =	vld.idx.msk [tilespmem:v23+s21+$0x0], $0xffff;
	v18 =	vor.u32 v60, v18;
	v17 =	vbroadcast v17, $0x0  }
0x3d8: {  	v60 =	vld [tilespmem:$0x1FDE0];
	v24 =	vshll.u32 v13, $0x10;
	v15 =	vmax.bf16 v15, v2;
	v16 =	vadd.bf16 v16, v19  }
0x3d9: {  	v19 =	vld.idx.msk [tilespmem:v23+s23+$0x0], $0xffff;
	v11 =	vadd.f32 v24, v11;
	v15 =	vmul.bf16 v15, v22;
	v58 =	vor.u32 v33, v17  }
0x3da: {  	v13 =	vand.u32 $0xFFFF0000, v13;
	v14 =	vadd.bf16 v20, v14;
	v20 =	vld.idx.msk [tilespmem:v21+s21+$0x0], $0xffff  }
0x3db: {  	v21 =	vld.idx.msk [tilespmem:v21+s23+$0x0], $0xffff;
	v11 =	vadd.f32 v13, v11;
	v13 =	vshll.u32 v15, $0x10  }
0x3dc: {  	v16 =	vmax.bf16 v16, v2;
	v10 =	vadd.f32 v13, v10;
	v13 =	vmax.bf16 v14, v2;
	v14 =	vld.idx.msk [tilespmem:v18+s21+$0x0], $0xffff  }
0x3dd: {  	v16 =	vmul.bf16 v16, v22;
	v18 =	vld.idx.msk [tilespmem:v18+s23+$0x0], $0xffff  }
0x3de: {  	v19 =	vadd.bf16 v19, v25;
	v25 =	vld.idx.msk [tilespmem:v58+s21+$0x0], $0xffff  }
0x3df: {  	v15 =	vand.u32 $0xFFFF0000, v15;
	v13 =	vmul.bf16 v13, v22;
	v24 =	vshll.u32 v16, $0x10;
	v33 =	vld.idx.msk [tilespmem:v58+s23+$0x0], $0xffff  }
0x3e0: {  	v10 =	vadd.f32 v15, v10;
	v15 =	vor.u32 v60, v17;
	v16 =	vand.u32 $0xFFFF0000, v16  }
0x3e1: {  	s5 =	sshll.u32 s12, $0x4;
	v9 =	vadd.f32 v24, v9;
	v24 =	vshll.u32 v13, $0x10;
	v13 =	vand.u32 $0xFFFF0000, v13  }
0x3e2: {  	s5 =	sand.u32 $0x3FFFFFF0, s5;
	v20 =	vadd.bf16 v21, v20;
	v58 =	vor.u32 v3, v17;
	v19 =	vmax.bf16 v19, v2  }
0x3e3: {  	v8 =	vadd.f32 v24, v8;
	v32 =	vmul.bf16 v19, v22;
	v14 =	vadd.bf16 v18, v14;
	v18 =	vld [tilespmem:s5+$0xD000]  }
0x3e4: {  	v24 =	vor.u32 v61, v17;
	v20 =	vmax.bf16 v20, v2;
	v19 =	vadd.bf16 v33, v25;
	v25 =	vld [tilespmem:$0x1FE20]  }
0x3e5: {  	v8 =	vadd.f32 v13, v8;
	v13 =	vshll.u32 v32, $0x10;
	v23 =	vld.idx.msk [tilespmem:v15+s21+$0x0], $0xffff;
	v14 =	vmax.bf16 v14, v2  }
0x3e6: {  	v15 =	vld.idx.msk [tilespmem:v15+s23+$0x0], $0xffff;
	v7 =	vadd.f32 v13, v7;
	v13 =	vmul.bf16 v20, v22;
	v14 =	vmul.bf16 v14, v22  }
0x3e7: {  	v9 =	vadd.f32 v16, v9;
	v20 =	vor.u32 v35, v17  }
0x3e8: {  	v16 =	vand.u32 $0xFFFF0000, v32;
	v22 =	vld.idx.msk [tilespmem:v58+s21+$0x0], $0xffff;
	v32 =	vshll.u32 v13, $0x10;
	v33 =	vshll.u32 v14, $0x10  }
0x3e9: {  	v21 =	vld.idx.msk [tilespmem:v58+s23+$0x0], $0xffff;
	v19 =	vmax.bf16 v19, v2;
	v6 =	vadd.f32 v32, v6;
	v25 =	vor.u32 v25, v17  }
0x3ea: {  	v13 =	vand.u32 $0xFFFF0000, v13;
	v5 =	vadd.f32 v33, v5;
	v58 =	vmul.bf16 v19, v18;
	v19 =	vld.idx.msk [tilespmem:v24+s21+$0x0], $0xffff  }
0x3eb: {  	v6 =	vadd.f32 v13, v6;
	v13 =	vand.u32 $0xFFFF0000, v14;
	v14 =	vadd.bf16 v15, v23;
	v15 =	vld.idx.msk [tilespmem:v24+s23+$0x0], $0xffff  }
0x3ec: {  	v60 =	vld.idx.msk [tilespmem:v20+s21+$0x0], $0xffff;
	v5 =	vadd.f32 v13, v5;
	v13 =	vshll.u32 v58, $0x10  }
0x3ed: {  	v12 =	vadd.f32 v13, v12;
	v13 =	vmax.bf16 v14, v2;
	v14 =	vld.idx.msk [tilespmem:v20+s23+$0x0], $0xffff  }
0x3ee: {  	s12 =	sor.u32 $0xD, s26;
	v7 =	vadd.f32 v16, v7;
	v16 =	vand.u32 $0xFFFF0000, v58;
	v58 =	vld.idx.msk [tilespmem:v25+s21+$0x0], $0xffff  }
0x3ef: {  	v32 =	vmov s12;
	v24 =	vld.idx.msk [tilespmem:v25+s23+$0x0], $0xffff  }
0x3f0: {  	v20 =	vshrl.u32 v32, $0x3;
	v25 =	vld [tilespmem:$0x1FE40]  }
0x3f1: {  	v20 =	vshll.u32 v20, v1  }
0x3f2: {  	v33 =	vor.u32 v37, v17;
	v21 =	vadd.bf16 v21, v22;
	v20 =	vbroadcast v20, $0x0;
	_ =	sdelay $0x1  }
0x3f3: {  	v21 =	vmax.bf16 v21, v2;
	v14 =	vadd.bf16 v14, v60;
	v60 =	vor.u32 v39, v20  }
0x3f4: {  	v13 =	vmul.bf16 v13, v18;
	v21 =	vmul.bf16 v21, v18;
	v17 =	vor.u32 v25, v17  }
0x3f5: {  	v26 =	vld [tilespmem:$0x1FE60];
	v12 =	vadd.f32 v16, v12  }
0x3f6: {  	v22 =	vld.idx.msk [tilespmem:v33+s23+$0x0], $0xffff;
	v15 =	vadd.bf16 v15, v19;
	v32 =	vshll.u32 v21, $0x10;
	v25 =	vshll.u32 v13, $0x10  }
0x3f7: {  	v10 =	vadd.f32 v32, v10;
	v14 =	vmax.bf16 v14, v2;
	v11 =	vadd.f32 v25, v11;
	v25 =	vld.idx.msk [tilespmem:v33+s21+$0x0], $0xffff  }
0x3f8: {  	v15 =	vmax.bf16 v15, v2;
	v14 =	vmul.bf16 v14, v18;
	v16 =	vadd.bf16 v24, v58;
	v24 =	vld.idx.msk [tilespmem:v60+s21+$0x0], $0xffff  }
0x3f9: {  	v32 =	vor.u32 v41, v20;
	v15 =	vmul.bf16 v15, v18;
	v13 =	vand.u32 $0xFFFF0000, v13;
	v33 =	vld.idx.msk [tilespmem:v17+s21+$0x0], $0xffff  }
0x3fa: {  	v58 =	vshll.u32 v14, $0x10;
	v16 =	vmax.bf16 v16, v2;
	v14 =	vand.u32 $0xFFFF0000, v14;
	v17 =	vld.idx.msk [tilespmem:v17+s23+$0x0], $0xffff  }
0x3fb: {  	v60 =	vld.idx.msk [tilespmem:v60+s23+$0x0], $0xffff;
	v11 =	vadd.f32 v13, v11;
	v13 =	vshll.u32 v15, $0x10;
	v8 =	vadd.f32 v58, v8  }
0x3fc: {  	v9 =	vadd.f32 v13, v9;
	v13 =	vmul.bf16 v16, v18;
	v22 =	vadd.bf16 v22, v25  }
0x3fd: {  	s5 =	sshll.u32 s12, $0x4;
	v26 =	vor.u32 v26, v20;
	v15 =	vand.u32 $0xFFFF0000, v15;
	v8 =	vadd.f32 v14, v8  }
0x3fe: {  	s5 =	sand.u32 $0x3FFFFFF0, s5;
	v9 =	vadd.f32 v15, v9;
	v14 =	vshll.u32 v13, $0x10;
	v15 =	vmax.bf16 v22, v2  }
0x3ff: {  	v19 =	vld [tilespmem:s5+$0xD000];
	v7 =	vadd.f32 v14, v7;
	v14 =	vmul.bf16 v15, v18;
	v17 =	vadd.bf16 v17, v33  }
0x400: {  	v58 =	vld [tilespmem:$0x1FE80];
	v13 =	vand.u32 $0xFFFF0000, v13;
	v16 =	vadd.bf16 v60, v24  }
0x401: {  	v24 =	vld.idx.msk [tilespmem:v32+s21+$0x0], $0xffff;
	v7 =	vadd.f32 v13, v7;
	v13 =	vshll.u32 v14, $0x10;
	v17 =	vmax.bf16 v17, v2  }
0x402: {  	v15 =	vld.idx.msk [tilespmem:v26+s21+$0x0], $0xffff;
	v6 =	vadd.f32 v13, v6;
	v17 =	vmul.bf16 v17, v18  }
0x403: {  	v33 =	vld.idx.msk [tilespmem:v26+s23+$0x0], $0xffff;
	v14 =	vand.u32 $0xFFFF0000, v14  }
0x404: {  	v6 =	vadd.f32 v14, v6;
	v18 =	vshll.u32 v17, $0x10;
	v14 =	vand.u32 $0xFFFF0000, v17;
	v17 =	vld.idx.msk [tilespmem:v32+s23+$0x0], $0xffff  }
0x405: {  	v23 =	vor.u32 v58, v20;
	v32 =	vld [tilespmem:$0x1FEA0];
	_ =	sdelay $0x1  }
0x406: {  	v13 =	vmax.bf16 v16, v2;
	v16 =	vor.u32 v43, v20  }
0x407: {  	v21 =	vand.u32 $0xFFFF0000, v21  }
0x408: {  	s12 =	sor.u32 $0xE, s26;
	v10 =	vadd.f32 v21, v10;
	v26 =	vld [tilespmem:$0x1FEC0];
	v13 =	vmul.bf16 v13, v19;
	v5 =	vadd.f32 v18, v5  }
0x409: {  	v25 =	vmov s12;
	v21 =	vld.idx.msk [tilespmem:v23+s21+$0x0], $0xffff;
	v15 =	vadd.bf16 v33, v15;
	v22 =	vor.u32 v32, v20  }
0x40a: {  	v25 =	vshrl.u32 v25, $0x3;
	v60 =	vshll.u32 v13, $0x10;
	v5 =	vadd.f32 v14, v5;
	v14 =	vld.idx.msk [tilespmem:v23+s23+$0x0], $0xffff  }
0x40b: {  	v58 =	vor.u32 v45, v20;
	v12 =	vadd.f32 v60, v12;
	v15 =	vmax.bf16 v15, v2;
	v33 =	vld.idx.msk [tilespmem:v16+s21+$0x0], $0xffff  }
0x40c: {  	v13 =	vand.u32 $0xFFFF0000, v13;
	v60 =	vshll.u32 v25, v1;
	v16 =	vld.idx.msk [tilespmem:v16+s23+$0x0], $0xffff;
	v15 =	vmul.bf16 v15, v19  }
0x40d: {  	v12 =	vadd.f32 v13, v12;
	v13 =	vadd.bf16 v17, v24;
	v17 =	vbroadcast v60, $0x0;
	v60 =	vld [tilespmem:$0x1FEE0]  }
0x40e: {  	v24 =	vshll.u32 v15, $0x10;
	v20 =	vor.u32 v26, v20;
	v25 =	vld.idx.msk [tilespmem:v22+s21+$0x0], $0xffff  }
0x40f: {  	v11 =	vadd.f32 v24, v11;
	v13 =	vmax.bf16 v13, v2;
	v14 =	vadd.bf16 v14, v21;
	v21 =	vld.idx.msk [tilespmem:v22+s23+$0x0], $0xffff  }
0x410: {  	v15 =	vand.u32 $0xFFFF0000, v15;
	v32 =	vld.idx.msk [tilespmem:v58+s23+$0x0], $0xffff;
	v24 =	vor.u32 v47, v17;
	v13 =	vmul.bf16 v13, v19  }
0x411: {  	v11 =	vadd.f32 v15, v11;
	v15 =	vadd.bf16 v16, v33;
	v22 =	vld.idx.msk [tilespmem:v58+s21+$0x0], $0xffff;
	v14 =	vmax.bf16 v14, v2  }
0x412: {  	v33 =	vshll.u32 v13, $0x10;
	v13 =	vand.u32 $0xFFFF0000, v13;
	v14 =	vmul.bf16 v14, v19  }
0x413: {  	v15 =	vmax.bf16 v15, v2;
	v23 =	vor.u32 v60, v17;
	v10 =	vadd.f32 v33, v10  }
0x414: {  	v58 =	vld.idx.msk [tilespmem:v20+s21+$0x0], $0xffff;
	v15 =	vmul.bf16 v15, v19;
	v26 =	vshll.u32 v14, $0x10;
	v21 =	vadd.bf16 v21, v25  }
0x415: {  	v20 =	vld.idx.msk [tilespmem:v20+s23+$0x0], $0xffff;
	v10 =	vadd.f32 v13, v10;
	v13 =	vand.u32 $0xFFFF0000, v14;
	v9 =	vadd.f32 v26, v9  }
0x416: {  	s5 =	sshll.u32 s12, $0x4;
	v14 =	vld.idx.msk [tilespmem:v24+s21+$0x0], $0xffff;
	v25 =	vshll.u32 v15, $0x10;
	v16 =	vadd.bf16 v32, v22;
	v21 =	vmax.bf16 v21, v2  }
0x417: {  	s5 =	sand.u32 $0x3FFFFFF0, s5;
	v32 =	vld.idx.msk [tilespmem:v24+s23+$0x0], $0xffff;
	v8 =	vadd.f32 v25, v8;
	v25 =	vor.u32 v49, v17;
	v21 =	vmul.bf16 v21, v19  }
0x418: {  	v24 =	vld [tilespmem:s5+$0xD000];
	v9 =	vadd.f32 v13, v9;
	v13 =	vand.u32 $0xFFFF0000, v15  }
0x419: {  	v15 =	vmax.bf16 v16, v2;
	v16 =	vld.idx.msk [tilespmem:v23+s21+$0x0], $0xffff;
	v8 =	vadd.f32 v13, v8;
	v13 =	vshll.u32 v21, $0x10  }
0x41a: {  	v15 =	vmul.bf16 v15, v19;
	v7 =	vadd.f32 v13, v7;
	v13 =	vadd.bf16 v20, v58;
	v58 =	vld [tilespmem:$0x1FF00]  }
0x41b: {  	v23 =	vld.idx.msk [tilespmem:v23+s23+$0x0], $0xffff  }
0x41c: {  	v33 =	vshll.u32 v15, $0x10;
	v14 =	vadd.bf16 v32, v14;
	v18 =	vld.idx.msk [tilespmem:v25+s21+$0x0], $0xffff  }
0x41d: {  	v32 =	vor.u32 v51, v17;
	v6 =	vadd.f32 v33, v6;
	v33 =	vld [tilespmem:$0x1FF20];
	v13 =	vmax.bf16 v13, v2  }
0x41e: {  	v60 =	vld.idx.msk [tilespmem:v25+s23+$0x0], $0xffff;
	v13 =	vmul.bf16 v13, v19  }
0x41f: {  	v15 =	vand.u32 $0xFFFF0000, v15;
	v14 =	vmax.bf16 v14, v2;
	v20 =	vor.u32 v58, v17  }
0x420: {  	v14 =	vmul.bf16 v14, v24;
	v6 =	vadd.f32 v15, v6;
	v15 =	vshll.u32 v13, $0x10  }
0x421: {  	v16 =	vadd.bf16 v23, v16;
	v5 =	vadd.f32 v15, v5  }
0x422: {  	v19 =	vld.idx.msk [tilespmem:v32+s23+$0x0], $0xffff;
	v22 =	vor.u32 v33, v17;
	v13 =	vand.u32 $0xFFFF0000, v13;
	v15 =	vshll.u32 v14, $0x10  }
0x423: {  	v5 =	vadd.f32 v13, v5;
	v13 =	vand.u32 $0xFFFF0000, v14;
	v14 =	vadd.bf16 v60, v18;
	v18 =	vld.idx.msk [tilespmem:v32+s21+$0x0], $0xffff  }
0x424: {  	v16 =	vmax.bf16 v16, v2;
	v23 =	vld.idx.msk [tilespmem:v20+s21+$0x0], $0xffff  }
0x425: {  	s26 =	sor.u32 $0xF, s26;
	v12 =	vadd.f32 v15, v12;
	v15 =	vmul.bf16 v16, v24;
	v60 =	vor.u32 v53, v17;
	v58 =	vld.idx.msk [tilespmem:v20+s23+$0x0], $0xffff  }
0x426: {  	v4 =	vld [tilespmem:$0x1FF80];
	v25 =	vmov s26  }
0x427: {  	v12 =	vadd.f32 v13, v12;
	v13 =	vshll.u32 v15, $0x10;
	v14 =	vmax.bf16 v14, v2;
	v32 =	vld.idx.msk [tilespmem:v22+s21+$0x0], $0xffff  }
0x428: {  	v33 =	vshrl.u32 v25, $0x3;
	v11 =	vadd.f32 v13, v11;
	v13 =	vmul.bf16 v14, v24;
	v14 =	vld.idx.msk [tilespmem:v22+s23+$0x0], $0xffff  }
0x429: {  	v15 =	vand.u32 $0xFFFF0000, v15;
	v22 =	vshll.u32 v33, v1;
	v33 =	vld [tilespmem:$0x1FF60]  }
0x42a: {  	v22 =	vbroadcast v22, $0x0;
	v18 =	vadd.bf16 v19, v18;
	v19 =	vld.idx.msk [tilespmem:v60+s23+$0x0], $0xffff;
	v16 =	vadd.bf16 v58, v23  }
0x42b: {  	v11 =	vadd.f32 v15, v11;
	v15 =	vshll.u32 v13, $0x10;
	v58 =	vld [tilespmem:$0x1FF40]  }
0x42c: {  	v10 =	vadd.f32 v15, v10;
	v15 =	vmax.bf16 v16, v2;
	v16 =	vld.idx.msk [tilespmem:v60+s21+$0x0], $0xffff;
	v60 =	vor.u32 v55, v22  }
0x42d: {  	v63 =	vld [tilespmem:$0x1FC00]  }
0x42e: {  	v3 =	vld [tilespmem:$0x1FC10];
	v23 =	vor.u32 v33, v22  }
0x42f: {  	v61 =	vld [tilespmem:$0x1FC30];
	v13 =	vand.u32 $0xFFFF0000, v13;
	v27 =	vor.u32 v4, v22  }
0x430: {  	v4 =	vld [tilespmem:$0x1FC20];
	v10 =	vadd.f32 v13, v10;
	v13 =	vadd.bf16 v14, v32;
	v17 =	vor.u32 v58, v17  }
0x431: {  	v21 =	vand.u32 $0xFFFF0000, v21;
	v15 =	vmul.bf16 v15, v24;
	v58 =	vld.idx.msk [tilespmem:v60+s21+$0x0], $0xffff  }
0x432: {  	v7 =	vadd.f32 v21, v7;
	v25 =	vor.u32 v57, v22;
	v13 =	vmax.bf16 v13, v2;
	v20 =	vld.idx.msk [tilespmem:v60+s23+$0x0], $0xffff  }
0x433: {  	v18 =	vmax.bf16 v18, v2;
	v13 =	vmul.bf16 v13, v24;
	v14 =	vshll.u32 v15, $0x10;
	v60 =	vld.idx.msk [tilespmem:v23+s21+$0x0], $0xffff  }
0x434: {  	v15 =	vand.u32 $0xFFFF0000, v15;
	v9 =	vadd.f32 v14, v9;
	v14 =	vmul.bf16 v18, v24;
	v23 =	vld.idx.msk [tilespmem:v23+s23+$0x0], $0xffff  }
0x435: {  	v26 =	vshll.u32 v13, $0x10;
	v13 =	vand.u32 $0xFFFF0000, v13;
	v16 =	vadd.bf16 v19, v16;
	v32 =	vld.idx.msk [tilespmem:v17+s21+$0x0], $0xffff  }
0x436: {  	v7 =	vadd.f32 v26, v7;
	v9 =	vadd.f32 v15, v9;
	v15 =	vshll.u32 v14, $0x10;
	v17 =	vld.idx.msk [tilespmem:v17+s23+$0x0], $0xffff  }
0x437: {  	v26 =	vor.u32 v61, v22;
	v61 =	vld.idx.msk [tilespmem:v25+s23+$0x0], $0xffff;
	v8 =	vadd.f32 v15, v8;
	v15 =	vmax.bf16 v16, v2  }
0x438: {  	s5 =	sshll.u32 s26, $0x4;
	v7 =	vadd.f32 v13, v7;
	v13 =	vld.idx.msk [tilespmem:v25+s21+$0x0], $0xffff;
	v15 =	vmul.bf16 v15, v24  }
0x439: {  	s5 =	sand.u32 $0x3FFFFFF0, s5;
	v14 =	vand.u32 $0xFFFF0000, v14  }
0x43a: {  	v18 =	vld [tilespmem:s5+$0xD000];
	v25 =	vor.u32 v63, v22;
	v8 =	vadd.f32 v14, v8;
	v14 =	vshll.u32 v15, $0x10  }
0x43b: {  	v33 =	vld.idx.msk [tilespmem:v27+s23+$0x0], $0xffff;
	v15 =	vand.u32 $0xFFFF0000, v15;
	v6 =	vadd.f32 v14, v6;
	v17 =	vadd.bf16 v17, v32  }
0x43c: {  	v14 =	vadd.bf16 v20, v58;
	v32 =	vld.idx.msk [tilespmem:v27+s21+$0x0], $0xffff;
	v27 =	vor.u32 v3, v22;
	v22 =	vor.u32 v4, v22  }
0x43d: {  	v16 =	vadd.bf16 v23, v60;
	v60 =	vld.idx.msk [tilespmem:v26+s23+$0x0], $0xffff;
	v13 =	vadd.bf16 v61, v13;
	v17 =	vmax.bf16 v17, v2  }
0x43e: {  	v58 =	vld.idx.msk [tilespmem:v26+s21+$0x0], $0xffff;
	v6 =	vadd.f32 v15, v6;
	v14 =	vmax.bf16 v14, v2;
	v15 =	vmul.bf16 v17, v24  }
0x43f: {  	v61 =	vld.idx.msk [tilespmem:v25+s21+$0x0], $0xffff;
	v14 =	vmul.bf16 v14, v18;
	v13 =	vmax.bf16 v13, v2  }
0x440: {  	v16 =	vmax.bf16 v16, v2;
	v25 =	vld.idx.msk [tilespmem:v25+s23+$0x0], $0xffff;
	v13 =	vmul.bf16 v13, v18;
	v24 =	vshll.u32 v15, $0x10  }
0x441: {  	v16 =	vmul.bf16 v16, v18;
	v63 =	vld.idx.msk [tilespmem:v22+s21+$0x0], $0xffff;
	v5 =	vadd.f32 v24, v5;
	v24 =	vshll.u32 v14, $0x10  }
0x442: {  	v19 =	vadd.bf16 v33, v32;
	v32 =	vshll.u32 v13, $0x10;
	v22 =	vld.idx.msk [tilespmem:v22+s23+$0x0], $0xffff;
	v12 =	vadd.f32 v24, v12  }
0x443: {  	v15 =	vand.u32 $0xFFFF0000, v15;
	v14 =	vand.u32 $0xFFFF0000, v14;
	v10 =	vadd.f32 v32, v10;
	v24 =	vld.idx.msk [tilespmem:v27+s21+$0x0], $0xffff  }
0x444: {  	v5 =	vadd.f32 v15, v5;
	v15 =	vld.idx.msk [tilespmem:v27+s23+$0x0], $0xffff;
	v12 =	vadd.f32 v14, v12;
	v14 =	vshll.u32 v16, $0x10  }
0x445: {  	v33 =	vmax.bf16 v19, v2;
	v11 =	vadd.f32 v14, v11;
	v14 =	vadd.bf16 v60, v58  }
0x446: {  	v13 =	vand.u32 $0xFFFF0000, v13;
	v17 =	vmul.bf16 v33, v18  }
0x447: {  	v10 =	vadd.f32 v13, v10;
	v16 =	vand.u32 $0xFFFF0000, v16;
	v14 =	vmax.bf16 v14, v2  }
0x448: {  	v60 =	vadd.bf16 v22, v63;
	v13 =	vmul.bf16 v14, v18;
	v14 =	vadd.bf16 v25, v61  }
0x449: {  	v58 =	vshll.u32 v17, $0x10;
	v11 =	vadd.f32 v16, v11;
	v15 =	vadd.bf16 v15, v24  }
0x44a: {  	v16 =	vmax.bf16 v60, v2;
	v61 =	vshll.u32 v13, $0x10;
	v14 =	vmax.bf16 v14, v2  }
0x44b: {  	v15 =	vmax.bf16 v15, v2;
	v8 =	vadd.f32 v61, v8;
	v14 =	vmul.bf16 v14, v18  }
0x44c: {  	v16 =	vmul.bf16 v16, v18;
	v13 =	vand.u32 $0xFFFF0000, v13;
	v15 =	vmul.bf16 v15, v18  }
0x44d: {  	p3 =	por p2, p2;
	v35 =	vmovc v59;
	v9 =	vadd.f32 v58, v9;
	v8 =	vadd.f32 v13, v8;
	v13 =	vshll.u32 v14, $0x10  }
.Ltmp1:
0x44e: {  	v37 =	vmovc v28;
	v41 =	vmovc v48;
	v63 =	vshll.u32 v16, $0x10;
	v7 =	vadd.f32 v13, v7;
	v13 =	vshll.u32 v15, $0x10;
	(pc) =	sbr.rel @p3 .LBB2_5-.Ltmp1, $4  }
0x44f: {  	v39 =	vmovc v0;
	v45 =	vmovc v29;
	v6 =	vadd.f32 v13, v6;
	v13 =	vand.u32 $0xFFFF0000, v14;
	v14 =	vand.u32 $0xFFFF0000, v16  }
0x450: {  	v43 =	vmovc v50;
	v47 =	vmovc v30;
	v49 =	vmov v31;
	v26 =	vld [tilespmem:$0x1FFE0];
	v17 =	vand.u32 $0xFFFF0000, v17;
	v5 =	vadd.f32 v63, v5  }
0x451: {  	v51 =	vmovc v52;
	v53 =	vmovc v54;
	v27 =	vld [tilespmem:$0x1FF90];
	v9 =	vadd.f32 v17, v9;
	v7 =	vadd.f32 v13, v7;
	v13 =	vand.u32 $0xFFFF0000, v15  }
0x452: {  	p2 =	por $0x0, $0x0;
	s26 =	simm.s32 $0x10;
	v57 =	vmovc v56;
	v55 =	vmovc v62;
	v24 =	vld [tilespmem:$0x1FFD0];
	v5 =	vadd.f32 v14, v5;
	v6 =	vadd.f32 v13, v6;
	v14 =	vmov v34  }
0x453: {  	v3 =	vld [tilespmem:$0x1FBF0];
	_ =	sdelay $0x3  }
0x454: {  	v13 =	vld [tilespmem:s22+$0x2880]  }
0x455: {  	v12 =	vadd.f32 v12, v3;
	_ =	sdelay $0x1  }
0x456: {  	v12 =	vsub.f32 $0.0e+00, v12;
	_ =	sdelay $0x1  }
0x457: {  	(erf) = vrcp.f32 v13;
	v12 =	vmul.f32 $1.442695020e+00, v12;
	_ =	sdelay $0x1  }
0x458: {  	(erf) = vpow2.f32 v12;
	_ =	sdelay $0x5  }
0x459: {  	v12 =	vsub.f32 $1.000000000e+00, v13  }
0x45a: {  	v13 =	vpop (erf)  }
0x45b: {  	v12 =	vmul.f32 v13, v12  }
0x45c: {  	v13 =	vpop (erf)  }
0x45d: {  	v12 =	vmul.f32 v12, v13;
	v13 =	vld [tilespmem:s22+$0x2890]  }
0x45e: {  	v11 =	vadd.f32 v11, v3  }
0x45f: {  	v12 =	vadd.f32 $1.000000000e+00, v12  }
0x460: {  	v11 =	vsub.f32 $0.0e+00, v11  }
0x461: {  	(erf) = vrcp.f32 v12  }
0x462: {  	v11 =	vmul.f32 $1.442695020e+00, v11;
	(erf) = vrcp.f32 v13;
	_ =	sdelay $0x1  }
0x463: {  	(erf) = vpow2.f32 v11;
	_ =	sdelay $0x5  }
0x464: {  	v12 =	vsub.f32 $1.000000000e+00, v13;
	v11 =	vpop (erf)  }
0x465: {  	v13 =	vpop (erf)  }
0x466: {  	v12 =	vmul.f32 v13, v12  }
0x467: {  	v13 =	vpop (erf)  }
0x468: {  	v12 =	vmul.f32 v12, v13;
	v13 =	vld [tilespmem:s22+$0x28A0]  }
0x469: {  	v10 =	vadd.f32 v10, v3  }
0x46a: {  	v12 =	vadd.f32 $1.000000000e+00, v12  }
0x46b: {  	v10 =	vsub.f32 $0.0e+00, v10  }
0x46c: {  	(erf) = vrcp.f32 v12  }
0x46d: {  	v10 =	vmul.f32 $1.442695020e+00, v10;
	(erf) = vrcp.f32 v13;
	_ =	sdelay $0x1  }
0x46e: {  	(erf) = vpow2.f32 v10;
	_ =	sdelay $0x5  }
0x46f: {  	v12 =	vsub.f32 $1.000000000e+00, v13;
	v10 =	vpop (erf)  }
0x470: {  	v13 =	vpop (erf)  }
0x471: {  	v12 =	vmul.f32 v13, v12  }
0x472: {  	v13 =	vpop (erf)  }
0x473: {  	v12 =	vmul.f32 v12, v13;
	v13 =	vld [tilespmem:s22+$0x28B0]  }
0x474: {  	v9 =	vadd.f32 v9, v3  }
0x475: {  	v12 =	vadd.f32 $1.000000000e+00, v12  }
0x476: {  	v9 =	vsub.f32 $0.0e+00, v9  }
0x477: {  	(erf) = vrcp.f32 v12  }
0x478: {  	v9 =	vmul.f32 $1.442695020e+00, v9;
	(erf) = vrcp.f32 v13;
	_ =	sdelay $0x1  }
0x479: {  	(erf) = vpow2.f32 v9;
	_ =	sdelay $0x5  }
0x47a: {  	v12 =	vsub.f32 $1.000000000e+00, v13;
	v9 =	vpop (erf)  }
0x47b: {  	v13 =	vpop (erf)  }
0x47c: {  	v12 =	vmul.f32 v13, v12  }
0x47d: {  	v13 =	vpop (erf)  }
0x47e: {  	v12 =	vmul.f32 v12, v13;
	v13 =	vld [tilespmem:s22+$0x28C0]  }
0x47f: {  	v8 =	vadd.f32 v8, v3  }
0x480: {  	v12 =	vadd.f32 $1.000000000e+00, v12  }
0x481: {  	v8 =	vsub.f32 $0.0e+00, v8  }
0x482: {  	(erf) = vrcp.f32 v12  }
0x483: {  	v8 =	vmul.f32 $1.442695020e+00, v8;
	(erf) = vrcp.f32 v13;
	_ =	sdelay $0x1  }
0x484: {  	(erf) = vpow2.f32 v8;
	_ =	sdelay $0x5  }
0x485: {  	v12 =	vsub.f32 $1.000000000e+00, v13;
	v8 =	vpop (erf)  }
0x486: {  	v13 =	vpop (erf)  }
0x487: {  	v12 =	vmul.f32 v13, v12  }
0x488: {  	v13 =	vpop (erf)  }
0x489: {  	v12 =	vmul.f32 v12, v13;
	v13 =	vld [tilespmem:s22+$0x28D0]  }
0x48a: {  	v7 =	vadd.f32 v7, v3  }
0x48b: {  	v12 =	vadd.f32 $1.000000000e+00, v12  }
0x48c: {  	v7 =	vsub.f32 $0.0e+00, v7  }
0x48d: {  	(erf) = vrcp.f32 v12  }
0x48e: {  	v7 =	vmul.f32 $1.442695020e+00, v7;
	(erf) = vrcp.f32 v13;
	_ =	sdelay $0x1  }
0x48f: {  	(erf) = vpow2.f32 v7;
	_ =	sdelay $0x5  }
0x490: {  	v12 =	vsub.f32 $1.000000000e+00, v13;
	v7 =	vpop (erf)  }
0x491: {  	v13 =	vpop (erf)  }
0x492: {  	v12 =	vmul.f32 v13, v12  }
0x493: {  	v13 =	vpop (erf)  }
0x494: {  	v12 =	vmul.f32 v12, v13;
	v13 =	vld [tilespmem:s22+$0x28E0]  }
0x495: {  	v6 =	vadd.f32 v6, v3  }
0x496: {  	v12 =	vadd.f32 $1.000000000e+00, v12  }
0x497: {  	v6 =	vsub.f32 $0.0e+00, v6  }
0x498: {  	(erf) = vrcp.f32 v12  }
0x499: {  	v6 =	vmul.f32 $1.442695020e+00, v6;
	(erf) = vrcp.f32 v13;
	_ =	sdelay $0x1  }
0x49a: {  	(erf) = vpow2.f32 v6;
	_ =	sdelay $0x5  }
0x49b: {  	v12 =	vsub.f32 $1.000000000e+00, v13;
	v6 =	vpop (erf)  }
0x49c: {  	v13 =	vpop (erf)  }
0x49d: {  	v12 =	vmul.f32 v13, v12  }
0x49e: {  	v13 =	vpop (erf)  }
0x49f: {  	v12 =	vmul.f32 v12, v13;
	v13 =	vld [tilespmem:s22+$0x28F0]  }
0x4a0: {  	v5 =	vadd.f32 v5, v3  }
0x4a1: {  	v12 =	vadd.f32 $1.000000000e+00, v12  }
0x4a2: {  	v5 =	vsub.f32 $0.0e+00, v5  }
0x4a3: {  	(erf) = vrcp.f32 v12  }
0x4a4: {  	v5 =	vmul.f32 $1.442695020e+00, v5;
	(erf) = vrcp.f32 v13;
	_ =	sdelay $0x1  }
0x4a5: {  	(erf) = vpow2.f32 v5;
	_ =	sdelay $0x5  }
0x4a6: {  	v12 =	vsub.f32 $1.000000000e+00, v13;
	v5 =	vpop (erf)  }
0x4a7: {  	v13 =	vpop (erf)  }
0x4a8: {  	v12 =	vmul.f32 v13, v12  }
0x4a9: {  	v13 =	vpop (erf)  }
0x4aa: {  	v12 =	vmul.f32 v12, v13;
	_ =	sdelay $0x1  }
0x4ab: {  	v12 =	vadd.f32 $1.000000000e+00, v12;
	_ =	sdelay $0x1  }
0x4ac: {  	(erf) = vrcp.f32 v12;
	_ =	sdelay $0x2  }
0x4ad: {  	[tilespmem:s22+$0x3C80] =	vst v11  }
0x4ae: {  	[tilespmem:s22+$0x3C90] =	vst v10  }
0x4af: {  	[tilespmem:s22+$0x3CA0] =	vst v9  }
0x4b0: {  	[tilespmem:s22+$0x3CB0] =	vst v8  }
0x4b1: {  	[tilespmem:s22+$0x3CC0] =	vst v7  }
0x4b2: {  	[tilespmem:s22+$0x3CD0] =	vst v6  }
0x4b3: {  	[tilespmem:s22+$0x3CE0] =	vst v5;
	v5 =	vpop (erf)  }
0x4b4: {  	s5 =	sadd.s32 @!p1 $0x280, s22;
	s12 =	simm.s32 @!p1 $0x80;
	s26 =	simm.s32 @!p1 $0x7000;
	[tilespmem:s22+$0x3CF0] =	vst v5  }
0x4b5: {  	[tilespmem:s26], [sflag:$0x3] =	stream.indirect.gather @!p1 [hbm4b:s3+s12], $0x20, s5, s12, $0xb8;
	[tilespmem:$0xD210] =	vst v63  }
0x4b6: {  	s5 =	sadd.s32 @!p1 $0x1680, s22;
	s26 =	simm.s32 @!p1 $0x8000  }
0x4b7: {  	[tilespmem:s26], [sflag:$0x3] =	stream.indirect.gather @!p1 [hbm4b:s4+s12], $0x20, s5, s12, $0xb8;
	[tilespmem:$0xD210] =	vst v63  }
0x4b8: {  	_ =	swait.ge [sflag:s0], $0x1000  }
0x4b9: {  	[sflag:s0] =	ssyncset.done $0x0  }
0x4ba: {  	[sflag:s0] =	ssyncadd.s32 $0xFFFFF000  }
0x4bb: {  	_ =	swait.ge [sflag:s0], $0x1000  }
0x4bc: {  	v11 =	vimm.f32 $0.0e+00;
	v10 =	vimm.f32 $0.0e+00;
	[sflag:s0] =	ssyncset.done $0x0  }
0x4bd: {  	v9 =	vimm.f32 $0.0e+00;
	v8 =	vimm.f32 $0.0e+00;
	v7 =	vimm.f32 $0.0e+00;
	[sflag:s0] =	ssyncadd.s32 $0xFFFFF000  }
0x4be: {  	p2 =	por $0x1, $0x1;
	v6 =	vimm.f32 $0.0e+00;
	v12 =	vimm.f32 $0.0e+00;
	v5 =	vimm.f32 $0.0e+00;
	s26 =	simm.s32 $0x0;
	v32 =	vld [tilespmem:$0xD200]  }
.LBB2_7:
0x4bf: {  	v13 =	vmov s26  }
0x4c0: {  	v13 =	vshrl.u32 v13, $0x3  }
0x4c1: {  	v13 =	vshll.u32 v13, v1  }
0x4c2: {  	v13 =	vbroadcast v13, $0x0;
	_ =	sdelay $0x1  }
0x4c3: {  	v14 =	vor.u32 v34, v13  }
0x4c4: {  	v18 =	vld [tilespmem:$0x1FFA0]  }
0x4c5: {  	v20 =	vld [tilespmem:$0x1FFB0]  }
0x4c6: {  	v21 =	vld [tilespmem:$0x1FFC0]  }
0x4c7: {  	v3 =	vld [tilespmem:$0x1FFF0];
	v15 =	vor.u32 v27, v13  }
0x4c8: {  	v16 =	vld.idx.msk [tilespmem:v14+s25+$0x0], $0xffff  }
0x4c9: {  	s5 =	sshll.u32 s26, $0x4;
	v18 =	vor.u32 v18, v13;
	v14 =	vld.idx.msk [tilespmem:v14+s28+$0x0], $0xffff  }
0x4ca: {  	s5 =	sand.u32 $0x3FFFFFF0, s5  }
0x4cb: {  	v17 =	vld [tilespmem:s5+$0xD000];
	v20 =	vor.u32 v20, v13  }
0x4cc: {  	v19 =	vld.idx.msk [tilespmem:v15+s25+$0x0], $0xffff  }
0x4cd: {  	v21 =	vor.u32 v21, v13;
	v15 =	vld.idx.msk [tilespmem:v15+s28+$0x0], $0xffff  }
0x4ce: {  	v23 =	vor.u32 v3, v13;
	v60 =	vld.idx.msk [tilespmem:v18+s25+$0x0], $0xffff;
	v14 =	vadd.bf16 v14, v16  }
0x4cf: {  	v18 =	vld.idx.msk [tilespmem:v18+s28+$0x0], $0xffff  }
0x4d0: {  	v61 =	vld.idx.msk [tilespmem:v20+s25+$0x0], $0xffff;
	v14 =	vmax.bf16 v14, v2  }
0x4d1: {  	v20 =	vld.idx.msk [tilespmem:v20+s28+$0x0], $0xffff;
	v14 =	vmul.bf16 v14, v17  }
0x4d2: {  	v63 =	vld.idx.msk [tilespmem:v21+s25+$0x0], $0xffff  }
0x4d3: {  	v58 =	vld.idx.msk [tilespmem:v23+s25+$0x0], $0xffff;
	v22 =	vshll.u32 v14, $0x10  }
0x4d4: {  	v23 =	vld.idx.msk [tilespmem:v23+s28+$0x0], $0xffff;
	v12 =	vadd.f32 v22, v12  }
0x4d5: {  	s12 =	sor.u32 $0x1, s26;
	v16 =	vadd.bf16 v18, v60;
	v60 =	vld [tilespmem:$0x1FC50];
	v14 =	vand.u32 $0xFFFF0000, v14  }
0x4d6: {  	v12 =	vadd.f32 v14, v12;
	v14 =	vld.idx.msk [tilespmem:v21+s28+$0x0], $0xffff;
	v21 =	vor.u32 v24, v13;
	v24 =	vmov s12  }
0x4d7: {  	v15 =	vadd.bf16 v15, v19;
	v33 =	vshrl.u32 v24, $0x3  }
0x4d8: {  	v4 =	vld [tilespmem:$0x1FC60];
	v18 =	vshll.u32 v33, v1  }
0x4d9: {  	v15 =	vmax.bf16 v15, v2;
	v13 =	vor.u32 v26, v13;
	v18 =	vbroadcast v18, $0x0  }
0x4da: {  	v19 =	vadd.bf16 v20, v61;
	v15 =	vmul.bf16 v15, v17  }
0x4db: {  	v20 =	vadd.bf16 v23, v58;
	v24 =	vor.u32 v60, v18  }
0x4dc: {  	v16 =	vmax.bf16 v16, v2;
	v19 =	vmax.bf16 v19, v2;
	v25 =	vshll.u32 v15, $0x10;
	v22 =	vld.idx.msk [tilespmem:v21+s25+$0x0], $0xffff  }
0x4dd: {  	v16 =	vmul.bf16 v16, v17;
	v11 =	vadd.f32 v25, v11;
	v21 =	vld.idx.msk [tilespmem:v21+s28+$0x0], $0xffff;
	v23 =	vor.u32 v4, v18  }
0x4de: {  	v19 =	vmul.bf16 v19, v17;
	v15 =	vand.u32 $0xFFFF0000, v15;
	v14 =	vadd.bf16 v14, v63;
	v25 =	vld.idx.msk [tilespmem:v13+s25+$0x0], $0xffff  }
0x4df: {  	v11 =	vadd.f32 v15, v11;
	v15 =	vshll.u32 v16, $0x10;
	v13 =	vld.idx.msk [tilespmem:v13+s28+$0x0], $0xffff;
	v35 =	vor.u32 v35, v18  }
0x4e0: {  	v10 =	vadd.f32 v15, v10;
	v15 =	vshll.u32 v19, $0x10;
	v14 =	vmax.bf16 v14, v2;
	v61 =	vld.idx.msk [tilespmem:v24+s25+$0x0], $0xffff  }
0x4e1: {  	v9 =	vadd.f32 v15, v9;
	v14 =	vmul.bf16 v14, v17;
	v63 =	vld.idx.msk [tilespmem:v24+s28+$0x0], $0xffff  }
0x4e2: {  	v58 =	vmax.bf16 v20, v2;
	v16 =	vand.u32 $0xFFFF0000, v16;
	v15 =	vand.u32 $0xFFFF0000, v19;
	v24 =	vld.idx.msk [tilespmem:v23+s25+$0x0], $0xffff  }
0x4e3: {  	v10 =	vadd.f32 v16, v10;
	v9 =	vadd.f32 v15, v9;
	v33 =	vshll.u32 v14, $0x10;
	v23 =	vld.idx.msk [tilespmem:v23+s28+$0x0], $0xffff  }
0x4e4: {  	v13 =	vadd.bf16 v13, v25;
	v25 =	vor.u32 v37, v18;
	v37 =	vor.u32 v39, v18;
	v39 =	vld.idx.msk [tilespmem:v35+s25+$0x0], $0xffff  }
0x4e5: {  	v15 =	vmul.bf16 v58, v17;
	v14 =	vand.u32 $0xFFFF0000, v14;
	v58 =	vld.idx.msk [tilespmem:v35+s28+$0x0], $0xffff;
	v8 =	vadd.f32 v33, v8  }
0x4e6: {  	v35 =	vor.u32 v38, v18;
	v33 =	vadd.bf16 v21, v22;
	v13 =	vmax.bf16 v13, v2  }
0x4e7: {  	s5 =	sshll.u32 s12, $0x4;
	v8 =	vadd.f32 v14, v8;
	v14 =	vshll.u32 v15, $0x10;
	v15 =	vand.u32 $0xFFFF0000, v15  }
0x4e8: {  	s5 =	sand.u32 $0x3FFFFFF0, s5;
	v19 =	vmax.bf16 v33, v2;
	v13 =	vmul.bf16 v13, v17;
	v33 =	vor.u32 v36, v18  }
0x4e9: {  	v21 =	vld [tilespmem:s5+$0xD000];
	v7 =	vadd.f32 v14, v7;
	v14 =	vmul.bf16 v19, v17;
	v16 =	vadd.bf16 v63, v61  }
0x4ea: {  	v18 =	vor.u32 v40, v18;
	v61 =	vadd.bf16 v23, v24;
	v19 =	vadd.bf16 v58, v39  }
0x4eb: {  	v7 =	vadd.f32 v15, v7;
	v15 =	vshll.u32 v14, $0x10;
	v14 =	vand.u32 $0xFFFF0000, v14  }
0x4ec: {  	v63 =	vld.idx.msk [tilespmem:v25+s25+$0x0], $0xffff;
	v6 =	vadd.f32 v15, v6;
	v15 =	vshll.u32 v13, $0x10;
	v16 =	vmax.bf16 v16, v2  }
0x4ed: {  	v24 =	vld.idx.msk [tilespmem:v37+s25+$0x0], $0xffff;
	v13 =	vand.u32 $0xFFFF0000, v13;
	v19 =	vmax.bf16 v19, v2;
	v5 =	vadd.f32 v15, v5  }
0x4ee: {  	s12 =	sor.u32 $0x2, s26;
	v17 =	vld.idx.msk [tilespmem:v37+s28+$0x0], $0xffff;
	v15 =	vmul.bf16 v16, v21;
	v16 =	vmax.bf16 v61, v2;
	v6 =	vadd.f32 v14, v6  }
0x4ef: {  	v14 =	vld.idx.msk [tilespmem:v25+s28+$0x0], $0xffff;
	v16 =	vmul.bf16 v16, v21;
	v25 =	vmov s12;
	v5 =	vadd.f32 v13, v5  }
0x4f0: {  	v13 =	vshll.u32 v15, $0x10;
	v15 =	vand.u32 $0xFFFF0000, v15;
	v25 =	vshrl.u32 v25, $0x3  }
0x4f1: {  	v26 =	vld.idx.msk [tilespmem:v33+s25+$0x0], $0xffff;
	v12 =	vadd.f32 v13, v12;
	v13 =	vshll.u32 v16, $0x10;
	v25 =	vshll.u32 v25, v1  }
0x4f2: {  	v37 =	vld.idx.msk [tilespmem:v33+s28+$0x0], $0xffff;
	v25 =	vbroadcast v25, $0x0;
	v11 =	vadd.f32 v13, v11;
	v13 =	vmul.bf16 v19, v21  }
0x4f3: {  	v17 =	vadd.bf16 v17, v24;
	v12 =	vadd.f32 v15, v12  }
0x4f4: {  	v14 =	vadd.bf16 v14, v63;
	v39 =	vor.u32 v42, v25;
	v15 =	vshll.u32 v13, $0x10  }
0x4f5: {  	v58 =	vld.idx.msk [tilespmem:v35+s25+$0x0], $0xffff;
	v16 =	vand.u32 $0xFFFF0000, v16;
	v10 =	vadd.f32 v15, v10;
	v15 =	vmax.bf16 v17, v2  }
0x4f6: {  	v61 =	vld.idx.msk [tilespmem:v35+s28+$0x0], $0xffff;
	v13 =	vand.u32 $0xFFFF0000, v13;
	v14 =	vmax.bf16 v14, v2;
	v15 =	vmul.bf16 v15, v21  }
0x4f7: {  	v63 =	vld.idx.msk [tilespmem:v18+s25+$0x0], $0xffff;
	v14 =	vmul.bf16 v14, v21;
	v10 =	vadd.f32 v13, v10;
	v13 =	vadd.bf16 v37, v26  }
0x4f8: {  	v11 =	vadd.f32 v16, v11;
	v18 =	vld.idx.msk [tilespmem:v18+s28+$0x0], $0xffff;
	v35 =	vshll.u32 v15, $0x10;
	v15 =	vand.u32 $0xFFFF0000, v15  }
0x4f9: {  	v33 =	vshll.u32 v14, $0x10;
	v24 =	vld.idx.msk [tilespmem:v39+s25+$0x0], $0xffff;
	v8 =	vadd.f32 v35, v8;
	v13 =	vmax.bf16 v13, v2  }
0x4fa: {  	v37 =	vld.idx.msk [tilespmem:v39+s28+$0x0], $0xffff;
	v39 =	vor.u32 v44, v25;
	v9 =	vadd.f32 v33, v9;
	v13 =	vmul.bf16 v13, v21  }
0x4fb: {  	s5 =	sshll.u32 s12, $0x4;
	v14 =	vand.u32 $0xFFFF0000, v14;
	v8 =	vadd.f32 v15, v8;
	v15 =	vadd.bf16 v61, v58  }
0x4fc: {  	s5 =	sand.u32 $0x3FFFFFF0, s5;
	v58 =	vor.u32 v46, v25;
	v9 =	vadd.f32 v14, v9;
	v14 =	vshll.u32 v13, $0x10  }
0x4fd: {  	v16 =	vld [tilespmem:s5+$0xD000];
	v26 =	vor.u32 v45, v25;
	v7 =	vadd.f32 v14, v7;
	v14 =	vadd.bf16 v18, v63  }
0x4fe: {  	v13 =	vand.u32 $0xFFFF0000, v13;
	v15 =	vmax.bf16 v15, v2;
	v63 =	vor.u32 v41, v25  }
0x4ff: {  	v61 =	vadd.bf16 v37, v24;
	v15 =	vmul.bf16 v15, v21;
	v33 =	vld.idx.msk [tilespmem:v39+s25+$0x0], $0xffff;
	v14 =	vmax.bf16 v14, v2  }
0x500: {  	v41 =	vor.u32 v43, v25;
	v35 =	vld.idx.msk [tilespmem:v39+s28+$0x0], $0xffff;
	v7 =	vadd.f32 v13, v7;
	v13 =	vmul.bf16 v14, v21  }
0x501: {  	s12 =	sor.u32 $0x3, s26;
	v14 =	vmax.bf16 v61, v2;
	v37 =	vshll.u32 v15, $0x10;
	v39 =	vld.idx.msk [tilespmem:v58+s25+$0x0], $0xffff;
	v15 =	vand.u32 $0xFFFF0000, v15  }
0x502: {  	v17 =	vld.idx.msk [tilespmem:v58+s28+$0x0], $0xffff;
	v58 =	vor.u32 v47, v25;
	v61 =	vmov s12;
	v14 =	vmul.bf16 v14, v16  }
0x503: {  	v6 =	vadd.f32 v37, v6;
	v19 =	vshrl.u32 v61, $0x3;
	v43 =	vshll.u32 v13, $0x10  }
0x504: {  	v24 =	vld.idx.msk [tilespmem:v63+s25+$0x0], $0xffff;
	v13 =	vand.u32 $0xFFFF0000, v13;
	v19 =	vshll.u32 v19, v1;
	v5 =	vadd.f32 v43, v5  }
0x505: {  	v46 =	vshll.u32 v14, $0x10;
	v6 =	vadd.f32 v15, v6;
	v15 =	vld.idx.msk [tilespmem:v63+s28+$0x0], $0xffff;
	v19 =	vbroadcast v19, $0x0  }
0x506: {  	v37 =	vld.idx.msk [tilespmem:v26+s28+$0x0], $0xffff;
	v12 =	vadd.f32 v46, v12;
	v5 =	vadd.f32 v13, v5;
	v13 =	vand.u32 $0xFFFF0000, v14  }
0x507: {  	v63 =	vld.idx.msk [tilespmem:v41+s28+$0x0], $0xffff;
	v14 =	vadd.bf16 v35, v33;
	v17 =	vadd.bf16 v17, v39;
	v35 =	vor.u32 v49, v25  }
0x508: {  	v33 =	vld.idx.msk [tilespmem:v26+s25+$0x0], $0xffff;
	v25 =	vor.u32 v51, v19  }
0x509: {  	v12 =	vadd.f32 v13, v12;
	v13 =	vld.idx.msk [tilespmem:v41+s25+$0x0], $0xffff;
	v14 =	vmax.bf16 v14, v2;
	v17 =	vmax.bf16 v17, v2  }
0x50a: {  	v4 =	vld [tilespmem:$0x1FDA0];
	v14 =	vmul.bf16 v14, v16;
	v15 =	vadd.bf16 v15, v24;
	v17 =	vmul.bf16 v17, v16  }
0x50b: {  	v18 =	vld.idx.msk [tilespmem:v58+s28+$0x0], $0xffff;
	v45 =	vor.u32 v53, v19;
	v47 =	vor.u32 v55, v19  }
0x50c: {  	v24 =	vshll.u32 v14, $0x10;
	v15 =	vmax.bf16 v15, v2;
	v26 =	vshll.u32 v17, $0x10;
	v39 =	vld.idx.msk [tilespmem:v35+s25+$0x0], $0xffff  }
0x50d: {  	v21 =	vadd.bf16 v37, v33;
	v22 =	vld.idx.msk [tilespmem:v35+s28+$0x0], $0xffff;
	v11 =	vadd.f32 v24, v11;
	v15 =	vmul.bf16 v15, v16  }
0x50e: {  	v14 =	vand.u32 $0xFFFF0000, v14;
	v43 =	vld.idx.msk [tilespmem:v25+s25+$0x0], $0xffff;
	v13 =	vadd.bf16 v63, v13;
	v10 =	vadd.f32 v26, v10  }
0x50f: {  	v24 =	vld.idx.msk [tilespmem:v58+s25+$0x0], $0xffff;
	v11 =	vadd.f32 v14, v11;
	v14 =	vand.u32 $0xFFFF0000, v17;
	v41 =	vshll.u32 v15, $0x10  }
0x510: {  	v63 =	vld [tilespmem:$0x1FD90];
	v13 =	vmax.bf16 v13, v2;
	v10 =	vadd.f32 v14, v10;
	v9 =	vadd.f32 v41, v9  }
0x511: {  	s5 =	sshll.u32 s12, $0x4;
	s12 =	sor.u32 $0x4, s26;
	v46 =	vld.idx.msk [tilespmem:v25+s28+$0x0], $0xffff;
	v13 =	vmul.bf16 v13, v16;
	v14 =	vand.u32 $0xFFFF0000, v15;
	v15 =	vmax.bf16 v21, v2  }
0x512: {  	v49 =	vld.idx.msk [tilespmem:v45+s25+$0x0], $0xffff;
	v35 =	vor.u32 v4, v19;
	v26 =	vmov s12;
	v15 =	vmul.bf16 v15, v16  }
0x513: {  	v53 =	vld.idx.msk [tilespmem:v45+s28+$0x0], $0xffff;
	v17 =	vadd.bf16 v22, v39;
	v9 =	vadd.f32 v14, v9;
	v14 =	vshll.u32 v13, $0x10  }
0x514: {  	v58 =	vld [tilespmem:$0x1FDB0];
	v8 =	vadd.f32 v14, v8;
	v14 =	vadd.bf16 v18, v24;
	v24 =	vshll.u32 v15, $0x10  }
0x515: {  	v3 =	vld [tilespmem:$0x1FDC0];
	s5 =	sand.u32 $0x3FFFFFF0, s5;
	v13 =	vand.u32 $0xFFFF0000, v13;
	v61 =	vor.u32 v63, v19;
	v7 =	vadd.f32 v24, v7  }
0x516: {  	v24 =	vor.u32 v57, v19;
	v8 =	vadd.f32 v13, v8;
	v13 =	vmax.bf16 v14, v2;
	v14 =	vld [tilespmem:s5+$0xD000]  }
0x517: {  	v55 =	vld.idx.msk [tilespmem:v47+s25+$0x0], $0xffff;
	v51 =	vadd.bf16 v46, v43;
	v17 =	vmax.bf16 v17, v2;
	v13 =	vmul.bf16 v13, v16  }
0x518: {  	v20 =	vadd.bf16 v53, v49;
	v45 =	vld.idx.msk [tilespmem:v35+s25+$0x0], $0xffff;
	v15 =	vand.u32 $0xFFFF0000, v15;
	v16 =	vmul.bf16 v17, v16  }
0x519: {  	v25 =	vor.u32 v58, v19;
	v18 =	vld.idx.msk [tilespmem:v47+s28+$0x0], $0xffff;
	v7 =	vadd.f32 v15, v7;
	v15 =	vshll.u32 v13, $0x10  }
0x51a: {  	v17 =	vmax.bf16 v51, v2;
	v39 =	vld.idx.msk [tilespmem:v61+s28+$0x0], $0xffff;
	v6 =	vadd.f32 v15, v6;
	v15 =	vshll.u32 v16, $0x10  }
0x51b: {  	v13 =	vand.u32 $0xFFFF0000, v13;
	v33 =	vld.idx.msk [tilespmem:v24+s25+$0x0], $0xffff;
	v5 =	vadd.f32 v15, v5;
	v15 =	vmul.bf16 v17, v14  }
0x51c: {  	v41 =	vshrl.u32 v26, $0x3;
	v37 =	vld.idx.msk [tilespmem:v24+s28+$0x0], $0xffff;
	v6 =	vadd.f32 v13, v6;
	v13 =	vand.u32 $0xFFFF0000, v16  }
0x51d: {  	v20 =	vmax.bf16 v20, v2;
	v24 =	vld.idx.msk [tilespmem:v61+s25+$0x0], $0xffff;
	v5 =	vadd.f32 v13, v5;
	v13 =	vshll.u32 v15, $0x10  }
0x51e: {  	v18 =	vadd.bf16 v18, v55;
	v17 =	vld.idx.msk [tilespmem:v35+s28+$0x0], $0xffff;
	v12 =	vadd.f32 v13, v12;
	v13 =	vmul.bf16 v20, v14  }
0x51f: {  	v43 =	vshll.u32 v41, v1;
	v19 =	vor.u32 v3, v19;
	v3 =	vld [tilespmem:$0x1FDE0];
	v15 =	vand.u32 $0xFFFF0000, v15  }
0x520: {  	v46 =	vld.idx.msk [tilespmem:v25+s25+$0x0], $0xffff;
	v18 =	vmax.bf16 v18, v2;
	v12 =	vadd.f32 v15, v12;
	v15 =	vshll.u32 v13, $0x10  }
0x521: {  	v18 =	vmul.bf16 v18, v14;
	v11 =	vadd.f32 v15, v11;
	v15 =	vadd.bf16 v37, v33;
	v33 =	vld [tilespmem:$0x1FDD0]  }
0x522: {  	v20 =	vbroadcast v43, $0x0;
	v21 =	vadd.bf16 v39, v24;
	v24 =	vld.idx.msk [tilespmem:v25+s28+$0x0], $0xffff  }
0x523: {  	v61 =	vld [tilespmem:$0x1FE00];
	v26 =	vshll.u32 v18, $0x10;
	v17 =	vadd.bf16 v17, v45  }
0x524: {  	v51 =	vld.idx.msk [tilespmem:v19+s25+$0x0], $0xffff;
	v10 =	vadd.f32 v26, v10;
	v13 =	vand.u32 $0xFFFF0000, v13;
	v55 =	vor.u32 v3, v20  }
0x525: {  	s5 =	sshll.u32 s12, $0x4;
	v53 =	vld.idx.msk [tilespmem:v19+s28+$0x0], $0xffff;
	v49 =	vmax.bf16 v21, v2;
	v17 =	vmax.bf16 v17, v2;
	v11 =	vadd.f32 v13, v11  }
0x526: {  	s5 =	sand.u32 $0x3FFFFFF0, s5;
	v3 =	vld [tilespmem:$0x1FDF0];
	v13 =	vmax.bf16 v15, v2;
	v15 =	vand.u32 $0xFFFF0000, v18;
	v47 =	vor.u32 v33, v20  }
0x527: {  	v17 =	vmul.bf16 v17, v14;
	v13 =	vmul.bf16 v13, v14;
	v16 =	vadd.bf16 v24, v46;
	v24 =	vld [tilespmem:s5+$0xD000]  }
0x528: {  	v37 =	vor.u32 v61, v20;
	v10 =	vadd.f32 v15, v10;
	v15 =	vmul.bf16 v49, v14;
	v49 =	vld [tilespmem:$0x1FE20]  }
0x529: {  	v35 =	vshll.u32 v17, $0x10;
	v19 =	vld.idx.msk [tilespmem:v55+s28+$0x0], $0xffff;
	v25 =	vshll.u32 v13, $0x10  }
0x52a: {  	v7 =	vadd.f32 v35, v7;
	v35 =	vld [tilespmem:$0x1FE10];
	v9 =	vadd.f32 v25, v9;
	v25 =	vshll.u32 v15, $0x10  }
0x52b: {  	v8 =	vadd.f32 v25, v8;
	v25 =	vor.u32 v3, v20;
	v57 =	vld.idx.msk [tilespmem:v47+s25+$0x0], $0xffff  }
0x52c: {  	v22 =	vld.idx.msk [tilespmem:v47+s28+$0x0], $0xffff  }
0x52d: {  	s12 =	sor.u32 $0x5, s26;
	v18 =	vadd.bf16 v53, v51;
	v21 =	vld.idx.msk [tilespmem:v37+s28+$0x0], $0xffff  }
0x52e: {  	v53 =	vmov s12;
	v17 =	vand.u32 $0xFFFF0000, v17;
	v47 =	vld.idx.msk [tilespmem:v37+s25+$0x0], $0xffff  }
0x52f: {  	v39 =	vmax.bf16 v18, v2;
	v13 =	vand.u32 $0xFFFF0000, v13;
	v16 =	vmax.bf16 v16, v2;
	v37 =	vld [tilespmem:$0x1FE30]  }
0x530: {  	v9 =	vadd.f32 v13, v9;
	v13 =	vmul.bf16 v16, v14;
	v23 =	vor.u32 v49, v20;
	v43 =	vld.idx.msk [tilespmem:v25+s25+$0x0], $0xffff  }
0x531: {  	v15 =	vand.u32 $0xFFFF0000, v15;
	v7 =	vadd.f32 v17, v7;
	v46 =	vld.idx.msk [tilespmem:v25+s28+$0x0], $0xffff;
	v22 =	vadd.bf16 v22, v57  }
0x532: {  	v14 =	vmul.bf16 v39, v14;
	v8 =	vadd.f32 v15, v8;
	v15 =	vld.idx.msk [tilespmem:v55+s25+$0x0], $0xffff;
	v26 =	vshll.u32 v13, $0x10  }
0x533: {  	v55 =	vshrl.u32 v53, $0x3;
	v6 =	vadd.f32 v26, v6;
	v41 =	vmax.bf16 v22, v2  }
0x534: {  	v45 =	vor.u32 v35, v20;
	v13 =	vand.u32 $0xFFFF0000, v13;
	v16 =	vmul.bf16 v41, v24;
	v41 =	vld [tilespmem:$0x1FE40]  }
0x535: {  	v18 =	vshll.u32 v55, v1;
	v6 =	vadd.f32 v13, v6;
	v13 =	vshll.u32 v14, $0x10;
	v57 =	vld.idx.msk [tilespmem:v23+s25+$0x0], $0xffff  }
0x536: {  	v5 =	vadd.f32 v13, v5;
	v51 =	vor.u32 v37, v20;
	v17 =	vadd.bf16 v46, v43;
	v46 =	vld [tilespmem:$0x1FE60]  }
0x537: {  	v14 =	vand.u32 $0xFFFF0000, v14;
	v15 =	vadd.bf16 v19, v15;
	v43 =	vld.idx.msk [tilespmem:v23+s28+$0x0], $0xffff;
	v13 =	vshll.u32 v16, $0x10  }
0x538: {  	v39 =	vld [tilespmem:$0x1FE50];
	v18 =	vbroadcast v18, $0x0;
	v5 =	vadd.f32 v14, v5;
	v12 =	vadd.f32 v13, v12  }
0x539: {  	v14 =	vand.u32 $0xFFFF0000, v16;
	v13 =	vmax.bf16 v15, v2;
	v15 =	vld.idx.msk [tilespmem:v45+s25+$0x0], $0xffff;
	v20 =	vor.u32 v41, v20  }
0x53a: {  	v12 =	vadd.f32 v14, v12;
	v14 =	vld.idx.msk [tilespmem:v45+s28+$0x0], $0xffff  }
0x53b: {  	v16 =	vld.idx.msk [tilespmem:v51+s28+$0x0], $0xffff;
	v13 =	vmul.bf16 v13, v24;
	v22 =	vor.u32 v46, v18  }
0x53c: {  	v19 =	vadd.bf16 v21, v47;
	v21 =	vadd.bf16 v43, v57;
	v43 =	vld [tilespmem:$0x1FE90]  }
0x53d: {  	v17 =	vmax.bf16 v17, v2;
	v45 =	vor.u32 v39, v18;
	v41 =	vld [tilespmem:$0x1FE70];
	v25 =	vshll.u32 v13, $0x10  }
0x53e: {  	v17 =	vmul.bf16 v17, v24;
	v11 =	vadd.f32 v25, v11;
	v25 =	vld.idx.msk [tilespmem:v20+s25+$0x0], $0xffff  }
0x53f: {  	v19 =	vmax.bf16 v19, v2;
	v13 =	vand.u32 $0xFFFF0000, v13;
	v14 =	vadd.bf16 v14, v15;
	v20 =	vld.idx.msk [tilespmem:v20+s28+$0x0], $0xffff  }
0x540: {  	v19 =	vmul.bf16 v19, v24;
	v11 =	vadd.f32 v13, v11;
	v13 =	vshll.u32 v17, $0x10;
	v57 =	vld.idx.msk [tilespmem:v22+s25+$0x0], $0xffff  }
0x541: {  	v15 =	vld.idx.msk [tilespmem:v51+s25+$0x0], $0xffff;
	v10 =	vadd.f32 v13, v10;
	v14 =	vmax.bf16 v14, v2  }
0x542: {  	v13 =	vshll.u32 v19, $0x10;
	v51 =	vld.idx.msk [tilespmem:v45+s25+$0x0], $0xffff;
	v55 =	vor.u32 v41, v18;
	v14 =	vmul.bf16 v14, v24  }
0x543: {  	v49 =	vmax.bf16 v21, v2;
	v53 =	vld.idx.msk [tilespmem:v45+s28+$0x0], $0xffff;
	v45 =	vor.u32 v43, v18;
	v9 =	vadd.f32 v13, v9  }
0x544: {  	s5 =	sshll.u32 s12, $0x4;
	v13 =	vand.u32 $0xFFFF0000, v19;
	v47 =	vshll.u32 v14, $0x10;
	v20 =	vadd.bf16 v20, v25;
	v25 =	vld [tilespmem:$0x1FE80]  }
0x545: {  	s5 =	sand.u32 $0x3FFFFFF0, s5;
	v22 =	vld.idx.msk [tilespmem:v22+s28+$0x0], $0xffff;
	v9 =	vadd.f32 v13, v9;
	v13 =	vmul.bf16 v49, v24;
	v8 =	vadd.f32 v47, v8  }
0x546: {  	v17 =	vand.u32 $0xFFFF0000, v17;
	v14 =	vand.u32 $0xFFFF0000, v14;
	v15 =	vadd.bf16 v16, v15;
	v16 =	vld [tilespmem:s5+$0xD000]  }
0x547: {  	v10 =	vadd.f32 v17, v10;
	v46 =	vld.idx.msk [tilespmem:v55+s25+$0x0], $0xffff;
	v8 =	vadd.f32 v14, v8;
	v14 =	vshll.u32 v13, $0x10  }
0x548: {  	v17 =	vadd.bf16 v53, v51;
	v19 =	vld.idx.msk [tilespmem:v55+s28+$0x0], $0xffff;
	v15 =	vmax.bf16 v15, v2;
	v7 =	vadd.f32 v14, v7  }
0x549: {  	v51 =	vld [tilespmem:$0x1FEA0];
	v14 =	vmul.bf16 v15, v24;
	v15 =	vmax.bf16 v20, v2;
	v25 =	vor.u32 v25, v18  }
0x54a: {  	v13 =	vand.u32 $0xFFFF0000, v13;
	v20 =	vld.idx.msk [tilespmem:v45+s28+$0x0], $0xffff;
	v15 =	vmul.bf16 v15, v24  }
0x54b: {  	v47 =	vadd.bf16 v22, v57;
	v24 =	vld.idx.msk [tilespmem:v45+s25+$0x0], $0xffff;
	v7 =	vadd.f32 v13, v7;
	v13 =	vshll.u32 v14, $0x10  }
0x54c: {  	v17 =	vmax.bf16 v17, v2;
	v45 =	vld [tilespmem:$0x1FEB0];
	v6 =	vadd.f32 v13, v6;
	v13 =	vshll.u32 v15, $0x10  }
0x54d: {  	v5 =	vadd.f32 v13, v5;
	v13 =	vmul.bf16 v17, v16;
	v17 =	vmax.bf16 v47, v2;
	v47 =	vld [tilespmem:$0x1FED0]  }
0x54e: {  	s12 =	sor.u32 $0x6, s26;
	v23 =	vor.u32 v51, v18;
	v19 =	vadd.bf16 v19, v46;
	v14 =	vand.u32 $0xFFFF0000, v14;
	v49 =	vld.idx.msk [tilespmem:v25+s25+$0x0], $0xffff  }
0x54f: {  	v6 =	vadd.f32 v14, v6;
	v14 =	vand.u32 $0xFFFF0000, v15;
	v15 =	vld.idx.msk [tilespmem:v25+s28+$0x0], $0xffff;
	v25 =	vmov s12  }
0x550: {  	v17 =	vmul.bf16 v17, v16;
	v5 =	vadd.f32 v14, v5;
	v25 =	vshrl.u32 v25, $0x3  }
0x551: {  	v14 =	vshll.u32 v13, $0x10;
	v53 =	vor.u32 v45, v18;
	v25 =	vshll.u32 v25, v1  }
0x552: {  	v55 =	vld [tilespmem:$0x1FEC0];
	v12 =	vadd.f32 v14, v12;
	v14 =	vshll.u32 v17, $0x10;
	v25 =	vbroadcast v25, $0x0  }
0x553: {  	v19 =	vmax.bf16 v19, v2;
	v11 =	vadd.f32 v14, v11  }
0x554: {  	v26 =	vld.idx.msk [tilespmem:v23+s25+$0x0], $0xffff;
	v14 =	vmul.bf16 v19, v16;
	v15 =	vadd.bf16 v15, v49;
	v49 =	vor.u32 v47, v25  }
0x555: {  	v13 =	vand.u32 $0xFFFF0000, v13;
	v57 =	vld.idx.msk [tilespmem:v23+s28+$0x0], $0xffff;
	v20 =	vadd.bf16 v20, v24  }
0x556: {  	v17 =	vand.u32 $0xFFFF0000, v17;
	v12 =	vadd.f32 v13, v12;
	v13 =	vshll.u32 v14, $0x10  }
0x557: {  	v18 =	vor.u32 v55, v18;
	v11 =	vadd.f32 v17, v11;
	v17 =	vld.idx.msk [tilespmem:v53+s25+$0x0], $0xffff;
	v10 =	vadd.f32 v13, v10  }
0x558: {  	v14 =	vand.u32 $0xFFFF0000, v14;
	v51 =	vld.idx.msk [tilespmem:v53+s28+$0x0], $0xffff  }
0x559: {  	v13 =	vmax.bf16 v15, v2;
	v15 =	vmax.bf16 v20, v2;
	v10 =	vadd.f32 v14, v10;
	v24 =	vld.idx.msk [tilespmem:v49+s25+$0x0], $0xffff  }
0x55a: {  	v14 =	vadd.bf16 v57, v26;
	v13 =	vmul.bf16 v13, v16;
	v15 =	vmul.bf16 v15, v16;
	v57 =	vld.idx.msk [tilespmem:v49+s28+$0x0], $0xffff  }
0x55b: {  	v49 =	vld [tilespmem:$0x1FEE0]  }
0x55c: {  	v21 =	vld.idx.msk [tilespmem:v18+s25+$0x0], $0xffff;
	v53 =	vshll.u32 v13, $0x10;
	v55 =	vshll.u32 v15, $0x10  }
0x55d: {  	v18 =	vld.idx.msk [tilespmem:v18+s28+$0x0], $0xffff;
	v14 =	vmax.bf16 v14, v2;
	v9 =	vadd.f32 v53, v9;
	v8 =	vadd.f32 v55, v8  }
0x55e: {  	v13 =	vand.u32 $0xFFFF0000, v13;
	v15 =	vand.u32 $0xFFFF0000, v15;
	v14 =	vmul.bf16 v14, v16;
	v53 =	vld [tilespmem:$0x1FF00]  }
0x55f: {  	v9 =	vadd.f32 v13, v9;
	v8 =	vadd.f32 v15, v8  }
0x560: {  	s5 =	sshll.u32 s12, $0x4;
	v13 =	vshll.u32 v14, $0x10;
	v15 =	vadd.bf16 v51, v17;
	v22 =	vor.u32 v49, v25  }
0x561: {  	s5 =	sand.u32 $0x3FFFFFF0, s5;
	v7 =	vadd.f32 v13, v7;
	v49 =	vld [tilespmem:$0x1FEF0]  }
0x562: {  	v17 =	vld [tilespmem:s5+$0xD000];
	v13 =	vadd.bf16 v18, v21;
	v15 =	vmax.bf16 v15, v2;
	v51 =	vadd.bf16 v57, v24  }
0x563: {  	v26 =	vld [tilespmem:$0x1FF20];
	v14 =	vand.u32 $0xFFFF0000, v14;
	v19 =	vor.u32 v53, v25;
	v15 =	vmul.bf16 v15, v16  }
0x564: {  	v13 =	vmax.bf16 v13, v2;
	v7 =	vadd.f32 v14, v7;
	v14 =	vmax.bf16 v51, v2;
	v51 =	vld [tilespmem:$0x1FF10]  }
0x565: {  	s12 =	sor.u32 $0x7, s26;
	v13 =	vmul.bf16 v13, v16;
	v55 =	vshll.u32 v15, $0x10;
	v21 =	vld.idx.msk [tilespmem:v22+s25+$0x0], $0xffff  }
0x566: {  	v6 =	vadd.f32 v55, v6;
	v55 =	vmov s12;
	v20 =	vor.u32 v49, v25;
	v16 =	vld.idx.msk [tilespmem:v22+s28+$0x0], $0xffff  }
0x567: {  	v14 =	vmul.bf16 v14, v17;
	v18 =	vshrl.u32 v55, $0x3;
	v55 =	vld [tilespmem:$0x1FF40]  }
0x568: {  	v15 =	vand.u32 $0xFFFF0000, v15;
	v24 =	vld.idx.msk [tilespmem:v19+s25+$0x0], $0xffff  }
0x569: {  	v53 =	vshll.u32 v14, $0x10;
	v6 =	vadd.f32 v15, v6;
	v15 =	vld.idx.msk [tilespmem:v19+s28+$0x0], $0xffff;
	v23 =	vor.u32 v51, v25  }
0x56a: {  	v57 =	vshll.u32 v13, $0x10;
	v12 =	vadd.f32 v53, v12;
	v53 =	vld [tilespmem:$0x1FF30]  }
0x56b: {  	v26 =	vor.u32 v26, v25;
	v5 =	vadd.f32 v57, v5;
	v22 =	vld.idx.msk [tilespmem:v20+s25+$0x0], $0xffff  }
0x56c: {  	v13 =	vand.u32 $0xFFFF0000, v13;
	v20 =	vld.idx.msk [tilespmem:v20+s28+$0x0], $0xffff  }
0x56d: {  	v5 =	vadd.f32 v13, v5;
	v13 =	vand.u32 $0xFFFF0000, v14  }
0x56e: {  	v12 =	vadd.f32 v13, v12;
	v13 =	vld.idx.msk [tilespmem:v23+s25+$0x0], $0xffff  }
0x56f: {  	v15 =	vadd.bf16 v15, v24;
	v57 =	vld.idx.msk [tilespmem:v23+s28+$0x0], $0xffff  }
0x570: {  	v14 =	vadd.bf16 v16, v21;
	v21 =	vld.idx.msk [tilespmem:v26+s25+$0x0], $0xffff;
	v16 =	vor.u32 v53, v25  }
0x571: {  	v15 =	vmax.bf16 v15, v2;
	v19 =	vadd.bf16 v20, v22;
	v22 =	vor.u32 v55, v25;
	v55 =	vld [tilespmem:$0x1FF50]  }
0x572: {  	v18 =	vshll.u32 v18, v1;
	v14 =	vmax.bf16 v14, v2;
	v23 =	vld.idx.msk [tilespmem:v26+s28+$0x0], $0xffff;
	v15 =	vmul.bf16 v15, v17  }
0x573: {  	v18 =	vbroadcast v18, $0x0;
	v14 =	vmul.bf16 v14, v17;
	v19 =	vmax.bf16 v19, v2  }
0x574: {  	v13 =	vadd.bf16 v57, v13;
	v57 =	vshll.u32 v15, $0x10;
	v19 =	vmul.bf16 v19, v17  }
0x575: {  	v24 =	vshll.u32 v14, $0x10;
	v9 =	vadd.f32 v57, v9;
	v57 =	vld [tilespmem:$0x1FF60]  }
0x576: {  	v11 =	vadd.f32 v24, v11;
	v24 =	vld.idx.msk [tilespmem:v16+s25+$0x0], $0xffff;
	v25 =	vor.u32 v55, v18;
	v26 =	vshll.u32 v19, $0x10  }
0x577: {  	v14 =	vand.u32 $0xFFFF0000, v14;
	v16 =	vld.idx.msk [tilespmem:v16+s28+$0x0], $0xffff;
	v21 =	vadd.bf16 v23, v21;
	v10 =	vadd.f32 v26, v10  }
0x578: {  	v11 =	vadd.f32 v14, v11;
	v13 =	vmax.bf16 v13, v2;
	v14 =	vand.u32 $0xFFFF0000, v19;
	v19 =	vld.idx.msk [tilespmem:v22+s25+$0x0], $0xffff  }
0x579: {  	v22 =	vld.idx.msk [tilespmem:v22+s28+$0x0], $0xffff;
	v13 =	vmul.bf16 v13, v17;
	v10 =	vadd.f32 v14, v10  }
0x57a: {  	v14 =	vand.u32 $0xFFFF0000, v15;
	v15 =	vmax.bf16 v21, v2;
	v21 =	vor.u32 v57, v18;
	v57 =	vld [tilespmem:$0x1FF70]  }
0x57b: {  	v20 =	vld.idx.msk [tilespmem:v25+s25+$0x0], $0xffff  }
0x57c: {  	v9 =	vadd.f32 v14, v9;
	v14 =	vshll.u32 v13, $0x10;
	v15 =	vmul.bf16 v15, v17;
	v23 =	vld.idx.msk [tilespmem:v25+s28+$0x0], $0xffff  }
0x57d: {  	v13 =	vand.u32 $0xFFFF0000, v13;
	v8 =	vadd.f32 v14, v8  }
0x57e: {  	s5 =	sshll.u32 s12, $0x4;
	v14 =	vadd.bf16 v16, v24;
	v19 =	vadd.bf16 v22, v19;
	v24 =	vshll.u32 v15, $0x10  }
0x57f: {  	s5 =	sand.u32 $0x3FFFFFF0, s5;
	v8 =	vadd.f32 v13, v8;
	v7 =	vadd.f32 v24, v7;
	v24 =	vld [tilespmem:$0x1FF80]  }
0x580: {  	v13 =	vmax.bf16 v14, v2;
	v14 =	vld [tilespmem:s5+$0xD000];
	v19 =	vmax.bf16 v19, v2;
	v16 =	vor.u32 v57, v18  }
0x581: {  	v13 =	vmul.bf16 v13, v17;
	v17 =	vmul.bf16 v19, v17;
	v19 =	vadd.bf16 v23, v20;
	v23 =	vld [tilespmem:$0x1FC30];
	_ =	sdelay $0x1  }
0x582: {  	v15 =	vand.u32 $0xFFFF0000, v15;
	v22 =	vld.idx.msk [tilespmem:v21+s25+$0x0], $0xffff  }
0x583: {  	v7 =	vadd.f32 v15, v7;
	v20 =	vld.idx.msk [tilespmem:v21+s28+$0x0], $0xffff;
	v15 =	vshll.u32 v13, $0x10;
	v24 =	vor.u32 v24, v18  }
0x584: {  	v6 =	vadd.f32 v15, v6;
	v15 =	vshll.u32 v17, $0x10;
	v19 =	vmax.bf16 v19, v2;
	v21 =	vld.idx.msk [tilespmem:v16+s25+$0x0], $0xffff  }
0x585: {  	v5 =	vadd.f32 v15, v5;
	v15 =	vmul.bf16 v19, v14;
	v19 =	vld [tilespmem:$0x1FC00];
	v23 =	vor.u32 v23, v18  }
0x586: {  	v16 =	vld.idx.msk [tilespmem:v16+s28+$0x0], $0xffff  }
0x587: {  	v25 =	vld [tilespmem:$0x1FC10];
	v13 =	vand.u32 $0xFFFF0000, v13  }
0x588: {  	v6 =	vadd.f32 v13, v6;
	v13 =	vand.u32 $0xFFFF0000, v17;
	v17 =	vld.idx.msk [tilespmem:v24+s25+$0x0], $0xffff  }
0x589: {  	v20 =	vadd.bf16 v20, v22;
	v22 =	vld.idx.msk [tilespmem:v24+s28+$0x0], $0xffff  }
0x58a: {  	s12 =	sor.u32 $0x8, s26;
	v19 =	vor.u32 v19, v18;
	v24 =	vld.idx.msk [tilespmem:v23+s25+$0x0], $0xffff  }
0x58b: {  	v26 =	vmov s12;
	v5 =	vadd.f32 v13, v5;
	v16 =	vadd.bf16 v16, v21;
	v21 =	vld.idx.msk [tilespmem:v23+s28+$0x0], $0xffff  }
0x58c: {  	v13 =	vshll.u32 v15, $0x10;
	v20 =	vmax.bf16 v20, v2;
	v23 =	vshrl.u32 v26, $0x3;
	v26 =	vld [tilespmem:$0x1FC20]  }
0x58d: {  	v12 =	vadd.f32 v13, v12;
	v13 =	vmul.bf16 v20, v14;
	v20 =	vshll.u32 v23, v1  }
0x58e: {  	v25 =	vor.u32 v25, v18;
	v15 =	vand.u32 $0xFFFF0000, v15;
	v20 =	vbroadcast v20, $0x0  }
0x58f: {  	v12 =	vadd.f32 v15, v12;
	v15 =	vshll.u32 v13, $0x10;
	v23 =	vld.idx.msk [tilespmem:v19+s25+$0x0], $0xffff  }
0x590: {  	v11 =	vadd.f32 v15, v11;
	v15 =	vadd.bf16 v22, v17;
	v19 =	vld.idx.msk [tilespmem:v19+s28+$0x0], $0xffff;
	v22 =	vor.u32 v34, v20  }
0x591: {  	v16 =	vmax.bf16 v16, v2;
	v18 =	vor.u32 v26, v18  }
0x592: {  	v16 =	vmul.bf16 v16, v14  }
0x593: {  	v13 =	vand.u32 $0xFFFF0000, v13;
	v17 =	vld.idx.msk [tilespmem:v25+s25+$0x0], $0xffff  }
0x594: {  	v11 =	vadd.f32 v13, v11;
	v26 =	vshll.u32 v16, $0x10;
	v21 =	vadd.bf16 v21, v24;
	v24 =	vld.idx.msk [tilespmem:v25+s28+$0x0], $0xffff  }
0x595: {  	v10 =	vadd.f32 v26, v10;
	v19 =	vadd.bf16 v19, v23;
	v23 =	vld.idx.msk [tilespmem:v22+s25+$0x0], $0xffff  }
0x596: {  	v13 =	vmax.bf16 v15, v2;
	v15 =	vand.u32 $0xFFFF0000, v16;
	v16 =	vmax.bf16 v21, v2;
	v21 =	vld.idx.msk [tilespmem:v18+s25+$0x0], $0xffff  }
0x597: {  	v13 =	vmul.bf16 v13, v14;
	v10 =	vadd.f32 v15, v10;
	v15 =	vmul.bf16 v16, v14;
	v16 =	vld.idx.msk [tilespmem:v18+s28+$0x0], $0xffff  }
0x598: {  	v22 =	vld.idx.msk [tilespmem:v22+s28+$0x0], $0xffff  }
0x599: {  	v25 =	vshll.u32 v13, $0x10  }
0x59a: {  	v9 =	vadd.f32 v25, v9  }
0x59b: {  	v13 =	vand.u32 $0xFFFF0000, v13;
	v18 =	vor.u32 v27, v20;
	v17 =	vadd.bf16 v24, v17  }
0x59c: {  	v25 =	vshll.u32 v15, $0x10;
	v9 =	vadd.f32 v13, v9;
	v16 =	vadd.bf16 v16, v21  }
0x59d: {  	v19 =	vmax.bf16 v19, v2;
	v8 =	vadd.f32 v25, v8;
	v22 =	vadd.bf16 v22, v23  }
0x59e: {  	s5 =	sshll.u32 s12, $0x4;
	v19 =	vmul.bf16 v19, v14;
	v25 =	vld [tilespmem:$0x1FFA0];
	v17 =	vmax.bf16 v17, v2;
	v16 =	vmax.bf16 v16, v2  }
0x59f: {  	s5 =	sand.u32 $0x3FFFFFF0, s5;
	v13 =	vmul.bf16 v17, v14;
	v14 =	vmul.bf16 v16, v14;
	v16 =	vmax.bf16 v22, v2;
	v22 =	vld [tilespmem:$0x1FFC0]  }
0x5a0: {  	v15 =	vand.u32 $0xFFFF0000, v15;
	v24 =	vld [tilespmem:s5+$0xD000]  }
0x5a1: {  	v8 =	vadd.f32 v15, v8;
	v15 =	vld.idx.msk [tilespmem:v18+s25+$0x0], $0xffff  }
0x5a2: {  	v18 =	vld.idx.msk [tilespmem:v18+s28+$0x0], $0xffff  }
0x5a3: {  	v26 =	vshll.u32 v13, $0x10;
	v25 =	vor.u32 v25, v20  }
0x5a4: {  	v6 =	vadd.f32 v26, v6;
	v22 =	vor.u32 v22, v20  }
0x5a5: {  	v21 =	vld [tilespmem:$0x1FFB0];
	v13 =	vand.u32 $0xFFFF0000, v13;
	v16 =	vmul.bf16 v16, v24  }
0x5a6: {  	v17 =	vshll.u32 v19, $0x10;
	v6 =	vadd.f32 v13, v6;
	v13 =	vshll.u32 v14, $0x10  }
0x5a7: {  	v23 =	vld [tilespmem:$0x1FFF0];
	v15 =	vadd.bf16 v18, v15;
	v5 =	vadd.f32 v13, v5;
	v13 =	vshll.u32 v16, $0x10  }
0x5a8: {  	v7 =	vadd.f32 v17, v7;
	v14 =	vand.u32 $0xFFFF0000, v14;
	v17 =	vld.idx.msk [tilespmem:v25+s25+$0x0], $0xffff;
	v12 =	vadd.f32 v13, v12  }
0x5a9: {  	v13 =	vmax.bf16 v15, v2;
	v5 =	vadd.f32 v14, v5;
	v14 =	vand.u32 $0xFFFF0000, v16;
	v15 =	vld.idx.msk [tilespmem:v22+s25+$0x0], $0xffff  }
0x5aa: {  	v21 =	vor.u32 v21, v20;
	v12 =	vadd.f32 v14, v12;
	v14 =	vld.idx.msk [tilespmem:v22+s28+$0x0], $0xffff  }
0x5ab: {  	v19 =	vand.u32 $0xFFFF0000, v19;
	v22 =	vld [tilespmem:$0x1FFD0]  }
0x5ac: {  	v7 =	vadd.f32 v19, v7;
	v19 =	vld.idx.msk [tilespmem:v25+s28+$0x0], $0xffff;
	_ =	sdelay $0x2  }
0x5ad: {  	s12 =	sor.u32 $0x9, s26;
	v18 =	vld.idx.msk [tilespmem:v21+s25+$0x0], $0xffff  }
0x5ae: {  	v23 =	vor.u32 v23, v20;
	v21 =	vld.idx.msk [tilespmem:v21+s28+$0x0], $0xffff;
	v16 =	vor.u32 v22, v20;
	v22 =	vmov s12  }
0x5af: {  	v17 =	vadd.bf16 v19, v17;
	v19 =	vshrl.u32 v22, $0x3;
	v22 =	vld [tilespmem:$0x1FFE0]  }
0x5b0: {  	v13 =	vmul.bf16 v13, v24;
	_ =	sdelay $0x1  }
0x5b1: {  	v25 =	vshll.u32 v13, $0x10;
	v19 =	vshll.u32 v19, v1  }
0x5b2: {  	v17 =	vmax.bf16 v17, v2;
	v18 =	vadd.bf16 v21, v18;
	v21 =	vld.idx.msk [tilespmem:v23+s25+$0x0], $0xffff;
	v19 =	vbroadcast v19, $0x0  }
0x5b3: {  	v11 =	vadd.f32 v25, v11;
	v17 =	vmul.bf16 v17, v24;
	v20 =	vor.u32 v22, v20;
	v22 =	vld.idx.msk [tilespmem:v23+s28+$0x0], $0xffff  }
0x5b4: {  	v13 =	vand.u32 $0xFFFF0000, v13;
	v14 =	vadd.bf16 v14, v15;
	v23 =	vor.u32 v60, v19;
	v60 =	vld [tilespmem:$0x1FC60]  }
0x5b5: {  	v11 =	vadd.f32 v13, v11;
	v13 =	vshll.u32 v17, $0x10;
	v18 =	vmax.bf16 v18, v2  }
0x5b6: {  	v10 =	vadd.f32 v13, v10;
	v18 =	vmul.bf16 v18, v24;
	v14 =	vmax.bf16 v14, v2;
	v15 =	vld.idx.msk [tilespmem:v16+s25+$0x0], $0xffff  }
0x5b7: {  	v17 =	vand.u32 $0xFFFF0000, v17;
	v14 =	vmul.bf16 v14, v24;
	v16 =	vld.idx.msk [tilespmem:v16+s28+$0x0], $0xffff  }
0x5b8: {  	v10 =	vadd.f32 v17, v10;
	v13 =	vshll.u32 v18, $0x10;
	v25 =	vld.idx.msk [tilespmem:v20+s25+$0x0], $0xffff  }
0x5b9: {  	v17 =	vshll.u32 v14, $0x10;
	v21 =	vadd.bf16 v22, v21;
	v20 =	vld.idx.msk [tilespmem:v20+s28+$0x0], $0xffff;
	v22 =	vor.u32 v60, v19  }
0x5ba: {  	v9 =	vadd.f32 v13, v9;
	v8 =	vadd.f32 v17, v8;
	v17 =	vld.idx.msk [tilespmem:v23+s28+$0x0], $0xffff  }
0x5bb: {  	s5 =	sshll.u32 s12, $0x4;
	v13 =	vand.u32 $0xFFFF0000, v18;
	v18 =	vor.u32 v59, v19;
	v60 =	vmax.bf16 v21, v2;
	v21 =	vld.idx.msk [tilespmem:v23+s25+$0x0], $0xffff  }
0x5bc: {  	s5 =	sand.u32 $0x3FFFFFF0, s5;
	v9 =	vadd.f32 v13, v9;
	v13 =	vmul.bf16 v60, v24  }
0x5bd: {  	v14 =	vand.u32 $0xFFFF0000, v14;
	v15 =	vadd.bf16 v16, v15;
	v16 =	vld [tilespmem:s5+$0xD000]  }
0x5be: {  	v8 =	vadd.f32 v14, v8;
	v14 =	vshll.u32 v13, $0x10;
	v20 =	vadd.bf16 v20, v25;
	v60 =	vld.idx.msk [tilespmem:v22+s25+$0x0], $0xffff  }
0x5bf: {  	v15 =	vmax.bf16 v15, v2;
	v22 =	vld.idx.msk [tilespmem:v22+s28+$0x0], $0xffff;
	v25 =	vor.u32 v28, v19;
	v7 =	vadd.f32 v14, v7  }
0x5c0: {  	v14 =	vmul.bf16 v15, v24;
	v15 =	vmax.bf16 v20, v2;
	v17 =	vadd.bf16 v17, v21;
	v21 =	vld.idx.msk [tilespmem:v18+s25+$0x0], $0xffff  }
0x5c1: {  	v13 =	vand.u32 $0xFFFF0000, v13;
	v20 =	vor.u32 v0, v19;
	v18 =	vld.idx.msk [tilespmem:v18+s28+$0x0], $0xffff;
	v15 =	vmul.bf16 v15, v24  }
0x5c2: {  	v7 =	vadd.f32 v13, v7;
	v13 =	vshll.u32 v14, $0x10;
	v14 =	vand.u32 $0xFFFF0000, v14  }
0x5c3: {  	v6 =	vadd.f32 v13, v6;
	v17 =	vmax.bf16 v17, v2;
	v13 =	vshll.u32 v15, $0x10  }
0x5c4: {  	v5 =	vadd.f32 v13, v5;
	v13 =	vmul.bf16 v17, v16;
	v17 =	vadd.bf16 v22, v60;
	v22 =	vld.idx.msk [tilespmem:v25+s25+$0x0], $0xffff  }
0x5c5: {  	s12 =	sor.u32 $0xA, s26;
	v6 =	vadd.f32 v14, v6;
	v14 =	vand.u32 $0xFFFF0000, v15;
	v15 =	vld.idx.msk [tilespmem:v25+s28+$0x0], $0xffff;
	v60 =	vor.u32 v36, v19  }
0x5c6: {  	v25 =	vmov s12;
	v24 =	vld.idx.msk [tilespmem:v20+s25+$0x0], $0xffff;
	v18 =	vadd.bf16 v18, v21;
	v21 =	vor.u32 v38, v19  }
0x5c7: {  	v20 =	vld.idx.msk [tilespmem:v20+s28+$0x0], $0xffff;
	v25 =	vshrl.u32 v25, $0x3;
	v19 =	vor.u32 v40, v19;
	v17 =	vmax.bf16 v17, v2  }
0x5c8: {  	v5 =	vadd.f32 v14, v5;
	v14 =	vshll.u32 v13, $0x10;
	v17 =	vmul.bf16 v17, v16  }
0x5c9: {  	v13 =	vand.u32 $0xFFFF0000, v13;
	v25 =	vshll.u32 v25, v1;
	v12 =	vadd.f32 v14, v12  }
0x5ca: {  	v18 =	vmax.bf16 v18, v2;
	v25 =	vbroadcast v25, $0x0;
	v14 =	vshll.u32 v17, $0x10;
	v26 =	vld.idx.msk [tilespmem:v60+s25+$0x0], $0xffff  }
0x5cb: {  	v17 =	vand.u32 $0xFFFF0000, v17;
	v60 =	vld.idx.msk [tilespmem:v60+s28+$0x0], $0xffff;
	v11 =	vadd.f32 v14, v11;
	v14 =	vmul.bf16 v18, v16  }
0x5cc: {  	v46 =	vld [tilespmem:$0x1FCF0];
	v15 =	vadd.bf16 v15, v22;
	v22 =	vor.u32 v42, v25;
	v20 =	vadd.bf16 v20, v24  }
0x5cd: {  	v12 =	vadd.f32 v13, v12;
	v18 =	vld.idx.msk [tilespmem:v19+s28+$0x0], $0xffff;
	v11 =	vadd.f32 v17, v11;
	v13 =	vshll.u32 v14, $0x10  }
0x5ce: {  	v17 =	vld.idx.msk [tilespmem:v21+s25+$0x0], $0xffff;
	v10 =	vadd.f32 v13, v10;
	v13 =	vmax.bf16 v15, v2;
	v15 =	vmax.bf16 v20, v2  }
0x5cf: {  	v14 =	vand.u32 $0xFFFF0000, v14;
	v20 =	vld.idx.msk [tilespmem:v21+s28+$0x0], $0xffff;
	v13 =	vmul.bf16 v13, v16;
	v15 =	vmul.bf16 v15, v16  }
0x5d0: {  	v21 =	vld.idx.msk [tilespmem:v19+s25+$0x0], $0xffff;
	v10 =	vadd.f32 v14, v10;
	v14 =	vadd.bf16 v60, v26  }
0x5d1: {  	v24 =	vld.idx.msk [tilespmem:v22+s25+$0x0], $0xffff;
	v19 =	vshll.u32 v13, $0x10;
	v13 =	vand.u32 $0xFFFF0000, v13;
	v60 =	vshll.u32 v15, $0x10  }
0x5d2: {  	v9 =	vadd.f32 v19, v9;
	v8 =	vadd.f32 v60, v8;
	v14 =	vmax.bf16 v14, v2;
	v60 =	vld.idx.msk [tilespmem:v22+s28+$0x0], $0xffff  }
0x5d3: {  	s5 =	sshll.u32 s12, $0x4;
	v15 =	vand.u32 $0xFFFF0000, v15;
	v22 =	vor.u32 v44, v25;
	v14 =	vmul.bf16 v14, v16  }
0x5d4: {  	s5 =	sand.u32 $0x3FFFFFF0, s5;
	v23 =	vor.u32 v50, v25;
	v9 =	vadd.f32 v13, v9;
	v8 =	vadd.f32 v15, v8  }
0x5d5: {  	v15 =	vadd.bf16 v20, v17;
	v17 =	vld [tilespmem:s5+$0xD000];
	v20 =	vor.u32 v46, v25;
	v13 =	vshll.u32 v14, $0x10  }
0x5d6: {  	v26 =	vor.u32 v29, v25;
	v7 =	vadd.f32 v13, v7;
	v13 =	vadd.bf16 v18, v21  }
0x5d7: {  	v19 =	vor.u32 v48, v25;
	v15 =	vmax.bf16 v15, v2;
	v60 =	vadd.bf16 v60, v24  }
0x5d8: {  	v14 =	vand.u32 $0xFFFF0000, v14;
	v15 =	vmul.bf16 v15, v16;
	v21 =	vld.idx.msk [tilespmem:v22+s25+$0x0], $0xffff;
	v13 =	vmax.bf16 v13, v2  }
0x5d9: {  	s12 =	sor.u32 $0xB, s26;
	v7 =	vadd.f32 v14, v7;
	v13 =	vmul.bf16 v13, v16;
	v14 =	vmax.bf16 v60, v2;
	v16 =	vld.idx.msk [tilespmem:v22+s28+$0x0], $0xffff  }
0x5da: {  	v18 =	vmov s12;
	v60 =	vshll.u32 v15, $0x10;
	v22 =	vld.idx.msk [tilespmem:v20+s25+$0x0], $0xffff;
	v14 =	vmul.bf16 v14, v17  }
0x5db: {  	v18 =	vshrl.u32 v18, $0x3;
	v20 =	vld.idx.msk [tilespmem:v20+s28+$0x0], $0xffff;
	v6 =	vadd.f32 v60, v6;
	v60 =	vshll.u32 v13, $0x10  }
0x5dc: {  	v24 =	vld.idx.msk [tilespmem:v19+s25+$0x0], $0xffff;
	v15 =	vand.u32 $0xFFFF0000, v15;
	v5 =	vadd.f32 v60, v5;
	v60 =	vshll.u32 v14, $0x10  }
0x5dd: {  	v13 =	vand.u32 $0xFFFF0000, v13;
	v6 =	vadd.f32 v15, v6;
	v15 =	vld.idx.msk [tilespmem:v19+s28+$0x0], $0xffff;
	v12 =	vadd.f32 v60, v12  }
0x5de: {  	v5 =	vadd.f32 v13, v5;
	v13 =	vand.u32 $0xFFFF0000, v14;
	v14 =	vadd.bf16 v16, v21  }
0x5df: {  	v18 =	vshll.u32 v18, v1;
	v60 =	vld.idx.msk [tilespmem:v23+s28+$0x0], $0xffff;
	v16 =	vor.u32 v30, v25  }
0x5e0: {  	v19 =	vadd.bf16 v20, v22;
	v12 =	vadd.f32 v13, v12;
	v13 =	vld.idx.msk [tilespmem:v23+s25+$0x0], $0xffff;
	v14 =	vmax.bf16 v14, v2  }
0x5e1: {  	v18 =	vbroadcast v18, $0x0;
	v21 =	vld.idx.msk [tilespmem:v26+s25+$0x0], $0xffff;
	v22 =	vor.u32 v31, v25;
	v14 =	vmul.bf16 v14, v17  }
0x5e2: {  	v23 =	vld.idx.msk [tilespmem:v26+s28+$0x0], $0xffff;
	v19 =	vmax.bf16 v19, v2;
	v15 =	vadd.bf16 v15, v24  }
0x5e3: {  	v25 =	vor.u32 v52, v18;
	v19 =	vmul.bf16 v19, v17;
	v24 =	vshll.u32 v14, $0x10  }
0x5e4: {  	v14 =	vand.u32 $0xFFFF0000, v14;
	v15 =	vmax.bf16 v15, v2;
	v11 =	vadd.f32 v24, v11;
	v24 =	vld.idx.msk [tilespmem:v16+s25+$0x0], $0xffff  }
0x5e5: {  	v26 =	vshll.u32 v19, $0x10;
	v15 =	vmul.bf16 v15, v17;
	v13 =	vadd.bf16 v60, v13;
	v16 =	vld.idx.msk [tilespmem:v16+s28+$0x0], $0xffff  }
0x5e6: {  	v10 =	vadd.f32 v26, v10;
	v11 =	vadd.f32 v14, v11;
	v14 =	vand.u32 $0xFFFF0000, v19;
	v19 =	vld.idx.msk [tilespmem:v22+s25+$0x0], $0xffff  }
0x5e7: {  	v21 =	vadd.bf16 v23, v21;
	v60 =	vshll.u32 v15, $0x10;
	v13 =	vmax.bf16 v13, v2;
	v22 =	vld.idx.msk [tilespmem:v22+s28+$0x0], $0xffff  }
0x5e8: {  	v20 =	vor.u32 v54, v18;
	v9 =	vadd.f32 v60, v9;
	v13 =	vmul.bf16 v13, v17  }
0x5e9: {  	v23 =	vld.idx.msk [tilespmem:v25+s28+$0x0], $0xffff;
	v10 =	vadd.f32 v14, v10;
	v14 =	vand.u32 $0xFFFF0000, v15;
	v15 =	vmax.bf16 v21, v2  }
0x5ea: {  	v21 =	vld.idx.msk [tilespmem:v25+s25+$0x0], $0xffff;
	v15 =	vmul.bf16 v15, v17;
	v9 =	vadd.f32 v14, v9;
	v14 =	vshll.u32 v13, $0x10  }
0x5eb: {  	s5 =	sshll.u32 s12, $0x4;
	v13 =	vand.u32 $0xFFFF0000, v13;
	v8 =	vadd.f32 v14, v8;
	v14 =	vadd.bf16 v16, v24  }
0x5ec: {  	s5 =	sand.u32 $0x3FFFFFF0, s5;
	v60 =	vshll.u32 v15, $0x10;
	v24 =	vor.u32 v62, v18;
	v19 =	vadd.bf16 v22, v19  }
0x5ed: {  	v15 =	vand.u32 $0xFFFF0000, v15;
	v22 =	vld [tilespmem:s5+$0xD000];
	v8 =	vadd.f32 v13, v8;
	v13 =	vmax.bf16 v14, v2  }
0x5ee: {  	v7 =	vadd.f32 v60, v7;
	v14 =	vld.idx.msk [tilespmem:v20+s25+$0x0], $0xffff;
	v13 =	vmul.bf16 v13, v17;
	v60 =	vmax.bf16 v19, v2  }
0x5ef: {  	v19 =	vld.idx.msk [tilespmem:v20+s28+$0x0], $0xffff;
	v20 =	vor.u32 v56, v18;
	v16 =	vmul.bf16 v60, v17;
	v17 =	vadd.bf16 v23, v21  }
0x5f0: {  	v7 =	vadd.f32 v15, v7;
	v21 =	vor.u32 v63, v18  }
0x5f1: {  	v23 =	vor.u32 v4, v18;
	v15 =	vshll.u32 v13, $0x10;
	v25 =	vld.idx.msk [tilespmem:v24+s25+$0x0], $0xffff;
	v17 =	vmax.bf16 v17, v2  }
0x5f2: {  	v63 =	vld.idx.msk [tilespmem:v24+s28+$0x0], $0xffff;
	v60 =	vshll.u32 v16, $0x10;
	v6 =	vadd.f32 v15, v6;
	v15 =	vmul.bf16 v17, v22  }
0x5f3: {  	v4 =	vld [tilespmem:$0x1FDC0];
	v13 =	vand.u32 $0xFFFF0000, v13;
	v16 =	vand.u32 $0xFFFF0000, v16;
	v5 =	vadd.f32 v60, v5  }
0x5f4: {  	s12 =	sor.u32 $0xC, s26;
	v14 =	vadd.bf16 v19, v14;
	v19 =	vld.idx.msk [tilespmem:v20+s25+$0x0], $0xffff;
	v6 =	vadd.f32 v13, v6;
	v13 =	vshll.u32 v15, $0x10  }
0x5f5: {  	v24 =	vmov s12;
	v5 =	vadd.f32 v16, v5;
	v60 =	vld.idx.msk [tilespmem:v21+s28+$0x0], $0xffff;
	v12 =	vadd.f32 v13, v12  }
0x5f6: {  	v15 =	vand.u32 $0xFFFF0000, v15;
	v13 =	vmax.bf16 v14, v2;
	v14 =	vld.idx.msk [tilespmem:v21+s25+$0x0], $0xffff;
	v21 =	vor.u32 v58, v18  }
0x5f7: {  	v16 =	vld.idx.msk [tilespmem:v20+s28+$0x0], $0xffff;
	v12 =	vadd.f32 v15, v12;
	v15 =	vadd.bf16 v63, v25;
	v63 =	vshrl.u32 v24, $0x3  }
0x5f8: {  	v13 =	vmul.bf16 v13, v22;
	v17 =	vshll.u32 v63, v1  }
0x5f9: {  	v18 =	vor.u32 v4, v18;
	v58 =	vld.idx.msk [tilespmem:v23+s28+$0x0], $0xffff;
	v17 =	vbroadcast v17, $0x0  }
0x5fa: {  	v4 =	vld [tilespmem:$0x1FDE0];
	v24 =	vshll.u32 v13, $0x10;
	v15 =	vmax.bf16 v15, v2  }
0x5fb: {  	v25 =	vld.idx.msk [tilespmem:v23+s25+$0x0], $0xffff;
	v11 =	vadd.f32 v24, v11;
	v15 =	vmul.bf16 v15, v22;
	v63 =	vor.u32 v33, v17  }
0x5fc: {  	v13 =	vand.u32 $0xFFFF0000, v13;
	v16 =	vadd.bf16 v16, v19;
	v14 =	vadd.bf16 v60, v14;
	v60 =	vld.idx.msk [tilespmem:v21+s25+$0x0], $0xffff  }
0x5fd: {  	v21 =	vld.idx.msk [tilespmem:v21+s28+$0x0], $0xffff;
	v11 =	vadd.f32 v13, v11;
	v13 =	vshll.u32 v15, $0x10  }
0x5fe: {  	v16 =	vmax.bf16 v16, v2;
	v10 =	vadd.f32 v13, v10;
	v13 =	vmax.bf16 v14, v2;
	v14 =	vld.idx.msk [tilespmem:v18+s25+$0x0], $0xffff  }
0x5ff: {  	v16 =	vmul.bf16 v16, v22;
	v18 =	vld.idx.msk [tilespmem:v18+s28+$0x0], $0xffff  }
0x600: {  	v19 =	vadd.bf16 v58, v25;
	v25 =	vld.idx.msk [tilespmem:v63+s25+$0x0], $0xffff  }
0x601: {  	v15 =	vand.u32 $0xFFFF0000, v15;
	v24 =	vshll.u32 v16, $0x10;
	v13 =	vmul.bf16 v13, v22;
	v58 =	vld.idx.msk [tilespmem:v63+s28+$0x0], $0xffff  }
0x602: {  	v19 =	vmax.bf16 v19, v2;
	v10 =	vadd.f32 v15, v10;
	v15 =	vor.u32 v4, v17  }
0x603: {  	s5 =	sshll.u32 s12, $0x4;
	v9 =	vadd.f32 v24, v9;
	v20 =	vadd.bf16 v21, v60;
	v24 =	vshll.u32 v13, $0x10  }
0x604: {  	s5 =	sand.u32 $0x3FFFFFF0, s5;
	v33 =	vmul.bf16 v19, v22;
	v60 =	vor.u32 v3, v17;
	v8 =	vadd.f32 v24, v8  }
0x605: {  	v13 =	vand.u32 $0xFFFF0000, v13;
	v20 =	vmax.bf16 v20, v2;
	v14 =	vadd.bf16 v18, v14;
	v18 =	vld [tilespmem:s5+$0xD000]  }
0x606: {  	v8 =	vadd.f32 v13, v8;
	v13 =	vshll.u32 v33, $0x10;
	v19 =	vadd.bf16 v58, v25;
	v25 =	vld [tilespmem:$0x1FE20]  }
0x607: {  	v24 =	vor.u32 v61, v17;
	v23 =	vld.idx.msk [tilespmem:v15+s25+$0x0], $0xffff;
	v7 =	vadd.f32 v13, v7;
	v13 =	vmul.bf16 v20, v22  }
0x608: {  	v16 =	vand.u32 $0xFFFF0000, v16;
	v14 =	vmax.bf16 v14, v2;
	v15 =	vld.idx.msk [tilespmem:v15+s28+$0x0], $0xffff  }
0x609: {  	v20 =	vor.u32 v35, v17;
	v14 =	vmul.bf16 v14, v22;
	v63 =	vshll.u32 v13, $0x10  }
0x60a: {  	v9 =	vadd.f32 v16, v9;
	v16 =	vand.u32 $0xFFFF0000, v33;
	v21 =	vld.idx.msk [tilespmem:v60+s28+$0x0], $0xffff;
	v6 =	vadd.f32 v63, v6  }
0x60b: {  	v22 =	vld.idx.msk [tilespmem:v60+s25+$0x0], $0xffff;
	v33 =	vshll.u32 v14, $0x10;
	v19 =	vmax.bf16 v19, v2;
	v25 =	vor.u32 v25, v17  }
0x60c: {  	v13 =	vand.u32 $0xFFFF0000, v13;
	v60 =	vld.idx.msk [tilespmem:v24+s25+$0x0], $0xffff;
	v5 =	vadd.f32 v33, v5;
	v58 =	vmul.bf16 v19, v18  }
0x60d: {  	v6 =	vadd.f32 v13, v6;
	v13 =	vand.u32 $0xFFFF0000, v14;
	v14 =	vadd.bf16 v15, v23;
	v15 =	vld.idx.msk [tilespmem:v24+s28+$0x0], $0xffff  }
0x60e: {  	v61 =	vld.idx.msk [tilespmem:v20+s25+$0x0], $0xffff;
	v5 =	vadd.f32 v13, v5;
	v13 =	vshll.u32 v58, $0x10  }
0x60f: {  	v12 =	vadd.f32 v13, v12;
	v13 =	vmax.bf16 v14, v2;
	v14 =	vld.idx.msk [tilespmem:v20+s28+$0x0], $0xffff  }
0x610: {  	s12 =	sor.u32 $0xD, s26;
	v7 =	vadd.f32 v16, v7;
	v16 =	vand.u32 $0xFFFF0000, v58;
	v58 =	vld.idx.msk [tilespmem:v25+s25+$0x0], $0xffff  }
0x611: {  	v63 =	vmov s12;
	v24 =	vld.idx.msk [tilespmem:v25+s28+$0x0], $0xffff  }
0x612: {  	v20 =	vshrl.u32 v63, $0x3;
	v25 =	vld [tilespmem:$0x1FE40]  }
0x613: {  	v26 =	vld [tilespmem:$0x1FE60];
	v33 =	vor.u32 v37, v17;
	v20 =	vshll.u32 v20, v1  }
0x614: {  	v21 =	vadd.bf16 v21, v22;
	v20 =	vbroadcast v20, $0x0  }
0x615: {  	v13 =	vmul.bf16 v13, v18  }
0x616: {  	v21 =	vmax.bf16 v21, v2;
	v15 =	vadd.bf16 v15, v60;
	v60 =	vor.u32 v39, v20  }
0x617: {  	v21 =	vmul.bf16 v21, v18;
	v14 =	vadd.bf16 v14, v61;
	v17 =	vor.u32 v25, v17  }
0x618: {  	v12 =	vadd.f32 v16, v12;
	v22 =	vld.idx.msk [tilespmem:v33+s28+$0x0], $0xffff;
	v26 =	vor.u32 v26, v20;
	v25 =	vshll.u32 v13, $0x10  }
0x619: {  	v61 =	vshll.u32 v21, $0x10;
	v14 =	vmax.bf16 v14, v2;
	v11 =	vadd.f32 v25, v11;
	v25 =	vld.idx.msk [tilespmem:v33+s25+$0x0], $0xffff  }
0x61a: {  	v15 =	vmax.bf16 v15, v2;
	v14 =	vmul.bf16 v14, v18;
	v16 =	vadd.bf16 v24, v58  }
0x61b: {  	v10 =	vadd.f32 v61, v10;
	v15 =	vmul.bf16 v15, v18;
	v13 =	vand.u32 $0xFFFF0000, v13;
	v24 =	vld.idx.msk [tilespmem:v60+s25+$0x0], $0xffff  }
0x61c: {  	v33 =	vshll.u32 v14, $0x10;
	v14 =	vand.u32 $0xFFFF0000, v14;
	v16 =	vmax.bf16 v16, v2;
	v63 =	vld.idx.msk [tilespmem:v17+s25+$0x0], $0xffff  }
0x61d: {  	v8 =	vadd.f32 v33, v8;
	v11 =	vadd.f32 v13, v11;
	v13 =	vshll.u32 v15, $0x10;
	v17 =	vld.idx.msk [tilespmem:v17+s28+$0x0], $0xffff  }
0x61e: {  	v58 =	vld.idx.msk [tilespmem:v60+s28+$0x0], $0xffff;
	v9 =	vadd.f32 v13, v9;
	v13 =	vmul.bf16 v16, v18;
	v60 =	vadd.bf16 v22, v25  }
0x61f: {  	v61 =	vor.u32 v41, v20;
	v33 =	vld [tilespmem:$0x1FE80];
	v15 =	vand.u32 $0xFFFF0000, v15;
	v8 =	vadd.f32 v14, v8  }
0x620: {  	s5 =	sshll.u32 s12, $0x4;
	v9 =	vadd.f32 v15, v9;
	v14 =	vshll.u32 v13, $0x10;
	v15 =	vmax.bf16 v60, v2  }
0x621: {  	s5 =	sand.u32 $0x3FFFFFF0, s5;
	v7 =	vadd.f32 v14, v7;
	v14 =	vmul.bf16 v15, v18  }
0x622: {  	v19 =	vld [tilespmem:s5+$0xD000];
	v13 =	vand.u32 $0xFFFF0000, v13;
	v17 =	vadd.bf16 v17, v63  }
0x623: {  	v16 =	vadd.bf16 v58, v24;
	v15 =	vld.idx.msk [tilespmem:v26+s25+$0x0], $0xffff;
	v7 =	vadd.f32 v13, v7;
	v13 =	vshll.u32 v14, $0x10  }
0x624: {  	v23 =	vor.u32 v33, v20;
	v63 =	vld.idx.msk [tilespmem:v26+s28+$0x0], $0xffff;
	v17 =	vmax.bf16 v17, v2;
	v6 =	vadd.f32 v13, v6  }
0x625: {  	v24 =	vld.idx.msk [tilespmem:v61+s25+$0x0], $0xffff;
	v13 =	vmax.bf16 v16, v2;
	v16 =	vor.u32 v43, v20;
	v17 =	vmul.bf16 v17, v18  }
0x626: {  	v26 =	vld [tilespmem:$0x1FEC0];
	v14 =	vand.u32 $0xFFFF0000, v14  }
0x627: {  	v6 =	vadd.f32 v14, v6;
	v18 =	vshll.u32 v17, $0x10;
	v14 =	vand.u32 $0xFFFF0000, v17;
	v17 =	vld.idx.msk [tilespmem:v61+s28+$0x0], $0xffff  }
0x628: {  	v61 =	vld [tilespmem:$0x1FEA0]  }
0x629: {  	s12 =	sor.u32 $0xE, s26;
	v60 =	vld.idx.msk [tilespmem:v23+s25+$0x0], $0xffff;
	v13 =	vmul.bf16 v13, v19;
	v15 =	vadd.bf16 v63, v15;
	v5 =	vadd.f32 v18, v5  }
0x62a: {  	v21 =	vand.u32 $0xFFFF0000, v21;
	v25 =	vmov s12;
	v33 =	vor.u32 v45, v20;
	v63 =	vld.idx.msk [tilespmem:v16+s25+$0x0], $0xffff  }
0x62b: {  	v58 =	vshll.u32 v13, $0x10;
	v15 =	vmax.bf16 v15, v2;
	v5 =	vadd.f32 v14, v5;
	v14 =	vld.idx.msk [tilespmem:v23+s28+$0x0], $0xffff  }
0x62c: {  	v25 =	vshrl.u32 v25, $0x3;
	v12 =	vadd.f32 v58, v12;
	v16 =	vld.idx.msk [tilespmem:v16+s28+$0x0], $0xffff;
	v15 =	vmul.bf16 v15, v19  }
0x62d: {  	v13 =	vand.u32 $0xFFFF0000, v13;
	v58 =	vshll.u32 v25, v1;
	v22 =	vor.u32 v61, v20  }
0x62e: {  	v12 =	vadd.f32 v13, v12;
	v13 =	vadd.bf16 v17, v24;
	v24 =	vshll.u32 v15, $0x10  }
0x62f: {  	v20 =	vor.u32 v26, v20;
	v17 =	vbroadcast v58, $0x0;
	v61 =	vld.idx.msk [tilespmem:v33+s25+$0x0], $0xffff;
	v11 =	vadd.f32 v24, v11  }
0x630: {  	v15 =	vand.u32 $0xFFFF0000, v15;
	v58 =	vld [tilespmem:$0x1FEE0];
	v13 =	vmax.bf16 v13, v2;
	v14 =	vadd.bf16 v14, v60  }
0x631: {  	v13 =	vmul.bf16 v13, v19;
	v11 =	vadd.f32 v15, v11;
	v15 =	vadd.bf16 v16, v63;
	v63 =	vld.idx.msk [tilespmem:v33+s28+$0x0], $0xffff  }
0x632: {  	v10 =	vadd.f32 v21, v10;
	v25 =	vld.idx.msk [tilespmem:v22+s25+$0x0], $0xffff  }
0x633: {  	v24 =	vor.u32 v47, v17;
	v60 =	vld.idx.msk [tilespmem:v22+s28+$0x0], $0xffff;
	v14 =	vmax.bf16 v14, v2;
	v23 =	vshll.u32 v13, $0x10  }
0x634: {  	v14 =	vmul.bf16 v14, v19;
	v10 =	vadd.f32 v23, v10  }
0x635: {  	v13 =	vand.u32 $0xFFFF0000, v13;
	v15 =	vmax.bf16 v15, v2  }
0x636: {  	v33 =	vld.idx.msk [tilespmem:v20+s25+$0x0], $0xffff;
	v15 =	vmul.bf16 v15, v19;
	v26 =	vshll.u32 v14, $0x10;
	v10 =	vadd.f32 v13, v10  }
0x637: {  	v20 =	vld.idx.msk [tilespmem:v20+s28+$0x0], $0xffff;
	v23 =	vor.u32 v58, v17;
	v16 =	vadd.bf16 v63, v61;
	v9 =	vadd.f32 v26, v9  }
0x638: {  	v13 =	vand.u32 $0xFFFF0000, v14;
	v14 =	vld.idx.msk [tilespmem:v24+s25+$0x0], $0xffff;
	v21 =	vadd.bf16 v60, v25;
	v25 =	vshll.u32 v15, $0x10  }
0x639: {  	s5 =	sshll.u32 s12, $0x4;
	v63 =	vld [tilespmem:$0x1FF00];
	v9 =	vadd.f32 v13, v9;
	v13 =	vand.u32 $0xFFFF0000, v15;
	v15 =	vmax.bf16 v16, v2  }
0x63a: {  	s5 =	sand.u32 $0x3FFFFFF0, s5;
	v60 =	vld.idx.msk [tilespmem:v24+s28+$0x0], $0xffff;
	v21 =	vmax.bf16 v21, v2;
	v15 =	vmul.bf16 v15, v19  }
0x63b: {  	v24 =	vld [tilespmem:s5+$0xD000];
	v8 =	vadd.f32 v25, v8;
	v25 =	vor.u32 v49, v17;
	v21 =	vmul.bf16 v21, v19  }
0x63c: {  	v16 =	vld.idx.msk [tilespmem:v23+s25+$0x0], $0xffff;
	v61 =	vshll.u32 v15, $0x10  }
0x63d: {  	v23 =	vld.idx.msk [tilespmem:v23+s28+$0x0], $0xffff;
	v8 =	vadd.f32 v13, v8;
	v13 =	vshll.u32 v21, $0x10;
	v6 =	vadd.f32 v61, v6  }
0x63e: {  	v61 =	vld [tilespmem:$0x1FF20];
	v7 =	vadd.f32 v13, v7;
	v13 =	vadd.bf16 v20, v33  }
0x63f: {  	v14 =	vadd.bf16 v60, v14;
	v20 =	vor.u32 v63, v17  }
0x640: {  	v33 =	vld.idx.msk [tilespmem:v25+s25+$0x0], $0xffff;
	v13 =	vmax.bf16 v13, v2  }
0x641: {  	v60 =	vor.u32 v51, v17;
	v58 =	vld.idx.msk [tilespmem:v25+s28+$0x0], $0xffff;
	v14 =	vmax.bf16 v14, v2;
	v13 =	vmul.bf16 v13, v19  }
0x642: {  	v15 =	vand.u32 $0xFFFF0000, v15;
	v16 =	vadd.bf16 v23, v16;
	v14 =	vmul.bf16 v14, v24  }
0x643: {  	v6 =	vadd.f32 v15, v6;
	v22 =	vor.u32 v61, v17;
	v15 =	vshll.u32 v13, $0x10  }
0x644: {  	v16 =	vmax.bf16 v16, v2;
	v23 =	vld.idx.msk [tilespmem:v20+s25+$0x0], $0xffff;
	v5 =	vadd.f32 v15, v5;
	v15 =	vshll.u32 v14, $0x10  }
0x645: {  	v13 =	vand.u32 $0xFFFF0000, v13;
	v63 =	vld.idx.msk [tilespmem:v20+s28+$0x0], $0xffff;
	v12 =	vadd.f32 v15, v12;
	v15 =	vmul.bf16 v16, v24  }
0x646: {  	s26 =	sor.u32 $0xF, s26;
	v18 =	vld.idx.msk [tilespmem:v60+s25+$0x0], $0xffff;
	v5 =	vadd.f32 v13, v5;
	v13 =	vand.u32 $0xFFFF0000, v14;
	v14 =	vadd.bf16 v58, v33  }
0x647: {  	v25 =	vmov s26;
	v60 =	vld.idx.msk [tilespmem:v60+s28+$0x0], $0xffff;
	v33 =	vor.u32 v53, v17  }
0x648: {  	v12 =	vadd.f32 v13, v12;
	v13 =	vshll.u32 v15, $0x10;
	v58 =	vld.idx.msk [tilespmem:v22+s25+$0x0], $0xffff;
	v14 =	vmax.bf16 v14, v2  }
0x649: {  	v61 =	vshrl.u32 v25, $0x3;
	v11 =	vadd.f32 v13, v11;
	v13 =	vmul.bf16 v14, v24;
	v14 =	vld.idx.msk [tilespmem:v22+s28+$0x0], $0xffff  }
0x64a: {  	v15 =	vand.u32 $0xFFFF0000, v15;
	v16 =	vadd.bf16 v63, v23;
	v22 =	vshll.u32 v61, v1  }
0x64b: {  	v63 =	vld [tilespmem:$0x1FF40];
	v11 =	vadd.f32 v15, v11;
	v22 =	vbroadcast v22, $0x0;
	v15 =	vshll.u32 v13, $0x10  }
0x64c: {  	v10 =	vadd.f32 v15, v10;
	v15 =	vmax.bf16 v16, v2;
	v16 =	vld.idx.msk [tilespmem:v33+s25+$0x0], $0xffff  }
0x64d: {  	v18 =	vadd.bf16 v60, v18;
	v13 =	vand.u32 $0xFFFF0000, v13;
	v33 =	vld.idx.msk [tilespmem:v33+s28+$0x0], $0xffff;
	v60 =	vor.u32 v55, v22  }
0x64e: {  	v4 =	vld [tilespmem:$0x1FF80];
	v15 =	vmul.bf16 v15, v24;
	v10 =	vadd.f32 v13, v10;
	v13 =	vadd.bf16 v14, v58  }
0x64f: {  	v3 =	vld [tilespmem:$0x1FC30];
	s5 =	sshll.u32 s26, $0x4;
	v21 =	vand.u32 $0xFFFF0000, v21;
	v18 =	vmax.bf16 v18, v2;
	v25 =	vor.u32 v57, v22  }
0x650: {  	s5 =	sand.u32 $0x3FFFFFF0, s5;
	v17 =	vor.u32 v63, v17;
	v63 =	vld [tilespmem:$0x1FF60];
	v14 =	vshll.u32 v15, $0x10;
	v13 =	vmax.bf16 v13, v2  }
0x651: {  	v9 =	vadd.f32 v14, v9;
	v14 =	vmul.bf16 v18, v24;
	v18 =	vld [tilespmem:s5+$0xD000];
	v13 =	vmul.bf16 v13, v24  }
0x652: {  	v7 =	vadd.f32 v21, v7;
	v16 =	vadd.bf16 v33, v16;
	v33 =	vld.idx.msk [tilespmem:v60+s25+$0x0], $0xffff  }
0x653: {  	v20 =	vld.idx.msk [tilespmem:v60+s28+$0x0], $0xffff;
	v26 =	vshll.u32 v13, $0x10  }
0x654: {  	v7 =	vadd.f32 v26, v7;
	v26 =	vor.u32 v3, v22;
	v3 =	vld [tilespmem:$0x1FC00]  }
0x655: {  	v27 =	vor.u32 v4, v22;
	v60 =	vld.idx.msk [tilespmem:v25+s28+$0x0], $0xffff  }
0x656: {  	v61 =	vld.idx.msk [tilespmem:v17+s25+$0x0], $0xffff;
	v23 =	vor.u32 v63, v22  }
0x657: {  	v17 =	vld.idx.msk [tilespmem:v17+s28+$0x0], $0xffff;
	v13 =	vand.u32 $0xFFFF0000, v13  }
0x658: {  	v7 =	vadd.f32 v13, v7;
	v13 =	vld.idx.msk [tilespmem:v25+s25+$0x0], $0xffff  }
0x659: {  	v25 =	vor.u32 v3, v22;
	v3 =	vld [tilespmem:$0x1FC10]  }
0x65a: {  	v15 =	vand.u32 $0xFFFF0000, v15;
	v63 =	vld.idx.msk [tilespmem:v27+s28+$0x0], $0xffff  }
0x65b: {  	v9 =	vadd.f32 v15, v9;
	v15 =	vshll.u32 v14, $0x10;
	v58 =	vld.idx.msk [tilespmem:v23+s25+$0x0], $0xffff  }
0x65c: {  	v8 =	vadd.f32 v15, v8;
	v15 =	vmax.bf16 v16, v2;
	v23 =	vld.idx.msk [tilespmem:v23+s28+$0x0], $0xffff  }
0x65d: {  	v15 =	vmul.bf16 v15, v24;
	v17 =	vadd.bf16 v17, v61;
	v61 =	vld.idx.msk [tilespmem:v27+s25+$0x0], $0xffff  }
0x65e: {  	v14 =	vand.u32 $0xFFFF0000, v14;
	v27 =	vor.u32 v3, v22;
	v3 =	vld [tilespmem:$0x1FC20]  }
0x65f: {  	v8 =	vadd.f32 v14, v8;
	v14 =	vshll.u32 v15, $0x10  }
0x660: {  	v6 =	vadd.f32 v14, v6;
	v14 =	vadd.bf16 v20, v33  }
0x661: {  	v15 =	vand.u32 $0xFFFF0000, v15;
	v17 =	vmax.bf16 v17, v2  }
0x662: {  	v6 =	vadd.f32 v15, v6;
	v14 =	vmax.bf16 v14, v2;
	v33 =	vld.idx.msk [tilespmem:v26+s25+$0x0], $0xffff;
	v15 =	vmul.bf16 v17, v24  }
0x663: {  	v14 =	vmul.bf16 v14, v18;
	v16 =	vadd.bf16 v23, v58;
	v58 =	vld.idx.msk [tilespmem:v26+s28+$0x0], $0xffff;
	v22 =	vor.u32 v3, v22  }
0x664: {  	v13 =	vadd.bf16 v60, v13;
	v24 =	vshll.u32 v15, $0x10;
	v15 =	vand.u32 $0xFFFF0000, v15;
	v60 =	vld.idx.msk [tilespmem:v25+s25+$0x0], $0xffff  }
0x665: {  	v5 =	vadd.f32 v24, v5;
	v24 =	vshll.u32 v14, $0x10;
	v16 =	vmax.bf16 v16, v2;
	v25 =	vld.idx.msk [tilespmem:v25+s28+$0x0], $0xffff  }
0x666: {  	v13 =	vmax.bf16 v13, v2;
	v12 =	vadd.f32 v24, v12;
	v16 =	vmul.bf16 v16, v18;
	v24 =	vld.idx.msk [tilespmem:v27+s25+$0x0], $0xffff  }
0x667: {  	v14 =	vand.u32 $0xFFFF0000, v14;
	v13 =	vmul.bf16 v13, v18;
	v5 =	vadd.f32 v15, v5;
	v15 =	vld.idx.msk [tilespmem:v27+s28+$0x0], $0xffff  }
0x668: {  	v19 =	vadd.bf16 v63, v61;
	v12 =	vadd.f32 v14, v12;
	v14 =	vshll.u32 v16, $0x10;
	v61 =	vld.idx.msk [tilespmem:v22+s25+$0x0], $0xffff  }
0x669: {  	v63 =	vshll.u32 v13, $0x10;
	v11 =	vadd.f32 v14, v11;
	v14 =	vadd.bf16 v58, v33;
	v22 =	vld.idx.msk [tilespmem:v22+s28+$0x0], $0xffff  }
0x66a: {  	v13 =	vand.u32 $0xFFFF0000, v13;
	v10 =	vadd.f32 v63, v10;
	v33 =	vmax.bf16 v19, v2  }
0x66b: {  	v16 =	vand.u32 $0xFFFF0000, v16;
	v17 =	vmul.bf16 v33, v18;
	v14 =	vmax.bf16 v14, v2  }
0x66c: {  	v10 =	vadd.f32 v13, v10;
	v13 =	vmul.bf16 v14, v18;
	v14 =	vadd.bf16 v25, v60  }
0x66d: {  	v11 =	vadd.f32 v16, v11;
	v58 =	vshll.u32 v17, $0x10;
	v17 =	vand.u32 $0xFFFF0000, v17  }
0x66e: {  	v14 =	vmax.bf16 v14, v2;
	v15 =	vadd.bf16 v15, v24;
	v60 =	vadd.bf16 v22, v61  }
0x66f: {  	v9 =	vadd.f32 v58, v9;
	v14 =	vmul.bf16 v14, v18;
	v61 =	vshll.u32 v13, $0x10  }
0x670: {  	v15 =	vmax.bf16 v15, v2;
	v8 =	vadd.f32 v61, v8;
	v16 =	vmax.bf16 v60, v2  }
0x671: {  	p3 =	por p2, p2;
	v35 =	vmovc v59;
	v15 =	vmul.bf16 v15, v18;
	v13 =	vand.u32 $0xFFFF0000, v13;
	v16 =	vmul.bf16 v16, v18  }
.Ltmp2:
0x672: {  	v37 =	vmovc v28;
	v39 =	vmovc v0;
	v9 =	vadd.f32 v17, v9;
	v8 =	vadd.f32 v13, v8;
	v13 =	vshll.u32 v14, $0x10;
	(pc) =	sbr.rel @p3 .LBB2_7-.Ltmp2, $4  }
0x673: {  	v41 =	vmovc v48;
	v45 =	vmovc v29;
	v7 =	vadd.f32 v13, v7;
	v13 =	vshll.u32 v15, $0x10;
	v63 =	vshll.u32 v16, $0x10  }
0x674: {  	v43 =	vmovc v50;
	v47 =	vmovc v30;
	v26 =	vld [tilespmem:$0x1FFE0];
	v6 =	vadd.f32 v13, v6;
	v13 =	vand.u32 $0xFFFF0000, v14;
	v5 =	vadd.f32 v63, v5  }
0x675: {  	v49 =	vmovc v31;
	v51 =	vmovc v52;
	v27 =	vld [tilespmem:$0x1FF90];
	v14 =	vand.u32 $0xFFFF0000, v16;
	v7 =	vadd.f32 v13, v7;
	v13 =	vand.u32 $0xFFFF0000, v15  }
0x676: {  	p2 =	por $0x0, $0x0;
	s26 =	simm.s32 $0x10;
	v53 =	vmovc v54;
	v55 =	vmovc v62;
	v57 =	vmov v56;
	v24 =	vld [tilespmem:$0x1FFD0];
	v6 =	vadd.f32 v13, v6;
	v5 =	vadd.f32 v14, v5  }
0x677: {  	v13 =	vld [tilespmem:s22+$0x2900]  }
0x678: {  	v12 =	vadd.f32 v12, v32;
	_ =	sdelay $0x1  }
0x679: {  	v12 =	vsub.f32 $0.0e+00, v12;
	_ =	sdelay $0x1  }
0x67a: {  	v12 =	vmul.f32 $1.442695020e+00, v12;
	(erf) = vrcp.f32 v13;
	_ =	sdelay $0x1  }
0x67b: {  	(erf) = vpow2.f32 v12;
	_ =	sdelay $0x5  }
0x67c: {  	v12 =	vsub.f32 $1.000000000e+00, v13  }
0x67d: {  	v13 =	vpop (erf)  }
0x67e: {  	v12 =	vmul.f32 v13, v12  }
0x67f: {  	v13 =	vpop (erf)  }
0x680: {  	v12 =	vmul.f32 v12, v13;
	v13 =	vld [tilespmem:s22+$0x2910]  }
0x681: {  	v11 =	vadd.f32 v11, v32  }
0x682: {  	v12 =	vadd.f32 $1.000000000e+00, v12  }
0x683: {  	v11 =	vsub.f32 $0.0e+00, v11  }
0x684: {  	(erf) = vrcp.f32 v12  }
0x685: {  	v11 =	vmul.f32 $1.442695020e+00, v11;
	(erf) = vrcp.f32 v13;
	_ =	sdelay $0x1  }
0x686: {  	(erf) = vpow2.f32 v11;
	_ =	sdelay $0x5  }
0x687: {  	v12 =	vsub.f32 $1.000000000e+00, v13;
	v11 =	vpop (erf)  }
0x688: {  	v13 =	vpop (erf)  }
0x689: {  	v12 =	vmul.f32 v13, v12  }
0x68a: {  	v13 =	vpop (erf)  }
0x68b: {  	v12 =	vmul.f32 v12, v13;
	v13 =	vld [tilespmem:s22+$0x2920]  }
0x68c: {  	v10 =	vadd.f32 v10, v32  }
0x68d: {  	v12 =	vadd.f32 $1.000000000e+00, v12  }
0x68e: {  	v10 =	vsub.f32 $0.0e+00, v10  }
0x68f: {  	(erf) = vrcp.f32 v12  }
0x690: {  	v10 =	vmul.f32 $1.442695020e+00, v10;
	(erf) = vrcp.f32 v13;
	_ =	sdelay $0x1  }
0x691: {  	(erf) = vpow2.f32 v10;
	_ =	sdelay $0x5  }
0x692: {  	v12 =	vsub.f32 $1.000000000e+00, v13;
	v10 =	vpop (erf)  }
0x693: {  	v13 =	vpop (erf)  }
0x694: {  	v12 =	vmul.f32 v13, v12  }
0x695: {  	v13 =	vpop (erf)  }
0x696: {  	v12 =	vmul.f32 v12, v13;
	v13 =	vld [tilespmem:s22+$0x2930]  }
0x697: {  	v9 =	vadd.f32 v9, v32  }
0x698: {  	v12 =	vadd.f32 $1.000000000e+00, v12  }
0x699: {  	v9 =	vsub.f32 $0.0e+00, v9  }
0x69a: {  	(erf) = vrcp.f32 v12  }
0x69b: {  	v9 =	vmul.f32 $1.442695020e+00, v9;
	(erf) = vrcp.f32 v13;
	_ =	sdelay $0x1  }
0x69c: {  	(erf) = vpow2.f32 v9;
	_ =	sdelay $0x5  }
0x69d: {  	v12 =	vsub.f32 $1.000000000e+00, v13;
	v9 =	vpop (erf)  }
0x69e: {  	v13 =	vpop (erf)  }
0x69f: {  	v12 =	vmul.f32 v13, v12  }
0x6a0: {  	v13 =	vpop (erf)  }
0x6a1: {  	v12 =	vmul.f32 v12, v13;
	v13 =	vld [tilespmem:s22+$0x2940]  }
0x6a2: {  	v8 =	vadd.f32 v8, v32  }
0x6a3: {  	v12 =	vadd.f32 $1.000000000e+00, v12  }
0x6a4: {  	v8 =	vsub.f32 $0.0e+00, v8  }
0x6a5: {  	(erf) = vrcp.f32 v12  }
0x6a6: {  	v8 =	vmul.f32 $1.442695020e+00, v8;
	(erf) = vrcp.f32 v13;
	_ =	sdelay $0x1  }
0x6a7: {  	(erf) = vpow2.f32 v8;
	_ =	sdelay $0x5  }
0x6a8: {  	v12 =	vsub.f32 $1.000000000e+00, v13;
	v8 =	vpop (erf)  }
0x6a9: {  	v13 =	vpop (erf)  }
0x6aa: {  	v12 =	vmul.f32 v13, v12  }
0x6ab: {  	v13 =	vpop (erf)  }
0x6ac: {  	v12 =	vmul.f32 v12, v13;
	v13 =	vld [tilespmem:s22+$0x2950]  }
0x6ad: {  	v7 =	vadd.f32 v7, v32  }
0x6ae: {  	v12 =	vadd.f32 $1.000000000e+00, v12  }
0x6af: {  	v7 =	vsub.f32 $0.0e+00, v7  }
0x6b0: {  	(erf) = vrcp.f32 v12  }
0x6b1: {  	v7 =	vmul.f32 $1.442695020e+00, v7;
	(erf) = vrcp.f32 v13;
	_ =	sdelay $0x1  }
0x6b2: {  	(erf) = vpow2.f32 v7;
	_ =	sdelay $0x5  }
0x6b3: {  	v12 =	vsub.f32 $1.000000000e+00, v13;
	v7 =	vpop (erf)  }
0x6b4: {  	v13 =	vpop (erf)  }
0x6b5: {  	v12 =	vmul.f32 v13, v12  }
0x6b6: {  	v13 =	vpop (erf)  }
0x6b7: {  	v12 =	vmul.f32 v12, v13;
	v13 =	vld [tilespmem:s22+$0x2960]  }
0x6b8: {  	v6 =	vadd.f32 v6, v32  }
0x6b9: {  	v12 =	vadd.f32 $1.000000000e+00, v12  }
0x6ba: {  	v6 =	vsub.f32 $0.0e+00, v6  }
0x6bb: {  	(erf) = vrcp.f32 v12  }
0x6bc: {  	v6 =	vmul.f32 $1.442695020e+00, v6;
	(erf) = vrcp.f32 v13;
	_ =	sdelay $0x1  }
0x6bd: {  	(erf) = vpow2.f32 v6;
	_ =	sdelay $0x5  }
0x6be: {  	v12 =	vsub.f32 $1.000000000e+00, v13;
	v6 =	vpop (erf)  }
0x6bf: {  	v13 =	vpop (erf)  }
0x6c0: {  	v12 =	vmul.f32 v13, v12  }
0x6c1: {  	v13 =	vpop (erf)  }
0x6c2: {  	v12 =	vmul.f32 v12, v13;
	v13 =	vld [tilespmem:s22+$0x2970]  }
0x6c3: {  	v5 =	vadd.f32 v5, v32  }
0x6c4: {  	v12 =	vadd.f32 $1.000000000e+00, v12  }
0x6c5: {  	v5 =	vsub.f32 $0.0e+00, v5  }
0x6c6: {  	(erf) = vrcp.f32 v12  }
0x6c7: {  	v5 =	vmul.f32 $1.442695020e+00, v5;
	(erf) = vrcp.f32 v13;
	_ =	sdelay $0x1  }
0x6c8: {  	(erf) = vpow2.f32 v5;
	_ =	sdelay $0x5  }
0x6c9: {  	v12 =	vsub.f32 $1.000000000e+00, v13;
	v5 =	vpop (erf)  }
0x6ca: {  	v13 =	vpop (erf)  }
0x6cb: {  	v12 =	vmul.f32 v13, v12  }
0x6cc: {  	v13 =	vpop (erf)  }
0x6cd: {  	v12 =	vmul.f32 v12, v13;
	_ =	sdelay $0x1  }
0x6ce: {  	v12 =	vadd.f32 $1.000000000e+00, v12;
	_ =	sdelay $0x1  }
0x6cf: {  	(erf) = vrcp.f32 v12;
	_ =	sdelay $0x2  }
0x6d0: {  	[tilespmem:s22+$0x3D00] =	vst v11  }
0x6d1: {  	[tilespmem:s22+$0x3D10] =	vst v10  }
0x6d2: {  	[tilespmem:s22+$0x3D20] =	vst v9  }
0x6d3: {  	[tilespmem:s22+$0x3D30] =	vst v8  }
0x6d4: {  	[tilespmem:s22+$0x3D40] =	vst v7  }
0x6d5: {  	[tilespmem:s22+$0x3D50] =	vst v6  }
0x6d6: {  	[tilespmem:s22+$0x3D60] =	vst v5;
	v5 =	vpop (erf)  }
0x6d7: {  	s5 =	sadd.s32 @!p1 $0x300, s22;
	s12 =	simm.s32 @!p1 $0x80;
	s26 =	simm.s32 @!p1 $0x9000;
	[tilespmem:s22+$0x3D70] =	vst v5  }
0x6d8: {  	[tilespmem:s26], [sflag:$0x4] =	stream.indirect.gather @!p1 [hbm4b:s3+s12], $0x20, s5, s12, $0xb8;
	[tilespmem:$0xD210] =	vst v63  }
0x6d9: {  	s5 =	sadd.s32 @!p1 $0x1700, s22;
	s26 =	simm.s32 @!p1 $0xA000  }
0x6da: {  	[tilespmem:s26], [sflag:$0x4] =	stream.indirect.gather @!p1 [hbm4b:s4+s12], $0x20, s5, s12, $0xb8;
	[tilespmem:$0xD210] =	vst v63  }
0x6db: {  	_ =	swait.ge [sflag:s13], $0x1000  }
0x6dc: {  	[sflag:s13] =	ssyncset.done $0x0  }
0x6dd: {  	[sflag:s13] =	ssyncadd.s32 $0xFFFFF000  }
0x6de: {  	_ =	swait.ge [sflag:s13], $0x1000  }
0x6df: {  	v11 =	vimm.f32 $0.0e+00;
	v10 =	vimm.f32 $0.0e+00;
	[sflag:s13] =	ssyncset.done $0x0  }
0x6e0: {  	v9 =	vimm.f32 $0.0e+00;
	v8 =	vimm.f32 $0.0e+00;
	v7 =	vimm.f32 $0.0e+00;
	[sflag:s13] =	ssyncadd.s32 $0xFFFFF000  }
0x6e1: {  	v60 =	vmovc v34;
	v6 =	vimm.f32 $0.0e+00;
	v12 =	vimm.f32 $0.0e+00;
	v5 =	vimm.f32 $0.0e+00;
	s26 =	simm.s32 $0x0;
	p1 =	por $0x1, $0x1;
	v32 =	vld [tilespmem:$0xD200]  }
.LBB2_9:
0x6e2: {  	v13 =	vmov s26  }
0x6e3: {  	v13 =	vshrl.u32 v13, $0x3  }
0x6e4: {  	v13 =	vshll.u32 v13, v1  }
0x6e5: {  	v13 =	vbroadcast v13, $0x0;
	_ =	sdelay $0x1  }
0x6e6: {  	v14 =	vor.u32 v60, v13;
	_ =	sdelay $0x1  }
0x6e7: {  	v18 =	vld [tilespmem:$0x1FFA0]  }
0x6e8: {  	v20 =	vld [tilespmem:$0x1FFB0];
	v15 =	vor.u32 v27, v13  }
0x6e9: {  	v21 =	vld [tilespmem:$0x1FFC0]  }
0x6ea: {  	s5 =	sshll.u32 s26, $0x4;
	v16 =	vld.idx.msk [tilespmem:v14+s29+$0x0], $0xffff  }
0x6eb: {  	s5 =	sand.u32 $0x3FFFFFF0, s5;
	v14 =	vld.idx.msk [tilespmem:v14+s30+$0x0], $0xffff  }
0x6ec: {  	v17 =	vld [tilespmem:s5+$0xD000]  }
0x6ed: {  	v18 =	vor.u32 v18, v13;
	v19 =	vld.idx.msk [tilespmem:v15+s29+$0x0], $0xffff  }
0x6ee: {  	v20 =	vor.u32 v20, v13;
	v15 =	vld.idx.msk [tilespmem:v15+s30+$0x0], $0xffff  }
0x6ef: {  	v3 =	vld [tilespmem:$0x1FFF0]  }
0x6f0: {  	v14 =	vadd.bf16 v14, v16;
	_ =	sdelay $0x1  }
0x6f1: {  	v21 =	vor.u32 v21, v13;
	v16 =	vld.idx.msk [tilespmem:v18+s29+$0x0], $0xffff;
	v14 =	vmax.bf16 v14, v2  }
0x6f2: {  	v15 =	vadd.bf16 v15, v19;
	v19 =	vld.idx.msk [tilespmem:v20+s29+$0x0], $0xffff;
	v14 =	vmul.bf16 v14, v17  }
0x6f3: {  	v23 =	vor.u32 v3, v13;
	v20 =	vld.idx.msk [tilespmem:v20+s30+$0x0], $0xffff  }
0x6f4: {  	v46 =	vmov v44;
	v44 =	vmov v42;
	v18 =	vld.idx.msk [tilespmem:v18+s30+$0x0], $0xffff;
	v22 =	vshll.u32 v14, $0x10  }
0x6f5: {  	v42 =	vmovc v40;
	v40 =	vmovc v38;
	v38 =	vmov v36;
	v36 =	vmov v60;
	v60 =	vld [tilespmem:$0x1FC50];
	v12 =	vadd.f32 v22, v12  }
0x6f6: {  	v14 =	vand.u32 $0xFFFF0000, v14;
	v22 =	vld.idx.msk [tilespmem:v21+s29+$0x0], $0xffff  }
0x6f7: {  	s12 =	sor.u32 $0x1, s26;
	v15 =	vmax.bf16 v15, v2;
	v12 =	vadd.f32 v14, v12;
	v14 =	vld.idx.msk [tilespmem:v21+s30+$0x0], $0xffff;
	v21 =	vor.u32 v24, v13  }
0x6f8: {  	v15 =	vmul.bf16 v15, v17;
	v19 =	vadd.bf16 v20, v19;
	v20 =	vld.idx.msk [tilespmem:v23+s29+$0x0], $0xffff;
	v24 =	vmov s12  }
0x6f9: {  	v16 =	vadd.bf16 v18, v16;
	v23 =	vld.idx.msk [tilespmem:v23+s30+$0x0], $0xffff;
	v13 =	vor.u32 v26, v13;
	v18 =	vshrl.u32 v24, $0x3  }
0x6fa: {  	v25 =	vshll.u32 v15, $0x10;
	v15 =	vand.u32 $0xFFFF0000, v15;
	v18 =	vshll.u32 v18, v1  }
0x6fb: {  	v4 =	vld [tilespmem:$0x1FC60];
	v11 =	vadd.f32 v25, v11;
	v16 =	vmax.bf16 v16, v2;
	v18 =	vbroadcast v18, $0x0  }
0x6fc: {  	v19 =	vmax.bf16 v19, v2;
	v16 =	vmul.bf16 v16, v17;
	v14 =	vadd.bf16 v14, v22;
	v22 =	vld.idx.msk [tilespmem:v21+s29+$0x0], $0xffff  }
0x6fd: {  	v19 =	vmul.bf16 v19, v17;
	v11 =	vadd.f32 v15, v11;
	v24 =	vor.u32 v60, v18;
	v21 =	vld.idx.msk [tilespmem:v21+s30+$0x0], $0xffff  }
0x6fe: {  	v15 =	vshll.u32 v16, $0x10;
	v16 =	vand.u32 $0xFFFF0000, v16;
	v20 =	vadd.bf16 v23, v20;
	v25 =	vld.idx.msk [tilespmem:v13+s29+$0x0], $0xffff  }
0x6ff: {  	v10 =	vadd.f32 v15, v10;
	v15 =	vshll.u32 v19, $0x10;
	v13 =	vld.idx.msk [tilespmem:v13+s30+$0x0], $0xffff;
	v14 =	vmax.bf16 v14, v2  }
0x700: {  	v9 =	vadd.f32 v15, v9;
	v23 =	vor.u32 v4, v18;
	v14 =	vmul.bf16 v14, v17  }
0x701: {  	v15 =	vand.u32 $0xFFFF0000, v19;
	v19 =	vmax.bf16 v20, v2;
	v10 =	vadd.f32 v16, v10  }
0x702: {  	s5 =	sshll.u32 s12, $0x4;
	v9 =	vadd.f32 v15, v9;
	v15 =	vmul.bf16 v19, v17;
	v16 =	vshll.u32 v14, $0x10;
	v20 =	vld.idx.msk [tilespmem:v24+s29+$0x0], $0xffff  }
0x703: {  	s5 =	sand.u32 $0x3FFFFFF0, s5;
	v19 =	vadd.bf16 v21, v22;
	v22 =	vor.u32 v35, v18;
	v8 =	vadd.f32 v16, v8;
	v16 =	vld.idx.msk [tilespmem:v24+s30+$0x0], $0xffff  }
0x704: {  	v14 =	vand.u32 $0xFFFF0000, v14;
	v21 =	vld [tilespmem:s5+$0xD000];
	v13 =	vadd.bf16 v13, v25;
	v25 =	vor.u32 v37, v18  }
0x705: {  	v24 =	vld.idx.msk [tilespmem:v23+s29+$0x0], $0xffff;
	v19 =	vmax.bf16 v19, v2;
	v8 =	vadd.f32 v14, v8;
	v14 =	vshll.u32 v15, $0x10  }
0x706: {  	v23 =	vld.idx.msk [tilespmem:v23+s30+$0x0], $0xffff;
	v13 =	vmax.bf16 v13, v2;
	v7 =	vadd.f32 v14, v7;
	v14 =	vmul.bf16 v19, v17  }
0x707: {  	v15 =	vand.u32 $0xFFFF0000, v15;
	v13 =	vmul.bf16 v13, v17;
	v17 =	vor.u32 v39, v18  }
0x708: {  	v19 =	vld.idx.msk [tilespmem:v22+s29+$0x0], $0xffff;
	v16 =	vadd.bf16 v16, v20;
	v7 =	vadd.f32 v15, v7;
	v15 =	vshll.u32 v14, $0x10  }
0x709: {  	v20 =	vld.idx.msk [tilespmem:v22+s30+$0x0], $0xffff;
	v6 =	vadd.f32 v15, v6;
	v15 =	vshll.u32 v13, $0x10  }
0x70a: {  	v14 =	vand.u32 $0xFFFF0000, v14;
	v22 =	vld.idx.msk [tilespmem:v25+s29+$0x0], $0xffff;
	v16 =	vmax.bf16 v16, v2;
	v5 =	vadd.f32 v15, v5  }
0x70b: {  	v15 =	vmul.bf16 v16, v21;
	v16 =	vadd.bf16 v23, v24;
	v6 =	vadd.f32 v14, v6;
	v14 =	vld.idx.msk [tilespmem:v25+s30+$0x0], $0xffff  }
0x70c: {  	s12 =	sor.u32 $0x2, s26;
	v13 =	vand.u32 $0xFFFF0000, v13;
	v23 =	vor.u32 v38, v18;
	v24 =	vld.idx.msk [tilespmem:v17+s29+$0x0], $0xffff  }
0x70d: {  	v17 =	vld.idx.msk [tilespmem:v17+s30+$0x0], $0xffff;
	v25 =	vmov s12;
	v5 =	vadd.f32 v13, v5;
	v16 =	vmax.bf16 v16, v2  }
0x70e: {  	v25 =	vshrl.u32 v25, $0x3;
	v19 =	vadd.bf16 v20, v19;
	v16 =	vmul.bf16 v16, v21  }
0x70f: {  	v13 =	vshll.u32 v15, $0x10;
	v15 =	vand.u32 $0xFFFF0000, v15;
	v20 =	vor.u32 v40, v18  }
0x710: {  	v12 =	vadd.f32 v13, v12;
	v19 =	vmax.bf16 v19, v2;
	v13 =	vshll.u32 v16, $0x10  }
0x711: {  	v25 =	vshll.u32 v25, v1;
	v11 =	vadd.f32 v13, v11;
	v13 =	vmul.bf16 v19, v21  }
0x712: {  	v18 =	vor.u32 v42, v18;
	v25 =	vbroadcast v25, $0x0;
	v26 =	vld.idx.msk [tilespmem:v23+s29+$0x0], $0xffff;
	v17 =	vadd.bf16 v17, v24  }
0x713: {  	v16 =	vand.u32 $0xFFFF0000, v16;
	v12 =	vadd.f32 v15, v12;
	v19 =	vld.idx.msk [tilespmem:v23+s30+$0x0], $0xffff;
	v15 =	vshll.u32 v13, $0x10  }
0x714: {  	v11 =	vadd.f32 v16, v11;
	v16 =	vld.idx.msk [tilespmem:v20+s29+$0x0], $0xffff;
	v10 =	vadd.f32 v15, v10;
	v15 =	vmax.bf16 v17, v2  }
0x715: {  	v14 =	vadd.bf16 v14, v22;
	v17 =	vld.idx.msk [tilespmem:v20+s30+$0x0], $0xffff;
	v15 =	vmul.bf16 v15, v21  }
0x716: {  	v22 =	vor.u32 v44, v25  }
0x717: {  	v14 =	vmax.bf16 v14, v2;
	v23 =	vshll.u32 v15, $0x10  }
0x718: {  	v13 =	vand.u32 $0xFFFF0000, v13;
	v14 =	vmul.bf16 v14, v21;
	v20 =	vld.idx.msk [tilespmem:v18+s29+$0x0], $0xffff;
	v8 =	vadd.f32 v23, v8  }
0x719: {  	v18 =	vld.idx.msk [tilespmem:v18+s30+$0x0], $0xffff;
	v10 =	vadd.f32 v13, v10;
	v13 =	vadd.bf16 v19, v26;
	v15 =	vand.u32 $0xFFFF0000, v15  }
0x71a: {  	v8 =	vadd.f32 v15, v8;
	v15 =	vadd.bf16 v17, v16;
	v17 =	vld [tilespmem:$0x1FCF0]  }
0x71b: {  	v24 =	vld.idx.msk [tilespmem:v22+s29+$0x0], $0xffff;
	v19 =	vshll.u32 v14, $0x10  }
0x71c: {  	v9 =	vadd.f32 v19, v9;
	v19 =	vld.idx.msk [tilespmem:v22+s30+$0x0], $0xffff;
	v13 =	vmax.bf16 v13, v2  }
0x71d: {  	s5 =	sshll.u32 s12, $0x4;
	v22 =	vor.u32 v46, v25;
	v13 =	vmul.bf16 v13, v21  }
0x71e: {  	s5 =	sand.u32 $0x3FFFFFF0, s5;
	v14 =	vand.u32 $0xFFFF0000, v14  }
0x71f: {  	v9 =	vadd.f32 v14, v9;
	v16 =	vld [tilespmem:s5+$0xD000];
	v14 =	vshll.u32 v13, $0x10;
	v17 =	vor.u32 v17, v25  }
0x720: {  	v26 =	vor.u32 v45, v25;
	v7 =	vadd.f32 v14, v7;
	v14 =	vadd.bf16 v18, v20  }
0x721: {  	v15 =	vmax.bf16 v15, v2;
	v18 =	vadd.bf16 v19, v24;
	v19 =	vor.u32 v41, v25  }
0x722: {  	v13 =	vand.u32 $0xFFFF0000, v13;
	v20 =	vld.idx.msk [tilespmem:v22+s29+$0x0], $0xffff;
	v15 =	vmul.bf16 v15, v21;
	v14 =	vmax.bf16 v14, v2  }
0x723: {  	v7 =	vadd.f32 v13, v7;
	v13 =	vmul.bf16 v14, v21;
	v14 =	vmax.bf16 v18, v2;
	v18 =	vld.idx.msk [tilespmem:v22+s30+$0x0], $0xffff  }
0x724: {  	v23 =	vor.u32 v43, v25;
	v21 =	vshll.u32 v15, $0x10;
	v14 =	vmul.bf16 v14, v16;
	v22 =	vld.idx.msk [tilespmem:v17+s29+$0x0], $0xffff  }
0x725: {  	v15 =	vand.u32 $0xFFFF0000, v15;
	v6 =	vadd.f32 v21, v6;
	v21 =	vshll.u32 v13, $0x10;
	v17 =	vld.idx.msk [tilespmem:v17+s30+$0x0], $0xffff  }
0x726: {  	s12 =	sor.u32 $0x3, s26;
	v24 =	vld.idx.msk [tilespmem:v19+s29+$0x0], $0xffff;
	v13 =	vand.u32 $0xFFFF0000, v13;
	v5 =	vadd.f32 v21, v5;
	v21 =	vshll.u32 v14, $0x10  }
0x727: {  	v6 =	vadd.f32 v15, v6;
	v15 =	vld.idx.msk [tilespmem:v19+s30+$0x0], $0xffff;
	v19 =	vmov s12;
	v12 =	vadd.f32 v21, v12  }
0x728: {  	v5 =	vadd.f32 v13, v5;
	v13 =	vand.u32 $0xFFFF0000, v14;
	v14 =	vadd.bf16 v18, v20  }
0x729: {  	v19 =	vshrl.u32 v19, $0x3;
	v18 =	vor.u32 v47, v25;
	v20 =	vld.idx.msk [tilespmem:v23+s30+$0x0], $0xffff  }
0x72a: {  	v12 =	vadd.f32 v13, v12;
	v13 =	vld.idx.msk [tilespmem:v23+s29+$0x0], $0xffff;
	v14 =	vmax.bf16 v14, v2;
	v17 =	vadd.bf16 v17, v22  }
0x72b: {  	v21 =	vld.idx.msk [tilespmem:v26+s29+$0x0], $0xffff;
	v19 =	vshll.u32 v19, v1;
	v14 =	vmul.bf16 v14, v16;
	v22 =	vor.u32 v49, v25  }
0x72c: {  	v23 =	vld.idx.msk [tilespmem:v26+s30+$0x0], $0xffff;
	v19 =	vbroadcast v19, $0x0;
	v15 =	vadd.bf16 v15, v24;
	v17 =	vmax.bf16 v17, v2  }
0x72d: {  	v63 =	vld [tilespmem:$0x1FD90];
	v24 =	vshll.u32 v14, $0x10;
	v14 =	vand.u32 $0xFFFF0000, v14;
	v17 =	vmul.bf16 v17, v16  }
0x72e: {  	v15 =	vmax.bf16 v15, v2;
	v25 =	vor.u32 v51, v19;
	v11 =	vadd.f32 v24, v11;
	v24 =	vld.idx.msk [tilespmem:v18+s29+$0x0], $0xffff  }
0x72f: {  	v15 =	vmul.bf16 v15, v16;
	v13 =	vadd.bf16 v20, v13;
	v18 =	vld.idx.msk [tilespmem:v18+s30+$0x0], $0xffff;
	v26 =	vshll.u32 v17, $0x10  }
0x730: {  	v11 =	vadd.f32 v14, v11;
	v14 =	vand.u32 $0xFFFF0000, v17;
	v17 =	vld.idx.msk [tilespmem:v22+s29+$0x0], $0xffff;
	v10 =	vadd.f32 v26, v10  }
0x731: {  	v21 =	vadd.bf16 v23, v21;
	v20 =	vshll.u32 v15, $0x10;
	v13 =	vmax.bf16 v13, v2;
	v22 =	vld.idx.msk [tilespmem:v22+s30+$0x0], $0xffff  }
0x732: {  	v58 =	vld [tilespmem:$0x1FDB0];
	v9 =	vadd.f32 v20, v9;
	v13 =	vmul.bf16 v13, v16;
	v10 =	vadd.f32 v14, v10  }
0x733: {  	v20 =	vld.idx.msk [tilespmem:v25+s29+$0x0], $0xffff;
	v14 =	vand.u32 $0xFFFF0000, v15;
	v15 =	vmax.bf16 v21, v2;
	v21 =	vor.u32 v53, v19  }
0x734: {  	v23 =	vld.idx.msk [tilespmem:v25+s30+$0x0], $0xffff;
	v9 =	vadd.f32 v14, v9;
	v14 =	vshll.u32 v13, $0x10;
	v15 =	vmul.bf16 v15, v16  }
0x735: {  	v3 =	vld [tilespmem:$0x1FDC0];
	s5 =	sshll.u32 s12, $0x4;
	v8 =	vadd.f32 v14, v8;
	v14 =	vadd.bf16 v18, v24;
	v18 =	vor.u32 v55, v19  }
0x736: {  	v4 =	vld [tilespmem:$0x1FDA0];
	s5 =	sand.u32 $0x3FFFFFF0, s5;
	v13 =	vand.u32 $0xFFFF0000, v13;
	v17 =	vadd.bf16 v22, v17;
	v24 =	vshll.u32 v15, $0x10  }
0x737: {  	v8 =	vadd.f32 v13, v8;
	v7 =	vadd.f32 v24, v7;
	v13 =	vmax.bf16 v14, v2;
	v14 =	vld [tilespmem:s5+$0xD000]  }
0x738: {  	v17 =	vmax.bf16 v17, v2;
	v24 =	vor.u32 v57, v19;
	v13 =	vmul.bf16 v13, v16;
	v22 =	vld.idx.msk [tilespmem:v21+s29+$0x0], $0xffff  }
0x739: {  	v15 =	vand.u32 $0xFFFF0000, v15;
	v16 =	vmul.bf16 v17, v16;
	v17 =	vadd.bf16 v23, v20;
	v20 =	vld.idx.msk [tilespmem:v21+s30+$0x0], $0xffff  }
0x73a: {  	v23 =	vor.u32 v63, v19;
	v7 =	vadd.f32 v15, v7;
	v15 =	vshll.u32 v13, $0x10;
	v21 =	vld.idx.msk [tilespmem:v18+s29+$0x0], $0xffff  }
0x73b: {  	v25 =	vor.u32 v58, v19;
	v18 =	vld.idx.msk [tilespmem:v18+s30+$0x0], $0xffff;
	v6 =	vadd.f32 v15, v6;
	v15 =	vshll.u32 v16, $0x10  }
0x73c: {  	v33 =	vld [tilespmem:$0x1FDD0];
	v17 =	vmax.bf16 v17, v2;
	v13 =	vand.u32 $0xFFFF0000, v13;
	v5 =	vadd.f32 v15, v5  }
0x73d: {  	s12 =	sor.u32 $0x4, s26;
	v15 =	vmul.bf16 v17, v14;
	v6 =	vadd.f32 v13, v6;
	v13 =	vand.u32 $0xFFFF0000, v16;
	v16 =	vld.idx.msk [tilespmem:v24+s29+$0x0], $0xffff  }
0x73e: {  	v26 =	vmov s12;
	v17 =	vor.u32 v4, v19;
	v20 =	vadd.bf16 v20, v22;
	v22 =	vld.idx.msk [tilespmem:v24+s30+$0x0], $0xffff  }
0x73f: {  	v19 =	vor.u32 v3, v19;
	v24 =	vld.idx.msk [tilespmem:v23+s29+$0x0], $0xffff;
	v5 =	vadd.f32 v13, v5;
	v13 =	vshll.u32 v15, $0x10  }
0x740: {  	v20 =	vmax.bf16 v20, v2;
	v18 =	vadd.bf16 v18, v21;
	v21 =	vld.idx.msk [tilespmem:v23+s30+$0x0], $0xffff;
	v23 =	vshrl.u32 v26, $0x3  }
0x741: {  	v61 =	vld [tilespmem:$0x1FE00];
	v12 =	vadd.f32 v13, v12;
	v13 =	vmul.bf16 v20, v14;
	v20 =	vshll.u32 v23, v1  }
0x742: {  	v3 =	vld [tilespmem:$0x1FDE0];
	v15 =	vand.u32 $0xFFFF0000, v15;
	v18 =	vmax.bf16 v18, v2;
	v20 =	vbroadcast v20, $0x0  }
0x743: {  	v23 =	vld.idx.msk [tilespmem:v17+s29+$0x0], $0xffff;
	v12 =	vadd.f32 v15, v12;
	v15 =	vshll.u32 v13, $0x10;
	v18 =	vmul.bf16 v18, v14  }
0x744: {  	v17 =	vld.idx.msk [tilespmem:v17+s30+$0x0], $0xffff;
	v13 =	vand.u32 $0xFFFF0000, v13;
	v11 =	vadd.f32 v15, v11;
	v15 =	vadd.bf16 v22, v16  }
0x745: {  	v16 =	vld.idx.msk [tilespmem:v25+s29+$0x0], $0xffff;
	v22 =	vor.u32 v33, v20;
	v26 =	vshll.u32 v18, $0x10;
	v21 =	vadd.bf16 v21, v24  }
0x746: {  	v24 =	vld.idx.msk [tilespmem:v25+s30+$0x0], $0xffff;
	v11 =	vadd.f32 v13, v11;
	v10 =	vadd.f32 v26, v10  }
0x747: {  	v13 =	vmax.bf16 v15, v2;
	v15 =	vand.u32 $0xFFFF0000, v18;
	v18 =	vmax.bf16 v21, v2;
	v21 =	vld.idx.msk [tilespmem:v19+s29+$0x0], $0xffff  }
0x748: {  	v13 =	vmul.bf16 v13, v14;
	v10 =	vadd.f32 v15, v10;
	v15 =	vmul.bf16 v18, v14;
	v18 =	vld.idx.msk [tilespmem:v19+s30+$0x0], $0xffff  }
0x749: {  	v17 =	vadd.bf16 v17, v23;
	v19 =	vor.u32 v3, v20;
	v3 =	vld [tilespmem:$0x1FDF0]  }
0x74a: {  	v25 =	vshll.u32 v13, $0x10;
	v23 =	vld.idx.msk [tilespmem:v22+s29+$0x0], $0xffff  }
0x74b: {  	v13 =	vand.u32 $0xFFFF0000, v13;
	v22 =	vld.idx.msk [tilespmem:v22+s30+$0x0], $0xffff;
	v17 =	vmax.bf16 v17, v2;
	v16 =	vadd.bf16 v24, v16  }
0x74c: {  	s5 =	sshll.u32 s12, $0x4;
	v9 =	vadd.f32 v25, v9;
	v25 =	vshll.u32 v15, $0x10;
	v15 =	vand.u32 $0xFFFF0000, v15  }
0x74d: {  	v35 =	vld [tilespmem:$0x1FE10];
	s5 =	sand.u32 $0x3FFFFFF0, s5;
	v17 =	vmul.bf16 v17, v14;
	v8 =	vadd.f32 v25, v8;
	v16 =	vmax.bf16 v16, v2  }
0x74e: {  	v24 =	vld [tilespmem:s5+$0xD000];
	v9 =	vadd.f32 v13, v9;
	v25 =	vor.u32 v3, v20;
	v13 =	vmul.bf16 v16, v14  }
0x74f: {  	v8 =	vadd.f32 v15, v8;
	v15 =	vld.idx.msk [tilespmem:v19+s29+$0x0], $0xffff;
	v16 =	vshll.u32 v17, $0x10;
	v18 =	vadd.bf16 v18, v21  }
0x750: {  	v19 =	vld.idx.msk [tilespmem:v19+s30+$0x0], $0xffff;
	v21 =	vor.u32 v61, v20;
	v22 =	vadd.bf16 v22, v23;
	v26 =	vshll.u32 v13, $0x10  }
0x751: {  	v37 =	vld [tilespmem:$0x1FE30];
	v7 =	vadd.f32 v16, v7;
	v16 =	vmax.bf16 v18, v2;
	v6 =	vadd.f32 v26, v6  }
0x752: {  	v23 =	vld [tilespmem:$0x1FE20];
	v14 =	vmul.bf16 v16, v14;
	v16 =	vmax.bf16 v22, v2;
	v22 =	vor.u32 v35, v20  }
0x753: {  	v17 =	vand.u32 $0xFFFF0000, v17;
	v13 =	vand.u32 $0xFFFF0000, v13;
	v16 =	vmul.bf16 v16, v24;
	v18 =	vld.idx.msk [tilespmem:v25+s29+$0x0], $0xffff  }
0x754: {  	v7 =	vadd.f32 v17, v7;
	v17 =	vld.idx.msk [tilespmem:v25+s30+$0x0], $0xffff;
	v6 =	vadd.f32 v13, v6;
	v13 =	vshll.u32 v14, $0x10  }
0x755: {  	v15 =	vadd.bf16 v19, v15;
	v19 =	vld.idx.msk [tilespmem:v21+s29+$0x0], $0xffff;
	v5 =	vadd.f32 v13, v5;
	v13 =	vshll.u32 v16, $0x10  }
0x756: {  	v21 =	vld.idx.msk [tilespmem:v21+s30+$0x0], $0xffff;
	v14 =	vand.u32 $0xFFFF0000, v14;
	v12 =	vadd.f32 v13, v12  }
0x757: {  	s12 =	sor.u32 $0x5, s26;
	v13 =	vmax.bf16 v15, v2;
	v5 =	vadd.f32 v14, v5;
	v14 =	vand.u32 $0xFFFF0000, v16;
	v15 =	vld.idx.msk [tilespmem:v22+s29+$0x0], $0xffff  }
0x758: {  	v23 =	vor.u32 v23, v20;
	v12 =	vadd.f32 v14, v12;
	v14 =	vld.idx.msk [tilespmem:v22+s30+$0x0], $0xffff;
	v22 =	vmov s12  }
0x759: {  	v17 =	vadd.bf16 v17, v18;
	v18 =	vshrl.u32 v22, $0x3;
	v22 =	vld [tilespmem:$0x1FE40];
	_ =	sdelay $0x3  }
0x75a: {  	v19 =	vadd.bf16 v21, v19;
	v21 =	vld.idx.msk [tilespmem:v23+s29+$0x0], $0xffff  }
0x75b: {  	v13 =	vmul.bf16 v13, v24;
	v16 =	vor.u32 v37, v20;
	v20 =	vor.u32 v22, v20;
	v22 =	vld.idx.msk [tilespmem:v23+s30+$0x0], $0xffff  }
0x75c: {  	v39 =	vld [tilespmem:$0x1FE50]  }
0x75d: {  	v25 =	vshll.u32 v13, $0x10  }
0x75e: {  	v18 =	vshll.u32 v18, v1;
	v11 =	vadd.f32 v25, v11  }
0x75f: {  	v43 =	vld [tilespmem:$0x1FE90];
	v17 =	vmax.bf16 v17, v2;
	v18 =	vbroadcast v18, $0x0;
	v19 =	vmax.bf16 v19, v2  }
0x760: {  	v17 =	vmul.bf16 v17, v24;
	v14 =	vadd.bf16 v14, v15;
	v21 =	vadd.bf16 v22, v21;
	v22 =	vld [tilespmem:$0x1FE60]  }
0x761: {  	v13 =	vand.u32 $0xFFFF0000, v13;
	v19 =	vmul.bf16 v19, v24;
	v15 =	vld.idx.msk [tilespmem:v16+s29+$0x0], $0xffff;
	v23 =	vor.u32 v39, v18  }
0x762: {  	v11 =	vadd.f32 v13, v11;
	v16 =	vld.idx.msk [tilespmem:v16+s30+$0x0], $0xffff;
	v13 =	vshll.u32 v17, $0x10;
	v14 =	vmax.bf16 v14, v2  }
0x763: {  	v10 =	vadd.f32 v13, v10;
	v14 =	vmul.bf16 v14, v24;
	v25 =	vld.idx.msk [tilespmem:v20+s29+$0x0], $0xffff  }
0x764: {  	v17 =	vand.u32 $0xFFFF0000, v17;
	v13 =	vshll.u32 v19, $0x10;
	v20 =	vld.idx.msk [tilespmem:v20+s30+$0x0], $0xffff  }
0x765: {  	v41 =	vld [tilespmem:$0x1FE70];
	v10 =	vadd.f32 v17, v10;
	v17 =	vshll.u32 v14, $0x10;
	v22 =	vor.u32 v22, v18  }
0x766: {  	s5 =	sshll.u32 s12, $0x4;
	v9 =	vadd.f32 v13, v9;
	v8 =	vadd.f32 v17, v8;
	v17 =	vld.idx.msk [tilespmem:v23+s30+$0x0], $0xffff  }
0x767: {  	s5 =	sand.u32 $0x3FFFFFF0, s5;
	v13 =	vand.u32 $0xFFFF0000, v19;
	v19 =	vmax.bf16 v21, v2;
	v21 =	vld.idx.msk [tilespmem:v23+s29+$0x0], $0xffff  }
0x768: {  	v9 =	vadd.f32 v13, v9;
	v15 =	vadd.bf16 v16, v15;
	v16 =	vld [tilespmem:s5+$0xD000];
	v13 =	vmul.bf16 v19, v24  }
0x769: {  	v14 =	vand.u32 $0xFFFF0000, v14;
	v20 =	vadd.bf16 v20, v25;
	v25 =	vld [tilespmem:$0x1FE80]  }
0x76a: {  	v15 =	vmax.bf16 v15, v2;
	v8 =	vadd.f32 v14, v8;
	v14 =	vshll.u32 v13, $0x10;
	v23 =	vld.idx.msk [tilespmem:v22+s29+$0x0], $0xffff  }
0x76b: {  	v19 =	vor.u32 v41, v18;
	v7 =	vadd.f32 v14, v7;
	v14 =	vmul.bf16 v15, v24;
	v22 =	vld.idx.msk [tilespmem:v22+s30+$0x0], $0xffff  }
0x76c: {  	v13 =	vand.u32 $0xFFFF0000, v13;
	v15 =	vmax.bf16 v20, v2;
	v17 =	vadd.bf16 v17, v21  }
0x76d: {  	v15 =	vmul.bf16 v15, v24;
	v7 =	vadd.f32 v13, v7;
	v13 =	vshll.u32 v14, $0x10  }
0x76e: {  	v45 =	vld [tilespmem:$0x1FEB0];
	v20 =	vor.u32 v43, v18;
	v6 =	vadd.f32 v13, v6  }
0x76f: {  	v47 =	vld [tilespmem:$0x1FED0];
	v17 =	vmax.bf16 v17, v2;
	v25 =	vor.u32 v25, v18;
	v13 =	vshll.u32 v15, $0x10  }
0x770: {  	v5 =	vadd.f32 v13, v5;
	v13 =	vmul.bf16 v17, v16;
	v17 =	vadd.bf16 v22, v23;
	v23 =	vld [tilespmem:$0x1FEA0]  }
0x771: {  	v21 =	vld.idx.msk [tilespmem:v19+s29+$0x0], $0xffff  }
0x772: {  	v19 =	vld.idx.msk [tilespmem:v19+s30+$0x0], $0xffff  }
0x773: {  	v57 =	vld [tilespmem:$0x1FEC0];
	v14 =	vand.u32 $0xFFFF0000, v14  }
0x774: {  	v6 =	vadd.f32 v14, v6;
	v14 =	vand.u32 $0xFFFF0000, v15;
	v24 =	vld.idx.msk [tilespmem:v20+s29+$0x0], $0xffff  }
0x775: {  	s12 =	sor.u32 $0x6, s26;
	v5 =	vadd.f32 v14, v5;
	v14 =	vshll.u32 v13, $0x10;
	v22 =	vld.idx.msk [tilespmem:v25+s29+$0x0], $0xffff;
	v23 =	vor.u32 v23, v18  }
0x776: {  	v13 =	vand.u32 $0xFFFF0000, v13;
	v15 =	vld.idx.msk [tilespmem:v25+s30+$0x0], $0xffff;
	v25 =	vmov s12;
	v17 =	vmax.bf16 v17, v2  }
0x777: {  	v20 =	vld.idx.msk [tilespmem:v20+s30+$0x0], $0xffff;
	v19 =	vadd.bf16 v19, v21;
	v25 =	vshrl.u32 v25, $0x3;
	v17 =	vmul.bf16 v17, v16  }
0x778: {  	v21 =	vor.u32 v45, v18;
	v12 =	vadd.f32 v14, v12;
	v25 =	vshll.u32 v25, v1  }
0x779: {  	v19 =	vmax.bf16 v19, v2;
	v25 =	vbroadcast v25, $0x0;
	v14 =	vshll.u32 v17, $0x10  }
0x77a: {  	v18 =	vor.u32 v57, v18;
	v11 =	vadd.f32 v14, v11;
	v14 =	vmul.bf16 v19, v16;
	v26 =	vld.idx.msk [tilespmem:v23+s29+$0x0], $0xffff  }
0x77b: {  	v12 =	vadd.f32 v13, v12;
	v15 =	vadd.bf16 v15, v22;
	v22 =	vor.u32 v47, v25;
	v19 =	vld.idx.msk [tilespmem:v23+s30+$0x0], $0xffff  }
0x77c: {  	v20 =	vadd.bf16 v20, v24;
	v17 =	vand.u32 $0xFFFF0000, v17;
	v13 =	vshll.u32 v14, $0x10  }
0x77d: {  	v11 =	vadd.f32 v17, v11;
	v17 =	vld.idx.msk [tilespmem:v21+s29+$0x0], $0xffff;
	v10 =	vadd.f32 v13, v10;
	v13 =	vmax.bf16 v15, v2  }
0x77e: {  	v15 =	vmax.bf16 v20, v2;
	v20 =	vld.idx.msk [tilespmem:v21+s30+$0x0], $0xffff;
	v13 =	vmul.bf16 v13, v16  }
0x77f: {  	v14 =	vand.u32 $0xFFFF0000, v14;
	v21 =	vld.idx.msk [tilespmem:v18+s29+$0x0], $0xffff  }
0x780: {  	v24 =	vld.idx.msk [tilespmem:v22+s29+$0x0], $0xffff;
	v10 =	vadd.f32 v14, v10;
	v14 =	vadd.bf16 v19, v26;
	v19 =	vshll.u32 v13, $0x10  }
0x781: {  	v9 =	vadd.f32 v19, v9;
	v19 =	vld.idx.msk [tilespmem:v22+s30+$0x0], $0xffff  }
0x782: {  	v22 =	vld [tilespmem:$0x1FEE0]  }
0x783: {  	v18 =	vld.idx.msk [tilespmem:v18+s30+$0x0], $0xffff;
	v14 =	vmax.bf16 v14, v2  }
0x784: {  	v49 =	vld [tilespmem:$0x1FEF0];
	v15 =	vmul.bf16 v15, v16;
	v14 =	vmul.bf16 v14, v16  }
0x785: {  	v13 =	vand.u32 $0xFFFF0000, v13  }
0x786: {  	v23 =	vshll.u32 v15, $0x10;
	v9 =	vadd.f32 v13, v9;
	v13 =	vshll.u32 v14, $0x10  }
0x787: {  	v8 =	vadd.f32 v23, v8;
	v22 =	vor.u32 v22, v25;
	v7 =	vadd.f32 v13, v7  }
0x788: {  	s5 =	sshll.u32 s12, $0x4;
	v15 =	vand.u32 $0xFFFF0000, v15;
	v13 =	vadd.bf16 v18, v21;
	v18 =	vadd.bf16 v19, v24;
	v19 =	vld [tilespmem:$0x1FF00]  }
0x789: {  	v51 =	vld [tilespmem:$0x1FF10];
	s5 =	sand.u32 $0x3FFFFFF0, s5;
	v8 =	vadd.f32 v15, v8;
	v15 =	vadd.bf16 v20, v17;
	v20 =	vor.u32 v49, v25  }
0x78a: {  	v17 =	vld [tilespmem:s5+$0xD000]  }
0x78b: {  	v26 =	vld [tilespmem:$0x1FF20]  }
0x78c: {  	v15 =	vmax.bf16 v15, v2;
	v13 =	vmax.bf16 v13, v2;
	v21 =	vld.idx.msk [tilespmem:v22+s29+$0x0], $0xffff  }
0x78d: {  	v15 =	vmul.bf16 v15, v16;
	v13 =	vmul.bf16 v13, v16;
	v19 =	vor.u32 v19, v25;
	v16 =	vld.idx.msk [tilespmem:v22+s30+$0x0], $0xffff  }
0x78e: {  	v14 =	vand.u32 $0xFFFF0000, v14;
	v22 =	vld.idx.msk [tilespmem:v20+s29+$0x0], $0xffff  }
0x78f: {  	v7 =	vadd.f32 v14, v7;
	v14 =	vmax.bf16 v18, v2;
	v20 =	vld.idx.msk [tilespmem:v20+s30+$0x0], $0xffff  }
0x790: {  	v53 =	vld [tilespmem:$0x1FF30];
	v23 =	vor.u32 v51, v25;
	v18 =	vshll.u32 v15, $0x10;
	v14 =	vmul.bf16 v14, v17  }
0x791: {  	v55 =	vld [tilespmem:$0x1FF50];
	v26 =	vor.u32 v26, v25;
	v6 =	vadd.f32 v18, v6;
	v18 =	vshll.u32 v13, $0x10  }
0x792: {  	v15 =	vand.u32 $0xFFFF0000, v15;
	v5 =	vadd.f32 v18, v5;
	v18 =	vshll.u32 v14, $0x10;
	v24 =	vld.idx.msk [tilespmem:v19+s29+$0x0], $0xffff  }
0x793: {  	v6 =	vadd.f32 v15, v6;
	v13 =	vand.u32 $0xFFFF0000, v13;
	v12 =	vadd.f32 v18, v12;
	v15 =	vld.idx.msk [tilespmem:v19+s30+$0x0], $0xffff  }
0x794: {  	s12 =	sor.u32 $0x7, s26;
	v5 =	vadd.f32 v13, v5;
	v13 =	vand.u32 $0xFFFF0000, v14;
	v19 =	vadd.bf16 v20, v22;
	v22 =	vld [tilespmem:$0x1FF40]  }
0x795: {  	v18 =	vmov s12;
	v12 =	vadd.f32 v13, v12;
	v13 =	vld.idx.msk [tilespmem:v23+s29+$0x0], $0xffff  }
0x796: {  	v18 =	vshrl.u32 v18, $0x3;
	v14 =	vadd.bf16 v16, v21;
	v20 =	vld.idx.msk [tilespmem:v23+s30+$0x0], $0xffff  }
0x797: {  	v18 =	vshll.u32 v18, v1;
	v16 =	vor.u32 v53, v25;
	v21 =	vld.idx.msk [tilespmem:v26+s29+$0x0], $0xffff  }
0x798: {  	v23 =	vld.idx.msk [tilespmem:v26+s30+$0x0], $0xffff;
	v18 =	vbroadcast v18, $0x0;
	v14 =	vmax.bf16 v14, v2  }
0x799: {  	v19 =	vmax.bf16 v19, v2;
	v14 =	vmul.bf16 v14, v17;
	v22 =	vor.u32 v22, v25  }
0x79a: {  	v19 =	vmul.bf16 v19, v17;
	v15 =	vadd.bf16 v15, v24  }
0x79b: {  	v24 =	vshll.u32 v14, $0x10;
	v14 =	vand.u32 $0xFFFF0000, v14;
	v25 =	vor.u32 v55, v18  }
0x79c: {  	v26 =	vshll.u32 v19, $0x10;
	v13 =	vadd.bf16 v20, v13;
	v11 =	vadd.f32 v24, v11;
	v24 =	vld.idx.msk [tilespmem:v16+s29+$0x0], $0xffff  }
0x79d: {  	v21 =	vadd.bf16 v23, v21;
	v16 =	vld.idx.msk [tilespmem:v16+s30+$0x0], $0xffff;
	v10 =	vadd.f32 v26, v10;
	v15 =	vmax.bf16 v15, v2  }
0x79e: {  	v15 =	vmul.bf16 v15, v17;
	v11 =	vadd.f32 v14, v11;
	v14 =	vand.u32 $0xFFFF0000, v19;
	v19 =	vld.idx.msk [tilespmem:v22+s29+$0x0], $0xffff  }
0x79f: {  	v13 =	vmax.bf16 v13, v2;
	v10 =	vadd.f32 v14, v10;
	v22 =	vld.idx.msk [tilespmem:v22+s30+$0x0], $0xffff  }
0x7a0: {  	v20 =	vshll.u32 v15, $0x10;
	v14 =	vand.u32 $0xFFFF0000, v15;
	v15 =	vmax.bf16 v21, v2;
	v21 =	vld [tilespmem:$0x1FF60]  }
0x7a1: {  	v57 =	vld [tilespmem:$0x1FF70];
	v13 =	vmul.bf16 v13, v17;
	v9 =	vadd.f32 v20, v9  }
0x7a2: {  	v23 =	vld.idx.msk [tilespmem:v25+s30+$0x0], $0xffff  }
0x7a3: {  	v20 =	vld.idx.msk [tilespmem:v25+s29+$0x0], $0xffff;
	v15 =	vmul.bf16 v15, v17;
	v9 =	vadd.f32 v14, v9;
	v14 =	vshll.u32 v13, $0x10  }
0x7a4: {  	v8 =	vadd.f32 v14, v8;
	v14 =	vadd.bf16 v16, v24  }
0x7a5: {  	s5 =	sshll.u32 s12, $0x4;
	v24 =	vshll.u32 v15, $0x10;
	v21 =	vor.u32 v21, v18;
	v19 =	vadd.bf16 v22, v19  }
0x7a6: {  	s5 =	sand.u32 $0x3FFFFFF0, s5;
	v13 =	vand.u32 $0xFFFF0000, v13;
	v16 =	vor.u32 v57, v18;
	v7 =	vadd.f32 v24, v7;
	v24 =	vld [tilespmem:$0x1FF80]  }
0x7a7: {  	v8 =	vadd.f32 v13, v8;
	v13 =	vmax.bf16 v14, v2;
	v14 =	vld [tilespmem:s5+$0xD000];
	v19 =	vmax.bf16 v19, v2  }
0x7a8: {  	v13 =	vmul.bf16 v13, v17;
	v17 =	vmul.bf16 v19, v17;
	v19 =	vadd.bf16 v23, v20;
	v23 =	vld [tilespmem:$0x1FC30];
	_ =	sdelay $0x1  }
0x7a9: {  	v15 =	vand.u32 $0xFFFF0000, v15;
	v22 =	vld.idx.msk [tilespmem:v21+s29+$0x0], $0xffff  }
0x7aa: {  	v7 =	vadd.f32 v15, v7;
	v15 =	vshll.u32 v13, $0x10;
	v24 =	vor.u32 v24, v18;
	v20 =	vld.idx.msk [tilespmem:v21+s30+$0x0], $0xffff  }
0x7ab: {  	v21 =	vld.idx.msk [tilespmem:v16+s29+$0x0], $0xffff;
	v6 =	vadd.f32 v15, v6;
	v15 =	vshll.u32 v17, $0x10;
	v19 =	vmax.bf16 v19, v2  }
0x7ac: {  	v5 =	vadd.f32 v15, v5;
	v15 =	vmul.bf16 v19, v14;
	v19 =	vld [tilespmem:$0x1FC00];
	v23 =	vor.u32 v23, v18  }
0x7ad: {  	v16 =	vld.idx.msk [tilespmem:v16+s30+$0x0], $0xffff  }
0x7ae: {  	v25 =	vld [tilespmem:$0x1FC10];
	v13 =	vand.u32 $0xFFFF0000, v13  }
0x7af: {  	v6 =	vadd.f32 v13, v6;
	v13 =	vand.u32 $0xFFFF0000, v17;
	v17 =	vld.idx.msk [tilespmem:v24+s29+$0x0], $0xffff  }
0x7b0: {  	v20 =	vadd.bf16 v20, v22;
	v22 =	vld.idx.msk [tilespmem:v24+s30+$0x0], $0xffff  }
0x7b1: {  	s12 =	sor.u32 $0x8, s26;
	v19 =	vor.u32 v19, v18;
	v24 =	vld.idx.msk [tilespmem:v23+s29+$0x0], $0xffff  }
0x7b2: {  	v26 =	vmov s12;
	v5 =	vadd.f32 v13, v5;
	v16 =	vadd.bf16 v16, v21;
	v21 =	vld.idx.msk [tilespmem:v23+s30+$0x0], $0xffff  }
0x7b3: {  	v13 =	vshll.u32 v15, $0x10;
	v20 =	vmax.bf16 v20, v2;
	v23 =	vshrl.u32 v26, $0x3;
	v26 =	vld [tilespmem:$0x1FC20]  }
0x7b4: {  	v12 =	vadd.f32 v13, v12;
	v13 =	vmul.bf16 v20, v14;
	v20 =	vshll.u32 v23, v1  }
0x7b5: {  	v25 =	vor.u32 v25, v18;
	v15 =	vand.u32 $0xFFFF0000, v15;
	v20 =	vbroadcast v20, $0x0  }
0x7b6: {  	v12 =	vadd.f32 v15, v12;
	v15 =	vshll.u32 v13, $0x10;
	v23 =	vld.idx.msk [tilespmem:v19+s29+$0x0], $0xffff  }
0x7b7: {  	v19 =	vld.idx.msk [tilespmem:v19+s30+$0x0], $0xffff;
	v11 =	vadd.f32 v15, v11;
	v15 =	vadd.bf16 v22, v17;
	v22 =	vor.u32 v36, v20  }
0x7b8: {  	v16 =	vmax.bf16 v16, v2;
	v18 =	vor.u32 v26, v18  }
0x7b9: {  	v16 =	vmul.bf16 v16, v14  }
0x7ba: {  	v13 =	vand.u32 $0xFFFF0000, v13;
	v17 =	vld.idx.msk [tilespmem:v25+s29+$0x0], $0xffff  }
0x7bb: {  	v26 =	vshll.u32 v16, $0x10;
	v21 =	vadd.bf16 v21, v24;
	v24 =	vld.idx.msk [tilespmem:v25+s30+$0x0], $0xffff;
	v11 =	vadd.f32 v13, v11  }
0x7bc: {  	v13 =	vmax.bf16 v15, v2;
	v10 =	vadd.f32 v26, v10;
	v19 =	vadd.bf16 v19, v23;
	v23 =	vld.idx.msk [tilespmem:v22+s29+$0x0], $0xffff  }
0x7bd: {  	v15 =	vand.u32 $0xFFFF0000, v16;
	v13 =	vmul.bf16 v13, v14;
	v16 =	vmax.bf16 v21, v2;
	v21 =	vld.idx.msk [tilespmem:v18+s29+$0x0], $0xffff  }
0x7be: {  	v10 =	vadd.f32 v15, v10;
	v15 =	vmul.bf16 v16, v14;
	v16 =	vld.idx.msk [tilespmem:v18+s30+$0x0], $0xffff  }
0x7bf: {  	v25 =	vshll.u32 v13, $0x10;
	v22 =	vld.idx.msk [tilespmem:v22+s30+$0x0], $0xffff  }
0x7c0: {  	v9 =	vadd.f32 v25, v9;
	v25 =	vshll.u32 v15, $0x10  }
0x7c1: {  	v8 =	vadd.f32 v25, v8;
	v25 =	vld [tilespmem:$0x1FFA0]  }
0x7c2: {  	v13 =	vand.u32 $0xFFFF0000, v13;
	v17 =	vadd.bf16 v24, v17  }
0x7c3: {  	s5 =	sshll.u32 s12, $0x4;
	v18 =	vor.u32 v27, v20;
	v19 =	vmax.bf16 v19, v2;
	v16 =	vadd.bf16 v16, v21  }
0x7c4: {  	s5 =	sand.u32 $0x3FFFFFF0, s5;
	v19 =	vmul.bf16 v19, v14;
	v17 =	vmax.bf16 v17, v2;
	v22 =	vadd.bf16 v22, v23;
	v21 =	vld [tilespmem:$0x1FFB0]  }
0x7c5: {  	v24 =	vld [tilespmem:s5+$0xD000];
	v9 =	vadd.f32 v13, v9;
	v13 =	vmul.bf16 v17, v14;
	v16 =	vmax.bf16 v16, v2  }
0x7c6: {  	v25 =	vor.u32 v25, v20;
	v14 =	vmul.bf16 v16, v14;
	v16 =	vmax.bf16 v22, v2;
	v22 =	vld [tilespmem:$0x1FFC0]  }
0x7c7: {  	v15 =	vand.u32 $0xFFFF0000, v15;
	v26 =	vshll.u32 v13, $0x10  }
0x7c8: {  	v8 =	vadd.f32 v15, v8;
	v17 =	vshll.u32 v19, $0x10;
	v15 =	vld.idx.msk [tilespmem:v18+s29+$0x0], $0xffff;
	v6 =	vadd.f32 v26, v6  }
0x7c9: {  	v19 =	vand.u32 $0xFFFF0000, v19;
	v18 =	vld.idx.msk [tilespmem:v18+s30+$0x0], $0xffff;
	v13 =	vand.u32 $0xFFFF0000, v13;
	v21 =	vor.u32 v21, v20  }
0x7ca: {  	v7 =	vadd.f32 v17, v7;
	v23 =	vld [tilespmem:$0x1FFF0];
	v6 =	vadd.f32 v13, v6;
	v13 =	vshll.u32 v14, $0x10  }
0x7cb: {  	v16 =	vmul.bf16 v16, v24;
	v17 =	vld.idx.msk [tilespmem:v25+s29+$0x0], $0xffff;
	v5 =	vadd.f32 v13, v5;
	v22 =	vor.u32 v22, v20  }
0x7cc: {  	v7 =	vadd.f32 v19, v7;
	v14 =	vand.u32 $0xFFFF0000, v14;
	v19 =	vld.idx.msk [tilespmem:v25+s30+$0x0], $0xffff  }
0x7cd: {  	v13 =	vshll.u32 v16, $0x10;
	v5 =	vadd.f32 v14, v5;
	v14 =	vand.u32 $0xFFFF0000, v16;
	v16 =	vld [tilespmem:$0x1FFD0]  }
0x7ce: {  	v15 =	vadd.bf16 v18, v15;
	v18 =	vld.idx.msk [tilespmem:v21+s29+$0x0], $0xffff  }
0x7cf: {  	v12 =	vadd.f32 v13, v12;
	v21 =	vld.idx.msk [tilespmem:v21+s30+$0x0], $0xffff  }
0x7d0: {  	s12 =	sor.u32 $0x9, s26;
	v13 =	vmax.bf16 v15, v2;
	v15 =	vld.idx.msk [tilespmem:v22+s29+$0x0], $0xffff  }
0x7d1: {  	v23 =	vor.u32 v23, v20;
	v12 =	vadd.f32 v14, v12;
	v14 =	vld.idx.msk [tilespmem:v22+s30+$0x0], $0xffff;
	v22 =	vmov s12  }
0x7d2: {  	v17 =	vadd.bf16 v19, v17;
	v19 =	vshrl.u32 v22, $0x3;
	v22 =	vld [tilespmem:$0x1FFE0];
	_ =	sdelay $0x3  }
0x7d3: {  	v16 =	vor.u32 v16, v20;
	v18 =	vadd.bf16 v21, v18;
	v21 =	vld.idx.msk [tilespmem:v23+s29+$0x0], $0xffff  }
0x7d4: {  	v13 =	vmul.bf16 v13, v24;
	v20 =	vor.u32 v22, v20;
	v22 =	vld.idx.msk [tilespmem:v23+s30+$0x0], $0xffff;
	_ =	sdelay $0x1  }
0x7d5: {  	v25 =	vshll.u32 v13, $0x10;
	v13 =	vand.u32 $0xFFFF0000, v13  }
0x7d6: {  	v11 =	vadd.f32 v25, v11;
	v17 =	vmax.bf16 v17, v2;
	v19 =	vshll.u32 v19, v1  }
0x7d7: {  	v17 =	vmul.bf16 v17, v24;
	v19 =	vbroadcast v19, $0x0;
	v14 =	vadd.bf16 v14, v15;
	v15 =	vld.idx.msk [tilespmem:v16+s29+$0x0], $0xffff  }
0x7d8: {  	v11 =	vadd.f32 v13, v11;
	v18 =	vmax.bf16 v18, v2;
	v21 =	vadd.bf16 v22, v21;
	v22 =	vld [tilespmem:$0x1FC60]  }
0x7d9: {  	v13 =	vshll.u32 v17, $0x10;
	v18 =	vmul.bf16 v18, v24;
	v16 =	vld.idx.msk [tilespmem:v16+s30+$0x0], $0xffff;
	v23 =	vor.u32 v60, v19  }
0x7da: {  	v10 =	vadd.f32 v13, v10;
	v14 =	vmax.bf16 v14, v2;
	v25 =	vld.idx.msk [tilespmem:v20+s29+$0x0], $0xffff  }
0x7db: {  	v17 =	vand.u32 $0xFFFF0000, v17;
	v13 =	vshll.u32 v18, $0x10;
	v14 =	vmul.bf16 v14, v24;
	v20 =	vld.idx.msk [tilespmem:v20+s30+$0x0], $0xffff  }
0x7dc: {  	v10 =	vadd.f32 v17, v10;
	v9 =	vadd.f32 v13, v9  }
0x7dd: {  	v13 =	vand.u32 $0xFFFF0000, v18;
	v17 =	vshll.u32 v14, $0x10;
	v22 =	vor.u32 v22, v19  }
0x7de: {  	v15 =	vadd.bf16 v16, v15;
	v8 =	vadd.f32 v17, v8;
	v17 =	vld.idx.msk [tilespmem:v23+s30+$0x0], $0xffff;
	v18 =	vmax.bf16 v21, v2  }
0x7df: {  	s5 =	sshll.u32 s12, $0x4;
	v9 =	vadd.f32 v13, v9;
	v21 =	vld.idx.msk [tilespmem:v23+s29+$0x0], $0xffff;
	v13 =	vmul.bf16 v18, v24;
	v18 =	vor.u32 v59, v19  }
0x7e0: {  	s5 =	sand.u32 $0x3FFFFFF0, s5;
	v14 =	vand.u32 $0xFFFF0000, v14;
	v15 =	vmax.bf16 v15, v2;
	v20 =	vadd.bf16 v20, v25  }
0x7e1: {  	v16 =	vld [tilespmem:s5+$0xD000];
	v8 =	vadd.f32 v14, v8;
	v14 =	vshll.u32 v13, $0x10;
	v25 =	vor.u32 v28, v19  }
0x7e2: {  	v7 =	vadd.f32 v14, v7;
	v14 =	vmul.bf16 v15, v24;
	v15 =	vmax.bf16 v20, v2;
	v23 =	vld.idx.msk [tilespmem:v22+s29+$0x0], $0xffff  }
0x7e3: {  	v13 =	vand.u32 $0xFFFF0000, v13;
	v20 =	vor.u32 v0, v19;
	v15 =	vmul.bf16 v15, v24;
	v22 =	vld.idx.msk [tilespmem:v22+s30+$0x0], $0xffff  }
0x7e4: {  	v17 =	vadd.bf16 v17, v21;
	v7 =	vadd.f32 v13, v7;
	v13 =	vshll.u32 v14, $0x10;
	v21 =	vld.idx.msk [tilespmem:v18+s29+$0x0], $0xffff  }
0x7e5: {  	v18 =	vld.idx.msk [tilespmem:v18+s30+$0x0], $0xffff;
	v6 =	vadd.f32 v13, v6;
	v13 =	vshll.u32 v15, $0x10  }
0x7e6: {  	v14 =	vand.u32 $0xFFFF0000, v14;
	v17 =	vmax.bf16 v17, v2;
	v5 =	vadd.f32 v13, v5  }
0x7e7: {  	v13 =	vmul.bf16 v17, v16;
	v6 =	vadd.f32 v14, v6;
	v14 =	vand.u32 $0xFFFF0000, v15;
	v15 =	vld.idx.msk [tilespmem:v25+s30+$0x0], $0xffff  }
0x7e8: {  	v60 =	vmovc v36;
	v36 =	vmov v38;
	v24 =	vld.idx.msk [tilespmem:v20+s29+$0x0], $0xffff;
	v5 =	vadd.f32 v14, v5;
	v17 =	vadd.bf16 v22, v23  }
0x7e9: {  	s12 =	sor.u32 $0xA, s26;
	v20 =	vld.idx.msk [tilespmem:v20+s30+$0x0], $0xffff;
	v14 =	vshll.u32 v13, $0x10;
	v13 =	vand.u32 $0xFFFF0000, v13;
	v23 =	vor.u32 v36, v19  }
0x7ea: {  	v38 =	vmovc v40;
	v18 =	vadd.bf16 v18, v21;
	v22 =	vld.idx.msk [tilespmem:v25+s29+$0x0], $0xffff;
	v25 =	vmov s12;
	v17 =	vmax.bf16 v17, v2  }
0x7eb: {  	v21 =	vor.u32 v38, v19;
	v25 =	vshrl.u32 v25, $0x3;
	v17 =	vmul.bf16 v17, v16  }
0x7ec: {  	v40 =	vmovc v42;
	v12 =	vadd.f32 v14, v12;
	v18 =	vmax.bf16 v18, v2;
	v25 =	vshll.u32 v25, v1  }
0x7ed: {  	v42 =	vmovc v44;
	v19 =	vor.u32 v40, v19;
	v25 =	vbroadcast v25, $0x0;
	v14 =	vshll.u32 v17, $0x10  }
0x7ee: {  	v20 =	vadd.bf16 v20, v24;
	v26 =	vld.idx.msk [tilespmem:v23+s29+$0x0], $0xffff;
	v11 =	vadd.f32 v14, v11;
	v14 =	vmul.bf16 v18, v16  }
0x7ef: {  	v17 =	vand.u32 $0xFFFF0000, v17;
	v15 =	vadd.bf16 v15, v22;
	v22 =	vor.u32 v42, v25;
	v18 =	vld.idx.msk [tilespmem:v23+s30+$0x0], $0xffff  }
0x7f0: {  	v12 =	vadd.f32 v13, v12;
	v11 =	vadd.f32 v17, v11;
	v13 =	vshll.u32 v14, $0x10  }
0x7f1: {  	v17 =	vld.idx.msk [tilespmem:v21+s29+$0x0], $0xffff;
	v10 =	vadd.f32 v13, v10;
	v13 =	vmax.bf16 v15, v2;
	v15 =	vmax.bf16 v20, v2  }
0x7f2: {  	v20 =	vld.idx.msk [tilespmem:v21+s30+$0x0], $0xffff;
	v15 =	vmul.bf16 v15, v16  }
0x7f3: {  	v14 =	vand.u32 $0xFFFF0000, v14;
	v21 =	vld.idx.msk [tilespmem:v19+s29+$0x0], $0xffff;
	v13 =	vmul.bf16 v13, v16  }
0x7f4: {  	v24 =	vld.idx.msk [tilespmem:v22+s29+$0x0], $0xffff;
	v10 =	vadd.f32 v14, v10;
	v14 =	vadd.bf16 v18, v26;
	v23 =	vshll.u32 v15, $0x10  }
0x7f5: {  	v18 =	vld.idx.msk [tilespmem:v19+s30+$0x0], $0xffff;
	v19 =	vshll.u32 v13, $0x10;
	v8 =	vadd.f32 v23, v8  }
0x7f6: {  	v15 =	vand.u32 $0xFFFF0000, v15;
	v9 =	vadd.f32 v19, v9;
	v14 =	vmax.bf16 v14, v2;
	v19 =	vld.idx.msk [tilespmem:v22+s30+$0x0], $0xffff  }
0x7f7: {  	v14 =	vmul.bf16 v14, v16;
	v8 =	vadd.f32 v15, v8;
	v15 =	vadd.bf16 v20, v17;
	v20 =	vld [tilespmem:$0x1FCF0]  }
0x7f8: {  	v13 =	vand.u32 $0xFFFF0000, v13;
	v22 =	vor.u32 v46, v25  }
0x7f9: {  	s5 =	sshll.u32 s12, $0x4;
	v9 =	vadd.f32 v13, v9;
	v13 =	vshll.u32 v14, $0x10  }
0x7fa: {  	s5 =	sand.u32 $0x3FFFFFF0, s5;
	v7 =	vadd.f32 v13, v7  }
0x7fb: {  	v17 =	vld [tilespmem:s5+$0xD000];
	v13 =	vadd.bf16 v18, v21;
	v18 =	vadd.bf16 v19, v24;
	v19 =	vor.u32 v48, v25  }
0x7fc: {  	v15 =	vmax.bf16 v15, v2;
	v20 =	vor.u32 v20, v25  }
0x7fd: {  	v15 =	vmul.bf16 v15, v16;
	v21 =	vld.idx.msk [tilespmem:v22+s29+$0x0], $0xffff;
	v13 =	vmax.bf16 v13, v2  }
0x7fe: {  	v26 =	vor.u32 v29, v25;
	v14 =	vand.u32 $0xFFFF0000, v14;
	v13 =	vmul.bf16 v13, v16;
	v16 =	vld.idx.msk [tilespmem:v22+s30+$0x0], $0xffff  }
0x7ff: {  	v7 =	vadd.f32 v14, v7;
	v14 =	vmax.bf16 v18, v2;
	v18 =	vshll.u32 v15, $0x10  }
0x800: {  	v14 =	vmul.bf16 v14, v17;
	v6 =	vadd.f32 v18, v6;
	v18 =	vshll.u32 v13, $0x10;
	v24 =	vld.idx.msk [tilespmem:v19+s29+$0x0], $0xffff  }
0x801: {  	v23 =	vor.u32 v50, v25;
	v15 =	vand.u32 $0xFFFF0000, v15;
	v5 =	vadd.f32 v18, v5;
	v22 =	vld.idx.msk [tilespmem:v20+s29+$0x0], $0xffff  }
0x802: {  	v13 =	vand.u32 $0xFFFF0000, v13;
	v18 =	vshll.u32 v14, $0x10;
	v6 =	vadd.f32 v15, v6;
	v20 =	vld.idx.msk [tilespmem:v20+s30+$0x0], $0xffff  }
0x803: {  	v15 =	vld.idx.msk [tilespmem:v19+s30+$0x0], $0xffff;
	v5 =	vadd.f32 v13, v5;
	v13 =	vand.u32 $0xFFFF0000, v14;
	v14 =	vadd.bf16 v16, v21  }
0x804: {  	s12 =	sor.u32 $0xB, s26;
	v12 =	vadd.f32 v18, v12  }
0x805: {  	v18 =	vmov s12;
	v14 =	vmax.bf16 v14, v2  }
0x806: {  	v16 =	vor.u32 v30, v25;
	v12 =	vadd.f32 v13, v12;
	v13 =	vld.idx.msk [tilespmem:v23+s29+$0x0], $0xffff;
	v14 =	vmul.bf16 v14, v17  }
0x807: {  	v18 =	vshrl.u32 v18, $0x3;
	v19 =	vadd.bf16 v20, v22;
	v20 =	vld.idx.msk [tilespmem:v23+s30+$0x0], $0xffff;
	v22 =	vor.u32 v31, v25  }
0x808: {  	v21 =	vld.idx.msk [tilespmem:v26+s29+$0x0], $0xffff;
	v18 =	vshll.u32 v18, v1;
	v15 =	vadd.bf16 v15, v24;
	v24 =	vshll.u32 v14, $0x10  }
0x809: {  	v18 =	vbroadcast v18, $0x0;
	v23 =	vld.idx.msk [tilespmem:v26+s30+$0x0], $0xffff;
	v11 =	vadd.f32 v24, v11;
	v19 =	vmax.bf16 v19, v2  }
0x80a: {  	v14 =	vand.u32 $0xFFFF0000, v14;
	v15 =	vmax.bf16 v15, v2;
	v19 =	vmul.bf16 v19, v17  }
0x80b: {  	v25 =	vor.u32 v52, v18;
	v24 =	vld.idx.msk [tilespmem:v16+s29+$0x0], $0xffff;
	v15 =	vmul.bf16 v15, v17;
	v11 =	vadd.f32 v14, v11  }
0x80c: {  	v26 =	vshll.u32 v19, $0x10;
	v13 =	vadd.bf16 v20, v13;
	v14 =	vand.u32 $0xFFFF0000, v19;
	v19 =	vld.idx.msk [tilespmem:v22+s29+$0x0], $0xffff  }
0x80d: {  	v20 =	vshll.u32 v15, $0x10;
	v22 =	vld.idx.msk [tilespmem:v22+s30+$0x0], $0xffff  }
0x80e: {  	v16 =	vld.idx.msk [tilespmem:v16+s30+$0x0], $0xffff;
	v21 =	vadd.bf16 v23, v21;
	v10 =	vadd.f32 v26, v10;
	v13 =	vmax.bf16 v13, v2  }
0x80f: {  	v9 =	vadd.f32 v20, v9;
	v20 =	vor.u32 v54, v18;
	v13 =	vmul.bf16 v13, v17  }
0x810: {  	v10 =	vadd.f32 v14, v10;
	v14 =	vand.u32 $0xFFFF0000, v15;
	v15 =	vmax.bf16 v21, v2  }
0x811: {  	v23 =	vld.idx.msk [tilespmem:v25+s30+$0x0], $0xffff;
	v9 =	vadd.f32 v14, v9;
	v15 =	vmul.bf16 v15, v17;
	v14 =	vshll.u32 v13, $0x10  }
0x812: {  	s5 =	sshll.u32 s12, $0x4;
	v21 =	vld.idx.msk [tilespmem:v25+s29+$0x0], $0xffff;
	v19 =	vadd.bf16 v22, v19;
	v8 =	vadd.f32 v14, v8  }
0x813: {  	s5 =	sand.u32 $0x3FFFFFF0, s5;
	v14 =	vadd.bf16 v16, v24;
	v16 =	vshll.u32 v15, $0x10;
	v24 =	vor.u32 v62, v18  }
0x814: {  	v13 =	vand.u32 $0xFFFF0000, v13;
	v22 =	vld [tilespmem:s5+$0xD000];
	v15 =	vand.u32 $0xFFFF0000, v15;
	v7 =	vadd.f32 v16, v7  }
0x815: {  	v16 =	vmax.bf16 v19, v2;
	v19 =	vld.idx.msk [tilespmem:v20+s30+$0x0], $0xffff;
	v8 =	vadd.f32 v13, v8;
	v13 =	vmax.bf16 v14, v2  }
0x816: {  	v14 =	vld.idx.msk [tilespmem:v20+s29+$0x0], $0xffff;
	v20 =	vor.u32 v56, v18;
	v16 =	vmul.bf16 v16, v17;
	v13 =	vmul.bf16 v13, v17  }
0x817: {  	v17 =	vadd.bf16 v23, v21;
	v7 =	vadd.f32 v15, v7  }
0x818: {  	v21 =	vor.u32 v63, v18;
	v23 =	vshll.u32 v16, $0x10;
	v15 =	vshll.u32 v13, $0x10;
	v25 =	vld.idx.msk [tilespmem:v24+s29+$0x0], $0xffff  }
0x819: {  	v17 =	vmax.bf16 v17, v2;
	v5 =	vadd.f32 v23, v5;
	v23 =	vor.u32 v4, v18;
	v4 =	vld [tilespmem:$0x1FDC0]  }
0x81a: {  	v6 =	vadd.f32 v15, v6;
	v15 =	vmul.bf16 v17, v22;
	v17 =	vld.idx.msk [tilespmem:v24+s30+$0x0], $0xffff  }
0x81b: {  	v16 =	vand.u32 $0xFFFF0000, v16;
	v13 =	vand.u32 $0xFFFF0000, v13;
	v14 =	vadd.bf16 v19, v14;
	v19 =	vld.idx.msk [tilespmem:v20+s29+$0x0], $0xffff  }
0x81c: {  	s12 =	sor.u32 $0xC, s26;
	v5 =	vadd.f32 v16, v5;
	v16 =	vld.idx.msk [tilespmem:v20+s30+$0x0], $0xffff;
	v6 =	vadd.f32 v13, v6;
	v13 =	vshll.u32 v15, $0x10  }
0x81d: {  	v24 =	vmov s12;
	v20 =	vld.idx.msk [tilespmem:v21+s30+$0x0], $0xffff;
	v12 =	vadd.f32 v13, v12;
	v13 =	vmax.bf16 v14, v2  }
0x81e: {  	v15 =	vand.u32 $0xFFFF0000, v15;
	v14 =	vld.idx.msk [tilespmem:v21+s29+$0x0], $0xffff;
	v21 =	vor.u32 v58, v18;
	v13 =	vmul.bf16 v13, v22  }
0x81f: {  	v12 =	vadd.f32 v15, v12;
	v15 =	vadd.bf16 v17, v25;
	v17 =	vshrl.u32 v24, $0x3  }
0x820: {  	v18 =	vor.u32 v4, v18;
	v25 =	vld.idx.msk [tilespmem:v23+s29+$0x0], $0xffff;
	v24 =	vshll.u32 v13, $0x10;
	v17 =	vshll.u32 v17, v1  }
0x821: {  	v16 =	vadd.bf16 v16, v19;
	v19 =	vld.idx.msk [tilespmem:v23+s30+$0x0], $0xffff;
	v15 =	vmax.bf16 v15, v2;
	v17 =	vbroadcast v17, $0x0  }
0x822: {  	v13 =	vand.u32 $0xFFFF0000, v13;
	v11 =	vadd.f32 v24, v11;
	v15 =	vmul.bf16 v15, v22  }
0x823: {  	v4 =	vld [tilespmem:$0x1FDE0];
	v16 =	vmax.bf16 v16, v2;
	v14 =	vadd.bf16 v20, v14;
	v23 =	vor.u32 v33, v17  }
0x824: {  	v20 =	vld.idx.msk [tilespmem:v21+s29+$0x0], $0xffff;
	v11 =	vadd.f32 v13, v11;
	v16 =	vmul.bf16 v16, v22;
	v13 =	vshll.u32 v15, $0x10  }
0x825: {  	v21 =	vld.idx.msk [tilespmem:v21+s30+$0x0], $0xffff;
	v10 =	vadd.f32 v13, v10  }
0x826: {  	v13 =	vmax.bf16 v14, v2;
	v14 =	vld.idx.msk [tilespmem:v18+s29+$0x0], $0xffff;
	v24 =	vshll.u32 v16, $0x10;
	v19 =	vadd.bf16 v19, v25  }
0x827: {  	v18 =	vld.idx.msk [tilespmem:v18+s30+$0x0], $0xffff;
	v9 =	vadd.f32 v24, v9  }
0x828: {  	v15 =	vand.u32 $0xFFFF0000, v15;
	v16 =	vand.u32 $0xFFFF0000, v16;
	v19 =	vmax.bf16 v19, v2;
	v25 =	vld.idx.msk [tilespmem:v23+s29+$0x0], $0xffff  }
0x829: {  	v13 =	vmul.bf16 v13, v22;
	v9 =	vadd.f32 v16, v9;
	v16 =	vmul.bf16 v19, v22;
	v19 =	vld.idx.msk [tilespmem:v23+s30+$0x0], $0xffff  }
0x82a: {  	v10 =	vadd.f32 v15, v10;
	v15 =	vor.u32 v4, v17  }
0x82b: {  	s5 =	sshll.u32 s12, $0x4;
	v20 =	vadd.bf16 v21, v20;
	v24 =	vshll.u32 v13, $0x10  }
0x82c: {  	s5 =	sand.u32 $0x3FFFFFF0, s5;
	v21 =	vor.u32 v3, v17;
	v13 =	vand.u32 $0xFFFF0000, v13;
	v8 =	vadd.f32 v24, v8  }
0x82d: {  	v20 =	vmax.bf16 v20, v2;
	v24 =	vor.u32 v61, v17;
	v14 =	vadd.bf16 v18, v14;
	v18 =	vld [tilespmem:s5+$0xD000]  }
0x82e: {  	v8 =	vadd.f32 v13, v8;
	v13 =	vshll.u32 v16, $0x10;
	v19 =	vadd.bf16 v19, v25;
	v25 =	vld [tilespmem:$0x1FE20]  }
0x82f: {  	v23 =	vld.idx.msk [tilespmem:v15+s29+$0x0], $0xffff;
	v7 =	vadd.f32 v13, v7;
	v13 =	vmul.bf16 v20, v22;
	v14 =	vmax.bf16 v14, v2  }
0x830: {  	v16 =	vand.u32 $0xFFFF0000, v16;
	v15 =	vld.idx.msk [tilespmem:v15+s30+$0x0], $0xffff;
	v20 =	vor.u32 v35, v17;
	v14 =	vmul.bf16 v14, v22  }
0x831: {  	v7 =	vadd.f32 v16, v7;
	v16 =	vshll.u32 v13, $0x10;
	v13 =	vand.u32 $0xFFFF0000, v13  }
0x832: {  	v22 =	vld.idx.msk [tilespmem:v21+s29+$0x0], $0xffff;
	v6 =	vadd.f32 v16, v6;
	v16 =	vshll.u32 v14, $0x10;
	v19 =	vmax.bf16 v19, v2  }
0x833: {  	v21 =	vld.idx.msk [tilespmem:v21+s30+$0x0], $0xffff;
	v5 =	vadd.f32 v16, v5;
	v16 =	vmul.bf16 v19, v18;
	v25 =	vor.u32 v25, v17  }
0x834: {  	v19 =	vld.idx.msk [tilespmem:v24+s29+$0x0], $0xffff;
	v6 =	vadd.f32 v13, v6;
	v13 =	vand.u32 $0xFFFF0000, v14  }
0x835: {  	v14 =	vadd.bf16 v15, v23;
	v15 =	vld.idx.msk [tilespmem:v24+s30+$0x0], $0xffff;
	v5 =	vadd.f32 v13, v5;
	v13 =	vshll.u32 v16, $0x10  }
0x836: {  	v23 =	vld.idx.msk [tilespmem:v20+s29+$0x0], $0xffff;
	v12 =	vadd.f32 v13, v12  }
0x837: {  	v16 =	vand.u32 $0xFFFF0000, v16;
	v13 =	vmax.bf16 v14, v2;
	v14 =	vld.idx.msk [tilespmem:v20+s30+$0x0], $0xffff  }
0x838: {  	s12 =	sor.u32 $0xD, s26;
	v12 =	vadd.f32 v16, v12;
	v16 =	vld.idx.msk [tilespmem:v25+s29+$0x0], $0xffff  }
0x839: {  	v20 =	vmov s12;
	v24 =	vld.idx.msk [tilespmem:v25+s30+$0x0], $0xffff  }
0x83a: {  	v20 =	vshrl.u32 v20, $0x3;
	v25 =	vld [tilespmem:$0x1FE40]  }
0x83b: {  	v21 =	vadd.bf16 v21, v22;
	v22 =	vor.u32 v37, v17;
	v20 =	vshll.u32 v20, v1  }
0x83c: {  	v20 =	vbroadcast v20, $0x0  }
0x83d: {  	v26 =	vld [tilespmem:$0x1FE60];
	v13 =	vmul.bf16 v13, v18;
	v21 =	vmax.bf16 v21, v2  }
0x83e: {  	v21 =	vmul.bf16 v21, v18;
	v15 =	vadd.bf16 v15, v19;
	v19 =	vor.u32 v39, v20  }
0x83f: {  	v14 =	vadd.bf16 v14, v23;
	v17 =	vor.u32 v25, v17;
	v25 =	vshll.u32 v13, $0x10  }
0x840: {  	v23 =	vshll.u32 v21, $0x10;
	v15 =	vmax.bf16 v15, v2;
	v11 =	vadd.f32 v25, v11;
	v25 =	vld.idx.msk [tilespmem:v22+s29+$0x0], $0xffff  }
0x841: {  	v21 =	vand.u32 $0xFFFF0000, v21;
	v10 =	vadd.f32 v23, v10;
	v14 =	vmax.bf16 v14, v2;
	v22 =	vld.idx.msk [tilespmem:v22+s30+$0x0], $0xffff  }
0x842: {  	v26 =	vor.u32 v26, v20;
	v14 =	vmul.bf16 v14, v18;
	v16 =	vadd.bf16 v24, v16  }
0x843: {  	v15 =	vmul.bf16 v15, v18;
	v10 =	vadd.f32 v21, v10;
	v13 =	vand.u32 $0xFFFF0000, v13;
	v24 =	vld.idx.msk [tilespmem:v19+s29+$0x0], $0xffff  }
0x844: {  	v21 =	vshll.u32 v14, $0x10;
	v14 =	vand.u32 $0xFFFF0000, v14;
	v16 =	vmax.bf16 v16, v2;
	v23 =	vld.idx.msk [tilespmem:v17+s29+$0x0], $0xffff  }
0x845: {  	v8 =	vadd.f32 v21, v8;
	v11 =	vadd.f32 v13, v11;
	v13 =	vshll.u32 v15, $0x10;
	v17 =	vld.idx.msk [tilespmem:v17+s30+$0x0], $0xffff  }
0x846: {  	v9 =	vadd.f32 v13, v9;
	v13 =	vmul.bf16 v16, v18;
	v16 =	vld.idx.msk [tilespmem:v19+s30+$0x0], $0xffff;
	v19 =	vadd.bf16 v22, v25  }
0x847: {  	v15 =	vand.u32 $0xFFFF0000, v15;
	v8 =	vadd.f32 v14, v8  }
0x848: {  	v9 =	vadd.f32 v15, v9;
	v14 =	vshll.u32 v13, $0x10;
	v22 =	vld.idx.msk [tilespmem:v26+s30+$0x0], $0xffff;
	v15 =	vmax.bf16 v19, v2  }
0x849: {  	v7 =	vadd.f32 v14, v7;
	v14 =	vmul.bf16 v15, v18;
	v15 =	vld.idx.msk [tilespmem:v26+s29+$0x0], $0xffff  }
0x84a: {  	v17 =	vadd.bf16 v17, v23;
	v23 =	vld [tilespmem:$0x1FE80]  }
0x84b: {  	s5 =	sshll.u32 s12, $0x4  }
0x84c: {  	s5 =	sand.u32 $0x3FFFFFF0, s5;
	v21 =	vor.u32 v41, v20  }
0x84d: {  	v19 =	vld [tilespmem:s5+$0xD000]  }
0x84e: {  	v13 =	vand.u32 $0xFFFF0000, v13;
	v16 =	vadd.bf16 v16, v24  }
0x84f: {  	v17 =	vmax.bf16 v17, v2;
	v15 =	vadd.bf16 v22, v15;
	v22 =	vld [tilespmem:$0x1FEA0];
	v23 =	vor.u32 v23, v20  }
0x850: {  	v7 =	vadd.f32 v13, v7;
	v13 =	vshll.u32 v14, $0x10;
	v17 =	vmul.bf16 v17, v18  }
0x851: {  	v24 =	vld.idx.msk [tilespmem:v21+s29+$0x0], $0xffff;
	v6 =	vadd.f32 v13, v6;
	v13 =	vmax.bf16 v16, v2;
	v16 =	vor.u32 v43, v20  }
0x852: {  	v26 =	vld [tilespmem:$0x1FEC0];
	v14 =	vand.u32 $0xFFFF0000, v14;
	v13 =	vmul.bf16 v13, v19;
	v18 =	vshll.u32 v17, $0x10  }
0x853: {  	v6 =	vadd.f32 v14, v6;
	v14 =	vand.u32 $0xFFFF0000, v17;
	v17 =	vld.idx.msk [tilespmem:v21+s30+$0x0], $0xffff;
	v5 =	vadd.f32 v18, v5  }
0x854: {  	v22 =	vor.u32 v22, v20;
	v21 =	vld.idx.msk [tilespmem:v23+s29+$0x0], $0xffff  }
0x855: {  	v18 =	vshll.u32 v13, $0x10;
	v5 =	vadd.f32 v14, v5;
	v14 =	vld.idx.msk [tilespmem:v23+s30+$0x0], $0xffff  }
0x856: {  	s12 =	sor.u32 $0xE, s26;
	v15 =	vmax.bf16 v15, v2;
	v12 =	vadd.f32 v18, v12;
	v18 =	vld.idx.msk [tilespmem:v16+s29+$0x0], $0xffff;
	v23 =	vor.u32 v45, v20  }
0x857: {  	v25 =	vmov s12;
	v13 =	vand.u32 $0xFFFF0000, v13;
	v15 =	vmul.bf16 v15, v19;
	v16 =	vld.idx.msk [tilespmem:v16+s30+$0x0], $0xffff  }
0x858: {  	v25 =	vshrl.u32 v25, $0x3;
	v12 =	vadd.f32 v13, v12  }
0x859: {  	v13 =	vadd.bf16 v17, v24;
	v17 =	vshll.u32 v25, v1;
	v24 =	vshll.u32 v15, $0x10;
	v25 =	vld.idx.msk [tilespmem:v22+s29+$0x0], $0xffff  }
0x85a: {  	v11 =	vadd.f32 v24, v11;
	v14 =	vadd.bf16 v14, v21;
	v21 =	vld.idx.msk [tilespmem:v22+s30+$0x0], $0xffff  }
0x85b: {  	v20 =	vor.u32 v26, v20;
	v15 =	vand.u32 $0xFFFF0000, v15;
	v22 =	vld.idx.msk [tilespmem:v23+s29+$0x0], $0xffff  }
0x85c: {  	v13 =	vmax.bf16 v13, v2;
	v11 =	vadd.f32 v15, v11;
	v15 =	vadd.bf16 v16, v18;
	v16 =	vld.idx.msk [tilespmem:v23+s30+$0x0], $0xffff  }
0x85d: {  	v17 =	vbroadcast v17, $0x0;
	v13 =	vmul.bf16 v13, v19;
	v23 =	vld [tilespmem:$0x1FEE0];
	_ =	sdelay $0x1  }
0x85e: {  	v24 =	vor.u32 v47, v17;
	v18 =	vshll.u32 v13, $0x10;
	v14 =	vmax.bf16 v14, v2  }
0x85f: {  	v15 =	vmax.bf16 v15, v2;
	v10 =	vadd.f32 v18, v10;
	v14 =	vmul.bf16 v14, v19  }
0x860: {  	v13 =	vand.u32 $0xFFFF0000, v13;
	v18 =	vld.idx.msk [tilespmem:v20+s29+$0x0], $0xffff;
	v15 =	vmul.bf16 v15, v19;
	v21 =	vadd.bf16 v21, v25  }
0x861: {  	v20 =	vld.idx.msk [tilespmem:v20+s30+$0x0], $0xffff;
	v10 =	vadd.f32 v13, v10;
	v23 =	vor.u32 v23, v17;
	v26 =	vshll.u32 v14, $0x10  }
0x862: {  	v25 =	vshll.u32 v15, $0x10;
	v9 =	vadd.f32 v26, v9;
	v21 =	vmax.bf16 v21, v2  }
0x863: {  	v13 =	vand.u32 $0xFFFF0000, v14;
	v8 =	vadd.f32 v25, v8;
	v21 =	vmul.bf16 v21, v19  }
0x864: {  	v14 =	vld.idx.msk [tilespmem:v24+s29+$0x0], $0xffff;
	v9 =	vadd.f32 v13, v9;
	v13 =	vand.u32 $0xFFFF0000, v15  }
0x865: {  	s5 =	sshll.u32 s12, $0x4;
	v16 =	vadd.bf16 v16, v22;
	v22 =	vld.idx.msk [tilespmem:v24+s30+$0x0], $0xffff;
	v8 =	vadd.f32 v13, v8;
	v13 =	vshll.u32 v21, $0x10  }
0x866: {  	s5 =	sand.u32 $0x3FFFFFF0, s5;
	v7 =	vadd.f32 v13, v7;
	v13 =	vadd.bf16 v20, v18;
	v20 =	vld [tilespmem:$0x1FF00]  }
0x867: {  	v24 =	vld [tilespmem:s5+$0xD000];
	v25 =	vor.u32 v49, v17  }
0x868: {  	v15 =	vmax.bf16 v16, v2;
	v16 =	vld.idx.msk [tilespmem:v23+s29+$0x0], $0xffff  }
0x869: {  	v15 =	vmul.bf16 v15, v19;
	v23 =	vld.idx.msk [tilespmem:v23+s30+$0x0], $0xffff  }
0x86a: {  	v14 =	vadd.bf16 v22, v14;
	v22 =	vld [tilespmem:$0x1FF20]  }
0x86b: {  	v21 =	vand.u32 $0xFFFF0000, v21;
	v18 =	vshll.u32 v15, $0x10;
	v20 =	vor.u32 v20, v17  }
0x86c: {  	v6 =	vadd.f32 v18, v6;
	v18 =	vld.idx.msk [tilespmem:v25+s29+$0x0], $0xffff;
	v14 =	vmax.bf16 v14, v2;
	v13 =	vmax.bf16 v13, v2  }
0x86d: {  	v7 =	vadd.f32 v21, v7;
	v21 =	vor.u32 v51, v17;
	v13 =	vmul.bf16 v13, v19;
	v19 =	vld.idx.msk [tilespmem:v25+s30+$0x0], $0xffff  }
0x86e: {  	v15 =	vand.u32 $0xFFFF0000, v15;
	v14 =	vmul.bf16 v14, v24;
	v16 =	vadd.bf16 v23, v16  }
0x86f: {  	v6 =	vadd.f32 v15, v6;
	v22 =	vor.u32 v22, v17;
	v15 =	vshll.u32 v13, $0x10  }
0x870: {  	v5 =	vadd.f32 v15, v5;
	v15 =	vshll.u32 v14, $0x10;
	v16 =	vmax.bf16 v16, v2;
	v23 =	vld.idx.msk [tilespmem:v20+s29+$0x0], $0xffff  }
0x871: {  	v13 =	vand.u32 $0xFFFF0000, v13;
	v12 =	vadd.f32 v15, v12;
	v15 =	vmul.bf16 v16, v24;
	v16 =	vld.idx.msk [tilespmem:v20+s30+$0x0], $0xffff  }
0x872: {  	v5 =	vadd.f32 v13, v5;
	v13 =	vand.u32 $0xFFFF0000, v14;
	v14 =	vadd.bf16 v19, v18;
	v18 =	vld.idx.msk [tilespmem:v21+s29+$0x0], $0xffff  }
0x873: {  	v19 =	vld.idx.msk [tilespmem:v21+s30+$0x0], $0xffff;
	v12 =	vadd.f32 v13, v12  }
0x874: {  	s26 =	sor.u32 $0xF, s26;
	v13 =	vshll.u32 v15, $0x10;
	v21 =	vld.idx.msk [tilespmem:v22+s29+$0x0], $0xffff;
	v20 =	vor.u32 v53, v17;
	v14 =	vmax.bf16 v14, v2  }
0x875: {  	v25 =	vmov s26;
	v11 =	vadd.f32 v13, v11;
	v13 =	vmul.bf16 v14, v24;
	v14 =	vld.idx.msk [tilespmem:v22+s30+$0x0], $0xffff  }
0x876: {  	v22 =	vshrl.u32 v25, $0x3;
	v16 =	vadd.bf16 v16, v23;
	v23 =	vld [tilespmem:$0x1FF40]  }
0x877: {  	v22 =	vshll.u32 v22, v1  }
0x878: {  	v15 =	vand.u32 $0xFFFF0000, v15;
	v22 =	vbroadcast v22, $0x0  }
0x879: {  	v11 =	vadd.f32 v15, v11;
	v15 =	vshll.u32 v13, $0x10;
	v18 =	vadd.bf16 v19, v18;
	v19 =	vld.idx.msk [tilespmem:v20+s30+$0x0], $0xffff  }
0x87a: {  	v10 =	vadd.f32 v15, v10;
	v15 =	vmax.bf16 v16, v2;
	v16 =	vld.idx.msk [tilespmem:v20+s29+$0x0], $0xffff;
	v20 =	vor.u32 v55, v22  }
0x87b: {  	v13 =	vand.u32 $0xFFFF0000, v13;
	v17 =	vor.u32 v23, v17  }
0x87c: {  	v4 =	vld [tilespmem:$0x1FF80];
	v10 =	vadd.f32 v13, v10;
	v13 =	vadd.bf16 v14, v21  }
0x87d: {  	v3 =	vld [tilespmem:$0x1FC30]  }
0x87e: {  	v15 =	vmul.bf16 v15, v24;
	v13 =	vmax.bf16 v13, v2;
	v23 =	vld [tilespmem:$0x1FF60]  }
0x87f: {  	v13 =	vmul.bf16 v13, v24;
	v16 =	vadd.bf16 v19, v16;
	v19 =	vld.idx.msk [tilespmem:v20+s29+$0x0], $0xffff  }
0x880: {  	v18 =	vmax.bf16 v18, v2;
	v25 =	vor.u32 v57, v22;
	v14 =	vshll.u32 v15, $0x10;
	v21 =	vld.idx.msk [tilespmem:v17+s29+$0x0], $0xffff  }
0x881: {  	v9 =	vadd.f32 v14, v9;
	v14 =	vmul.bf16 v18, v24;
	v26 =	vshll.u32 v13, $0x10;
	v17 =	vld.idx.msk [tilespmem:v17+s30+$0x0], $0xffff  }
0x882: {  	s5 =	sshll.u32 s26, $0x4;
	v15 =	vand.u32 $0xFFFF0000, v15;
	v7 =	vadd.f32 v26, v7;
	v26 =	vor.u32 v3, v22;
	v3 =	vld [tilespmem:$0x1FC00]  }
0x883: {  	s5 =	sand.u32 $0x3FFFFFF0, s5;
	v27 =	vor.u32 v4, v22;
	v20 =	vld.idx.msk [tilespmem:v20+s30+$0x0], $0xffff;
	v9 =	vadd.f32 v15, v9;
	v15 =	vshll.u32 v14, $0x10  }
0x884: {  	v18 =	vld [tilespmem:s5+$0xD000];
	v13 =	vand.u32 $0xFFFF0000, v13;
	v8 =	vadd.f32 v15, v8;
	v15 =	vmax.bf16 v16, v2  }
0x885: {  	v7 =	vadd.f32 v13, v7;
	v13 =	vld.idx.msk [tilespmem:v25+s29+$0x0], $0xffff;
	v23 =	vor.u32 v23, v22;
	v15 =	vmul.bf16 v15, v24  }
0x886: {  	v14 =	vand.u32 $0xFFFF0000, v14;
	v17 =	vadd.bf16 v17, v21;
	v21 =	vld.idx.msk [tilespmem:v25+s30+$0x0], $0xffff  }
0x887: {  	v8 =	vadd.f32 v14, v8;
	v14 =	vshll.u32 v15, $0x10;
	v25 =	vor.u32 v3, v22;
	v3 =	vld [tilespmem:$0x1FC10]  }
0x888: {  	v6 =	vadd.f32 v14, v6;
	v14 =	vadd.bf16 v20, v19;
	v19 =	vld.idx.msk [tilespmem:v27+s29+$0x0], $0xffff  }
0x889: {  	v20 =	vld.idx.msk [tilespmem:v27+s30+$0x0], $0xffff  }
0x88a: {  	v16 =	vld.idx.msk [tilespmem:v23+s29+$0x0], $0xffff  }
0x88b: {  	v23 =	vld.idx.msk [tilespmem:v23+s30+$0x0], $0xffff  }
0x88c: {  	v27 =	vor.u32 v3, v22;
	v3 =	vld [tilespmem:$0x1FC20];
	_ =	sdelay $0x2  }
0x88d: {  	v15 =	vand.u32 $0xFFFF0000, v15;
	v17 =	vmax.bf16 v17, v2  }
0x88e: {  	v6 =	vadd.f32 v15, v6;
	v14 =	vmax.bf16 v14, v2;
	v15 =	vmul.bf16 v17, v24;
	v17 =	vld.idx.msk [tilespmem:v26+s29+$0x0], $0xffff  }
0x88f: {  	v14 =	vmul.bf16 v14, v18;
	v16 =	vadd.bf16 v23, v16;
	v23 =	vld.idx.msk [tilespmem:v26+s30+$0x0], $0xffff;
	v22 =	vor.u32 v3, v22  }
0x890: {  	v24 =	vshll.u32 v15, $0x10;
	v15 =	vand.u32 $0xFFFF0000, v15;
	v13 =	vadd.bf16 v21, v13;
	v21 =	vld.idx.msk [tilespmem:v25+s29+$0x0], $0xffff  }
0x891: {  	v25 =	vld.idx.msk [tilespmem:v25+s30+$0x0], $0xffff;
	v5 =	vadd.f32 v24, v5;
	v24 =	vshll.u32 v14, $0x10;
	v16 =	vmax.bf16 v16, v2  }
0x892: {  	v12 =	vadd.f32 v24, v12;
	v13 =	vmax.bf16 v13, v2;
	v16 =	vmul.bf16 v16, v18;
	v24 =	vld.idx.msk [tilespmem:v27+s29+$0x0], $0xffff  }
0x893: {  	v14 =	vand.u32 $0xFFFF0000, v14;
	v5 =	vadd.f32 v15, v5;
	v13 =	vmul.bf16 v13, v18;
	v15 =	vld.idx.msk [tilespmem:v27+s30+$0x0], $0xffff  }
0x894: {  	v19 =	vadd.bf16 v20, v19;
	v12 =	vadd.f32 v14, v12;
	v14 =	vshll.u32 v16, $0x10;
	v20 =	vld.idx.msk [tilespmem:v22+s29+$0x0], $0xffff  }
0x895: {  	v11 =	vadd.f32 v14, v11;
	v14 =	vadd.bf16 v23, v17;
	v17 =	vshll.u32 v13, $0x10;
	v22 =	vld.idx.msk [tilespmem:v22+s30+$0x0], $0xffff  }
0x896: {  	v16 =	vand.u32 $0xFFFF0000, v16;
	v10 =	vadd.f32 v17, v10;
	v17 =	vmax.bf16 v19, v2  }
0x897: {  	v13 =	vand.u32 $0xFFFF0000, v13;
	v17 =	vmul.bf16 v17, v18;
	v14 =	vmax.bf16 v14, v2  }
0x898: {  	v11 =	vadd.f32 v16, v11;
	v10 =	vadd.f32 v13, v10;
	v13 =	vmul.bf16 v14, v18  }
0x899: {  	v14 =	vadd.bf16 v25, v21;
	v15 =	vadd.bf16 v15, v24;
	v16 =	vshll.u32 v17, $0x10  }
0x89a: {  	v9 =	vadd.f32 v16, v9;
	v19 =	vshll.u32 v13, $0x10;
	v16 =	vadd.bf16 v22, v20  }
0x89b: {  	v17 =	vand.u32 $0xFFFF0000, v17;
	v14 =	vmax.bf16 v14, v2;
	v8 =	vadd.f32 v19, v8  }
0x89c: {  	v26 =	vld [tilespmem:$0x1FFE0];
	v15 =	vmax.bf16 v15, v2;
	v14 =	vmul.bf16 v14, v18;
	v16 =	vmax.bf16 v16, v2  }
0x89d: {  	p2 =	por p1, p1;
	v44 =	vmovc v46;
	v35 =	vmovc v59;
	v27 =	vld [tilespmem:$0x1FF90];
	v13 =	vand.u32 $0xFFFF0000, v13;
	v15 =	vmul.bf16 v15, v18;
	v16 =	vmul.bf16 v16, v18  }
.Ltmp3:
0x89e: {  	v37 =	vmovc v28;
	v39 =	vmovc v0;
	v23 =	vld [tilespmem:$0x1FFF0];
	v9 =	vadd.f32 v17, v9;
	v8 =	vadd.f32 v13, v8;
	v13 =	vshll.u32 v14, $0x10;
	(pc) =	sbr.rel @p2 .LBB2_9-.Ltmp3, $4  }
0x89f: {  	v41 =	vmovc v48;
	v43 =	vmovc v50;
	v21 =	vld [tilespmem:$0x1FFC0];
	v7 =	vadd.f32 v13, v7;
	v13 =	vshll.u32 v15, $0x10;
	v17 =	vshll.u32 v16, $0x10  }
0x8a0: {  	v45 =	vmovc v29;
	v47 =	vmovc v30;
	v24 =	vld [tilespmem:$0x1FFD0];
	v6 =	vadd.f32 v13, v6;
	v13 =	vand.u32 $0xFFFF0000, v14;
	v5 =	vadd.f32 v17, v5  }
0x8a1: {  	v49 =	vmovc v31;
	v51 =	vmovc v52;
	v20 =	vld [tilespmem:$0x1FFB0];
	v7 =	vadd.f32 v13, v7;
	v13 =	vand.u32 $0xFFFF0000, v15;
	v14 =	vand.u32 $0xFFFF0000, v16  }
0x8a2: {  	p1 =	por $0x0, $0x0;
	s26 =	simm.s32 $0x10;
	v53 =	vmovc v54;
	v57 =	vmovc v56;
	v55 =	vmov v62;
	v18 =	vld [tilespmem:$0x1FFA0];
	v6 =	vadd.f32 v13, v6;
	v5 =	vadd.f32 v14, v5  }
0x8a3: {  	v3 =	vld [tilespmem:s24+$0x2800]  }
0x8a4: {  	v4 =	vadd.f32 v12, v32;
	_ =	sdelay $0x1  }
0x8a5: {  	v4 =	vsub.f32 $0.0e+00, v4;
	_ =	sdelay $0x1  }
0x8a6: {  	v4 =	vmul.f32 $1.442695020e+00, v4;
	(erf) = vrcp.f32 v3;
	_ =	sdelay $0x1  }
0x8a7: {  	(erf) = vpow2.f32 v4;
	_ =	sdelay $0x5  }
0x8a8: {  	v3 =	vsub.f32 $1.000000000e+00, v3  }
0x8a9: {  	v14 =	vpop (erf)  }
0x8aa: {  	v3 =	vmul.f32 v14, v3  }
0x8ab: {  	v15 =	vpop (erf)  }
0x8ac: {  	v3 =	vmul.f32 v3, v15;
	_ =	sdelay $0x1  }
0x8ad: {  	v3 =	vadd.f32 $1.000000000e+00, v3;
	_ =	sdelay $0x1  }
0x8ae: {  	(erf) = vrcp.f32 v3;
	_ =	sdelay $0x8  }
0x8af: {  	v3 =	vpop (erf)  }
0x8b0: {  	[tilespmem:s24+$0x3C00] =	vst v3  }
0x8b1: {  	v3 =	vld [tilespmem:s22+$0x2990]  }
0x8b2: {  	v30 =	vadd.f32 v11, v32;
	_ =	sdelay $0x1  }
0x8b3: {  	v4 =	vsub.f32 $0.0e+00, v30;
	_ =	sdelay $0x1  }
0x8b4: {  	v4 =	vmul.f32 $1.442695020e+00, v4;
	(erf) = vrcp.f32 v3;
	_ =	sdelay $0x1  }
0x8b5: {  	(erf) = vpow2.f32 v4;
	_ =	sdelay $0x5  }
0x8b6: {  	v3 =	vsub.f32 $1.000000000e+00, v3  }
0x8b7: {  	v31 =	vpop (erf)  }
0x8b8: {  	v3 =	vmul.f32 v31, v3  }
0x8b9: {  	v33 =	vpop (erf)  }
0x8ba: {  	v34 =	vld [tilespmem:s22+$0x29A0];
	v3 =	vmul.f32 v3, v33  }
0x8bb: {  	v10 =	vadd.f32 v10, v32  }
0x8bc: {  	v3 =	vadd.f32 $1.000000000e+00, v3  }
0x8bd: {  	v10 =	vsub.f32 $0.0e+00, v10  }
0x8be: {  	(erf) = vrcp.f32 v3  }
0x8bf: {  	v3 =	vmul.f32 $1.442695020e+00, v10;
	(erf) = vrcp.f32 v34;
	_ =	sdelay $0x1  }
0x8c0: {  	(erf) = vpow2.f32 v3;
	_ =	sdelay $0x5  }
0x8c1: {  	v4 =	vsub.f32 $1.000000000e+00, v34;
	v3 =	vpop (erf)  }
0x8c2: {  	v35 =	vpop (erf)  }
0x8c3: {  	v4 =	vmul.f32 v35, v4  }
0x8c4: {  	v36 =	vpop (erf)  }
0x8c5: {  	v37 =	vld [tilespmem:s22+$0x29B0];
	v4 =	vmul.f32 v4, v36  }
0x8c6: {  	v9 =	vadd.f32 v9, v32  }
0x8c7: {  	v4 =	vadd.f32 $1.000000000e+00, v4  }
0x8c8: {  	v9 =	vsub.f32 $0.0e+00, v9  }
0x8c9: {  	(erf) = vrcp.f32 v4  }
0x8ca: {  	v38 =	vmul.f32 $1.442695020e+00, v9;
	(erf) = vrcp.f32 v37;
	_ =	sdelay $0x1  }
0x8cb: {  	(erf) = vpow2.f32 v38;
	_ =	sdelay $0x5  }
0x8cc: {  	v40 =	vsub.f32 $1.000000000e+00, v37;
	v39 =	vpop (erf)  }
0x8cd: {  	v41 =	vpop (erf)  }
0x8ce: {  	v9 =	vmul.f32 v41, v40  }
0x8cf: {  	v42 =	vpop (erf)  }
0x8d0: {  	v43 =	vld [tilespmem:s22+$0x29C0];
	v9 =	vmul.f32 v9, v42  }
0x8d1: {  	v8 =	vadd.f32 v8, v32  }
0x8d2: {  	v9 =	vadd.f32 $1.000000000e+00, v9  }
0x8d3: {  	v8 =	vsub.f32 $0.0e+00, v8  }
0x8d4: {  	(erf) = vrcp.f32 v9  }
0x8d5: {  	v8 =	vmul.f32 $1.442695020e+00, v8;
	(erf) = vrcp.f32 v43;
	_ =	sdelay $0x1  }
0x8d6: {  	(erf) = vpow2.f32 v8;
	_ =	sdelay $0x5  }
0x8d7: {  	v45 =	vsub.f32 $1.000000000e+00, v43;
	v44 =	vpop (erf)  }
0x8d8: {  	v46 =	vpop (erf)  }
0x8d9: {  	v9 =	vmul.f32 v46, v45  }
0x8da: {  	v47 =	vpop (erf)  }
0x8db: {  	v48 =	vld [tilespmem:s22+$0x29D0];
	v9 =	vmul.f32 v9, v47  }
0x8dc: {  	v7 =	vadd.f32 v7, v32  }
0x8dd: {  	v9 =	vadd.f32 $1.000000000e+00, v9  }
0x8de: {  	v7 =	vsub.f32 $0.0e+00, v7  }
0x8df: {  	(erf) = vrcp.f32 v9  }
0x8e0: {  	v7 =	vmul.f32 $1.442695020e+00, v7;
	(erf) = vrcp.f32 v48;
	_ =	sdelay $0x1  }
0x8e1: {  	(erf) = vpow2.f32 v7;
	_ =	sdelay $0x5  }
0x8e2: {  	v50 =	vsub.f32 $1.000000000e+00, v48;
	v49 =	vpop (erf)  }
0x8e3: {  	v51 =	vpop (erf)  }
0x8e4: {  	v9 =	vmul.f32 v51, v50  }
0x8e5: {  	v52 =	vpop (erf)  }
0x8e6: {  	v53 =	vld [tilespmem:s22+$0x29E0];
	v9 =	vmul.f32 v9, v52  }
0x8e7: {  	v6 =	vadd.f32 v6, v32  }
0x8e8: {  	v9 =	vadd.f32 $1.000000000e+00, v9  }
0x8e9: {  	v6 =	vsub.f32 $0.0e+00, v6  }
0x8ea: {  	(erf) = vrcp.f32 v9  }
0x8eb: {  	v6 =	vmul.f32 $1.442695020e+00, v6;
	(erf) = vrcp.f32 v53;
	_ =	sdelay $0x1  }
0x8ec: {  	(erf) = vpow2.f32 v6;
	_ =	sdelay $0x5  }
0x8ed: {  	v55 =	vsub.f32 $1.000000000e+00, v53;
	v54 =	vpop (erf)  }
0x8ee: {  	v56 =	vpop (erf)  }
0x8ef: {  	v9 =	vmul.f32 v56, v55  }
0x8f0: {  	v57 =	vpop (erf)  }
0x8f1: {  	v58 =	vld [tilespmem:s22+$0x29F0];
	v9 =	vmul.f32 v9, v57  }
0x8f2: {  	v5 =	vadd.f32 v5, v32  }
0x8f3: {  	v9 =	vadd.f32 $1.000000000e+00, v9  }
0x8f4: {  	v5 =	vsub.f32 $0.0e+00, v5  }
0x8f5: {  	(erf) = vrcp.f32 v9  }
0x8f6: {  	v5 =	vmul.f32 $1.442695020e+00, v5;
	(erf) = vrcp.f32 v58;
	_ =	sdelay $0x1  }
0x8f7: {  	(erf) = vpow2.f32 v5;
	_ =	sdelay $0x5  }
0x8f8: {  	v61 =	vsub.f32 $1.000000000e+00, v58;
	v59 =	vpop (erf)  }
0x8f9: {  	v62 =	vpop (erf)  }
0x8fa: {  	v9 =	vmul.f32 v62, v61  }
0x8fb: {  	v63 =	vpop (erf)  }
0x8fc: {  	v9 =	vmul.f32 v9, v63;
	_ =	sdelay $0x1  }
0x8fd: {  	v9 =	vadd.f32 $1.000000000e+00, v9;
	_ =	sdelay $0x1  }
0x8fe: {  	(erf) = vrcp.f32 v9;
	_ =	sdelay $0x3  }
0x8ff: {  	s16 =	sadd.s32 $0x1, s16;
	[tilespmem:s22+$0x3D90] =	vst v3  }
0x900: {  	p1 =	sne.s32 s16, $0xA;
	[tilespmem:s22+$0x3DA0] =	vst v39  }
.Ltmp4:
0x901: {  	[tilespmem:s22+$0x3DB0] =	vst v44;
	(pc) =	sbr.rel @p1 .LBB2_2-.Ltmp4, $4  }
0x902: {  	[tilespmem:s22+$0x3DC0] =	vst v49  }
0x903: {  	[tilespmem:s22+$0x3DD0] =	vst v54  }
0x904: {  	[tilespmem:s22+$0x3DE0] =	vst v59;
	v3 =	vpop (erf)  }
0x905: {  	v62 =	vmov v60;
	[tilespmem:s22+$0x3DF0] =	vst v3  }
0x906: {  	s5 =	simm.s32 @p0 $0x0;
	s12 =	simm.s32 @p0 $0x3C00  }
0x907: {  	[hbm4b:s10+s5] =	stream.linear.scatter @p0 [tilespmem:s12], [sflag:$0x6], $0x500, $0x38;
	[tilespmem:$0xD210] =	vst v63  }
0x908: {  	s5 =	simm.s32 @p0 $0x6  }
0x909: {  	_ =	swait.ge @p0 [sflag:s5], $0x500  }
0x90a: {  	s14 =	sadd.s32 $0x1, s14;
	s12 =	simm.s32 @!p0 $0x3C00;
	[sflag:s5] =	ssyncset.done @p0 $0x0  }
0x90b: {  	p1 =	sne.s32 s14, s11;
	[sflag:s5] =	ssyncadd.s32 @p0 $0xFFFFFB00;
	s5 =	simm.s32 @!p0 $0x0  }
0x90c: {  	[hbm4b:s10+s5] =	stream.linear.scatter @!p0 [tilespmem:s12], [sflag:$0x6], $0x1400, $0x38;
	[tilespmem:$0xD210] =	vst v63  }
.Ltmp5:
0x90d: {  	_ = 	snop;
	(pc) =	sbr.rel @p1 .LBB2_1-.Ltmp5, $4  }
0x90e: {  	s5 =	simm.s32 @!p0 $0x6  }
0x90f: {  	_ =	swait.ge @!p0 [sflag:s5], $0x1400  }
0x910: {  	[sflag:s5] =	ssyncset.done @!p0 $0x0  }
0x911: {  	[sflag:s5] =	ssyncadd.s32 @!p0 $0xFFFFEC00  }
0x912: {  	_ =	sfence.sel $0x180000  }
0x913: {  	[bflag:$0x0] =	sbarrier.arrive $0xFFFF  }
0x914: {  	_ =	strace $0x90000047  }
0x915: {  	s0 =	stileid.u32;
	[bflag:$0x2] =	sbarrier.arrive $0xFFFF  }
0x916: {  	p0 =	sne.s32 s0, $0x0;
	s0 =	rddreg [dreg:$0x2]  }
0x917: {  	s0 =	sadd.s32 @!p0 $0x100000, s0  }
0x918: {  	[sflag:s0] =	ssyncadd.tile.s32 @!p0 $0x1;
	_ =	shalt  }
.Lfunc_end2:
_tile_overlayer_lowered:
.L_overlay_start_2:
0x919: {  	(tag) =	ssettag $0x2  }
0x91a: {  	s0 =	rddreg [dreg:$0x0];
	s2 =	stileid.u32  }
0x91b: {  	s1 =	rddreg [dreg:$0x1];
	p0 =	sne.s32 s2, $0x0  }
0x91c: {  	s3 =	rddreg [dreg:$0x2];
	[bflag:$0x3] =	sbarrier.arrive $0xFFFF;
	s2 =	simm.s32 @!p0 $0x1C06  }
0x91d: {  	[timem:s3], [sflag:s2] =	dma.local @!p0 [hbm:s0], s1  }
0x91e: {  	s0 =	simm.s32 @!p0 $0x6  }
0x91f: {  	_ =	swait.ge @!p0 [sflag:s0], s1  }
0x920: {  	s1 =	ssub.s32 @!p0 $0x0, s1;
	[sflag:s0] =	ssyncset.done @!p0 $0x0  }
0x921: {  	[sflag:s0] =	ssyncadd.s32 @!p0 s1  }
0x922: {  	[bflag:$0x3] =	sbarrier.arrive $0xFFFF  }
0x923: {  	_ =	shalt  }

</sc_bundles>
